<compile_context>
chip_gen: v7x
topology: tpu7x:2x2x1
jax: 0.10.2.dev20260603
libtpu: 0.0.44.dev20260713+nightly
codegen_flags: <defaults>
</compile_context>

<pallas_src>
import functools

import jax
import jax.numpy as jnp
from jax import lax
from jax.experimental import pallas as pl
from jax.experimental.pallas import tpu as pltpu
from jax.experimental.pallas import tpu_sc as plsc

DIM = 64
EPS = 1e-5

NC = 2
NS = 16
L = 16
NW = NC * NS

XROWS = 4096
XCOLS = 200
B_TOTAL = XROWS * XCOLS
PER_W = B_TOTAL // NW
XR_W = XROWS // NW
CHUNK = 128
N_CHUNKS = PER_W // CHUNK
GPC = CHUNK // L


_GDN = lax.GatherDimensionNumbers(
    offset_dims=(), collapsed_slice_dims=(0,), start_index_map=(0,))


def _lane_rotate(v, idx):
    return lax.gather(
        v, idx, _GDN, (1,), mode=lax.GatherScatterMode.PROMISE_IN_BOUNDS)


def _rsqrt_nr(x):
    i = plsc.bitcast(x, jnp.int32)
    i = jnp.int32(0x5F3759DF) - (i >> 1)
    y = plsc.bitcast(i, jnp.float32)
    for _ in range(2):
        y = y * (1.5 - 0.5 * x * y * y)
    return y


@functools.cache
def _make_sc_kernel():
    mesh = plsc.VectorSubcoreMesh(
        core_axis_name="c", subcore_axis_name="s",
        num_cores=NC, num_subcores=NS)

    @functools.partial(
        pl.kernel,
        mesh=mesh,
        out_type=jax.ShapeDtypeStruct((B_TOTAL * DIM // 128, 128),
                                      jnp.float32),
        scratch_types=[
            pltpu.VMEM((PER_W,), jnp.int32),
            pltpu.VMEM((CHUNK, DIM), jnp.float32),
            pltpu.VMEM((CHUNK, DIM), jnp.float32),
            pltpu.VMEM((CHUNK * DIM // 128, 128), jnp.float32),
            pltpu.VMEM((CHUNK * DIM // 128, 128), jnp.float32),
            pltpu.VMEM((DIM,), jnp.float32),
            pltpu.VMEM((DIM,), jnp.float32),
            pltpu.SemaphoreType.DMA,
            pltpu.SemaphoreType.DMA,
            pltpu.SemaphoreType.DMA,
            pltpu.SemaphoreType.DMA,
        ],
        compiler_params=pltpu.CompilerParams(
            needs_layout_passes=False, use_tc_tiling_on_sc=False),
    )
    def sc_kernel(x_hbm, table_hbm, gamma_hbm, beta_hbm, out_hbm,
                  idxf, rows0, rows1, out0, out1,
                  gam_v, bet_v, gsem0, gsem1, osem0, osem1):
        rows_bufs = (rows0, rows1)
        out_bufs = (out0, out1)
        gsems = (gsem0, gsem1)
        osems = (osem0, osem1)
        wid = lax.axis_index("s") * NC + lax.axis_index("c")
        out_row0 = wid * PER_W
        pltpu.sync_copy(gamma_hbm, gam_v)
        pltpu.sync_copy(beta_hbm, bet_v)
        pltpu.sync_copy(x_hbm.at[pl.ds(wid * PER_W, PER_W)], idxf)

        def fire_gather(ci, buf, sem):
            pltpu.async_copy(
                table_hbm.at[idxf.at[pl.ds(ci * CHUNK, CHUNK)]], buf, sem)

        def wait_gather(ci, buf, sem):
            pltpu.make_async_copy(
                table_hbm.at[idxf.at[pl.ds(ci * CHUNK, CHUNK)]], buf, sem
            ).wait()

        def out_slice(ci):
            return out_hbm.at[pl.ds(
                (out_row0 + ci * CHUNK) * DIM // 128, CHUNK * DIM // 128)]

        def compute_chunk(ci, rows_v, out_v):
            lane = lax.iota(jnp.int32, L)
            rots = [((lane + off) & (L - 1)).reshape(L, 1)
                    for off in (8, 4, 2, 1)]
            gb = [(gam_v[pl.ds(k * L, L)], bet_v[pl.ds(k * L, L)])
                  for k in range(DIM // L)]

            @pl.loop(0, GPC)
            def _group(g):
                for r in range(L):
                    row = g * L + r
                    vs = [rows_v[row, pl.ds(k * L, L)]
                          for k in range(DIM // L)]
                    s = (vs[0] + vs[1]) + (vs[2] + vs[3])
                    q = ((vs[0] * vs[0] + vs[1] * vs[1])
                         + (vs[2] * vs[2] + vs[3] * vs[3]))
                    for ri in rots:
                        s = s + _lane_rotate(s, ri)
                        q = q + _lane_rotate(q, ri)
                    mu = s * (1.0 / DIM)
                    var = q * (1.0 / DIM) - mu * mu
                    rs = _rsqrt_nr(var + EPS)
                    orow = g * (L // 2) + (r >> 1)
                    for k, (gk, bk) in enumerate(gb):
                        oc = (r & 1) * DIM + k * L
                        out_v[orow, pl.ds(oc, L)] = (
                            (vs[k] - mu) * rs * gk + bk)

        fire_gather(0, rows_bufs[0], gsems[0])

        @pl.loop(0, N_CHUNKS, step=2)
        def _chunk(i):
            for b in range(2):
                ci = i + b
                if b == 0:
                    fire_gather(i + 1, rows_bufs[1], gsems[1])
                else:
                    @pl.when(i < N_CHUNKS - 2)
                    def _():
                        fire_gather(i + 2, rows_bufs[0], gsems[0])
                wait_gather(ci, rows_bufs[b], gsems[b])

                @pl.when(ci >= 2)
                def _():
                    pltpu.make_async_copy(
                        out_bufs[b], out_slice(ci - 2), osems[b]).wait()

                compute_chunk(ci, rows_bufs[b], out_bufs[b])
                pltpu.async_copy(out_bufs[b], out_slice(ci), osems[b])

        pltpu.make_async_copy(
            out_bufs[0], out_slice(N_CHUNKS - 2), osems[0]).wait()
        pltpu.make_async_copy(
            out_bufs[1], out_slice(N_CHUNKS - 1), osems[1]).wait()

    return sc_kernel


def kernel(x, table, gamma, beta):
    xf = x.reshape(B_TOTAL).astype(jnp.int32)
    out = _make_sc_kernel()(xf, table, gamma, beta)
    return out.reshape(x.shape[0], x.shape[1], DIM)

# --- scband reference (transcript-rebuilt; emitter-appended) ---
"""Pipeline reference for scband-gene-embedor-90263032693153 (READ-ONLY COPY).

The authoritative reference and input builder live on the scoring server;
editing this copy changes nothing except your own understanding.
"""

import jax, jax.numpy as jnp
import numpy as np

VOCAB = 1000000
DIM = 64
EPS = 1e-5

def setup_inputs(seed: int = 0) -> dict:
    key = jax.random.key(seed)
    k1, k2, k3 = jax.random.split(key, 3)
    x = jax.random.randint(k1, (4096, 200), 0, VOCAB, dtype=jnp.int64)
    table = jax.random.normal(k2, (VOCAB, DIM), dtype=jnp.float32)
    gamma = jnp.ones((DIM,), dtype=jnp.float32)
    beta = jnp.zeros((DIM,), dtype=jnp.float32)
    return {"x": x, "table": table, "gamma": gamma, "beta": beta}

def reference(x, table, gamma, beta):
    e = jnp.take(table, x, axis=0)
    mu = jnp.mean(e, axis=-1, keepdims=True)
    var = jnp.mean(jnp.square(e - mu), axis=-1, keepdims=True)
    h = (e - mu) * jax.lax.rsqrt(var + EPS)
    return h * gamma + beta

if __name__ == "__main__":
    import jax
    _d = setup_inputs()
    print(jax.jit(kernel)(*tuple(_d.values())))

</pallas_src>

<mosaic_0001>
#map = affine_map<(d0, d1) -> (0)>
#map1 = affine_map<(d0, d1) -> (0, 0)>
module attributes {stable_mosaic.version = 14 : i64} {
  func.func @sc_kernel(%arg0: i32, %arg1: i32, %arg2: memref<819200xi32, #tpu.memory_space<hbm>>, %arg3: memref<1000000x64xf32, #tpu.memory_space<hbm>>, %arg4: memref<64xf32, #tpu.memory_space<hbm>>, %arg5: memref<64xf32, #tpu.memory_space<hbm>>, %arg6: memref<409600x128xf32, #tpu.memory_space<hbm>>, %arg7: memref<25600xi32, #tpu.memory_space<vmem>>, %arg8: memref<128x64xf32, #tpu.memory_space<vmem>>, %arg9: memref<128x64xf32, #tpu.memory_space<vmem>>, %arg10: memref<64x128xf32, #tpu.memory_space<vmem>>, %arg11: memref<64x128xf32, #tpu.memory_space<vmem>>, %arg12: memref<64xf32, #tpu.memory_space<vmem>>, %arg13: memref<64xf32, #tpu.memory_space<vmem>>, %arg14: memref<!tpu.dma_semaphore, #tpu.memory_space<semaphore_mem>>, %arg15: memref<!tpu.dma_semaphore, #tpu.memory_space<semaphore_mem>>, %arg16: memref<!tpu.dma_semaphore, #tpu.memory_space<semaphore_mem>>, %arg17: memref<!tpu.dma_semaphore, #tpu.memory_space<semaphore_mem>>) attributes {dimension_semantics = [#tpu.dimension_semantics<core_parallel>, #tpu.dimension_semantics<subcore_parallel>], iteration_bounds = array<i64: 2, 16>, scalar_prefetch = 0 : i64, scratch_operands = 11 : i64, tpu.core_type = #tpu.core_type<sc_vector_subcore>, window_params = [{transform_indices = #map}, {transform_indices = #map1}, {transform_indices = #map}, {transform_indices = #map}, {transform_indices = #map1}]} {
    %mul3A = arith.constant 2 : i32
    %mul3A_0 = arith.muli %arg1, %mul3A : i32
    %add3A = arith.addi %mul3A_0, %arg0 : i32
    %mul3A_1 = arith.constant 25600 : i32
    %mul3A_2 = arith.muli %add3A, %mul3A_1 : i32
    "tpu.region"() ({
      %run_scoped3A = tpu.sem_alloc : memref<!tpu.dma_semaphore, #tpu.memory_space<semaphore_mem>>
      tpu.enqueue_dma source(%arg4 : memref<64xf32, #tpu.memory_space<hbm>>) target(%arg12 : memref<64xf32, #tpu.memory_space<vmem>>) target_semaphore(%run_scoped3A : memref<!tpu.dma_semaphore, #tpu.memory_space<semaphore_mem>>)
      tpu.wait_dma2 semaphore(%run_scoped3A : memref<!tpu.dma_semaphore, #tpu.memory_space<semaphore_mem>>) src(%arg4 : memref<64xf32, #tpu.memory_space<hbm>>) dst(%arg12 : memref<64xf32, #tpu.memory_space<vmem>>)
      tpu.yield
    }) : () -> ()
    "tpu.region"() ({
      %run_scoped3A = tpu.sem_alloc : memref<!tpu.dma_semaphore, #tpu.memory_space<semaphore_mem>>
      tpu.enqueue_dma source(%arg5 : memref<64xf32, #tpu.memory_space<hbm>>) target(%arg13 : memref<64xf32, #tpu.memory_space<vmem>>) target_semaphore(%run_scoped3A : memref<!tpu.dma_semaphore, #tpu.memory_space<semaphore_mem>>)
      tpu.wait_dma2 semaphore(%run_scoped3A : memref<!tpu.dma_semaphore, #tpu.memory_space<semaphore_mem>>) src(%arg5 : memref<64xf32, #tpu.memory_space<hbm>>) dst(%arg13 : memref<64xf32, #tpu.memory_space<vmem>>)
      tpu.yield
    }) : () -> ()
    %mul3A_3 = arith.constant 25600 : i32
    %mul3A_4 = arith.muli %add3A, %mul3A_3 : i32
    "tpu.region"() ({
      %run_scoped3A = tpu.sem_alloc : memref<!tpu.dma_semaphore, #tpu.memory_space<semaphore_mem>>
      %dma_start3A_68 = tpu.memref_slice %arg2[%mul3A_4] : memref<819200xi32, #tpu.memory_space<hbm>> -> memref<25600xi32, #tpu.memory_space<hbm>>
      %dma_start3A_69 = tpu.memref_slice %arg2[%mul3A_4] : memref<819200xi32, #tpu.memory_space<hbm>> -> memref<25600xi32, #tpu.memory_space<hbm>>
      tpu.enqueue_dma source(%dma_start3A_69 : memref<25600xi32, #tpu.memory_space<hbm>>) target(%arg7 : memref<25600xi32, #tpu.memory_space<vmem>>) target_semaphore(%run_scoped3A : memref<!tpu.dma_semaphore, #tpu.memory_space<semaphore_mem>>)
      %dma_wait3A_70 = tpu.memref_slice %arg2[%mul3A_4] : memref<819200xi32, #tpu.memory_space<hbm>> -> memref<25600xi32, #tpu.memory_space<hbm>>
      %dma_wait3A_71 = tpu.memref_slice %arg2[%mul3A_4] : memref<819200xi32, #tpu.memory_space<hbm>> -> memref<25600xi32, #tpu.memory_space<hbm>>
      tpu.wait_dma2 semaphore(%run_scoped3A : memref<!tpu.dma_semaphore, #tpu.memory_space<semaphore_mem>>) src(%dma_wait3A_71 : memref<25600xi32, #tpu.memory_space<hbm>>) dst(%arg7 : memref<25600xi32, #tpu.memory_space<vmem>>)
      tpu.yield
    }) : () -> ()
    %dma_start3A = arith.constant 0 : i32
    %dma_start3A_5 = tpu.memref_slice %arg7[%dma_start3A] : memref<25600xi32, #tpu.memory_space<vmem>> -> memref<128xi32, #tpu.memory_space<vmem>>
    %dma_start3A_6 = arith.constant 0 : i32
    %dma_start3A_7 = arith.constant 0 : i32
    %dma_start3A_8 = tpu.memref_slice %arg3[%dma_start3A_6, %dma_start3A_7] : memref<1000000x64xf32, #tpu.memory_space<hbm>> -> memref<1000000x64xf32, #tpu.memory_space<hbm>>
    tpu.enqueue_indirect_dma source(%dma_start3A_8 : memref<1000000x64xf32, #tpu.memory_space<hbm>>) target(%arg8 : memref<128x64xf32, #tpu.memory_space<vmem>>) offsets(%dma_start3A_5 : memref<128xi32, #tpu.memory_space<vmem>>) semaphore(%arg14 : memref<!tpu.dma_semaphore, #tpu.memory_space<semaphore_mem>>)
    %scan3A = arith.constant 0 : i32
    %scan3A_9 = arith.constant 100 : i32
    %scan3A_10 = arith.addi %scan3A, %scan3A_9 : i32
    %scan3A_11 = arith.constant 1 : i32
    scf.for %scan3A_68 = %scan3A to %scan3A_10 step %scan3A_11  : i32 {
      %mul3A_69 = arith.constant 2 : i32
      %mul3A_70 = arith.muli %scan3A_68, %mul3A_69 : i32
      %add3A_71 = arith.constant 0 : i32
      %add3A_72 = arith.addi %add3A_71, %mul3A_70 : i32
      %add3A_73 = arith.constant 0 : i32
      %add3A_74 = arith.addi %add3A_72, %add3A_73 : i32
      %add3A_75 = arith.constant 1 : i32
      %add3A_76 = arith.addi %add3A_72, %add3A_75 : i32
      %mul3A_77 = arith.constant 128 : i32
      %mul3A_78 = arith.muli %add3A_76, %mul3A_77 : i32
      %dma_start3A_79 = tpu.memref_slice %arg7[%mul3A_78] : memref<25600xi32, #tpu.memory_space<vmem>> -> memref<128xi32, #tpu.memory_space<vmem>>
      %dma_start3A_80 = arith.constant 0 : i32
      %dma_start3A_81 = arith.constant 0 : i32
      %dma_start3A_82 = tpu.memref_slice %arg3[%dma_start3A_80, %dma_start3A_81] : memref<1000000x64xf32, #tpu.memory_space<hbm>> -> memref<1000000x64xf32, #tpu.memory_space<hbm>>
      tpu.enqueue_indirect_dma source(%dma_start3A_82 : memref<1000000x64xf32, #tpu.memory_space<hbm>>) target(%arg9 : memref<128x64xf32, #tpu.memory_space<vmem>>) offsets(%dma_start3A_79 : memref<128xi32, #tpu.memory_space<vmem>>) semaphore(%arg15 : memref<!tpu.dma_semaphore, #tpu.memory_space<semaphore_mem>>)
      %mul3A_83 = arith.constant 128 : i32
      %mul3A_84 = arith.muli %add3A_74, %mul3A_83 : i32
      %dma_wait3A_85 = tpu.memref_slice %arg7[%mul3A_84] : memref<25600xi32, #tpu.memory_space<vmem>> -> memref<128xi32, #tpu.memory_space<vmem>>
      %dma_wait3A_86 = arith.constant 0 : i32
      %dma_wait3A_87 = arith.constant 0 : i32
      %dma_wait3A_88 = tpu.memref_slice %arg3[%dma_wait3A_86, %dma_wait3A_87] : memref<1000000x64xf32, #tpu.memory_space<hbm>> -> memref<1000000x64xf32, #tpu.memory_space<hbm>>
      tpu.wait_indirect_dma semaphore(%arg14 : memref<!tpu.dma_semaphore, #tpu.memory_space<semaphore_mem>>) src(%dma_wait3A_88 : memref<1000000x64xf32, #tpu.memory_space<hbm>>) dst(%arg8 : memref<128x64xf32, #tpu.memory_space<vmem>>)
      %ge3A = arith.constant 2 : i32
      %ge3A_89 = arith.cmpi sge, %add3A_74, %ge3A : i32
      %convert_element_type3A = arith.extui %ge3A_89 : i1 to i32
      %cond3A = arith.constant 0 : i32
      %cond3A_90 = arith.cmpi ne, %convert_element_type3A, %cond3A : i32
      scf.if %cond3A_90 {
        %sub3A_271 = arith.constant 2 : i32
        %sub3A_272 = arith.subi %add3A_74, %sub3A_271 : i32
        %mul3A_273 = arith.constant 128 : i32
        %mul3A_274 = arith.muli %sub3A_272, %mul3A_273 : i32
        %add3A_275 = arith.addi %mul3A_2, %mul3A_274 : i32
        %mul3A_276 = arith.constant 64 : i32
        %mul3A_277 = arith.muli %add3A_275, %mul3A_276 : i32
        %jit3A_278 = arith.constant 128 : i32
        %div3A_279 = arith.divsi %mul3A_277, %jit3A_278 : i32
        %sign3A_280 = arith.constant 0 : i32
        %sign3A_281 = arith.cmpi sgt, %mul3A_277, %sign3A_280 : i32
        %sign3A_282 = arith.extui %sign3A_281 : i1 to i32
        %sign3A_283 = arith.constant 0 : i32
        %sign3A_284 = arith.cmpi slt, %mul3A_277, %sign3A_283 : i32
        %sign3A_285 = arith.extui %sign3A_284 : i1 to i32
        %sign3A_286 = arith.subi %sign3A_282, %sign3A_285 : i32
        %sign3A_287 = arith.constant 0 : i32
        %sign3A_288 = arith.cmpi sgt, %jit3A_278, %sign3A_287 : i32
        %sign3A_289 = arith.extui %sign3A_288 : i1 to i32
        %sign3A_290 = arith.constant 0 : i32
        %sign3A_291 = arith.cmpi slt, %jit3A_278, %sign3A_290 : i32
        %sign3A_292 = arith.extui %sign3A_291 : i1 to i32
        %sign3A_293 = arith.subi %sign3A_289, %sign3A_292 : i32
        %ne3A_294 = arith.cmpi ne, %sign3A_286, %sign3A_293 : i32
        %rem3A_295 = arith.remsi %mul3A_277, %jit3A_278 : i32
        %ne3A_296 = arith.constant 0 : i32
        %ne3A_297 = arith.cmpi ne, %rem3A_295, %ne3A_296 : i32
        %and3A_298 = arith.andi %ne3A_294, %ne3A_297 : i1
        %sub3A_299 = arith.constant 1 : i32
        %sub3A_300 = arith.subi %div3A_279, %sub3A_299 : i32
        %select_n3A_301 = arith.select %and3A_298, %sub3A_300, %div3A_279 : i32
        %dma_wait3A_302 = arith.constant 0 : i32
        %dma_wait3A_303 = tpu.memref_slice %arg6[%select_n3A_301, %dma_wait3A_302] : memref<409600x128xf32, #tpu.memory_space<hbm>> -> memref<64x128xf32, #tpu.memory_space<hbm>>
        %dma_wait3A_304 = arith.constant 0 : i32
        %dma_wait3A_305 = tpu.memref_slice %arg6[%select_n3A_301, %dma_wait3A_304] : memref<409600x128xf32, #tpu.memory_space<hbm>> -> memref<64x128xf32, #tpu.memory_space<hbm>>
        tpu.wait_dma2 semaphore(%arg16 : memref<!tpu.dma_semaphore, #tpu.memory_space<semaphore_mem>>) src(%arg10 : memref<64x128xf32, #tpu.memory_space<vmem>>) dst(%dma_wait3A_305 : memref<64x128xf32, #tpu.memory_space<hbm>>)
      } else {
      }
      %iota3A = tpu.iota {dimensions = array<i32: 0>} : vector<16xi32>
      %add3A_91 = arith.constant 8 : i32
      %add3A_92 = vector.broadcast %add3A_91 : i32 to vector<16xi32>
      %add3A_93 = arith.addi %iota3A, %add3A_92 : vector<16xi32>
      %and3A_94 = arith.constant 15 : i32
      %and3A_95 = vector.broadcast %and3A_94 : i32 to vector<16xi32>
      %and3A_96 = arith.andi %add3A_93, %and3A_95 : vector<16xi32>
      %reshape3A = vector.shape_cast %and3A_96 : vector<16xi32> to vector<16x1xi32>
      %add3A_97 = arith.constant 4 : i32
      %add3A_98 = vector.broadcast %add3A_97 : i32 to vector<16xi32>
      %add3A_99 = arith.addi %iota3A, %add3A_98 : vector<16xi32>
      %and3A_100 = arith.constant 15 : i32
      %and3A_101 = vector.broadcast %and3A_100 : i32 to vector<16xi32>
      %and3A_102 = arith.andi %add3A_99, %and3A_101 : vector<16xi32>
      %reshape3A_103 = vector.shape_cast %and3A_102 : vector<16xi32> to vector<16x1xi32>
      %add3A_104 = arith.constant 2 : i32
      %add3A_105 = vector.broadcast %add3A_104 : i32 to vector<16xi32>
      %add3A_106 = arith.addi %iota3A, %add3A_105 : vector<16xi32>
      %and3A_107 = arith.constant 15 : i32
      %and3A_108 = vector.broadcast %and3A_107 : i32 to vector<16xi32>
      %and3A_109 = arith.andi %add3A_106, %and3A_108 : vector<16xi32>
      %reshape3A_110 = vector.shape_cast %and3A_109 : vector<16xi32> to vector<16x1xi32>
      %add3A_111 = arith.constant 1 : i32
      %add3A_112 = vector.broadcast %add3A_111 : i32 to vector<16xi32>
      %add3A_113 = arith.addi %iota3A, %add3A_112 : vector<16xi32>
      %and3A_114 = arith.constant 15 : i32
      %and3A_115 = vector.broadcast %and3A_114 : i32 to vector<16xi32>
      %and3A_116 = arith.andi %add3A_113, %and3A_115 : vector<16xi32>
      %reshape3A_117 = vector.shape_cast %and3A_116 : vector<16xi32> to vector<16x1xi32>
      %get3A = arith.constant 0 : index
      %get3A_118 = tpu.vector_load %arg12[%get3A] {strides = array<i32>} : memref<64xf32, #tpu.memory_space<vmem>>, vector<16xf32>,
      %get3A_119 = arith.constant 0 : index
      %get3A_120 = tpu.vector_load %arg13[%get3A_119] {strides = array<i32>} : memref<64xf32, #tpu.memory_space<vmem>>, vector<16xf32>,
      %get3A_121 = arith.constant 16 : index
      %get3A_122 = tpu.vector_load %arg12[%get3A_121] {strides = array<i32>} : memref<64xf32, #tpu.memory_space<vmem>>, vector<16xf32>,
      %get3A_123 = arith.constant 16 : index
      %get3A_124 = tpu.vector_load %arg13[%get3A_123] {strides = array<i32>} : memref<64xf32, #tpu.memory_space<vmem>>, vector<16xf32>,
      %get3A_125 = arith.constant 32 : index
      %get3A_126 = tpu.vector_load %arg12[%get3A_125] {strides = array<i32>} : memref<64xf32, #tpu.memory_space<vmem>>, vector<16xf32>,
      %get3A_127 = arith.constant 32 : index
      %get3A_128 = tpu.vector_load %arg13[%get3A_127] {strides = array<i32>} : memref<64xf32, #tpu.memory_space<vmem>>, vector<16xf32>,
      %get3A_129 = arith.constant 48 : index
      %get3A_130 = tpu.vector_load %arg12[%get3A_129] {strides = array<i32>} : memref<64xf32, #tpu.memory_space<vmem>>, vector<16xf32>,
      %get3A_131 = arith.constant 48 : index
      %get3A_132 = tpu.vector_load %arg13[%get3A_131] {strides = array<i32>} : memref<64xf32, #tpu.memory_space<vmem>>, vector<16xf32>,
      %scan3A_133 = arith.constant 0 : i32
      %scan3A_134 = arith.constant 8 : i32
      %scan3A_135 = arith.addi %scan3A_133, %scan3A_134 : i32
      %scan3A_136 = arith.constant 1 : i32
      scf.for %scan3A_271 = %scan3A_133 to %scan3A_135 step %scan3A_136  : i32 {
        %mul3A_272 = arith.constant 1 : i32
        %mul3A_273 = arith.muli %scan3A_271, %mul3A_272 : i32
        %add3A_274 = arith.constant 0 : i32
        %add3A_275 = arith.addi %add3A_274, %mul3A_273 : i32
        %mul3A_276 = arith.constant 16 : i32
        %mul3A_277 = arith.muli %add3A_275, %mul3A_276 : i32
        %add3A_278 = arith.constant 0 : i32
        %add3A_279 = arith.addi %mul3A_277, %add3A_278 : i32
        %get3A_280 = arith.index_cast %add3A_279 : i32 to index
        %get3A_281 = arith.constant 0 : index
        %get3A_282 = tpu.vector_load %arg8[%get3A_280, %get3A_281] {strides = array<i32>} : memref<128x64xf32, #tpu.memory_space<vmem>>, vector<16xf32>,
        %get3A_283 = arith.index_cast %add3A_279 : i32 to index
        %get3A_284 = arith.constant 16 : index
        %get3A_285 = tpu.vector_load %arg8[%get3A_283, %get3A_284] {strides = array<i32>} : memref<128x64xf32, #tpu.memory_space<vmem>>, vector<16xf32>,
        %get3A_286 = arith.index_cast %add3A_279 : i32 to index
        %get3A_287 = arith.constant 32 : index
        %get3A_288 = tpu.vector_load %arg8[%get3A_286, %get3A_287] {strides = array<i32>} : memref<128x64xf32, #tpu.memory_space<vmem>>, vector<16xf32>,
        %get3A_289 = arith.index_cast %add3A_279 : i32 to index
        %get3A_290 = arith.constant 48 : index
        %get3A_291 = tpu.vector_load %arg8[%get3A_289, %get3A_290] {strides = array<i32>} : memref<128x64xf32, #tpu.memory_space<vmem>>, vector<16xf32>,
        %add3A_292 = arith.addf %get3A_282, %get3A_285 : vector<16xf32>
        %add3A_293 = arith.addf %get3A_288, %get3A_291 : vector<16xf32>
        %add3A_294 = arith.addf %add3A_292, %add3A_293 : vector<16xf32>
        %mul3A_295 = arith.mulf %get3A_282, %get3A_282 : vector<16xf32>
        %mul3A_296 = arith.mulf %get3A_285, %get3A_285 : vector<16xf32>
        %add3A_297 = arith.addf %mul3A_295, %mul3A_296 : vector<16xf32>
        %mul3A_298 = arith.mulf %get3A_288, %get3A_288 : vector<16xf32>
        %mul3A_299 = arith.mulf %get3A_291, %get3A_291 : vector<16xf32>
        %add3A_300 = arith.addf %mul3A_298, %mul3A_299 : vector<16xf32>
        %add3A_301 = arith.addf %add3A_297, %add3A_300 : vector<16xf32>
        %gather3A = vector.shape_cast %reshape3A : vector<16x1xi32> to vector<16xi32>
        %gather3A_302 = tpu.dynamic_gather %add3A_294[%gather3A] in [0] : vector<16xf32>, vector<16xi32> -> vector<16xf32>
        %add3A_303 = arith.addf %add3A_294, %gather3A_302 : vector<16xf32>
        %gather3A_304 = vector.shape_cast %reshape3A : vector<16x1xi32> to vector<16xi32>
        %gather3A_305 = tpu.dynamic_gather %add3A_301[%gather3A_304] in [0] : vector<16xf32>, vector<16xi32> -> vector<16xf32>
        %add3A_306 = arith.addf %add3A_301, %gather3A_305 : vector<16xf32>
        %gather3A_307 = vector.shape_cast %reshape3A_103 : vector<16x1xi32> to vector<16xi32>
        %gather3A_308 = tpu.dynamic_gather %add3A_303[%gather3A_307] in [0] : vector<16xf32>, vector<16xi32> -> vector<16xf32>
        %add3A_309 = arith.addf %add3A_303, %gather3A_308 : vector<16xf32>
        %gather3A_310 = vector.shape_cast %reshape3A_103 : vector<16x1xi32> to vector<16xi32>
        %gather3A_311 = tpu.dynamic_gather %add3A_306[%gather3A_310] in [0] : vector<16xf32>, vector<16xi32> -> vector<16xf32>
        %add3A_312 = arith.addf %add3A_306, %gather3A_311 : vector<16xf32>
        %gather3A_313 = vector.shape_cast %reshape3A_110 : vector<16x1xi32> to vector<16xi32>
        %gather3A_314 = tpu.dynamic_gather %add3A_309[%gather3A_313] in [0] : vector<16xf32>, vector<16xi32> -> vector<16xf32>
        %add3A_315 = arith.addf %add3A_309, %gather3A_314 : vector<16xf32>
        %gather3A_316 = vector.shape_cast %reshape3A_110 : vector<16x1xi32> to vector<16xi32>
        %gather3A_317 = tpu.dynamic_gather %add3A_312[%gather3A_316] in [0] : vector<16xf32>, vector<16xi32> -> vector<16xf32>
        %add3A_318 = arith.addf %add3A_312, %gather3A_317 : vector<16xf32>
        %gather3A_319 = vector.shape_cast %reshape3A_117 : vector<16x1xi32> to vector<16xi32>
        %gather3A_320 = tpu.dynamic_gather %add3A_315[%gather3A_319] in [0] : vector<16xf32>, vector<16xi32> -> vector<16xf32>
        %add3A_321 = arith.addf %add3A_315, %gather3A_320 : vector<16xf32>
        %gather3A_322 = vector.shape_cast %reshape3A_117 : vector<16x1xi32> to vector<16xi32>
        %gather3A_323 = tpu.dynamic_gather %add3A_318[%gather3A_322] in [0] : vector<16xf32>, vector<16xi32> -> vector<16xf32>
        %add3A_324 = arith.addf %add3A_318, %gather3A_323 : vector<16xf32>
        %mul3A_325 = arith.constant 1.562500e-02 : f32
        %mul3A_326 = vector.broadcast %mul3A_325 : f32 to vector<16xf32>
        %mul3A_327 = arith.mulf %add3A_321, %mul3A_326 : vector<16xf32>
        %mul3A_328 = arith.constant 1.562500e-02 : f32
        %mul3A_329 = vector.broadcast %mul3A_328 : f32 to vector<16xf32>
        %mul3A_330 = arith.mulf %add3A_324, %mul3A_329 : vector<16xf32>
        %mul3A_331 = arith.mulf %mul3A_327, %mul3A_327 : vector<16xf32>
        %sub3A_332 = arith.subf %mul3A_330, %mul3A_331 : vector<16xf32>
        %add3A_333 = arith.constant 9.99999974E-6 : f32
        %add3A_334 = vector.broadcast %add3A_333 : f32 to vector<16xf32>
        %add3A_335 = arith.addf %sub3A_332, %add3A_334 : vector<16xf32>
        %bitcast3A = vector.bitcast %add3A_335 : vector<16xf32> to vector<16xi32>
        %shift_right_arithmetic3A = arith.constant 1 : i32
        %shift_right_arithmetic3A_336 = vector.broadcast %shift_right_arithmetic3A : i32 to vector<16xi32>
        %shift_right_arithmetic3A_337 = arith.shrsi %bitcast3A, %shift_right_arithmetic3A_336 : vector<16xi32>
        %sub3A_338 = arith.constant 1597463007 : i32
        %sub3A_339 = vector.broadcast %sub3A_338 : i32 to vector<16xi32>
        %sub3A_340 = arith.subi %sub3A_339, %shift_right_arithmetic3A_337 : vector<16xi32>
        %bitcast3A_341 = vector.bitcast %sub3A_340 : vector<16xi32> to vector<16xf32>
        %mul3A_342 = arith.constant 5.000000e-01 : f32
        %mul3A_343 = vector.broadcast %mul3A_342 : f32 to vector<16xf32>
        %mul3A_344 = arith.mulf %mul3A_343, %add3A_335 : vector<16xf32>
        %mul3A_345 = arith.mulf %mul3A_344, %bitcast3A_341 : vector<16xf32>
        %mul3A_346 = arith.mulf %mul3A_345, %bitcast3A_341 : vector<16xf32>
        %sub3A_347 = arith.constant 1.500000e+00 : f32
        %sub3A_348 = vector.broadcast %sub3A_347 : f32 to vector<16xf32>
        %sub3A_349 = arith.subf %sub3A_348, %mul3A_346 : vector<16xf32>
        %mul3A_350 = arith.mulf %bitcast3A_341, %sub3A_349 : vector<16xf32>
        %mul3A_351 = arith.constant 5.000000e-01 : f32
        %mul3A_352 = vector.broadcast %mul3A_351 : f32 to vector<16xf32>
        %mul3A_353 = arith.mulf %mul3A_352, %add3A_335 : vector<16xf32>
        %mul3A_354 = arith.mulf %mul3A_353, %mul3A_350 : vector<16xf32>
        %mul3A_355 = arith.mulf %mul3A_354, %mul3A_350 : vector<16xf32>
        %sub3A_356 = arith.constant 1.500000e+00 : f32
        %sub3A_357 = vector.broadcast %sub3A_356 : f32 to vector<16xf32>
        %sub3A_358 = arith.subf %sub3A_357, %mul3A_355 : vector<16xf32>
        %mul3A_359 = arith.mulf %mul3A_350, %sub3A_358 : vector<16xf32>
        %mul3A_360 = arith.constant 8 : i32
        %mul3A_361 = arith.muli %add3A_275, %mul3A_360 : i32
        %add3A_362 = arith.constant 0 : i32
        %add3A_363 = arith.addi %mul3A_361, %add3A_362 : i32
        %sub3A_364 = arith.subf %get3A_282, %mul3A_327 : vector<16xf32>
        %mul3A_365 = arith.mulf %sub3A_364, %mul3A_359 : vector<16xf32>
        %mul3A_366 = arith.mulf %mul3A_365, %get3A_118 : vector<16xf32>
        %add3A_367 = arith.addf %mul3A_366, %get3A_120 : vector<16xf32>
        %swap3A = arith.index_cast %add3A_363 : i32 to index
        %swap3A_368 = arith.constant 0 : index
        %swap3A_369 = tpu.vector_load %arg10[%swap3A, %swap3A_368] {strides = array<i32>} : memref<64x128xf32, #tpu.memory_space<vmem>>, vector<16xf32>,
        tpu.vector_store %arg10[%swap3A, %swap3A_368], %add3A_367 {strides = array<i32>} : memref<64x128xf32, #tpu.memory_space<vmem>>, vector<16xf32>,
        %sub3A_370 = arith.subf %get3A_285, %mul3A_327 : vector<16xf32>
        %mul3A_371 = arith.mulf %sub3A_370, %mul3A_359 : vector<16xf32>
        %mul3A_372 = arith.mulf %mul3A_371, %get3A_122 : vector<16xf32>
        %add3A_373 = arith.addf %mul3A_372, %get3A_124 : vector<16xf32>
        %swap3A_374 = arith.index_cast %add3A_363 : i32 to index
        %swap3A_375 = arith.constant 16 : index
        %swap3A_376 = tpu.vector_load %arg10[%swap3A_374, %swap3A_375] {strides = array<i32>} : memref<64x128xf32, #tpu.memory_space<vmem>>, vector<16xf32>,
        tpu.vector_store %arg10[%swap3A_374, %swap3A_375], %add3A_373 {strides = array<i32>} : memref<64x128xf32, #tpu.memory_space<vmem>>, vector<16xf32>,
        %sub3A_377 = arith.subf %get3A_288, %mul3A_327 : vector<16xf32>
        %mul3A_378 = arith.mulf %sub3A_377, %mul3A_359 : vector<16xf32>
        %mul3A_379 = arith.mulf %mul3A_378, %get3A_126 : vector<16xf32>
        %add3A_380 = arith.addf %mul3A_379, %get3A_128 : vector<16xf32>
        %swap3A_381 = arith.index_cast %add3A_363 : i32 to index
        %swap3A_382 = arith.constant 32 : index
        %swap3A_383 = tpu.vector_load %arg10[%swap3A_381, %swap3A_382] {strides = array<i32>} : memref<64x128xf32, #tpu.memory_space<vmem>>, vector<16xf32>,
        tpu.vector_store %arg10[%swap3A_381, %swap3A_382], %add3A_380 {strides = array<i32>} : memref<64x128xf32, #tpu.memory_space<vmem>>, vector<16xf32>,
        %sub3A_384 = arith.subf %get3A_291, %mul3A_327 : vector<16xf32>
        %mul3A_385 = arith.mulf %sub3A_384, %mul3A_359 : vector<16xf32>
        %mul3A_386 = arith.mulf %mul3A_385, %get3A_130 : vector<16xf32>
        %add3A_387 = arith.addf %mul3A_386, %get3A_132 : vector<16xf32>
        %swap3A_388 = arith.index_cast %add3A_363 : i32 to index
        %swap3A_389 = arith.constant 48 : index
        %swap3A_390 = tpu.vector_load %arg10[%swap3A_388, %swap3A_389] {strides = array<i32>} : memref<64x128xf32, #tpu.memory_space<vmem>>, vector<16xf32>,
        tpu.vector_store %arg10[%swap3A_388, %swap3A_389], %add3A_387 {strides = array<i32>} : memref<64x128xf32, #tpu.memory_space<vmem>>, vector<16xf32>,
        %mul3A_391 = arith.constant 16 : i32
        %mul3A_392 = arith.muli %add3A_275, %mul3A_391 : i32
        %add3A_393 = arith.constant 1 : i32
        %add3A_394 = arith.addi %mul3A_392, %add3A_393 : i32
        %get3A_395 = arith.index_cast %add3A_394 : i32 to index
        %get3A_396 = arith.constant 0 : index
        %get3A_397 = tpu.vector_load %arg8[%get3A_395, %get3A_396] {strides = array<i32>} : memref<128x64xf32, #tpu.memory_space<vmem>>, vector<16xf32>,
        %get3A_398 = arith.index_cast %add3A_394 : i32 to index
        %get3A_399 = arith.constant 16 : index
        %get3A_400 = tpu.vector_load %arg8[%get3A_398, %get3A_399] {strides = array<i32>} : memref<128x64xf32, #tpu.memory_space<vmem>>, vector<16xf32>,
        %get3A_401 = arith.index_cast %add3A_394 : i32 to index
        %get3A_402 = arith.constant 32 : index
        %get3A_403 = tpu.vector_load %arg8[%get3A_401, %get3A_402] {strides = array<i32>} : memref<128x64xf32, #tpu.memory_space<vmem>>, vector<16xf32>,
        %get3A_404 = arith.index_cast %add3A_394 : i32 to index
        %get3A_405 = arith.constant 48 : index
        %get3A_406 = tpu.vector_load %arg8[%get3A_404, %get3A_405] {strides = array<i32>} : memref<128x64xf32, #tpu.memory_space<vmem>>, vector<16xf32>,
        %add3A_407 = arith.addf %get3A_397, %get3A_400 : vector<16xf32>
        %add3A_408 = arith.addf %get3A_403, %get3A_406 : vector<16xf32>
        %add3A_409 = arith.addf %add3A_407, %add3A_408 : vector<16xf32>
        %mul3A_410 = arith.mulf %get3A_397, %get3A_397 : vector<16xf32>
        %mul3A_411 = arith.mulf %get3A_400, %get3A_400 : vector<16xf32>
        %add3A_412 = arith.addf %mul3A_410, %mul3A_411 : vector<16xf32>
        %mul3A_413 = arith.mulf %get3A_403, %get3A_403 : vector<16xf32>
        %mul3A_414 = arith.mulf %get3A_406, %get3A_406 : vector<16xf32>
        %add3A_415 = arith.addf %mul3A_413, %mul3A_414 : vector<16xf32>
        %add3A_416 = arith.addf %add3A_412, %add3A_415 : vector<16xf32>
        %gather3A_417 = vector.shape_cast %reshape3A : vector<16x1xi32> to vector<16xi32>
        %gather3A_418 = tpu.dynamic_gather %add3A_409[%gather3A_417] in [0] : vector<16xf32>, vector<16xi32> -> vector<16xf32>
        %add3A_419 = arith.addf %add3A_409, %gather3A_418 : vector<16xf32>
        %gather3A_420 = vector.shape_cast %reshape3A : vector<16x1xi32> to vector<16xi32>
        %gather3A_421 = tpu.dynamic_gather %add3A_416[%gather3A_420] in [0] : vector<16xf32>, vector<16xi32> -> vector<16xf32>
        %add3A_422 = arith.addf %add3A_416, %gather3A_421 : vector<16xf32>
        %gather3A_423 = vector.shape_cast %reshape3A_103 : vector<16x1xi32> to vector<16xi32>
        %gather3A_424 = tpu.dynamic_gather %add3A_419[%gather3A_423] in [0] : vector<16xf32>, vector<16xi32> -> vector<16xf32>
        %add3A_425 = arith.addf %add3A_419, %gather3A_424 : vector<16xf32>
        %gather3A_426 = vector.shape_cast %reshape3A_103 : vector<16x1xi32> to vector<16xi32>
        %gather3A_427 = tpu.dynamic_gather %add3A_422[%gather3A_426] in [0] : vector<16xf32>, vector<16xi32> -> vector<16xf32>
        %add3A_428 = arith.addf %add3A_422, %gather3A_427 : vector<16xf32>
        %gather3A_429 = vector.shape_cast %reshape3A_110 : vector<16x1xi32> to vector<16xi32>
        %gather3A_430 = tpu.dynamic_gather %add3A_425[%gather3A_429] in [0] : vector<16xf32>, vector<16xi32> -> vector<16xf32>
        %add3A_431 = arith.addf %add3A_425, %gather3A_430 : vector<16xf32>
        %gather3A_432 = vector.shape_cast %reshape3A_110 : vector<16x1xi32> to vector<16xi32>
        %gather3A_433 = tpu.dynamic_gather %add3A_428[%gather3A_432] in [0] : vector<16xf32>, vector<16xi32> -> vector<16xf32>
        %add3A_434 = arith.addf %add3A_428, %gather3A_433 : vector<16xf32>
        %gather3A_435 = vector.shape_cast %reshape3A_117 : vector<16x1xi32> to vector<16xi32>
        %gather3A_436 = tpu.dynamic_gather %add3A_431[%gather3A_435] in [0] : vector<16xf32>, vector<16xi32> -> vector<16xf32>
        %add3A_437 = arith.addf %add3A_431, %gather3A_436 : vector<16xf32>
        %gather3A_438 = vector.shape_cast %reshape3A_117 : vector<16x1xi32> to vector<16xi32>
        %gather3A_439 = tpu.dynamic_gather %add3A_434[%gather3A_438] in [0] : vector<16xf32>, vector<16xi32> -> vector<16xf32>
        %add3A_440 = arith.addf %add3A_434, %gather3A_439 : vector<16xf32>
        %mul3A_441 = arith.constant 1.562500e-02 : f32
        %mul3A_442 = vector.broadcast %mul3A_441 : f32 to vector<16xf32>
        %mul3A_443 = arith.mulf %add3A_437, %mul3A_442 : vector<16xf32>
        %mul3A_444 = arith.constant 1.562500e-02 : f32
        %mul3A_445 = vector.broadcast %mul3A_444 : f32 to vector<16xf32>
        %mul3A_446 = arith.mulf %add3A_440, %mul3A_445 : vector<16xf32>
        %mul3A_447 = arith.mulf %mul3A_443, %mul3A_443 : vector<16xf32>
        %sub3A_448 = arith.subf %mul3A_446, %mul3A_447 : vector<16xf32>
        %add3A_449 = arith.constant 9.99999974E-6 : f32
        %add3A_450 = vector.broadcast %add3A_449 : f32 to vector<16xf32>
        %add3A_451 = arith.addf %sub3A_448, %add3A_450 : vector<16xf32>
        %bitcast3A_452 = vector.bitcast %add3A_451 : vector<16xf32> to vector<16xi32>
        %shift_right_arithmetic3A_453 = arith.constant 1 : i32
        %shift_right_arithmetic3A_454 = vector.broadcast %shift_right_arithmetic3A_453 : i32 to vector<16xi32>
        %shift_right_arithmetic3A_455 = arith.shrsi %bitcast3A_452, %shift_right_arithmetic3A_454 : vector<16xi32>
        %sub3A_456 = arith.constant 1597463007 : i32
        %sub3A_457 = vector.broadcast %sub3A_456 : i32 to vector<16xi32>
        %sub3A_458 = arith.subi %sub3A_457, %shift_right_arithmetic3A_455 : vector<16xi32>
        %bitcast3A_459 = vector.bitcast %sub3A_458 : vector<16xi32> to vector<16xf32>
        %mul3A_460 = arith.constant 5.000000e-01 : f32
        %mul3A_461 = vector.broadcast %mul3A_460 : f32 to vector<16xf32>
        %mul3A_462 = arith.mulf %mul3A_461, %add3A_451 : vector<16xf32>
        %mul3A_463 = arith.mulf %mul3A_462, %bitcast3A_459 : vector<16xf32>
        %mul3A_464 = arith.mulf %mul3A_463, %bitcast3A_459 : vector<16xf32>
        %sub3A_465 = arith.constant 1.500000e+00 : f32
        %sub3A_466 = vector.broadcast %sub3A_465 : f32 to vector<16xf32>
        %sub3A_467 = arith.subf %sub3A_466, %mul3A_464 : vector<16xf32>
        %mul3A_468 = arith.mulf %bitcast3A_459, %sub3A_467 : vector<16xf32>
        %mul3A_469 = arith.constant 5.000000e-01 : f32
        %mul3A_470 = vector.broadcast %mul3A_469 : f32 to vector<16xf32>
        %mul3A_471 = arith.mulf %mul3A_470, %add3A_451 : vector<16xf32>
        %mul3A_472 = arith.mulf %mul3A_471, %mul3A_468 : vector<16xf32>
        %mul3A_473 = arith.mulf %mul3A_472, %mul3A_468 : vector<16xf32>
        %sub3A_474 = arith.constant 1.500000e+00 : f32
        %sub3A_475 = vector.broadcast %sub3A_474 : f32 to vector<16xf32>
        %sub3A_476 = arith.subf %sub3A_475, %mul3A_473 : vector<16xf32>
        %mul3A_477 = arith.mulf %mul3A_468, %sub3A_476 : vector<16xf32>
        %mul3A_478 = arith.constant 8 : i32
        %mul3A_479 = arith.muli %add3A_275, %mul3A_478 : i32
        %add3A_480 = arith.constant 0 : i32
        %add3A_481 = arith.addi %mul3A_479, %add3A_480 : i32
        %sub3A_482 = arith.subf %get3A_397, %mul3A_443 : vector<16xf32>
        %mul3A_483 = arith.mulf %sub3A_482, %mul3A_477 : vector<16xf32>
        %mul3A_484 = arith.mulf %mul3A_483, %get3A_118 : vector<16xf32>
        %add3A_485 = arith.addf %mul3A_484, %get3A_120 : vector<16xf32>
        %swap3A_486 = arith.index_cast %add3A_481 : i32 to index
        %swap3A_487 = arith.constant 64 : index
        %swap3A_488 = tpu.vector_load %arg10[%swap3A_486, %swap3A_487] {strides = array<i32>} : memref<64x128xf32, #tpu.memory_space<vmem>>, vector<16xf32>,
        tpu.vector_store %arg10[%swap3A_486, %swap3A_487], %add3A_485 {strides = array<i32>} : memref<64x128xf32, #tpu.memory_space<vmem>>, vector<16xf32>,
        %sub3A_489 = arith.subf %get3A_400, %mul3A_443 : vector<16xf32>
        %mul3A_490 = arith.mulf %sub3A_489, %mul3A_477 : vector<16xf32>
        %mul3A_491 = arith.mulf %mul3A_490, %get3A_122 : vector<16xf32>
        %add3A_492 = arith.addf %mul3A_491, %get3A_124 : vector<16xf32>
        %swap3A_493 = arith.index_cast %add3A_481 : i32 to index
        %swap3A_494 = arith.constant 80 : index
        %swap3A_495 = tpu.vector_load %arg10[%swap3A_493, %swap3A_494] {strides = array<i32>} : memref<64x128xf32, #tpu.memory_space<vmem>>, vector<16xf32>,
        tpu.vector_store %arg10[%swap3A_493, %swap3A_494], %add3A_492 {strides = array<i32>} : memref<64x128xf32, #tpu.memory_space<vmem>>, vector<16xf32>,
        %sub3A_496 = arith.subf %get3A_403, %mul3A_443 : vector<16xf32>
        %mul3A_497 = arith.mulf %sub3A_496, %mul3A_477 : vector<16xf32>
        %mul3A_498 = arith.mulf %mul3A_497, %get3A_126 : vector<16xf32>
        %add3A_499 = arith.addf %mul3A_498, %get3A_128 : vector<16xf32>
        %swap3A_500 = arith.index_cast %add3A_481 : i32 to index
        %swap3A_501 = arith.constant 96 : index
        %swap3A_502 = tpu.vector_load %arg10[%swap3A_500, %swap3A_501] {strides = array<i32>} : memref<64x128xf32, #tpu.memory_space<vmem>>, vector<16xf32>,
        tpu.vector_store %arg10[%swap3A_500, %swap3A_501], %add3A_499 {strides = array<i32>} : memref<64x128xf32, #tpu.memory_space<vmem>>, vector<16xf32>,
        %sub3A_503 = arith.subf %get3A_406, %mul3A_443 : vector<16xf32>
        %mul3A_504 = arith.mulf %sub3A_503, %mul3A_477 : vector<16xf32>
        %mul3A_505 = arith.mulf %mul3A_504, %get3A_130 : vector<16xf32>
        %add3A_506 = arith.addf %mul3A_505, %get3A_132 : vector<16xf32>
        %swap3A_507 = arith.index_cast %add3A_481 : i32 to index
        %swap3A_508 = arith.constant 112 : index
        %swap3A_509 = tpu.vector_load %arg10[%swap3A_507, %swap3A_508] {strides = array<i32>} : memref<64x128xf32, #tpu.memory_space<vmem>>, vector<16xf32>,
        tpu.vector_store %arg10[%swap3A_507, %swap3A_508], %add3A_506 {strides = array<i32>} : memref<64x128xf32, #tpu.memory_space<vmem>>, vector<16xf32>,
        %mul3A_510 = arith.constant 16 : i32
        %mul3A_511 = arith.muli %add3A_275, %mul3A_510 : i32
        %add3A_512 = arith.constant 2 : i32
        %add3A_513 = arith.addi %mul3A_511, %add3A_512 : i32
        %get3A_514 = arith.index_cast %add3A_513 : i32 to index
        %get3A_515 = arith.constant 0 : index
        %get3A_516 = tpu.vector_load %arg8[%get3A_514, %get3A_515] {strides = array<i32>} : memref<128x64xf32, #tpu.memory_space<vmem>>, vector<16xf32>,
        %get3A_517 = arith.index_cast %add3A_513 : i32 to index
        %get3A_518 = arith.constant 16 : index
        %get3A_519 = tpu.vector_load %arg8[%get3A_517, %get3A_518] {strides = array<i32>} : memref<128x64xf32, #tpu.memory_space<vmem>>, vector<16xf32>,
        %get3A_520 = arith.index_cast %add3A_513 : i32 to index
        %get3A_521 = arith.constant 32 : index
        %get3A_522 = tpu.vector_load %arg8[%get3A_520, %get3A_521] {strides = array<i32>} : memref<128x64xf32, #tpu.memory_space<vmem>>, vector<16xf32>,
        %get3A_523 = arith.index_cast %add3A_513 : i32 to index
        %get3A_524 = arith.constant 48 : index
        %get3A_525 = tpu.vector_load %arg8[%get3A_523, %get3A_524] {strides = array<i32>} : memref<128x64xf32, #tpu.memory_space<vmem>>, vector<16xf32>,
        %add3A_526 = arith.addf %get3A_516, %get3A_519 : vector<16xf32>
        %add3A_527 = arith.addf %get3A_522, %get3A_525 : vector<16xf32>
        %add3A_528 = arith.addf %add3A_526, %add3A_527 : vector<16xf32>
        %mul3A_529 = arith.mulf %get3A_516, %get3A_516 : vector<16xf32>
        %mul3A_530 = arith.mulf %get3A_519, %get3A_519 : vector<16xf32>
        %add3A_531 = arith.addf %mul3A_529, %mul3A_530 : vector<16xf32>
        %mul3A_532 = arith.mulf %get3A_522, %get3A_522 : vector<16xf32>
        %mul3A_533 = arith.mulf %get3A_525, %get3A_525 : vector<16xf32>
        %add3A_534 = arith.addf %mul3A_532, %mul3A_533 : vector<16xf32>
        %add3A_535 = arith.addf %add3A_531, %add3A_534 : vector<16xf32>
        %gather3A_536 = vector.shape_cast %reshape3A : vector<16x1xi32> to vector<16xi32>
        %gather3A_537 = tpu.dynamic_gather %add3A_528[%gather3A_536] in [0] : vector<16xf32>, vector<16xi32> -> vector<16xf32>
        %add3A_538 = arith.addf %add3A_528, %gather3A_537 : vector<16xf32>
        %gather3A_539 = vector.shape_cast %reshape3A : vector<16x1xi32> to vector<16xi32>
        %gather3A_540 = tpu.dynamic_gather %add3A_535[%gather3A_539] in [0] : vector<16xf32>, vector<16xi32> -> vector<16xf32>
        %add3A_541 = arith.addf %add3A_535, %gather3A_540 : vector<16xf32>
        %gather3A_542 = vector.shape_cast %reshape3A_103 : vector<16x1xi32> to vector<16xi32>
        %gather3A_543 = tpu.dynamic_gather %add3A_538[%gather3A_542] in [0] : vector<16xf32>, vector<16xi32> -> vector<16xf32>
        %add3A_544 = arith.addf %add3A_538, %gather3A_543 : vector<16xf32>
        %gather3A_545 = vector.shape_cast %reshape3A_103 : vector<16x1xi32> to vector<16xi32>
        %gather3A_546 = tpu.dynamic_gather %add3A_541[%gather3A_545] in [0] : vector<16xf32>, vector<16xi32> -> vector<16xf32>
        %add3A_547 = arith.addf %add3A_541, %gather3A_546 : vector<16xf32>
        %gather3A_548 = vector.shape_cast %reshape3A_110 : vector<16x1xi32> to vector<16xi32>
        %gather3A_549 = tpu.dynamic_gather %add3A_544[%gather3A_548] in [0] : vector<16xf32>, vector<16xi32> -> vector<16xf32>
        %add3A_550 = arith.addf %add3A_544, %gather3A_549 : vector<16xf32>
        %gather3A_551 = vector.shape_cast %reshape3A_110 : vector<16x1xi32> to vector<16xi32>
        %gather3A_552 = tpu.dynamic_gather %add3A_547[%gather3A_551] in [0] : vector<16xf32>, vector<16xi32> -> vector<16xf32>
        %add3A_553 = arith.addf %add3A_547, %gather3A_552 : vector<16xf32>
        %gather3A_554 = vector.shape_cast %reshape3A_117 : vector<16x1xi32> to vector<16xi32>
        %gather3A_555 = tpu.dynamic_gather %add3A_550[%gather3A_554] in [0] : vector<16xf32>, vector<16xi32> -> vector<16xf32>
        %add3A_556 = arith.addf %add3A_550, %gather3A_555 : vector<16xf32>
        %gather3A_557 = vector.shape_cast %reshape3A_117 : vector<16x1xi32> to vector<16xi32>
        %gather3A_558 = tpu.dynamic_gather %add3A_553[%gather3A_557] in [0] : vector<16xf32>, vector<16xi32> -> vector<16xf32>
        %add3A_559 = arith.addf %add3A_553, %gather3A_558 : vector<16xf32>
        %mul3A_560 = arith.constant 1.562500e-02 : f32
        %mul3A_561 = vector.broadcast %mul3A_560 : f32 to vector<16xf32>
        %mul3A_562 = arith.mulf %add3A_556, %mul3A_561 : vector<16xf32>
        %mul3A_563 = arith.constant 1.562500e-02 : f32
        %mul3A_564 = vector.broadcast %mul3A_563 : f32 to vector<16xf32>
        %mul3A_565 = arith.mulf %add3A_559, %mul3A_564 : vector<16xf32>
        %mul3A_566 = arith.mulf %mul3A_562, %mul3A_562 : vector<16xf32>
        %sub3A_567 = arith.subf %mul3A_565, %mul3A_566 : vector<16xf32>
        %add3A_568 = arith.constant 9.99999974E-6 : f32
        %add3A_569 = vector.broadcast %add3A_568 : f32 to vector<16xf32>
        %add3A_570 = arith.addf %sub3A_567, %add3A_569 : vector<16xf32>
        %bitcast3A_571 = vector.bitcast %add3A_570 : vector<16xf32> to vector<16xi32>
        %shift_right_arithmetic3A_572 = arith.constant 1 : i32
        %shift_right_arithmetic3A_573 = vector.broadcast %shift_right_arithmetic3A_572 : i32 to vector<16xi32>
        %shift_right_arithmetic3A_574 = arith.shrsi %bitcast3A_571, %shift_right_arithmetic3A_573 : vector<16xi32>
        %sub3A_575 = arith.constant 1597463007 : i32
        %sub3A_576 = vector.broadcast %sub3A_575 : i32 to vector<16xi32>
        %sub3A_577 = arith.subi %sub3A_576, %shift_right_arithmetic3A_574 : vector<16xi32>
        %bitcast3A_578 = vector.bitcast %sub3A_577 : vector<16xi32> to vector<16xf32>
        %mul3A_579 = arith.constant 5.000000e-01 : f32
        %mul3A_580 = vector.broadcast %mul3A_579 : f32 to vector<16xf32>
        %mul3A_581 = arith.mulf %mul3A_580, %add3A_570 : vector<16xf32>
        %mul3A_582 = arith.mulf %mul3A_581, %bitcast3A_578 : vector<16xf32>
        %mul3A_583 = arith.mulf %mul3A_582, %bitcast3A_578 : vector<16xf32>
        %sub3A_584 = arith.constant 1.500000e+00 : f32
        %sub3A_585 = vector.broadcast %sub3A_584 : f32 to vector<16xf32>
        %sub3A_586 = arith.subf %sub3A_585, %mul3A_583 : vector<16xf32>
        %mul3A_587 = arith.mulf %bitcast3A_578, %sub3A_586 : vector<16xf32>
        %mul3A_588 = arith.constant 5.000000e-01 : f32
        %mul3A_589 = vector.broadcast %mul3A_588 : f32 to vector<16xf32>
        %mul3A_590 = arith.mulf %mul3A_589, %add3A_570 : vector<16xf32>
        %mul3A_591 = arith.mulf %mul3A_590, %mul3A_587 : vector<16xf32>
        %mul3A_592 = arith.mulf %mul3A_591, %mul3A_587 : vector<16xf32>
        %sub3A_593 = arith.constant 1.500000e+00 : f32
        %sub3A_594 = vector.broadcast %sub3A_593 : f32 to vector<16xf32>
        %sub3A_595 = arith.subf %sub3A_594, %mul3A_592 : vector<16xf32>
        %mul3A_596 = arith.mulf %mul3A_587, %sub3A_595 : vector<16xf32>
        %mul3A_597 = arith.constant 8 : i32
        %mul3A_598 = arith.muli %add3A_275, %mul3A_597 : i32
        %add3A_599 = arith.constant 1 : i32
        %add3A_600 = arith.addi %mul3A_598, %add3A_599 : i32
        %sub3A_601 = arith.subf %get3A_516, %mul3A_562 : vector<16xf32>
        %mul3A_602 = arith.mulf %sub3A_601, %mul3A_596 : vector<16xf32>
        %mul3A_603 = arith.mulf %mul3A_602, %get3A_118 : vector<16xf32>
        %add3A_604 = arith.addf %mul3A_603, %get3A_120 : vector<16xf32>
        %swap3A_605 = arith.index_cast %add3A_600 : i32 to index
        %swap3A_606 = arith.constant 0 : index
        %swap3A_607 = tpu.vector_load %arg10[%swap3A_605, %swap3A_606] {strides = array<i32>} : memref<64x128xf32, #tpu.memory_space<vmem>>, vector<16xf32>,
        tpu.vector_store %arg10[%swap3A_605, %swap3A_606], %add3A_604 {strides = array<i32>} : memref<64x128xf32, #tpu.memory_space<vmem>>, vector<16xf32>,
        %sub3A_608 = arith.subf %get3A_519, %mul3A_562 : vector<16xf32>
        %mul3A_609 = arith.mulf %sub3A_608, %mul3A_596 : vector<16xf32>
        %mul3A_610 = arith.mulf %mul3A_609, %get3A_122 : vector<16xf32>
        %add3A_611 = arith.addf %mul3A_610, %get3A_124 : vector<16xf32>
        %swap3A_612 = arith.index_cast %add3A_600 : i32 to index
        %swap3A_613 = arith.constant 16 : index
        %swap3A_614 = tpu.vector_load %arg10[%swap3A_612, %swap3A_613] {strides = array<i32>} : memref<64x128xf32, #tpu.memory_space<vmem>>, vector<16xf32>,
        tpu.vector_store %arg10[%swap3A_612, %swap3A_613], %add3A_611 {strides = array<i32>} : memref<64x128xf32, #tpu.memory_space<vmem>>, vector<16xf32>,
        %sub3A_615 = arith.subf %get3A_522, %mul3A_562 : vector<16xf32>
        %mul3A_616 = arith.mulf %sub3A_615, %mul3A_596 : vector<16xf32>
        %mul3A_617 = arith.mulf %mul3A_616, %get3A_126 : vector<16xf32>
        %add3A_618 = arith.addf %mul3A_617, %get3A_128 : vector<16xf32>
        %swap3A_619 = arith.index_cast %add3A_600 : i32 to index
        %swap3A_620 = arith.constant 32 : index
        %swap3A_621 = tpu.vector_load %arg10[%swap3A_619, %swap3A_620] {strides = array<i32>} : memref<64x128xf32, #tpu.memory_space<vmem>>, vector<16xf32>,
        tpu.vector_store %arg10[%swap3A_619, %swap3A_620], %add3A_618 {strides = array<i32>} : memref<64x128xf32, #tpu.memory_space<vmem>>, vector<16xf32>,
        %sub3A_622 = arith.subf %get3A_525, %mul3A_562 : vector<16xf32>
        %mul3A_623 = arith.mulf %sub3A_622, %mul3A_596 : vector<16xf32>
        %mul3A_624 = arith.mulf %mul3A_623, %get3A_130 : vector<16xf32>
        %add3A_625 = arith.addf %mul3A_624, %get3A_132 : vector<16xf32>
        %swap3A_626 = arith.index_cast %add3A_600 : i32 to index
        %swap3A_627 = arith.constant 48 : index
        %swap3A_628 = tpu.vector_load %arg10[%swap3A_626, %swap3A_627] {strides = array<i32>} : memref<64x128xf32, #tpu.memory_space<vmem>>, vector<16xf32>,
        tpu.vector_store %arg10[%swap3A_626, %swap3A_627], %add3A_625 {strides = array<i32>} : memref<64x128xf32, #tpu.memory_space<vmem>>, vector<16xf32>,
        %mul3A_629 = arith.constant 16 : i32
        %mul3A_630 = arith.muli %add3A_275, %mul3A_629 : i32
        %add3A_631 = arith.constant 3 : i32
        %add3A_632 = arith.addi %mul3A_630, %add3A_631 : i32
        %get3A_633 = arith.index_cast %add3A_632 : i32 to index
        %get3A_634 = arith.constant 0 : index
        %get3A_635 = tpu.vector_load %arg8[%get3A_633, %get3A_634] {strides = array<i32>} : memref<128x64xf32, #tpu.memory_space<vmem>>, vector<16xf32>,
        %get3A_636 = arith.index_cast %add3A_632 : i32 to index
        %get3A_637 = arith.constant 16 : index
        %get3A_638 = tpu.vector_load %arg8[%get3A_636, %get3A_637] {strides = array<i32>} : memref<128x64xf32, #tpu.memory_space<vmem>>, vector<16xf32>,
        %get3A_639 = arith.index_cast %add3A_632 : i32 to index
        %get3A_640 = arith.constant 32 : index
        %get3A_641 = tpu.vector_load %arg8[%get3A_639, %get3A_640] {strides = array<i32>} : memref<128x64xf32, #tpu.memory_space<vmem>>, vector<16xf32>,
        %get3A_642 = arith.index_cast %add3A_632 : i32 to index
        %get3A_643 = arith.constant 48 : index
        %get3A_644 = tpu.vector_load %arg8[%get3A_642, %get3A_643] {strides = array<i32>} : memref<128x64xf32, #tpu.memory_space<vmem>>, vector<16xf32>,
        %add3A_645 = arith.addf %get3A_635, %get3A_638 : vector<16xf32>
        %add3A_646 = arith.addf %get3A_641, %get3A_644 : vector<16xf32>
        %add3A_647 = arith.addf %add3A_645, %add3A_646 : vector<16xf32>
        %mul3A_648 = arith.mulf %get3A_635, %get3A_635 : vector<16xf32>
        %mul3A_649 = arith.mulf %get3A_638, %get3A_638 : vector<16xf32>
        %add3A_650 = arith.addf %mul3A_648, %mul3A_649 : vector<16xf32>
        %mul3A_651 = arith.mulf %get3A_641, %get3A_641 : vector<16xf32>
        %mul3A_652 = arith.mulf %get3A_644, %get3A_644 : vector<16xf32>
        %add3A_653 = arith.addf %mul3A_651, %mul3A_652 : vector<16xf32>
        %add3A_654 = arith.addf %add3A_650, %add3A_653 : vector<16xf32>
        %gather3A_655 = vector.shape_cast %reshape3A : vector<16x1xi32> to vector<16xi32>
        %gather3A_656 = tpu.dynamic_gather %add3A_647[%gather3A_655] in [0] : vector<16xf32>, vector<16xi32> -> vector<16xf32>
        %add3A_657 = arith.addf %add3A_647, %gather3A_656 : vector<16xf32>
        %gather3A_658 = vector.shape_cast %reshape3A : vector<16x1xi32> to vector<16xi32>
        %gather3A_659 = tpu.dynamic_gather %add3A_654[%gather3A_658] in [0] : vector<16xf32>, vector<16xi32> -> vector<16xf32>
        %add3A_660 = arith.addf %add3A_654, %gather3A_659 : vector<16xf32>
        %gather3A_661 = vector.shape_cast %reshape3A_103 : vector<16x1xi32> to vector<16xi32>
        %gather3A_662 = tpu.dynamic_gather %add3A_657[%gather3A_661] in [0] : vector<16xf32>, vector<16xi32> -> vector<16xf32>
        %add3A_663 = arith.addf %add3A_657, %gather3A_662 : vector<16xf32>
        %gather3A_664 = vector.shape_cast %reshape3A_103 : vector<16x1xi32> to vector<16xi32>
        %gather3A_665 = tpu.dynamic_gather %add3A_660[%gather3A_664] in [0] : vector<16xf32>, vector<16xi32> -> vector<16xf32>
        %add3A_666 = arith.addf %add3A_660, %gather3A_665 : vector<16xf32>
        %gather3A_667 = vector.shape_cast %reshape3A_110 : vector<16x1xi32> to vector<16xi32>
        %gather3A_668 = tpu.dynamic_gather %add3A_663[%gather3A_667] in [0] : vector<16xf32>, vector<16xi32> -> vector<16xf32>
        %add3A_669 = arith.addf %add3A_663, %gather3A_668 : vector<16xf32>
        %gather3A_670 = vector.shape_cast %reshape3A_110 : vector<16x1xi32> to vector<16xi32>
        %gather3A_671 = tpu.dynamic_gather %add3A_666[%gather3A_670] in [0] : vector<16xf32>, vector<16xi32> -> vector<16xf32>
        %add3A_672 = arith.addf %add3A_666, %gather3A_671 : vector<16xf32>
        %gather3A_673 = vector.shape_cast %reshape3A_117 : vector<16x1xi32> to vector<16xi32>
        %gather3A_674 = tpu.dynamic_gather %add3A_669[%gather3A_673] in [0] : vector<16xf32>, vector<16xi32> -> vector<16xf32>
        %add3A_675 = arith.addf %add3A_669, %gather3A_674 : vector<16xf32>
        %gather3A_676 = vector.shape_cast %reshape3A_117 : vector<16x1xi32> to vector<16xi32>
        %gather3A_677 = tpu.dynamic_gather %add3A_672[%gather3A_676] in [0] : vector<16xf32>, vector<16xi32> -> vector<16xf32>
        %add3A_678 = arith.addf %add3A_672, %gather3A_677 : vector<16xf32>
        %mul3A_679 = arith.constant 1.562500e-02 : f32
        %mul3A_680 = vector.broadcast %mul3A_679 : f32 to vector<16xf32>
        %mul3A_681 = arith.mulf %add3A_675, %mul3A_680 : vector<16xf32>
        %mul3A_682 = arith.constant 1.562500e-02 : f32
        %mul3A_683 = vector.broadcast %mul3A_682 : f32 to vector<16xf32>
        %mul3A_684 = arith.mulf %add3A_678, %mul3A_683 : vector<16xf32>
        %mul3A_685 = arith.mulf %mul3A_681, %mul3A_681 : vector<16xf32>
        %sub3A_686 = arith.subf %mul3A_684, %mul3A_685 : vector<16xf32>
        %add3A_687 = arith.constant 9.99999974E-6 : f32
        %add3A_688 = vector.broadcast %add3A_687 : f32 to vector<16xf32>
        %add3A_689 = arith.addf %sub3A_686, %add3A_688 : vector<16xf32>
        %bitcast3A_690 = vector.bitcast %add3A_689 : vector<16xf32> to vector<16xi32>
        %shift_right_arithmetic3A_691 = arith.constant 1 : i32
        %shift_right_arithmetic3A_692 = vector.broadcast %shift_right_arithmetic3A_691 : i32 to vector<16xi32>
        %shift_right_arithmetic3A_693 = arith.shrsi %bitcast3A_690, %shift_right_arithmetic3A_692 : vector<16xi32>
        %sub3A_694 = arith.constant 1597463007 : i32
        %sub3A_695 = vector.broadcast %sub3A_694 : i32 to vector<16xi32>
        %sub3A_696 = arith.subi %sub3A_695, %shift_right_arithmetic3A_693 : vector<16xi32>
        %bitcast3A_697 = vector.bitcast %sub3A_696 : vector<16xi32> to vector<16xf32>
        %mul3A_698 = arith.constant 5.000000e-01 : f32
        %mul3A_699 = vector.broadcast %mul3A_698 : f32 to vector<16xf32>
        %mul3A_700 = arith.mulf %mul3A_699, %add3A_689 : vector<16xf32>
        %mul3A_701 = arith.mulf %mul3A_700, %bitcast3A_697 : vector<16xf32>
        %mul3A_702 = arith.mulf %mul3A_701, %bitcast3A_697 : vector<16xf32>
        %sub3A_703 = arith.constant 1.500000e+00 : f32
        %sub3A_704 = vector.broadcast %sub3A_703 : f32 to vector<16xf32>
        %sub3A_705 = arith.subf %sub3A_704, %mul3A_702 : vector<16xf32>
        %mul3A_706 = arith.mulf %bitcast3A_697, %sub3A_705 : vector<16xf32>
        %mul3A_707 = arith.constant 5.000000e-01 : f32
        %mul3A_708 = vector.broadcast %mul3A_707 : f32 to vector<16xf32>
        %mul3A_709 = arith.mulf %mul3A_708, %add3A_689 : vector<16xf32>
        %mul3A_710 = arith.mulf %mul3A_709, %mul3A_706 : vector<16xf32>
        %mul3A_711 = arith.mulf %mul3A_710, %mul3A_706 : vector<16xf32>
        %sub3A_712 = arith.constant 1.500000e+00 : f32
        %sub3A_713 = vector.broadcast %sub3A_712 : f32 to vector<16xf32>
        %sub3A_714 = arith.subf %sub3A_713, %mul3A_711 : vector<16xf32>
        %mul3A_715 = arith.mulf %mul3A_706, %sub3A_714 : vector<16xf32>
        %mul3A_716 = arith.constant 8 : i32
        %mul3A_717 = arith.muli %add3A_275, %mul3A_716 : i32
        %add3A_718 = arith.constant 1 : i32
        %add3A_719 = arith.addi %mul3A_717, %add3A_718 : i32
        %sub3A_720 = arith.subf %get3A_635, %mul3A_681 : vector<16xf32>
        %mul3A_721 = arith.mulf %sub3A_720, %mul3A_715 : vector<16xf32>
        %mul3A_722 = arith.mulf %mul3A_721, %get3A_118 : vector<16xf32>
        %add3A_723 = arith.addf %mul3A_722, %get3A_120 : vector<16xf32>
        %swap3A_724 = arith.index_cast %add3A_719 : i32 to index
        %swap3A_725 = arith.constant 64 : index
        %swap3A_726 = tpu.vector_load %arg10[%swap3A_724, %swap3A_725] {strides = array<i32>} : memref<64x128xf32, #tpu.memory_space<vmem>>, vector<16xf32>,
        tpu.vector_store %arg10[%swap3A_724, %swap3A_725], %add3A_723 {strides = array<i32>} : memref<64x128xf32, #tpu.memory_space<vmem>>, vector<16xf32>,
        %sub3A_727 = arith.subf %get3A_638, %mul3A_681 : vector<16xf32>
        %mul3A_728 = arith.mulf %sub3A_727, %mul3A_715 : vector<16xf32>
        %mul3A_729 = arith.mulf %mul3A_728, %get3A_122 : vector<16xf32>
        %add3A_730 = arith.addf %mul3A_729, %get3A_124 : vector<16xf32>
        %swap3A_731 = arith.index_cast %add3A_719 : i32 to index
        %swap3A_732 = arith.constant 80 : index
        %swap3A_733 = tpu.vector_load %arg10[%swap3A_731, %swap3A_732] {strides = array<i32>} : memref<64x128xf32, #tpu.memory_space<vmem>>, vector<16xf32>,
        tpu.vector_store %arg10[%swap3A_731, %swap3A_732], %add3A_730 {strides = array<i32>} : memref<64x128xf32, #tpu.memory_space<vmem>>, vector<16xf32>,
        %sub3A_734 = arith.subf %get3A_641, %mul3A_681 : vector<16xf32>
        %mul3A_735 = arith.mulf %sub3A_734, %mul3A_715 : vector<16xf32>
        %mul3A_736 = arith.mulf %mul3A_735, %get3A_126 : vector<16xf32>
        %add3A_737 = arith.addf %mul3A_736, %get3A_128 : vector<16xf32>
        %swap3A_738 = arith.index_cast %add3A_719 : i32 to index
        %swap3A_739 = arith.constant 96 : index
        %swap3A_740 = tpu.vector_load %arg10[%swap3A_738, %swap3A_739] {strides = array<i32>} : memref<64x128xf32, #tpu.memory_space<vmem>>, vector<16xf32>,
        tpu.vector_store %arg10[%swap3A_738, %swap3A_739], %add3A_737 {strides = array<i32>} : memref<64x128xf32, #tpu.memory_space<vmem>>, vector<16xf32>,
        %sub3A_741 = arith.subf %get3A_644, %mul3A_681 : vector<16xf32>
        %mul3A_742 = arith.mulf %sub3A_741, %mul3A_715 : vector<16xf32>
        %mul3A_743 = arith.mulf %mul3A_742, %get3A_130 : vector<16xf32>
        %add3A_744 = arith.addf %mul3A_743, %get3A_132 : vector<16xf32>
        %swap3A_745 = arith.index_cast %add3A_719 : i32 to index
        %swap3A_746 = arith.constant 112 : index
        %swap3A_747 = tpu.vector_load %arg10[%swap3A_745, %swap3A_746] {strides = array<i32>} : memref<64x128xf32, #tpu.memory_space<vmem>>, vector<16xf32>,
        tpu.vector_store %arg10[%swap3A_745, %swap3A_746], %add3A_744 {strides = array<i32>} : memref<64x128xf32, #tpu.memory_space<vmem>>, vector<16xf32>,
        %mul3A_748 = arith.constant 16 : i32
        %mul3A_749 = arith.muli %add3A_275, %mul3A_748 : i32
        %add3A_750 = arith.constant 4 : i32
        %add3A_751 = arith.addi %mul3A_749, %add3A_750 : i32
        %get3A_752 = arith.index_cast %add3A_751 : i32 to index
        %get3A_753 = arith.constant 0 : index
        %get3A_754 = tpu.vector_load %arg8[%get3A_752, %get3A_753] {strides = array<i32>} : memref<128x64xf32, #tpu.memory_space<vmem>>, vector<16xf32>,
        %get3A_755 = arith.index_cast %add3A_751 : i32 to index
        %get3A_756 = arith.constant 16 : index
        %get3A_757 = tpu.vector_load %arg8[%get3A_755, %get3A_756] {strides = array<i32>} : memref<128x64xf32, #tpu.memory_space<vmem>>, vector<16xf32>,
        %get3A_758 = arith.index_cast %add3A_751 : i32 to index
        %get3A_759 = arith.constant 32 : index
        %get3A_760 = tpu.vector_load %arg8[%get3A_758, %get3A_759] {strides = array<i32>} : memref<128x64xf32, #tpu.memory_space<vmem>>, vector<16xf32>,
        %get3A_761 = arith.index_cast %add3A_751 : i32 to index
        %get3A_762 = arith.constant 48 : index
        %get3A_763 = tpu.vector_load %arg8[%get3A_761, %get3A_762] {strides = array<i32>} : memref<128x64xf32, #tpu.memory_space<vmem>>, vector<16xf32>,
        %add3A_764 = arith.addf %get3A_754, %get3A_757 : vector<16xf32>
        %add3A_765 = arith.addf %get3A_760, %get3A_763 : vector<16xf32>
        %add3A_766 = arith.addf %add3A_764, %add3A_765 : vector<16xf32>
        %mul3A_767 = arith.mulf %get3A_754, %get3A_754 : vector<16xf32>
        %mul3A_768 = arith.mulf %get3A_757, %get3A_757 : vector<16xf32>
        %add3A_769 = arith.addf %mul3A_767, %mul3A_768 : vector<16xf32>
        %mul3A_770 = arith.mulf %get3A_760, %get3A_760 : vector<16xf32>
        %mul3A_771 = arith.mulf %get3A_763, %get3A_763 : vector<16xf32>
        %add3A_772 = arith.addf %mul3A_770, %mul3A_771 : vector<16xf32>
        %add3A_773 = arith.addf %add3A_769, %add3A_772 : vector<16xf32>
        %gather3A_774 = vector.shape_cast %reshape3A : vector<16x1xi32> to vector<16xi32>
        %gather3A_775 = tpu.dynamic_gather %add3A_766[%gather3A_774] in [0] : vector<16xf32>, vector<16xi32> -> vector<16xf32>
        %add3A_776 = arith.addf %add3A_766, %gather3A_775 : vector<16xf32>
        %gather3A_777 = vector.shape_cast %reshape3A : vector<16x1xi32> to vector<16xi32>
        %gather3A_778 = tpu.dynamic_gather %add3A_773[%gather3A_777] in [0] : vector<16xf32>, vector<16xi32> -> vector<16xf32>
        %add3A_779 = arith.addf %add3A_773, %gather3A_778 : vector<16xf32>
        %gather3A_780 = vector.shape_cast %reshape3A_103 : vector<16x1xi32> to vector<16xi32>
        %gather3A_781 = tpu.dynamic_gather %add3A_776[%gather3A_780] in [0] : vector<16xf32>, vector<16xi32> -> vector<16xf32>
        %add3A_782 = arith.addf %add3A_776, %gather3A_781 : vector<16xf32>
        %gather3A_783 = vector.shape_cast %reshape3A_103 : vector<16x1xi32> to vector<16xi32>
        %gather3A_784 = tpu.dynamic_gather %add3A_779[%gather3A_783] in [0] : vector<16xf32>, vector<16xi32> -> vector<16xf32>
        %add3A_785 = arith.addf %add3A_779, %gather3A_784 : vector<16xf32>
        %gather3A_786 = vector.shape_cast %reshape3A_110 : vector<16x1xi32> to vector<16xi32>
        %gather3A_787 = tpu.dynamic_gather %add3A_782[%gather3A_786] in [0] : vector<16xf32>, vector<16xi32> -> vector<16xf32>
        %add3A_788 = arith.addf %add3A_782, %gather3A_787 : vector<16xf32>
        %gather3A_789 = vector.shape_cast %reshape3A_110 : vector<16x1xi32> to vector<16xi32>
        %gather3A_790 = tpu.dynamic_gather %add3A_785[%gather3A_789] in [0] : vector<16xf32>, vector<16xi32> -> vector<16xf32>
        %add3A_791 = arith.addf %add3A_785, %gather3A_790 : vector<16xf32>
        %gather3A_792 = vector.shape_cast %reshape3A_117 : vector<16x1xi32> to vector<16xi32>
        %gather3A_793 = tpu.dynamic_gather %add3A_788[%gather3A_792] in [0] : vector<16xf32>, vector<16xi32> -> vector<16xf32>
        %add3A_794 = arith.addf %add3A_788, %gather3A_793 : vector<16xf32>
        %gather3A_795 = vector.shape_cast %reshape3A_117 : vector<16x1xi32> to vector<16xi32>
        %gather3A_796 = tpu.dynamic_gather %add3A_791[%gather3A_795] in [0] : vector<16xf32>, vector<16xi32> -> vector<16xf32>
        %add3A_797 = arith.addf %add3A_791, %gather3A_796 : vector<16xf32>
        %mul3A_798 = arith.constant 1.562500e-02 : f32
        %mul3A_799 = vector.broadcast %mul3A_798 : f32 to vector<16xf32>
        %mul3A_800 = arith.mulf %add3A_794, %mul3A_799 : vector<16xf32>
        %mul3A_801 = arith.constant 1.562500e-02 : f32
        %mul3A_802 = vector.broadcast %mul3A_801 : f32 to vector<16xf32>
        %mul3A_803 = arith.mulf %add3A_797, %mul3A_802 : vector<16xf32>
        %mul3A_804 = arith.mulf %mul3A_800, %mul3A_800 : vector<16xf32>
        %sub3A_805 = arith.subf %mul3A_803, %mul3A_804 : vector<16xf32>
        %add3A_806 = arith.constant 9.99999974E-6 : f32
        %add3A_807 = vector.broadcast %add3A_806 : f32 to vector<16xf32>
        %add3A_808 = arith.addf %sub3A_805, %add3A_807 : vector<16xf32>
        %bitcast3A_809 = vector.bitcast %add3A_808 : vector<16xf32> to vector<16xi32>
        %shift_right_arithmetic3A_810 = arith.constant 1 : i32
        %shift_right_arithmetic3A_811 = vector.broadcast %shift_right_arithmetic3A_810 : i32 to vector<16xi32>
        %shift_right_arithmetic3A_812 = arith.shrsi %bitcast3A_809, %shift_right_arithmetic3A_811 : vector<16xi32>
        %sub3A_813 = arith.constant 1597463007 : i32
        %sub3A_814 = vector.broadcast %sub3A_813 : i32 to vector<16xi32>
        %sub3A_815 = arith.subi %sub3A_814, %shift_right_arithmetic3A_812 : vector<16xi32>
        %bitcast3A_816 = vector.bitcast %sub3A_815 : vector<16xi32> to vector<16xf32>
        %mul3A_817 = arith.constant 5.000000e-01 : f32
        %mul3A_818 = vector.broadcast %mul3A_817 : f32 to vector<16xf32>
        %mul3A_819 = arith.mulf %mul3A_818, %add3A_808 : vector<16xf32>
        %mul3A_820 = arith.mulf %mul3A_819, %bitcast3A_816 : vector<16xf32>
        %mul3A_821 = arith.mulf %mul3A_820, %bitcast3A_816 : vector<16xf32>
        %sub3A_822 = arith.constant 1.500000e+00 : f32
        %sub3A_823 = vector.broadcast %sub3A_822 : f32 to vector<16xf32>
        %sub3A_824 = arith.subf %sub3A_823, %mul3A_821 : vector<16xf32>
        %mul3A_825 = arith.mulf %bitcast3A_816, %sub3A_824 : vector<16xf32>
        %mul3A_826 = arith.constant 5.000000e-01 : f32
        %mul3A_827 = vector.broadcast %mul3A_826 : f32 to vector<16xf32>
        %mul3A_828 = arith.mulf %mul3A_827, %add3A_808 : vector<16xf32>
        %mul3A_829 = arith.mulf %mul3A_828, %mul3A_825 : vector<16xf32>
        %mul3A_830 = arith.mulf %mul3A_829, %mul3A_825 : vector<16xf32>
        %sub3A_831 = arith.constant 1.500000e+00 : f32
        %sub3A_832 = vector.broadcast %sub3A_831 : f32 to vector<16xf32>
        %sub3A_833 = arith.subf %sub3A_832, %mul3A_830 : vector<16xf32>
        %mul3A_834 = arith.mulf %mul3A_825, %sub3A_833 : vector<16xf32>
        %mul3A_835 = arith.constant 8 : i32
        %mul3A_836 = arith.muli %add3A_275, %mul3A_835 : i32
        %add3A_837 = arith.constant 2 : i32
        %add3A_838 = arith.addi %mul3A_836, %add3A_837 : i32
        %sub3A_839 = arith.subf %get3A_754, %mul3A_800 : vector<16xf32>
        %mul3A_840 = arith.mulf %sub3A_839, %mul3A_834 : vector<16xf32>
        %mul3A_841 = arith.mulf %mul3A_840, %get3A_118 : vector<16xf32>
        %add3A_842 = arith.addf %mul3A_841, %get3A_120 : vector<16xf32>
        %swap3A_843 = arith.index_cast %add3A_838 : i32 to index
        %swap3A_844 = arith.constant 0 : index
        %swap3A_845 = tpu.vector_load %arg10[%swap3A_843, %swap3A_844] {strides = array<i32>} : memref<64x128xf32, #tpu.memory_space<vmem>>, vector<16xf32>,
        tpu.vector_store %arg10[%swap3A_843, %swap3A_844], %add3A_842 {strides = array<i32>} : memref<64x128xf32, #tpu.memory_space<vmem>>, vector<16xf32>,
        %sub3A_846 = arith.subf %get3A_757, %mul3A_800 : vector<16xf32>
        %mul3A_847 = arith.mulf %sub3A_846, %mul3A_834 : vector<16xf32>
        %mul3A_848 = arith.mulf %mul3A_847, %get3A_122 : vector<16xf32>
        %add3A_849 = arith.addf %mul3A_848, %get3A_124 : vector<16xf32>
        %swap3A_850 = arith.index_cast %add3A_838 : i32 to index
        %swap3A_851 = arith.constant 16 : index
        %swap3A_852 = tpu.vector_load %arg10[%swap3A_850, %swap3A_851] {strides = array<i32>} : memref<64x128xf32, #tpu.memory_space<vmem>>, vector<16xf32>,
        tpu.vector_store %arg10[%swap3A_850, %swap3A_851], %add3A_849 {strides = array<i32>} : memref<64x128xf32, #tpu.memory_space<vmem>>, vector<16xf32>,
        %sub3A_853 = arith.subf %get3A_760, %mul3A_800 : vector<16xf32>
        %mul3A_854 = arith.mulf %sub3A_853, %mul3A_834 : vector<16xf32>
        %mul3A_855 = arith.mulf %mul3A_854, %get3A_126 : vector<16xf32>
        %add3A_856 = arith.addf %mul3A_855, %get3A_128 : vector<16xf32>
        %swap3A_857 = arith.index_cast %add3A_838 : i32 to index
        %swap3A_858 = arith.constant 32 : index
        %swap3A_859 = tpu.vector_load %arg10[%swap3A_857, %swap3A_858] {strides = array<i32>} : memref<64x128xf32, #tpu.memory_space<vmem>>, vector<16xf32>,
        tpu.vector_store %arg10[%swap3A_857, %swap3A_858], %add3A_856 {strides = array<i32>} : memref<64x128xf32, #tpu.memory_space<vmem>>, vector<16xf32>,
        %sub3A_860 = arith.subf %get3A_763, %mul3A_800 : vector<16xf32>
        %mul3A_861 = arith.mulf %sub3A_860, %mul3A_834 : vector<16xf32>
        %mul3A_862 = arith.mulf %mul3A_861, %get3A_130 : vector<16xf32>
        %add3A_863 = arith.addf %mul3A_862, %get3A_132 : vector<16xf32>
        %swap3A_864 = arith.index_cast %add3A_838 : i32 to index
        %swap3A_865 = arith.constant 48 : index
        %swap3A_866 = tpu.vector_load %arg10[%swap3A_864, %swap3A_865] {strides = array<i32>} : memref<64x128xf32, #tpu.memory_space<vmem>>, vector<16xf32>,
        tpu.vector_store %arg10[%swap3A_864, %swap3A_865], %add3A_863 {strides = array<i32>} : memref<64x128xf32, #tpu.memory_space<vmem>>, vector<16xf32>,
        %mul3A_867 = arith.constant 16 : i32
        %mul3A_868 = arith.muli %add3A_275, %mul3A_867 : i32
        %add3A_869 = arith.constant 5 : i32
        %add3A_870 = arith.addi %mul3A_868, %add3A_869 : i32
        %get3A_871 = arith.index_cast %add3A_870 : i32 to index
        %get3A_872 = arith.constant 0 : index
        %get3A_873 = tpu.vector_load %arg8[%get3A_871, %get3A_872] {strides = array<i32>} : memref<128x64xf32, #tpu.memory_space<vmem>>, vector<16xf32>,
        %get3A_874 = arith.index_cast %add3A_870 : i32 to index
        %get3A_875 = arith.constant 16 : index
        %get3A_876 = tpu.vector_load %arg8[%get3A_874, %get3A_875] {strides = array<i32>} : memref<128x64xf32, #tpu.memory_space<vmem>>, vector<16xf32>,
        %get3A_877 = arith.index_cast %add3A_870 : i32 to index
        %get3A_878 = arith.constant 32 : index
        %get3A_879 = tpu.vector_load %arg8[%get3A_877, %get3A_878] {strides = array<i32>} : memref<128x64xf32, #tpu.memory_space<vmem>>, vector<16xf32>,
        %get3A_880 = arith.index_cast %add3A_870 : i32 to index
        %get3A_881 = arith.constant 48 : index
        %get3A_882 = tpu.vector_load %arg8[%get3A_880, %get3A_881] {strides = array<i32>} : memref<128x64xf32, #tpu.memory_space<vmem>>, vector<16xf32>,
        %add3A_883 = arith.addf %get3A_873, %get3A_876 : vector<16xf32>
        %add3A_884 = arith.addf %get3A_879, %get3A_882 : vector<16xf32>
        %add3A_885 = arith.addf %add3A_883, %add3A_884 : vector<16xf32>
        %mul3A_886 = arith.mulf %get3A_873, %get3A_873 : vector<16xf32>
        %mul3A_887 = arith.mulf %get3A_876, %get3A_876 : vector<16xf32>
        %add3A_888 = arith.addf %mul3A_886, %mul3A_887 : vector<16xf32>
        %mul3A_889 = arith.mulf %get3A_879, %get3A_879 : vector<16xf32>
        %mul3A_890 = arith.mulf %get3A_882, %get3A_882 : vector<16xf32>
        %add3A_891 = arith.addf %mul3A_889, %mul3A_890 : vector<16xf32>
        %add3A_892 = arith.addf %add3A_888, %add3A_891 : vector<16xf32>
        %gather3A_893 = vector.shape_cast %reshape3A : vector<16x1xi32> to vector<16xi32>
        %gather3A_894 = tpu.dynamic_gather %add3A_885[%gather3A_893] in [0] : vector<16xf32>, vector<16xi32> -> vector<16xf32>
        %add3A_895 = arith.addf %add3A_885, %gather3A_894 : vector<16xf32>
        %gather3A_896 = vector.shape_cast %reshape3A : vector<16x1xi32> to vector<16xi32>
        %gather3A_897 = tpu.dynamic_gather %add3A_892[%gather3A_896] in [0] : vector<16xf32>, vector<16xi32> -> vector<16xf32>
        %add3A_898 = arith.addf %add3A_892, %gather3A_897 : vector<16xf32>
        %gather3A_899 = vector.shape_cast %reshape3A_103 : vector<16x1xi32> to vector<16xi32>
        %gather3A_900 = tpu.dynamic_gather %add3A_895[%gather3A_899] in [0] : vector<16xf32>, vector<16xi32> -> vector<16xf32>
        %add3A_901 = arith.addf %add3A_895, %gather3A_900 : vector<16xf32>
        %gather3A_902 = vector.shape_cast %reshape3A_103 : vector<16x1xi32> to vector<16xi32>
        %gather3A_903 = tpu.dynamic_gather %add3A_898[%gather3A_902] in [0] : vector<16xf32>, vector<16xi32> -> vector<16xf32>
        %add3A_904 = arith.addf %add3A_898, %gather3A_903 : vector<16xf32>
        %gather3A_905 = vector.shape_cast %reshape3A_110 : vector<16x1xi32> to vector<16xi32>
        %gather3A_906 = tpu.dynamic_gather %add3A_901[%gather3A_905] in [0] : vector<16xf32>, vector<16xi32> -> vector<16xf32>
        %add3A_907 = arith.addf %add3A_901, %gather3A_906 : vector<16xf32>
        %gather3A_908 = vector.shape_cast %reshape3A_110 : vector<16x1xi32> to vector<16xi32>
        %gather3A_909 = tpu.dynamic_gather %add3A_904[%gather3A_908] in [0] : vector<16xf32>, vector<16xi32> -> vector<16xf32>
        %add3A_910 = arith.addf %add3A_904, %gather3A_909 : vector<16xf32>
        %gather3A_911 = vector.shape_cast %reshape3A_117 : vector<16x1xi32> to vector<16xi32>
        %gather3A_912 = tpu.dynamic_gather %add3A_907[%gather3A_911] in [0] : vector<16xf32>, vector<16xi32> -> vector<16xf32>
        %add3A_913 = arith.addf %add3A_907, %gather3A_912 : vector<16xf32>
        %gather3A_914 = vector.shape_cast %reshape3A_117 : vector<16x1xi32> to vector<16xi32>
        %gather3A_915 = tpu.dynamic_gather %add3A_910[%gather3A_914] in [0] : vector<16xf32>, vector<16xi32> -> vector<16xf32>
        %add3A_916 = arith.addf %add3A_910, %gather3A_915 : vector<16xf32>
        %mul3A_917 = arith.constant 1.562500e-02 : f32
        %mul3A_918 = vector.broadcast %mul3A_917 : f32 to vector<16xf32>
        %mul3A_919 = arith.mulf %add3A_913, %mul3A_918 : vector<16xf32>
        %mul3A_920 = arith.constant 1.562500e-02 : f32
        %mul3A_921 = vector.broadcast %mul3A_920 : f32 to vector<16xf32>
        %mul3A_922 = arith.mulf %add3A_916, %mul3A_921 : vector<16xf32>
        %mul3A_923 = arith.mulf %mul3A_919, %mul3A_919 : vector<16xf32>
        %sub3A_924 = arith.subf %mul3A_922, %mul3A_923 : vector<16xf32>
        %add3A_925 = arith.constant 9.99999974E-6 : f32
        %add3A_926 = vector.broadcast %add3A_925 : f32 to vector<16xf32>
        %add3A_927 = arith.addf %sub3A_924, %add3A_926 : vector<16xf32>
        %bitcast3A_928 = vector.bitcast %add3A_927 : vector<16xf32> to vector<16xi32>
        %shift_right_arithmetic3A_929 = arith.constant 1 : i32
        %shift_right_arithmetic3A_930 = vector.broadcast %shift_right_arithmetic3A_929 : i32 to vector<16xi32>
        %shift_right_arithmetic3A_931 = arith.shrsi %bitcast3A_928, %shift_right_arithmetic3A_930 : vector<16xi32>
        %sub3A_932 = arith.constant 1597463007 : i32
        %sub3A_933 = vector.broadcast %sub3A_932 : i32 to vector<16xi32>
        %sub3A_934 = arith.subi %sub3A_933, %shift_right_arithmetic3A_931 : vector<16xi32>
        %bitcast3A_935 = vector.bitcast %sub3A_934 : vector<16xi32> to vector<16xf32>
        %mul3A_936 = arith.constant 5.000000e-01 : f32
        %mul3A_937 = vector.broadcast %mul3A_936 : f32 to vector<16xf32>
        %mul3A_938 = arith.mulf %mul3A_937, %add3A_927 : vector<16xf32>
        %mul3A_939 = arith.mulf %mul3A_938, %bitcast3A_935 : vector<16xf32>
        %mul3A_940 = arith.mulf %mul3A_939, %bitcast3A_935 : vector<16xf32>
        %sub3A_941 = arith.constant 1.500000e+00 : f32
        %sub3A_942 = vector.broadcast %sub3A_941 : f32 to vector<16xf32>
        %sub3A_943 = arith.subf %sub3A_942, %mul3A_940 : vector<16xf32>
        %mul3A_944 = arith.mulf %bitcast3A_935, %sub3A_943 : vector<16xf32>
        %mul3A_945 = arith.constant 5.000000e-01 : f32
        %mul3A_946 = vector.broadcast %mul3A_945 : f32 to vector<16xf32>
        %mul3A_947 = arith.mulf %mul3A_946, %add3A_927 : vector<16xf32>
        %mul3A_948 = arith.mulf %mul3A_947, %mul3A_944 : vector<16xf32>
        %mul3A_949 = arith.mulf %mul3A_948, %mul3A_944 : vector<16xf32>
        %sub3A_950 = arith.constant 1.500000e+00 : f32
        %sub3A_951 = vector.broadcast %sub3A_950 : f32 to vector<16xf32>
        %sub3A_952 = arith.subf %sub3A_951, %mul3A_949 : vector<16xf32>
        %mul3A_953 = arith.mulf %mul3A_944, %sub3A_952 : vector<16xf32>
        %mul3A_954 = arith.constant 8 : i32
        %mul3A_955 = arith.muli %add3A_275, %mul3A_954 : i32
        %add3A_956 = arith.constant 2 : i32
        %add3A_957 = arith.addi %mul3A_955, %add3A_956 : i32
        %sub3A_958 = arith.subf %get3A_873, %mul3A_919 : vector<16xf32>
        %mul3A_959 = arith.mulf %sub3A_958, %mul3A_953 : vector<16xf32>
        %mul3A_960 = arith.mulf %mul3A_959, %get3A_118 : vector<16xf32>
        %add3A_961 = arith.addf %mul3A_960, %get3A_120 : vector<16xf32>
        %swap3A_962 = arith.index_cast %add3A_957 : i32 to index
        %swap3A_963 = arith.constant 64 : index
        %swap3A_964 = tpu.vector_load %arg10[%swap3A_962, %swap3A_963] {strides = array<i32>} : memref<64x128xf32, #tpu.memory_space<vmem>>, vector<16xf32>,
        tpu.vector_store %arg10[%swap3A_962, %swap3A_963], %add3A_961 {strides = array<i32>} : memref<64x128xf32, #tpu.memory_space<vmem>>, vector<16xf32>,
        %sub3A_965 = arith.subf %get3A_876, %mul3A_919 : vector<16xf32>
        %mul3A_966 = arith.mulf %sub3A_965, %mul3A_953 : vector<16xf32>
        %mul3A_967 = arith.mulf %mul3A_966, %get3A_122 : vector<16xf32>
        %add3A_968 = arith.addf %mul3A_967, %get3A_124 : vector<16xf32>
        %swap3A_969 = arith.index_cast %add3A_957 : i32 to index
        %swap3A_970 = arith.constant 80 : index
        %swap3A_971 = tpu.vector_load %arg10[%swap3A_969, %swap3A_970] {strides = array<i32>} : memref<64x128xf32, #tpu.memory_space<vmem>>, vector<16xf32>,
        tpu.vector_store %arg10[%swap3A_969, %swap3A_970], %add3A_968 {strides = array<i32>} : memref<64x128xf32, #tpu.memory_space<vmem>>, vector<16xf32>,
        %sub3A_972 = arith.subf %get3A_879, %mul3A_919 : vector<16xf32>
        %mul3A_973 = arith.mulf %sub3A_972, %mul3A_953 : vector<16xf32>
        %mul3A_974 = arith.mulf %mul3A_973, %get3A_126 : vector<16xf32>
        %add3A_975 = arith.addf %mul3A_974, %get3A_128 : vector<16xf32>
        %swap3A_976 = arith.index_cast %add3A_957 : i32 to index
        %swap3A_977 = arith.constant 96 : index
        %swap3A_978 = tpu.vector_load %arg10[%swap3A_976, %swap3A_977] {strides = array<i32>} : memref<64x128xf32, #tpu.memory_space<vmem>>, vector<16xf32>,
        tpu.vector_store %arg10[%swap3A_976, %swap3A_977], %add3A_975 {strides = array<i32>} : memref<64x128xf32, #tpu.memory_space<vmem>>, vector<16xf32>,
        %sub3A_979 = arith.subf %get3A_882, %mul3A_919 : vector<16xf32>
        %mul3A_980 = arith.mulf %sub3A_979, %mul3A_953 : vector<16xf32>
        %mul3A_981 = arith.mulf %mul3A_980, %get3A_130 : vector<16xf32>
        %add3A_982 = arith.addf %mul3A_981, %get3A_132 : vector<16xf32>
        %swap3A_983 = arith.index_cast %add3A_957 : i32 to index
        %swap3A_984 = arith.constant 112 : index
        %swap3A_985 = tpu.vector_load %arg10[%swap3A_983, %swap3A_984] {strides = array<i32>} : memref<64x128xf32, #tpu.memory_space<vmem>>, vector<16xf32>,
        tpu.vector_store %arg10[%swap3A_983, %swap3A_984], %add3A_982 {strides = array<i32>} : memref<64x128xf32, #tpu.memory_space<vmem>>, vector<16xf32>,
        %mul3A_986 = arith.constant 16 : i32
        %mul3A_987 = arith.muli %add3A_275, %mul3A_986 : i32
        %add3A_988 = arith.constant 6 : i32
        %add3A_989 = arith.addi %mul3A_987, %add3A_988 : i32
        %get3A_990 = arith.index_cast %add3A_989 : i32 to index
        %get3A_991 = arith.constant 0 : index
        %get3A_992 = tpu.vector_load %arg8[%get3A_990, %get3A_991] {strides = array<i32>} : memref<128x64xf32, #tpu.memory_space<vmem>>, vector<16xf32>,
        %get3A_993 = arith.index_cast %add3A_989 : i32 to index
        %get3A_994 = arith.constant 16 : index
        %get3A_995 = tpu.vector_load %arg8[%get3A_993, %get3A_994] {strides = array<i32>} : memref<128x64xf32, #tpu.memory_space<vmem>>, vector<16xf32>,
        %get3A_996 = arith.index_cast %add3A_989 : i32 to index
        %get3A_997 = arith.constant 32 : index
        %get3A_998 = tpu.vector_load %arg8[%get3A_996, %get3A_997] {strides = array<i32>} : memref<128x64xf32, #tpu.memory_space<vmem>>, vector<16xf32>,
        %get3A_999 = arith.index_cast %add3A_989 : i32 to index
        %get3A_1000 = arith.constant 48 : index
        %get3A_1001 = tpu.vector_load %arg8[%get3A_999, %get3A_1000] {strides = array<i32>} : memref<128x64xf32, #tpu.memory_space<vmem>>, vector<16xf32>,
        %add3A_1002 = arith.addf %get3A_992, %get3A_995 : vector<16xf32>
        %add3A_1003 = arith.addf %get3A_998, %get3A_1001 : vector<16xf32>
        %add3A_1004 = arith.addf %add3A_1002, %add3A_1003 : vector<16xf32>
        %mul3A_1005 = arith.mulf %get3A_992, %get3A_992 : vector<16xf32>
        %mul3A_1006 = arith.mulf %get3A_995, %get3A_995 : vector<16xf32>
        %add3A_1007 = arith.addf %mul3A_1005, %mul3A_1006 : vector<16xf32>
        %mul3A_1008 = arith.mulf %get3A_998, %get3A_998 : vector<16xf32>
        %mul3A_1009 = arith.mulf %get3A_1001, %get3A_1001 : vector<16xf32>
        %add3A_1010 = arith.addf %mul3A_1008, %mul3A_1009 : vector<16xf32>
        %add3A_1011 = arith.addf %add3A_1007, %add3A_1010 : vector<16xf32>
        %gather3A_1012 = vector.shape_cast %reshape3A : vector<16x1xi32> to vector<16xi32>
        %gather3A_1013 = tpu.dynamic_gather %add3A_1004[%gather3A_1012] in [0] : vector<16xf32>, vector<16xi32> -> vector<16xf32>
        %add3A_1014 = arith.addf %add3A_1004, %gather3A_1013 : vector<16xf32>
        %gather3A_1015 = vector.shape_cast %reshape3A : vector<16x1xi32> to vector<16xi32>
        %gather3A_1016 = tpu.dynamic_gather %add3A_1011[%gather3A_1015] in [0] : vector<16xf32>, vector<16xi32> -> vector<16xf32>
        %add3A_1017 = arith.addf %add3A_1011, %gather3A_1016 : vector<16xf32>
        %gather3A_1018 = vector.shape_cast %reshape3A_103 : vector<16x1xi32> to vector<16xi32>
        %gather3A_1019 = tpu.dynamic_gather %add3A_1014[%gather3A_1018] in [0] : vector<16xf32>, vector<16xi32> -> vector<16xf32>
        %add3A_1020 = arith.addf %add3A_1014, %gather3A_1019 : vector<16xf32>
        %gather3A_1021 = vector.shape_cast %reshape3A_103 : vector<16x1xi32> to vector<16xi32>
        %gather3A_1022 = tpu.dynamic_gather %add3A_1017[%gather3A_1021] in [0] : vector<16xf32>, vector<16xi32> -> vector<16xf32>
        %add3A_1023 = arith.addf %add3A_1017, %gather3A_1022 : vector<16xf32>
        %gather3A_1024 = vector.shape_cast %reshape3A_110 : vector<16x1xi32> to vector<16xi32>
        %gather3A_1025 = tpu.dynamic_gather %add3A_1020[%gather3A_1024] in [0] : vector<16xf32>, vector<16xi32> -> vector<16xf32>
        %add3A_1026 = arith.addf %add3A_1020, %gather3A_1025 : vector<16xf32>
        %gather3A_1027 = vector.shape_cast %reshape3A_110 : vector<16x1xi32> to vector<16xi32>
        %gather3A_1028 = tpu.dynamic_gather %add3A_1023[%gather3A_1027] in [0] : vector<16xf32>, vector<16xi32> -> vector<16xf32>
        %add3A_1029 = arith.addf %add3A_1023, %gather3A_1028 : vector<16xf32>
        %gather3A_1030 = vector.shape_cast %reshape3A_117 : vector<16x1xi32> to vector<16xi32>
        %gather3A_1031 = tpu.dynamic_gather %add3A_1026[%gather3A_1030] in [0] : vector<16xf32>, vector<16xi32> -> vector<16xf32>
        %add3A_1032 = arith.addf %add3A_1026, %gather3A_1031 : vector<16xf32>
        %gather3A_1033 = vector.shape_cast %reshape3A_117 : vector<16x1xi32> to vector<16xi32>
        %gather3A_1034 = tpu.dynamic_gather %add3A_1029[%gather3A_1033] in [0] : vector<16xf32>, vector<16xi32> -> vector<16xf32>
        %add3A_1035 = arith.addf %add3A_1029, %gather3A_1034 : vector<16xf32>
        %mul3A_1036 = arith.constant 1.562500e-02 : f32
        %mul3A_1037 = vector.broadcast %mul3A_1036 : f32 to vector<16xf32>
        %mul3A_1038 = arith.mulf %add3A_1032, %mul3A_1037 : vector<16xf32>
        %mul3A_1039 = arith.constant 1.562500e-02 : f32
        %mul3A_1040 = vector.broadcast %mul3A_1039 : f32 to vector<16xf32>
        %mul3A_1041 = arith.mulf %add3A_1035, %mul3A_1040 : vector<16xf32>
        %mul3A_1042 = arith.mulf %mul3A_1038, %mul3A_1038 : vector<16xf32>
        %sub3A_1043 = arith.subf %mul3A_1041, %mul3A_1042 : vector<16xf32>
        %add3A_1044 = arith.constant 9.99999974E-6 : f32
        %add3A_1045 = vector.broadcast %add3A_1044 : f32 to vector<16xf32>
        %add3A_1046 = arith.addf %sub3A_1043, %add3A_1045 : vector<16xf32>
        %bitcast3A_1047 = vector.bitcast %add3A_1046 : vector<16xf32> to vector<16xi32>
        %shift_right_arithmetic3A_1048 = arith.constant 1 : i32
        %shift_right_arithmetic3A_1049 = vector.broadcast %shift_right_arithmetic3A_1048 : i32 to vector<16xi32>
        %shift_right_arithmetic3A_1050 = arith.shrsi %bitcast3A_1047, %shift_right_arithmetic3A_1049 : vector<16xi32>
        %sub3A_1051 = arith.constant 1597463007 : i32
        %sub3A_1052 = vector.broadcast %sub3A_1051 : i32 to vector<16xi32>
        %sub3A_1053 = arith.subi %sub3A_1052, %shift_right_arithmetic3A_1050 : vector<16xi32>
        %bitcast3A_1054 = vector.bitcast %sub3A_1053 : vector<16xi32> to vector<16xf32>
        %mul3A_1055 = arith.constant 5.000000e-01 : f32
        %mul3A_1056 = vector.broadcast %mul3A_1055 : f32 to vector<16xf32>
        %mul3A_1057 = arith.mulf %mul3A_1056, %add3A_1046 : vector<16xf32>
        %mul3A_1058 = arith.mulf %mul3A_1057, %bitcast3A_1054 : vector<16xf32>
        %mul3A_1059 = arith.mulf %mul3A_1058, %bitcast3A_1054 : vector<16xf32>
        %sub3A_1060 = arith.constant 1.500000e+00 : f32
        %sub3A_1061 = vector.broadcast %sub3A_1060 : f32 to vector<16xf32>
        %sub3A_1062 = arith.subf %sub3A_1061, %mul3A_1059 : vector<16xf32>
        %mul3A_1063 = arith.mulf %bitcast3A_1054, %sub3A_1062 : vector<16xf32>
        %mul3A_1064 = arith.constant 5.000000e-01 : f32
        %mul3A_1065 = vector.broadcast %mul3A_1064 : f32 to vector<16xf32>
        %mul3A_1066 = arith.mulf %mul3A_1065, %add3A_1046 : vector<16xf32>
        %mul3A_1067 = arith.mulf %mul3A_1066, %mul3A_1063 : vector<16xf32>
        %mul3A_1068 = arith.mulf %mul3A_1067, %mul3A_1063 : vector<16xf32>
        %sub3A_1069 = arith.constant 1.500000e+00 : f32
        %sub3A_1070 = vector.broadcast %sub3A_1069 : f32 to vector<16xf32>
        %sub3A_1071 = arith.subf %sub3A_1070, %mul3A_1068 : vector<16xf32>
        %mul3A_1072 = arith.mulf %mul3A_1063, %sub3A_1071 : vector<16xf32>
        %mul3A_1073 = arith.constant 8 : i32
        %mul3A_1074 = arith.muli %add3A_275, %mul3A_1073 : i32
        %add3A_1075 = arith.constant 3 : i32
        %add3A_1076 = arith.addi %mul3A_1074, %add3A_1075 : i32
        %sub3A_1077 = arith.subf %get3A_992, %mul3A_1038 : vector<16xf32>
        %mul3A_1078 = arith.mulf %sub3A_1077, %mul3A_1072 : vector<16xf32>
        %mul3A_1079 = arith.mulf %mul3A_1078, %get3A_118 : vector<16xf32>
        %add3A_1080 = arith.addf %mul3A_1079, %get3A_120 : vector<16xf32>
        %swap3A_1081 = arith.index_cast %add3A_1076 : i32 to index
        %swap3A_1082 = arith.constant 0 : index
        %swap3A_1083 = tpu.vector_load %arg10[%swap3A_1081, %swap3A_1082] {strides = array<i32>} : memref<64x128xf32, #tpu.memory_space<vmem>>, vector<16xf32>,
        tpu.vector_store %arg10[%swap3A_1081, %swap3A_1082], %add3A_1080 {strides = array<i32>} : memref<64x128xf32, #tpu.memory_space<vmem>>, vector<16xf32>,
        %sub3A_1084 = arith.subf %get3A_995, %mul3A_1038 : vector<16xf32>
        %mul3A_1085 = arith.mulf %sub3A_1084, %mul3A_1072 : vector<16xf32>
        %mul3A_1086 = arith.mulf %mul3A_1085, %get3A_122 : vector<16xf32>
        %add3A_1087 = arith.addf %mul3A_1086, %get3A_124 : vector<16xf32>
        %swap3A_1088 = arith.index_cast %add3A_1076 : i32 to index
        %swap3A_1089 = arith.constant 16 : index
        %swap3A_1090 = tpu.vector_load %arg10[%swap3A_1088, %swap3A_1089] {strides = array<i32>} : memref<64x128xf32, #tpu.memory_space<vmem>>, vector<16xf32>,
        tpu.vector_store %arg10[%swap3A_1088, %swap3A_1089], %add3A_1087 {strides = array<i32>} : memref<64x128xf32, #tpu.memory_space<vmem>>, vector<16xf32>,
        %sub3A_1091 = arith.subf %get3A_998, %mul3A_1038 : vector<16xf32>
        %mul3A_1092 = arith.mulf %sub3A_1091, %mul3A_1072 : vector<16xf32>
        %mul3A_1093 = arith.mulf %mul3A_1092, %get3A_126 : vector<16xf32>
        %add3A_1094 = arith.addf %mul3A_1093, %get3A_128 : vector<16xf32>
        %swap3A_1095 = arith.index_cast %add3A_1076 : i32 to index
        %swap3A_1096 = arith.constant 32 : index
        %swap3A_1097 = tpu.vector_load %arg10[%swap3A_1095, %swap3A_1096] {strides = array<i32>} : memref<64x128xf32, #tpu.memory_space<vmem>>, vector<16xf32>,
        tpu.vector_store %arg10[%swap3A_1095, %swap3A_1096], %add3A_1094 {strides = array<i32>} : memref<64x128xf32, #tpu.memory_space<vmem>>, vector<16xf32>,
        %sub3A_1098 = arith.subf %get3A_1001, %mul3A_1038 : vector<16xf32>
        %mul3A_1099 = arith.mulf %sub3A_1098, %mul3A_1072 : vector<16xf32>
        %mul3A_1100 = arith.mulf %mul3A_1099, %get3A_130 : vector<16xf32>
        %add3A_1101 = arith.addf %mul3A_1100, %get3A_132 : vector<16xf32>
        %swap3A_1102 = arith.index_cast %add3A_1076 : i32 to index
        %swap3A_1103 = arith.constant 48 : index
        %swap3A_1104 = tpu.vector_load %arg10[%swap3A_1102, %swap3A_1103] {strides = array<i32>} : memref<64x128xf32, #tpu.memory_space<vmem>>, vector<16xf32>,
        tpu.vector_store %arg10[%swap3A_1102, %swap3A_1103], %add3A_1101 {strides = array<i32>} : memref<64x128xf32, #tpu.memory_space<vmem>>, vector<16xf32>,
        %mul3A_1105 = arith.constant 16 : i32
        %mul3A_1106 = arith.muli %add3A_275, %mul3A_1105 : i32
        %add3A_1107 = arith.constant 7 : i32
        %add3A_1108 = arith.addi %mul3A_1106, %add3A_1107 : i32
        %get3A_1109 = arith.index_cast %add3A_1108 : i32 to index
        %get3A_1110 = arith.constant 0 : index
        %get3A_1111 = tpu.vector_load %arg8[%get3A_1109, %get3A_1110] {strides = array<i32>} : memref<128x64xf32, #tpu.memory_space<vmem>>, vector<16xf32>,
        %get3A_1112 = arith.index_cast %add3A_1108 : i32 to index
        %get3A_1113 = arith.constant 16 : index
        %get3A_1114 = tpu.vector_load %arg8[%get3A_1112, %get3A_1113] {strides = array<i32>} : memref<128x64xf32, #tpu.memory_space<vmem>>, vector<16xf32>,
        %get3A_1115 = arith.index_cast %add3A_1108 : i32 to index
        %get3A_1116 = arith.constant 32 : index
        %get3A_1117 = tpu.vector_load %arg8[%get3A_1115, %get3A_1116] {strides = array<i32>} : memref<128x64xf32, #tpu.memory_space<vmem>>, vector<16xf32>,
        %get3A_1118 = arith.index_cast %add3A_1108 : i32 to index
        %get3A_1119 = arith.constant 48 : index
        %get3A_1120 = tpu.vector_load %arg8[%get3A_1118, %get3A_1119] {strides = array<i32>} : memref<128x64xf32, #tpu.memory_space<vmem>>, vector<16xf32>,
        %add3A_1121 = arith.addf %get3A_1111, %get3A_1114 : vector<16xf32>
        %add3A_1122 = arith.addf %get3A_1117, %get3A_1120 : vector<16xf32>
        %add3A_1123 = arith.addf %add3A_1121, %add3A_1122 : vector<16xf32>
        %mul3A_1124 = arith.mulf %get3A_1111, %get3A_1111 : vector<16xf32>
        %mul3A_1125 = arith.mulf %get3A_1114, %get3A_1114 : vector<16xf32>
        %add3A_1126 = arith.addf %mul3A_1124, %mul3A_1125 : vector<16xf32>
        %mul3A_1127 = arith.mulf %get3A_1117, %get3A_1117 : vector<16xf32>
        %mul3A_1128 = arith.mulf %get3A_1120, %get3A_1120 : vector<16xf32>
        %add3A_1129 = arith.addf %mul3A_1127, %mul3A_1128 : vector<16xf32>
        %add3A_1130 = arith.addf %add3A_1126, %add3A_1129 : vector<16xf32>
        %gather3A_1131 = vector.shape_cast %reshape3A : vector<16x1xi32> to vector<16xi32>
        %gather3A_1132 = tpu.dynamic_gather %add3A_1123[%gather3A_1131] in [0] : vector<16xf32>, vector<16xi32> -> vector<16xf32>
        %add3A_1133 = arith.addf %add3A_1123, %gather3A_1132 : vector<16xf32>
        %gather3A_1134 = vector.shape_cast %reshape3A : vector<16x1xi32> to vector<16xi32>
        %gather3A_1135 = tpu.dynamic_gather %add3A_1130[%gather3A_1134] in [0] : vector<16xf32>, vector<16xi32> -> vector<16xf32>
        %add3A_1136 = arith.addf %add3A_1130, %gather3A_1135 : vector<16xf32>
        %gather3A_1137 = vector.shape_cast %reshape3A_103 : vector<16x1xi32> to vector<16xi32>
        %gather3A_1138 = tpu.dynamic_gather %add3A_1133[%gather3A_1137] in [0] : vector<16xf32>, vector<16xi32> -> vector<16xf32>
        %add3A_1139 = arith.addf %add3A_1133, %gather3A_1138 : vector<16xf32>
        %gather3A_1140 = vector.shape_cast %reshape3A_103 : vector<16x1xi32> to vector<16xi32>
        %gather3A_1141 = tpu.dynamic_gather %add3A_1136[%gather3A_1140] in [0] : vector<16xf32>, vector<16xi32> -> vector<16xf32>
        %add3A_1142 = arith.addf %add3A_1136, %gather3A_1141 : vector<16xf32>
        %gather3A_1143 = vector.shape_cast %reshape3A_110 : vector<16x1xi32> to vector<16xi32>
        %gather3A_1144 = tpu.dynamic_gather %add3A_1139[%gather3A_1143] in [0] : vector<16xf32>, vector<16xi32> -> vector<16xf32>
        %add3A_1145 = arith.addf %add3A_1139, %gather3A_1144 : vector<16xf32>
        %gather3A_1146 = vector.shape_cast %reshape3A_110 : vector<16x1xi32> to vector<16xi32>
        %gather3A_1147 = tpu.dynamic_gather %add3A_1142[%gather3A_1146] in [0] : vector<16xf32>, vector<16xi32> -> vector<16xf32>
        %add3A_1148 = arith.addf %add3A_1142, %gather3A_1147 : vector<16xf32>
        %gather3A_1149 = vector.shape_cast %reshape3A_117 : vector<16x1xi32> to vector<16xi32>
        %gather3A_1150 = tpu.dynamic_gather %add3A_1145[%gather3A_1149] in [0] : vector<16xf32>, vector<16xi32> -> vector<16xf32>
        %add3A_1151 = arith.addf %add3A_1145, %gather3A_1150 : vector<16xf32>
        %gather3A_1152 = vector.shape_cast %reshape3A_117 : vector<16x1xi32> to vector<16xi32>
        %gather3A_1153 = tpu.dynamic_gather %add3A_1148[%gather3A_1152] in [0] : vector<16xf32>, vector<16xi32> -> vector<16xf32>
        %add3A_1154 = arith.addf %add3A_1148, %gather3A_1153 : vector<16xf32>
        %mul3A_1155 = arith.constant 1.562500e-02 : f32
        %mul3A_1156 = vector.broadcast %mul3A_1155 : f32 to vector<16xf32>
        %mul3A_1157 = arith.mulf %add3A_1151, %mul3A_1156 : vector<16xf32>
        %mul3A_1158 = arith.constant 1.562500e-02 : f32
        %mul3A_1159 = vector.broadcast %mul3A_1158 : f32 to vector<16xf32>
        %mul3A_1160 = arith.mulf %add3A_1154, %mul3A_1159 : vector<16xf32>
        %mul3A_1161 = arith.mulf %mul3A_1157, %mul3A_1157 : vector<16xf32>
        %sub3A_1162 = arith.subf %mul3A_1160, %mul3A_1161 : vector<16xf32>
        %add3A_1163 = arith.constant 9.99999974E-6 : f32
        %add3A_1164 = vector.broadcast %add3A_1163 : f32 to vector<16xf32>
        %add3A_1165 = arith.addf %sub3A_1162, %add3A_1164 : vector<16xf32>
        %bitcast3A_1166 = vector.bitcast %add3A_1165 : vector<16xf32> to vector<16xi32>
        %shift_right_arithmetic3A_1167 = arith.constant 1 : i32
        %shift_right_arithmetic3A_1168 = vector.broadcast %shift_right_arithmetic3A_1167 : i32 to vector<16xi32>
        %shift_right_arithmetic3A_1169 = arith.shrsi %bitcast3A_1166, %shift_right_arithmetic3A_1168 : vector<16xi32>
        %sub3A_1170 = arith.constant 1597463007 : i32
        %sub3A_1171 = vector.broadcast %sub3A_1170 : i32 to vector<16xi32>
        %sub3A_1172 = arith.subi %sub3A_1171, %shift_right_arithmetic3A_1169 : vector<16xi32>
        %bitcast3A_1173 = vector.bitcast %sub3A_1172 : vector<16xi32> to vector<16xf32>
        %mul3A_1174 = arith.constant 5.000000e-01 : f32
        %mul3A_1175 = vector.broadcast %mul3A_1174 : f32 to vector<16xf32>
        %mul3A_1176 = arith.mulf %mul3A_1175, %add3A_1165 : vector<16xf32>
        %mul3A_1177 = arith.mulf %mul3A_1176, %bitcast3A_1173 : vector<16xf32>
        %mul3A_1178 = arith.mulf %mul3A_1177, %bitcast3A_1173 : vector<16xf32>
        %sub3A_1179 = arith.constant 1.500000e+00 : f32
        %sub3A_1180 = vector.broadcast %sub3A_1179 : f32 to vector<16xf32>
        %sub3A_1181 = arith.subf %sub3A_1180, %mul3A_1178 : vector<16xf32>
        %mul3A_1182 = arith.mulf %bitcast3A_1173, %sub3A_1181 : vector<16xf32>
        %mul3A_1183 = arith.constant 5.000000e-01 : f32
        %mul3A_1184 = vector.broadcast %mul3A_1183 : f32 to vector<16xf32>
        %mul3A_1185 = arith.mulf %mul3A_1184, %add3A_1165 : vector<16xf32>
        %mul3A_1186 = arith.mulf %mul3A_1185, %mul3A_1182 : vector<16xf32>
        %mul3A_1187 = arith.mulf %mul3A_1186, %mul3A_1182 : vector<16xf32>
        %sub3A_1188 = arith.constant 1.500000e+00 : f32
        %sub3A_1189 = vector.broadcast %sub3A_1188 : f32 to vector<16xf32>
        %sub3A_1190 = arith.subf %sub3A_1189, %mul3A_1187 : vector<16xf32>
        %mul3A_1191 = arith.mulf %mul3A_1182, %sub3A_1190 : vector<16xf32>
        %mul3A_1192 = arith.constant 8 : i32
        %mul3A_1193 = arith.muli %add3A_275, %mul3A_1192 : i32
        %add3A_1194 = arith.constant 3 : i32
        %add3A_1195 = arith.addi %mul3A_1193, %add3A_1194 : i32
        %sub3A_1196 = arith.subf %get3A_1111, %mul3A_1157 : vector<16xf32>
        %mul3A_1197 = arith.mulf %sub3A_1196, %mul3A_1191 : vector<16xf32>
        %mul3A_1198 = arith.mulf %mul3A_1197, %get3A_118 : vector<16xf32>
        %add3A_1199 = arith.addf %mul3A_1198, %get3A_120 : vector<16xf32>
        %swap3A_1200 = arith.index_cast %add3A_1195 : i32 to index
        %swap3A_1201 = arith.constant 64 : index
        %swap3A_1202 = tpu.vector_load %arg10[%swap3A_1200, %swap3A_1201] {strides = array<i32>} : memref<64x128xf32, #tpu.memory_space<vmem>>, vector<16xf32>,
        tpu.vector_store %arg10[%swap3A_1200, %swap3A_1201], %add3A_1199 {strides = array<i32>} : memref<64x128xf32, #tpu.memory_space<vmem>>, vector<16xf32>,
        %sub3A_1203 = arith.subf %get3A_1114, %mul3A_1157 : vector<16xf32>
        %mul3A_1204 = arith.mulf %sub3A_1203, %mul3A_1191 : vector<16xf32>
        %mul3A_1205 = arith.mulf %mul3A_1204, %get3A_122 : vector<16xf32>
        %add3A_1206 = arith.addf %mul3A_1205, %get3A_124 : vector<16xf32>
        %swap3A_1207 = arith.index_cast %add3A_1195 : i32 to index
        %swap3A_1208 = arith.constant 80 : index
        %swap3A_1209 = tpu.vector_load %arg10[%swap3A_1207, %swap3A_1208] {strides = array<i32>} : memref<64x128xf32, #tpu.memory_space<vmem>>, vector<16xf32>,
        tpu.vector_store %arg10[%swap3A_1207, %swap3A_1208], %add3A_1206 {strides = array<i32>} : memref<64x128xf32, #tpu.memory_space<vmem>>, vector<16xf32>,
        %sub3A_1210 = arith.subf %get3A_1117, %mul3A_1157 : vector<16xf32>
        %mul3A_1211 = arith.mulf %sub3A_1210, %mul3A_1191 : vector<16xf32>
        %mul3A_1212 = arith.mulf %mul3A_1211, %get3A_126 : vector<16xf32>
        %add3A_1213 = arith.addf %mul3A_1212, %get3A_128 : vector<16xf32>
        %swap3A_1214 = arith.index_cast %add3A_1195 : i32 to index
        %swap3A_1215 = arith.constant 96 : index
        %swap3A_1216 = tpu.vector_load %arg10[%swap3A_1214, %swap3A_1215] {strides = array<i32>} : memref<64x128xf32, #tpu.memory_space<vmem>>, vector<16xf32>,
        tpu.vector_store %arg10[%swap3A_1214, %swap3A_1215], %add3A_1213 {strides = array<i32>} : memref<64x128xf32, #tpu.memory_space<vmem>>, vector<16xf32>,
        %sub3A_1217 = arith.subf %get3A_1120, %mul3A_1157 : vector<16xf32>
        %mul3A_1218 = arith.mulf %sub3A_1217, %mul3A_1191 : vector<16xf32>
        %mul3A_1219 = arith.mulf %mul3A_1218, %get3A_130 : vector<16xf32>
        %add3A_1220 = arith.addf %mul3A_1219, %get3A_132 : vector<16xf32>
        %swap3A_1221 = arith.index_cast %add3A_1195 : i32 to index
        %swap3A_1222 = arith.constant 112 : index
        %swap3A_1223 = tpu.vector_load %arg10[%swap3A_1221, %swap3A_1222] {strides = array<i32>} : memref<64x128xf32, #tpu.memory_space<vmem>>, vector<16xf32>,
        tpu.vector_store %arg10[%swap3A_1221, %swap3A_1222], %add3A_1220 {strides = array<i32>} : memref<64x128xf32, #tpu.memory_space<vmem>>, vector<16xf32>,
        %mul3A_1224 = arith.constant 16 : i32
        %mul3A_1225 = arith.muli %add3A_275, %mul3A_1224 : i32
        %add3A_1226 = arith.constant 8 : i32
        %add3A_1227 = arith.addi %mul3A_1225, %add3A_1226 : i32
        %get3A_1228 = arith.index_cast %add3A_1227 : i32 to index
        %get3A_1229 = arith.constant 0 : index
        %get3A_1230 = tpu.vector_load %arg8[%get3A_1228, %get3A_1229] {strides = array<i32>} : memref<128x64xf32, #tpu.memory_space<vmem>>, vector<16xf32>,
        %get3A_1231 = arith.index_cast %add3A_1227 : i32 to index
        %get3A_1232 = arith.constant 16 : index
        %get3A_1233 = tpu.vector_load %arg8[%get3A_1231, %get3A_1232] {strides = array<i32>} : memref<128x64xf32, #tpu.memory_space<vmem>>, vector<16xf32>,
        %get3A_1234 = arith.index_cast %add3A_1227 : i32 to index
        %get3A_1235 = arith.constant 32 : index
        %get3A_1236 = tpu.vector_load %arg8[%get3A_1234, %get3A_1235] {strides = array<i32>} : memref<128x64xf32, #tpu.memory_space<vmem>>, vector<16xf32>,
        %get3A_1237 = arith.index_cast %add3A_1227 : i32 to index
        %get3A_1238 = arith.constant 48 : index
        %get3A_1239 = tpu.vector_load %arg8[%get3A_1237, %get3A_1238] {strides = array<i32>} : memref<128x64xf32, #tpu.memory_space<vmem>>, vector<16xf32>,
        %add3A_1240 = arith.addf %get3A_1230, %get3A_1233 : vector<16xf32>
        %add3A_1241 = arith.addf %get3A_1236, %get3A_1239 : vector<16xf32>
        %add3A_1242 = arith.addf %add3A_1240, %add3A_1241 : vector<16xf32>
        %mul3A_1243 = arith.mulf %get3A_1230, %get3A_1230 : vector<16xf32>
        %mul3A_1244 = arith.mulf %get3A_1233, %get3A_1233 : vector<16xf32>
        %add3A_1245 = arith.addf %mul3A_1243, %mul3A_1244 : vector<16xf32>
        %mul3A_1246 = arith.mulf %get3A_1236, %get3A_1236 : vector<16xf32>
        %mul3A_1247 = arith.mulf %get3A_1239, %get3A_1239 : vector<16xf32>
        %add3A_1248 = arith.addf %mul3A_1246, %mul3A_1247 : vector<16xf32>
        %add3A_1249 = arith.addf %add3A_1245, %add3A_1248 : vector<16xf32>
        %gather3A_1250 = vector.shape_cast %reshape3A : vector<16x1xi32> to vector<16xi32>
        %gather3A_1251 = tpu.dynamic_gather %add3A_1242[%gather3A_1250] in [0] : vector<16xf32>, vector<16xi32> -> vector<16xf32>
        %add3A_1252 = arith.addf %add3A_1242, %gather3A_1251 : vector<16xf32>
        %gather3A_1253 = vector.shape_cast %reshape3A : vector<16x1xi32> to vector<16xi32>
        %gather3A_1254 = tpu.dynamic_gather %add3A_1249[%gather3A_1253] in [0] : vector<16xf32>, vector<16xi32> -> vector<16xf32>
        %add3A_1255 = arith.addf %add3A_1249, %gather3A_1254 : vector<16xf32>
        %gather3A_1256 = vector.shape_cast %reshape3A_103 : vector<16x1xi32> to vector<16xi32>
        %gather3A_1257 = tpu.dynamic_gather %add3A_1252[%gather3A_1256] in [0] : vector<16xf32>, vector<16xi32> -> vector<16xf32>
        %add3A_1258 = arith.addf %add3A_1252, %gather3A_1257 : vector<16xf32>
        %gather3A_1259 = vector.shape_cast %reshape3A_103 : vector<16x1xi32> to vector<16xi32>
        %gather3A_1260 = tpu.dynamic_gather %add3A_1255[%gather3A_1259] in [0] : vector<16xf32>, vector<16xi32> -> vector<16xf32>
        %add3A_1261 = arith.addf %add3A_1255, %gather3A_1260 : vector<16xf32>
        %gather3A_1262 = vector.shape_cast %reshape3A_110 : vector<16x1xi32> to vector<16xi32>
        %gather3A_1263 = tpu.dynamic_gather %add3A_1258[%gather3A_1262] in [0] : vector<16xf32>, vector<16xi32> -> vector<16xf32>
        %add3A_1264 = arith.addf %add3A_1258, %gather3A_1263 : vector<16xf32>
        %gather3A_1265 = vector.shape_cast %reshape3A_110 : vector<16x1xi32> to vector<16xi32>
        %gather3A_1266 = tpu.dynamic_gather %add3A_1261[%gather3A_1265] in [0] : vector<16xf32>, vector<16xi32> -> vector<16xf32>
        %add3A_1267 = arith.addf %add3A_1261, %gather3A_1266 : vector<16xf32>
        %gather3A_1268 = vector.shape_cast %reshape3A_117 : vector<16x1xi32> to vector<16xi32>
        %gather3A_1269 = tpu.dynamic_gather %add3A_1264[%gather3A_1268] in [0] : vector<16xf32>, vector<16xi32> -> vector<16xf32>
        %add3A_1270 = arith.addf %add3A_1264, %gather3A_1269 : vector<16xf32>
        %gather3A_1271 = vector.shape_cast %reshape3A_117 : vector<16x1xi32> to vector<16xi32>
        %gather3A_1272 = tpu.dynamic_gather %add3A_1267[%gather3A_1271] in [0] : vector<16xf32>, vector<16xi32> -> vector<16xf32>
        %add3A_1273 = arith.addf %add3A_1267, %gather3A_1272 : vector<16xf32>
        %mul3A_1274 = arith.constant 1.562500e-02 : f32
        %mul3A_1275 = vector.broadcast %mul3A_1274 : f32 to vector<16xf32>
        %mul3A_1276 = arith.mulf %add3A_1270, %mul3A_1275 : vector<16xf32>
        %mul3A_1277 = arith.constant 1.562500e-02 : f32
        %mul3A_1278 = vector.broadcast %mul3A_1277 : f32 to vector<16xf32>
        %mul3A_1279 = arith.mulf %add3A_1273, %mul3A_1278 : vector<16xf32>
        %mul3A_1280 = arith.mulf %mul3A_1276, %mul3A_1276 : vector<16xf32>
        %sub3A_1281 = arith.subf %mul3A_1279, %mul3A_1280 : vector<16xf32>
        %add3A_1282 = arith.constant 9.99999974E-6 : f32
        %add3A_1283 = vector.broadcast %add3A_1282 : f32 to vector<16xf32>
        %add3A_1284 = arith.addf %sub3A_1281, %add3A_1283 : vector<16xf32>
        %bitcast3A_1285 = vector.bitcast %add3A_1284 : vector<16xf32> to vector<16xi32>
        %shift_right_arithmetic3A_1286 = arith.constant 1 : i32
        %shift_right_arithmetic3A_1287 = vector.broadcast %shift_right_arithmetic3A_1286 : i32 to vector<16xi32>
        %shift_right_arithmetic3A_1288 = arith.shrsi %bitcast3A_1285, %shift_right_arithmetic3A_1287 : vector<16xi32>
        %sub3A_1289 = arith.constant 1597463007 : i32
        %sub3A_1290 = vector.broadcast %sub3A_1289 : i32 to vector<16xi32>
        %sub3A_1291 = arith.subi %sub3A_1290, %shift_right_arithmetic3A_1288 : vector<16xi32>
        %bitcast3A_1292 = vector.bitcast %sub3A_1291 : vector<16xi32> to vector<16xf32>
        %mul3A_1293 = arith.constant 5.000000e-01 : f32
        %mul3A_1294 = vector.broadcast %mul3A_1293 : f32 to vector<16xf32>
        %mul3A_1295 = arith.mulf %mul3A_1294, %add3A_1284 : vector<16xf32>
        %mul3A_1296 = arith.mulf %mul3A_1295, %bitcast3A_1292 : vector<16xf32>
        %mul3A_1297 = arith.mulf %mul3A_1296, %bitcast3A_1292 : vector<16xf32>
        %sub3A_1298 = arith.constant 1.500000e+00 : f32
        %sub3A_1299 = vector.broadcast %sub3A_1298 : f32 to vector<16xf32>
        %sub3A_1300 = arith.subf %sub3A_1299, %mul3A_1297 : vector<16xf32>
        %mul3A_1301 = arith.mulf %bitcast3A_1292, %sub3A_1300 : vector<16xf32>
        %mul3A_1302 = arith.constant 5.000000e-01 : f32
        %mul3A_1303 = vector.broadcast %mul3A_1302 : f32 to vector<16xf32>
        %mul3A_1304 = arith.mulf %mul3A_1303, %add3A_1284 : vector<16xf32>
        %mul3A_1305 = arith.mulf %mul3A_1304, %mul3A_1301 : vector<16xf32>
        %mul3A_1306 = arith.mulf %mul3A_1305, %mul3A_1301 : vector<16xf32>
        %sub3A_1307 = arith.constant 1.500000e+00 : f32
        %sub3A_1308 = vector.broadcast %sub3A_1307 : f32 to vector<16xf32>
        %sub3A_1309 = arith.subf %sub3A_1308, %mul3A_1306 : vector<16xf32>
        %mul3A_1310 = arith.mulf %mul3A_1301, %sub3A_1309 : vector<16xf32>
        %mul3A_1311 = arith.constant 8 : i32
        %mul3A_1312 = arith.muli %add3A_275, %mul3A_1311 : i32
        %add3A_1313 = arith.constant 4 : i32
        %add3A_1314 = arith.addi %mul3A_1312, %add3A_1313 : i32
        %sub3A_1315 = arith.subf %get3A_1230, %mul3A_1276 : vector<16xf32>
        %mul3A_1316 = arith.mulf %sub3A_1315, %mul3A_1310 : vector<16xf32>
        %mul3A_1317 = arith.mulf %mul3A_1316, %get3A_118 : vector<16xf32>
        %add3A_1318 = arith.addf %mul3A_1317, %get3A_120 : vector<16xf32>
        %swap3A_1319 = arith.index_cast %add3A_1314 : i32 to index
        %swap3A_1320 = arith.constant 0 : index
        %swap3A_1321 = tpu.vector_load %arg10[%swap3A_1319, %swap3A_1320] {strides = array<i32>} : memref<64x128xf32, #tpu.memory_space<vmem>>, vector<16xf32>,
        tpu.vector_store %arg10[%swap3A_1319, %swap3A_1320], %add3A_1318 {strides = array<i32>} : memref<64x128xf32, #tpu.memory_space<vmem>>, vector<16xf32>,
        %sub3A_1322 = arith.subf %get3A_1233, %mul3A_1276 : vector<16xf32>
        %mul3A_1323 = arith.mulf %sub3A_1322, %mul3A_1310 : vector<16xf32>
        %mul3A_1324 = arith.mulf %mul3A_1323, %get3A_122 : vector<16xf32>
        %add3A_1325 = arith.addf %mul3A_1324, %get3A_124 : vector<16xf32>
        %swap3A_1326 = arith.index_cast %add3A_1314 : i32 to index
        %swap3A_1327 = arith.constant 16 : index
        %swap3A_1328 = tpu.vector_load %arg10[%swap3A_1326, %swap3A_1327] {strides = array<i32>} : memref<64x128xf32, #tpu.memory_space<vmem>>, vector<16xf32>,
        tpu.vector_store %arg10[%swap3A_1326, %swap3A_1327], %add3A_1325 {strides = array<i32>} : memref<64x128xf32, #tpu.memory_space<vmem>>, vector<16xf32>,
        %sub3A_1329 = arith.subf %get3A_1236, %mul3A_1276 : vector<16xf32>
        %mul3A_1330 = arith.mulf %sub3A_1329, %mul3A_1310 : vector<16xf32>
        %mul3A_1331 = arith.mulf %mul3A_1330, %get3A_126 : vector<16xf32>
        %add3A_1332 = arith.addf %mul3A_1331, %get3A_128 : vector<16xf32>
        %swap3A_1333 = arith.index_cast %add3A_1314 : i32 to index
        %swap3A_1334 = arith.constant 32 : index
        %swap3A_1335 = tpu.vector_load %arg10[%swap3A_1333, %swap3A_1334] {strides = array<i32>} : memref<64x128xf32, #tpu.memory_space<vmem>>, vector<16xf32>,
        tpu.vector_store %arg10[%swap3A_1333, %swap3A_1334], %add3A_1332 {strides = array<i32>} : memref<64x128xf32, #tpu.memory_space<vmem>>, vector<16xf32>,
        %sub3A_1336 = arith.subf %get3A_1239, %mul3A_1276 : vector<16xf32>
        %mul3A_1337 = arith.mulf %sub3A_1336, %mul3A_1310 : vector<16xf32>
        %mul3A_1338 = arith.mulf %mul3A_1337, %get3A_130 : vector<16xf32>
        %add3A_1339 = arith.addf %mul3A_1338, %get3A_132 : vector<16xf32>
        %swap3A_1340 = arith.index_cast %add3A_1314 : i32 to index
        %swap3A_1341 = arith.constant 48 : index
        %swap3A_1342 = tpu.vector_load %arg10[%swap3A_1340, %swap3A_1341] {strides = array<i32>} : memref<64x128xf32, #tpu.memory_space<vmem>>, vector<16xf32>,
        tpu.vector_store %arg10[%swap3A_1340, %swap3A_1341], %add3A_1339 {strides = array<i32>} : memref<64x128xf32, #tpu.memory_space<vmem>>, vector<16xf32>,
        %mul3A_1343 = arith.constant 16 : i32
        %mul3A_1344 = arith.muli %add3A_275, %mul3A_1343 : i32
        %add3A_1345 = arith.constant 9 : i32
        %add3A_1346 = arith.addi %mul3A_1344, %add3A_1345 : i32
        %get3A_1347 = arith.index_cast %add3A_1346 : i32 to index
        %get3A_1348 = arith.constant 0 : index
        %get3A_1349 = tpu.vector_load %arg8[%get3A_1347, %get3A_1348] {strides = array<i32>} : memref<128x64xf32, #tpu.memory_space<vmem>>, vector<16xf32>,
        %get3A_1350 = arith.index_cast %add3A_1346 : i32 to index
        %get3A_1351 = arith.constant 16 : index
        %get3A_1352 = tpu.vector_load %arg8[%get3A_1350, %get3A_1351] {strides = array<i32>} : memref<128x64xf32, #tpu.memory_space<vmem>>, vector<16xf32>,
        %get3A_1353 = arith.index_cast %add3A_1346 : i32 to index
        %get3A_1354 = arith.constant 32 : index
        %get3A_1355 = tpu.vector_load %arg8[%get3A_1353, %get3A_1354] {strides = array<i32>} : memref<128x64xf32, #tpu.memory_space<vmem>>, vector<16xf32>,
        %get3A_1356 = arith.index_cast %add3A_1346 : i32 to index
        %get3A_1357 = arith.constant 48 : index
        %get3A_1358 = tpu.vector_load %arg8[%get3A_1356, %get3A_1357] {strides = array<i32>} : memref<128x64xf32, #tpu.memory_space<vmem>>, vector<16xf32>,
        %add3A_1359 = arith.addf %get3A_1349, %get3A_1352 : vector<16xf32>
        %add3A_1360 = arith.addf %get3A_1355, %get3A_1358 : vector<16xf32>
        %add3A_1361 = arith.addf %add3A_1359, %add3A_1360 : vector<16xf32>
        %mul3A_1362 = arith.mulf %get3A_1349, %get3A_1349 : vector<16xf32>
        %mul3A_1363 = arith.mulf %get3A_1352, %get3A_1352 : vector<16xf32>
        %add3A_1364 = arith.addf %mul3A_1362, %mul3A_1363 : vector<16xf32>
        %mul3A_1365 = arith.mulf %get3A_1355, %get3A_1355 : vector<16xf32>
        %mul3A_1366 = arith.mulf %get3A_1358, %get3A_1358 : vector<16xf32>
        %add3A_1367 = arith.addf %mul3A_1365, %mul3A_1366 : vector<16xf32>
        %add3A_1368 = arith.addf %add3A_1364, %add3A_1367 : vector<16xf32>
        %gather3A_1369 = vector.shape_cast %reshape3A : vector<16x1xi32> to vector<16xi32>
        %gather3A_1370 = tpu.dynamic_gather %add3A_1361[%gather3A_1369] in [0] : vector<16xf32>, vector<16xi32> -> vector<16xf32>
        %add3A_1371 = arith.addf %add3A_1361, %gather3A_1370 : vector<16xf32>
        %gather3A_1372 = vector.shape_cast %reshape3A : vector<16x1xi32> to vector<16xi32>
        %gather3A_1373 = tpu.dynamic_gather %add3A_1368[%gather3A_1372] in [0] : vector<16xf32>, vector<16xi32> -> vector<16xf32>
        %add3A_1374 = arith.addf %add3A_1368, %gather3A_1373 : vector<16xf32>
        %gather3A_1375 = vector.shape_cast %reshape3A_103 : vector<16x1xi32> to vector<16xi32>
        %gather3A_1376 = tpu.dynamic_gather %add3A_1371[%gather3A_1375] in [0] : vector<16xf32>, vector<16xi32> -> vector<16xf32>
        %add3A_1377 = arith.addf %add3A_1371, %gather3A_1376 : vector<16xf32>
        %gather3A_1378 = vector.shape_cast %reshape3A_103 : vector<16x1xi32> to vector<16xi32>
        %gather3A_1379 = tpu.dynamic_gather %add3A_1374[%gather3A_1378] in [0] : vector<16xf32>, vector<16xi32> -> vector<16xf32>
        %add3A_1380 = arith.addf %add3A_1374, %gather3A_1379 : vector<16xf32>
        %gather3A_1381 = vector.shape_cast %reshape3A_110 : vector<16x1xi32> to vector<16xi32>
        %gather3A_1382 = tpu.dynamic_gather %add3A_1377[%gather3A_1381] in [0] : vector<16xf32>, vector<16xi32> -> vector<16xf32>
        %add3A_1383 = arith.addf %add3A_1377, %gather3A_1382 : vector<16xf32>
        %gather3A_1384 = vector.shape_cast %reshape3A_110 : vector<16x1xi32> to vector<16xi32>
        %gather3A_1385 = tpu.dynamic_gather %add3A_1380[%gather3A_1384] in [0] : vector<16xf32>, vector<16xi32> -> vector<16xf32>
        %add3A_1386 = arith.addf %add3A_1380, %gather3A_1385 : vector<16xf32>
        %gather3A_1387 = vector.shape_cast %reshape3A_117 : vector<16x1xi32> to vector<16xi32>
        %gather3A_1388 = tpu.dynamic_gather %add3A_1383[%gather3A_1387] in [0] : vector<16xf32>, vector<16xi32> -> vector<16xf32>
        %add3A_1389 = arith.addf %add3A_1383, %gather3A_1388 : vector<16xf32>
        %gather3A_1390 = vector.shape_cast %reshape3A_117 : vector<16x1xi32> to vector<16xi32>
        %gather3A_1391 = tpu.dynamic_gather %add3A_1386[%gather3A_1390] in [0] : vector<16xf32>, vector<16xi32> -> vector<16xf32>
        %add3A_1392 = arith.addf %add3A_1386, %gather3A_1391 : vector<16xf32>
        %mul3A_1393 = arith.constant 1.562500e-02 : f32
        %mul3A_1394 = vector.broadcast %mul3A_1393 : f32 to vector<16xf32>
        %mul3A_1395 = arith.mulf %add3A_1389, %mul3A_1394 : vector<16xf32>
        %mul3A_1396 = arith.constant 1.562500e-02 : f32
        %mul3A_1397 = vector.broadcast %mul3A_1396 : f32 to vector<16xf32>
        %mul3A_1398 = arith.mulf %add3A_1392, %mul3A_1397 : vector<16xf32>
        %mul3A_1399 = arith.mulf %mul3A_1395, %mul3A_1395 : vector<16xf32>
        %sub3A_1400 = arith.subf %mul3A_1398, %mul3A_1399 : vector<16xf32>
        %add3A_1401 = arith.constant 9.99999974E-6 : f32
        %add3A_1402 = vector.broadcast %add3A_1401 : f32 to vector<16xf32>
        %add3A_1403 = arith.addf %sub3A_1400, %add3A_1402 : vector<16xf32>
        %bitcast3A_1404 = vector.bitcast %add3A_1403 : vector<16xf32> to vector<16xi32>
        %shift_right_arithmetic3A_1405 = arith.constant 1 : i32
        %shift_right_arithmetic3A_1406 = vector.broadcast %shift_right_arithmetic3A_1405 : i32 to vector<16xi32>
        %shift_right_arithmetic3A_1407 = arith.shrsi %bitcast3A_1404, %shift_right_arithmetic3A_1406 : vector<16xi32>
        %sub3A_1408 = arith.constant 1597463007 : i32
        %sub3A_1409 = vector.broadcast %sub3A_1408 : i32 to vector<16xi32>
        %sub3A_1410 = arith.subi %sub3A_1409, %shift_right_arithmetic3A_1407 : vector<16xi32>
        %bitcast3A_1411 = vector.bitcast %sub3A_1410 : vector<16xi32> to vector<16xf32>
        %mul3A_1412 = arith.constant 5.000000e-01 : f32
        %mul3A_1413 = vector.broadcast %mul3A_1412 : f32 to vector<16xf32>
        %mul3A_1414 = arith.mulf %mul3A_1413, %add3A_1403 : vector<16xf32>
        %mul3A_1415 = arith.mulf %mul3A_1414, %bitcast3A_1411 : vector<16xf32>
        %mul3A_1416 = arith.mulf %mul3A_1415, %bitcast3A_1411 : vector<16xf32>
        %sub3A_1417 = arith.constant 1.500000e+00 : f32
        %sub3A_1418 = vector.broadcast %sub3A_1417 : f32 to vector<16xf32>
        %sub3A_1419 = arith.subf %sub3A_1418, %mul3A_1416 : vector<16xf32>
        %mul3A_1420 = arith.mulf %bitcast3A_1411, %sub3A_1419 : vector<16xf32>
        %mul3A_1421 = arith.constant 5.000000e-01 : f32
        %mul3A_1422 = vector.broadcast %mul3A_1421 : f32 to vector<16xf32>
        %mul3A_1423 = arith.mulf %mul3A_1422, %add3A_1403 : vector<16xf32>
        %mul3A_1424 = arith.mulf %mul3A_1423, %mul3A_1420 : vector<16xf32>
        %mul3A_1425 = arith.mulf %mul3A_1424, %mul3A_1420 : vector<16xf32>
        %sub3A_1426 = arith.constant 1.500000e+00 : f32
        %sub3A_1427 = vector.broadcast %sub3A_1426 : f32 to vector<16xf32>
        %sub3A_1428 = arith.subf %sub3A_1427, %mul3A_1425 : vector<16xf32>
        %mul3A_1429 = arith.mulf %mul3A_1420, %sub3A_1428 : vector<16xf32>
        %mul3A_1430 = arith.constant 8 : i32
        %mul3A_1431 = arith.muli %add3A_275, %mul3A_1430 : i32
        %add3A_1432 = arith.constant 4 : i32
        %add3A_1433 = arith.addi %mul3A_1431, %add3A_1432 : i32
        %sub3A_1434 = arith.subf %get3A_1349, %mul3A_1395 : vector<16xf32>
        %mul3A_1435 = arith.mulf %sub3A_1434, %mul3A_1429 : vector<16xf32>
        %mul3A_1436 = arith.mulf %mul3A_1435, %get3A_118 : vector<16xf32>
        %add3A_1437 = arith.addf %mul3A_1436, %get3A_120 : vector<16xf32>
        %swap3A_1438 = arith.index_cast %add3A_1433 : i32 to index
        %swap3A_1439 = arith.constant 64 : index
        %swap3A_1440 = tpu.vector_load %arg10[%swap3A_1438, %swap3A_1439] {strides = array<i32>} : memref<64x128xf32, #tpu.memory_space<vmem>>, vector<16xf32>,
        tpu.vector_store %arg10[%swap3A_1438, %swap3A_1439], %add3A_1437 {strides = array<i32>} : memref<64x128xf32, #tpu.memory_space<vmem>>, vector<16xf32>,
        %sub3A_1441 = arith.subf %get3A_1352, %mul3A_1395 : vector<16xf32>
        %mul3A_1442 = arith.mulf %sub3A_1441, %mul3A_1429 : vector<16xf32>
        %mul3A_1443 = arith.mulf %mul3A_1442, %get3A_122 : vector<16xf32>
        %add3A_1444 = arith.addf %mul3A_1443, %get3A_124 : vector<16xf32>
        %swap3A_1445 = arith.index_cast %add3A_1433 : i32 to index
        %swap3A_1446 = arith.constant 80 : index
        %swap3A_1447 = tpu.vector_load %arg10[%swap3A_1445, %swap3A_1446] {strides = array<i32>} : memref<64x128xf32, #tpu.memory_space<vmem>>, vector<16xf32>,
        tpu.vector_store %arg10[%swap3A_1445, %swap3A_1446], %add3A_1444 {strides = array<i32>} : memref<64x128xf32, #tpu.memory_space<vmem>>, vector<16xf32>,
        %sub3A_1448 = arith.subf %get3A_1355, %mul3A_1395 : vector<16xf32>
        %mul3A_1449 = arith.mulf %sub3A_1448, %mul3A_1429 : vector<16xf32>
        %mul3A_1450 = arith.mulf %mul3A_1449, %get3A_126 : vector<16xf32>
        %add3A_1451 = arith.addf %mul3A_1450, %get3A_128 : vector<16xf32>
        %swap3A_1452 = arith.index_cast %add3A_1433 : i32 to index
        %swap3A_1453 = arith.constant 96 : index
        %swap3A_1454 = tpu.vector_load %arg10[%swap3A_1452, %swap3A_1453] {strides = array<i32>} : memref<64x128xf32, #tpu.memory_space<vmem>>, vector<16xf32>,
        tpu.vector_store %arg10[%swap3A_1452, %swap3A_1453], %add3A_1451 {strides = array<i32>} : memref<64x128xf32, #tpu.memory_space<vmem>>, vector<16xf32>,
        %sub3A_1455 = arith.subf %get3A_1358, %mul3A_1395 : vector<16xf32>
        %mul3A_1456 = arith.mulf %sub3A_1455, %mul3A_1429 : vector<16xf32>
        %mul3A_1457 = arith.mulf %mul3A_1456, %get3A_130 : vector<16xf32>
        %add3A_1458 = arith.addf %mul3A_1457, %get3A_132 : vector<16xf32>
        %swap3A_1459 = arith.index_cast %add3A_1433 : i32 to index
        %swap3A_1460 = arith.constant 112 : index
        %swap3A_1461 = tpu.vector_load %arg10[%swap3A_1459, %swap3A_1460] {strides = array<i32>} : memref<64x128xf32, #tpu.memory_space<vmem>>, vector<16xf32>,
        tpu.vector_store %arg10[%swap3A_1459, %swap3A_1460], %add3A_1458 {strides = array<i32>} : memref<64x128xf32, #tpu.memory_space<vmem>>, vector<16xf32>,
        %mul3A_1462 = arith.constant 16 : i32
        %mul3A_1463 = arith.muli %add3A_275, %mul3A_1462 : i32
        %add3A_1464 = arith.constant 10 : i32
        %add3A_1465 = arith.addi %mul3A_1463, %add3A_1464 : i32
        %get3A_1466 = arith.index_cast %add3A_1465 : i32 to index
        %get3A_1467 = arith.constant 0 : index
        %get3A_1468 = tpu.vector_load %arg8[%get3A_1466, %get3A_1467] {strides = array<i32>} : memref<128x64xf32, #tpu.memory_space<vmem>>, vector<16xf32>,
        %get3A_1469 = arith.index_cast %add3A_1465 : i32 to index
        %get3A_1470 = arith.constant 16 : index
        %get3A_1471 = tpu.vector_load %arg8[%get3A_1469, %get3A_1470] {strides = array<i32>} : memref<128x64xf32, #tpu.memory_space<vmem>>, vector<16xf32>,
        %get3A_1472 = arith.index_cast %add3A_1465 : i32 to index
        %get3A_1473 = arith.constant 32 : index
        %get3A_1474 = tpu.vector_load %arg8[%get3A_1472, %get3A_1473] {strides = array<i32>} : memref<128x64xf32, #tpu.memory_space<vmem>>, vector<16xf32>,
        %get3A_1475 = arith.index_cast %add3A_1465 : i32 to index
        %get3A_1476 = arith.constant 48 : index
        %get3A_1477 = tpu.vector_load %arg8[%get3A_1475, %get3A_1476] {strides = array<i32>} : memref<128x64xf32, #tpu.memory_space<vmem>>, vector<16xf32>,
        %add3A_1478 = arith.addf %get3A_1468, %get3A_1471 : vector<16xf32>
        %add3A_1479 = arith.addf %get3A_1474, %get3A_1477 : vector<16xf32>
        %add3A_1480 = arith.addf %add3A_1478, %add3A_1479 : vector<16xf32>
        %mul3A_1481 = arith.mulf %get3A_1468, %get3A_1468 : vector<16xf32>
        %mul3A_1482 = arith.mulf %get3A_1471, %get3A_1471 : vector<16xf32>
        %add3A_1483 = arith.addf %mul3A_1481, %mul3A_1482 : vector<16xf32>
        %mul3A_1484 = arith.mulf %get3A_1474, %get3A_1474 : vector<16xf32>
        %mul3A_1485 = arith.mulf %get3A_1477, %get3A_1477 : vector<16xf32>
        %add3A_1486 = arith.addf %mul3A_1484, %mul3A_1485 : vector<16xf32>
        %add3A_1487 = arith.addf %add3A_1483, %add3A_1486 : vector<16xf32>
        %gather3A_1488 = vector.shape_cast %reshape3A : vector<16x1xi32> to vector<16xi32>
        %gather3A_1489 = tpu.dynamic_gather %add3A_1480[%gather3A_1488] in [0] : vector<16xf32>, vector<16xi32> -> vector<16xf32>
        %add3A_1490 = arith.addf %add3A_1480, %gather3A_1489 : vector<16xf32>
        %gather3A_1491 = vector.shape_cast %reshape3A : vector<16x1xi32> to vector<16xi32>
        %gather3A_1492 = tpu.dynamic_gather %add3A_1487[%gather3A_1491] in [0] : vector<16xf32>, vector<16xi32> -> vector<16xf32>
        %add3A_1493 = arith.addf %add3A_1487, %gather3A_1492 : vector<16xf32>
        %gather3A_1494 = vector.shape_cast %reshape3A_103 : vector<16x1xi32> to vector<16xi32>
        %gather3A_1495 = tpu.dynamic_gather %add3A_1490[%gather3A_1494] in [0] : vector<16xf32>, vector<16xi32> -> vector<16xf32>
        %add3A_1496 = arith.addf %add3A_1490, %gather3A_1495 : vector<16xf32>
        %gather3A_1497 = vector.shape_cast %reshape3A_103 : vector<16x1xi32> to vector<16xi32>
        %gather3A_1498 = tpu.dynamic_gather %add3A_1493[%gather3A_1497] in [0] : vector<16xf32>, vector<16xi32> -> vector<16xf32>
        %add3A_1499 = arith.addf %add3A_1493, %gather3A_1498 : vector<16xf32>
        %gather3A_1500 = vector.shape_cast %reshape3A_110 : vector<16x1xi32> to vector<16xi32>
        %gather3A_1501 = tpu.dynamic_gather %add3A_1496[%gather3A_1500] in [0] : vector<16xf32>, vector<16xi32> -> vector<16xf32>
        %add3A_1502 = arith.addf %add3A_1496, %gather3A_1501 : vector<16xf32>
        %gather3A_1503 = vector.shape_cast %reshape3A_110 : vector<16x1xi32> to vector<16xi32>
        %gather3A_1504 = tpu.dynamic_gather %add3A_1499[%gather3A_1503] in [0] : vector<16xf32>, vector<16xi32> -> vector<16xf32>
        %add3A_1505 = arith.addf %add3A_1499, %gather3A_1504 : vector<16xf32>
        %gather3A_1506 = vector.shape_cast %reshape3A_117 : vector<16x1xi32> to vector<16xi32>
        %gather3A_1507 = tpu.dynamic_gather %add3A_1502[%gather3A_1506] in [0] : vector<16xf32>, vector<16xi32> -> vector<16xf32>
        %add3A_1508 = arith.addf %add3A_1502, %gather3A_1507 : vector<16xf32>
        %gather3A_1509 = vector.shape_cast %reshape3A_117 : vector<16x1xi32> to vector<16xi32>
        %gather3A_1510 = tpu.dynamic_gather %add3A_1505[%gather3A_1509] in [0] : vector<16xf32>, vector<16xi32> -> vector<16xf32>
        %add3A_1511 = arith.addf %add3A_1505, %gather3A_1510 : vector<16xf32>
        %mul3A_1512 = arith.constant 1.562500e-02 : f32
        %mul3A_1513 = vector.broadcast %mul3A_1512 : f32 to vector<16xf32>
        %mul3A_1514 = arith.mulf %add3A_1508, %mul3A_1513 : vector<16xf32>
        %mul3A_1515 = arith.constant 1.562500e-02 : f32
        %mul3A_1516 = vector.broadcast %mul3A_1515 : f32 to vector<16xf32>
        %mul3A_1517 = arith.mulf %add3A_1511, %mul3A_1516 : vector<16xf32>
        %mul3A_1518 = arith.mulf %mul3A_1514, %mul3A_1514 : vector<16xf32>
        %sub3A_1519 = arith.subf %mul3A_1517, %mul3A_1518 : vector<16xf32>
        %add3A_1520 = arith.constant 9.99999974E-6 : f32
        %add3A_1521 = vector.broadcast %add3A_1520 : f32 to vector<16xf32>
        %add3A_1522 = arith.addf %sub3A_1519, %add3A_1521 : vector<16xf32>
        %bitcast3A_1523 = vector.bitcast %add3A_1522 : vector<16xf32> to vector<16xi32>
        %shift_right_arithmetic3A_1524 = arith.constant 1 : i32
        %shift_right_arithmetic3A_1525 = vector.broadcast %shift_right_arithmetic3A_1524 : i32 to vector<16xi32>
        %shift_right_arithmetic3A_1526 = arith.shrsi %bitcast3A_1523, %shift_right_arithmetic3A_1525 : vector<16xi32>
        %sub3A_1527 = arith.constant 1597463007 : i32
        %sub3A_1528 = vector.broadcast %sub3A_1527 : i32 to vector<16xi32>
        %sub3A_1529 = arith.subi %sub3A_1528, %shift_right_arithmetic3A_1526 : vector<16xi32>
        %bitcast3A_1530 = vector.bitcast %sub3A_1529 : vector<16xi32> to vector<16xf32>
        %mul3A_1531 = arith.constant 5.000000e-01 : f32
        %mul3A_1532 = vector.broadcast %mul3A_1531 : f32 to vector<16xf32>
        %mul3A_1533 = arith.mulf %mul3A_1532, %add3A_1522 : vector<16xf32>
        %mul3A_1534 = arith.mulf %mul3A_1533, %bitcast3A_1530 : vector<16xf32>
        %mul3A_1535 = arith.mulf %mul3A_1534, %bitcast3A_1530 : vector<16xf32>
        %sub3A_1536 = arith.constant 1.500000e+00 : f32
        %sub3A_1537 = vector.broadcast %sub3A_1536 : f32 to vector<16xf32>
        %sub3A_1538 = arith.subf %sub3A_1537, %mul3A_1535 : vector<16xf32>
        %mul3A_1539 = arith.mulf %bitcast3A_1530, %sub3A_1538 : vector<16xf32>
        %mul3A_1540 = arith.constant 5.000000e-01 : f32
        %mul3A_1541 = vector.broadcast %mul3A_1540 : f32 to vector<16xf32>
        %mul3A_1542 = arith.mulf %mul3A_1541, %add3A_1522 : vector<16xf32>
        %mul3A_1543 = arith.mulf %mul3A_1542, %mul3A_1539 : vector<16xf32>
        %mul3A_1544 = arith.mulf %mul3A_1543, %mul3A_1539 : vector<16xf32>
        %sub3A_1545 = arith.constant 1.500000e+00 : f32
        %sub3A_1546 = vector.broadcast %sub3A_1545 : f32 to vector<16xf32>
        %sub3A_1547 = arith.subf %sub3A_1546, %mul3A_1544 : vector<16xf32>
        %mul3A_1548 = arith.mulf %mul3A_1539, %sub3A_1547 : vector<16xf32>
        %mul3A_1549 = arith.constant 8 : i32
        %mul3A_1550 = arith.muli %add3A_275, %mul3A_1549 : i32
        %add3A_1551 = arith.constant 5 : i32
        %add3A_1552 = arith.addi %mul3A_1550, %add3A_1551 : i32
        %sub3A_1553 = arith.subf %get3A_1468, %mul3A_1514 : vector<16xf32>
        %mul3A_1554 = arith.mulf %sub3A_1553, %mul3A_1548 : vector<16xf32>
        %mul3A_1555 = arith.mulf %mul3A_1554, %get3A_118 : vector<16xf32>
        %add3A_1556 = arith.addf %mul3A_1555, %get3A_120 : vector<16xf32>
        %swap3A_1557 = arith.index_cast %add3A_1552 : i32 to index
        %swap3A_1558 = arith.constant 0 : index
        %swap3A_1559 = tpu.vector_load %arg10[%swap3A_1557, %swap3A_1558] {strides = array<i32>} : memref<64x128xf32, #tpu.memory_space<vmem>>, vector<16xf32>,
        tpu.vector_store %arg10[%swap3A_1557, %swap3A_1558], %add3A_1556 {strides = array<i32>} : memref<64x128xf32, #tpu.memory_space<vmem>>, vector<16xf32>,
        %sub3A_1560 = arith.subf %get3A_1471, %mul3A_1514 : vector<16xf32>
        %mul3A_1561 = arith.mulf %sub3A_1560, %mul3A_1548 : vector<16xf32>
        %mul3A_1562 = arith.mulf %mul3A_1561, %get3A_122 : vector<16xf32>
        %add3A_1563 = arith.addf %mul3A_1562, %get3A_124 : vector<16xf32>
        %swap3A_1564 = arith.index_cast %add3A_1552 : i32 to index
        %swap3A_1565 = arith.constant 16 : index
        %swap3A_1566 = tpu.vector_load %arg10[%swap3A_1564, %swap3A_1565] {strides = array<i32>} : memref<64x128xf32, #tpu.memory_space<vmem>>, vector<16xf32>,
        tpu.vector_store %arg10[%swap3A_1564, %swap3A_1565], %add3A_1563 {strides = array<i32>} : memref<64x128xf32, #tpu.memory_space<vmem>>, vector<16xf32>,
        %sub3A_1567 = arith.subf %get3A_1474, %mul3A_1514 : vector<16xf32>
        %mul3A_1568 = arith.mulf %sub3A_1567, %mul3A_1548 : vector<16xf32>
        %mul3A_1569 = arith.mulf %mul3A_1568, %get3A_126 : vector<16xf32>
        %add3A_1570 = arith.addf %mul3A_1569, %get3A_128 : vector<16xf32>
        %swap3A_1571 = arith.index_cast %add3A_1552 : i32 to index
        %swap3A_1572 = arith.constant 32 : index
        %swap3A_1573 = tpu.vector_load %arg10[%swap3A_1571, %swap3A_1572] {strides = array<i32>} : memref<64x128xf32, #tpu.memory_space<vmem>>, vector<16xf32>,
        tpu.vector_store %arg10[%swap3A_1571, %swap3A_1572], %add3A_1570 {strides = array<i32>} : memref<64x128xf32, #tpu.memory_space<vmem>>, vector<16xf32>,
        %sub3A_1574 = arith.subf %get3A_1477, %mul3A_1514 : vector<16xf32>
        %mul3A_1575 = arith.mulf %sub3A_1574, %mul3A_1548 : vector<16xf32>
        %mul3A_1576 = arith.mulf %mul3A_1575, %get3A_130 : vector<16xf32>
        %add3A_1577 = arith.addf %mul3A_1576, %get3A_132 : vector<16xf32>
        %swap3A_1578 = arith.index_cast %add3A_1552 : i32 to index
        %swap3A_1579 = arith.constant 48 : index
        %swap3A_1580 = tpu.vector_load %arg10[%swap3A_1578, %swap3A_1579] {strides = array<i32>} : memref<64x128xf32, #tpu.memory_space<vmem>>, vector<16xf32>,
        tpu.vector_store %arg10[%swap3A_1578, %swap3A_1579], %add3A_1577 {strides = array<i32>} : memref<64x128xf32, #tpu.memory_space<vmem>>, vector<16xf32>,
        %mul3A_1581 = arith.constant 16 : i32
        %mul3A_1582 = arith.muli %add3A_275, %mul3A_1581 : i32
        %add3A_1583 = arith.constant 11 : i32
        %add3A_1584 = arith.addi %mul3A_1582, %add3A_1583 : i32
        %get3A_1585 = arith.index_cast %add3A_1584 : i32 to index
        %get3A_1586 = arith.constant 0 : index
        %get3A_1587 = tpu.vector_load %arg8[%get3A_1585, %get3A_1586] {strides = array<i32>} : memref<128x64xf32, #tpu.memory_space<vmem>>, vector<16xf32>,
        %get3A_1588 = arith.index_cast %add3A_1584 : i32 to index
        %get3A_1589 = arith.constant 16 : index
        %get3A_1590 = tpu.vector_load %arg8[%get3A_1588, %get3A_1589] {strides = array<i32>} : memref<128x64xf32, #tpu.memory_space<vmem>>, vector<16xf32>,
        %get3A_1591 = arith.index_cast %add3A_1584 : i32 to index
        %get3A_1592 = arith.constant 32 : index
        %get3A_1593 = tpu.vector_load %arg8[%get3A_1591, %get3A_1592] {strides = array<i32>} : memref<128x64xf32, #tpu.memory_space<vmem>>, vector<16xf32>,
        %get3A_1594 = arith.index_cast %add3A_1584 : i32 to index
        %get3A_1595 = arith.constant 48 : index
        %get3A_1596 = tpu.vector_load %arg8[%get3A_1594, %get3A_1595] {strides = array<i32>} : memref<128x64xf32, #tpu.memory_space<vmem>>, vector<16xf32>,
        %add3A_1597 = arith.addf %get3A_1587, %get3A_1590 : vector<16xf32>
        %add3A_1598 = arith.addf %get3A_1593, %get3A_1596 : vector<16xf32>
        %add3A_1599 = arith.addf %add3A_1597, %add3A_1598 : vector<16xf32>
        %mul3A_1600 = arith.mulf %get3A_1587, %get3A_1587 : vector<16xf32>
        %mul3A_1601 = arith.mulf %get3A_1590, %get3A_1590 : vector<16xf32>
        %add3A_1602 = arith.addf %mul3A_1600, %mul3A_1601 : vector<16xf32>
        %mul3A_1603 = arith.mulf %get3A_1593, %get3A_1593 : vector<16xf32>
        %mul3A_1604 = arith.mulf %get3A_1596, %get3A_1596 : vector<16xf32>
        %add3A_1605 = arith.addf %mul3A_1603, %mul3A_1604 : vector<16xf32>
        %add3A_1606 = arith.addf %add3A_1602, %add3A_1605 : vector<16xf32>
        %gather3A_1607 = vector.shape_cast %reshape3A : vector<16x1xi32> to vector<16xi32>
        %gather3A_1608 = tpu.dynamic_gather %add3A_1599[%gather3A_1607] in [0] : vector<16xf32>, vector<16xi32> -> vector<16xf32>
        %add3A_1609 = arith.addf %add3A_1599, %gather3A_1608 : vector<16xf32>
        %gather3A_1610 = vector.shape_cast %reshape3A : vector<16x1xi32> to vector<16xi32>
        %gather3A_1611 = tpu.dynamic_gather %add3A_1606[%gather3A_1610] in [0] : vector<16xf32>, vector<16xi32> -> vector<16xf32>
        %add3A_1612 = arith.addf %add3A_1606, %gather3A_1611 : vector<16xf32>
        %gather3A_1613 = vector.shape_cast %reshape3A_103 : vector<16x1xi32> to vector<16xi32>
        %gather3A_1614 = tpu.dynamic_gather %add3A_1609[%gather3A_1613] in [0] : vector<16xf32>, vector<16xi32> -> vector<16xf32>
        %add3A_1615 = arith.addf %add3A_1609, %gather3A_1614 : vector<16xf32>
        %gather3A_1616 = vector.shape_cast %reshape3A_103 : vector<16x1xi32> to vector<16xi32>
        %gather3A_1617 = tpu.dynamic_gather %add3A_1612[%gather3A_1616] in [0] : vector<16xf32>, vector<16xi32> -> vector<16xf32>
        %add3A_1618 = arith.addf %add3A_1612, %gather3A_1617 : vector<16xf32>
        %gather3A_1619 = vector.shape_cast %reshape3A_110 : vector<16x1xi32> to vector<16xi32>
        %gather3A_1620 = tpu.dynamic_gather %add3A_1615[%gather3A_1619] in [0] : vector<16xf32>, vector<16xi32> -> vector<16xf32>
        %add3A_1621 = arith.addf %add3A_1615, %gather3A_1620 : vector<16xf32>
        %gather3A_1622 = vector.shape_cast %reshape3A_110 : vector<16x1xi32> to vector<16xi32>
        %gather3A_1623 = tpu.dynamic_gather %add3A_1618[%gather3A_1622] in [0] : vector<16xf32>, vector<16xi32> -> vector<16xf32>
        %add3A_1624 = arith.addf %add3A_1618, %gather3A_1623 : vector<16xf32>
        %gather3A_1625 = vector.shape_cast %reshape3A_117 : vector<16x1xi32> to vector<16xi32>
        %gather3A_1626 = tpu.dynamic_gather %add3A_1621[%gather3A_1625] in [0] : vector<16xf32>, vector<16xi32> -> vector<16xf32>
        %add3A_1627 = arith.addf %add3A_1621, %gather3A_1626 : vector<16xf32>
        %gather3A_1628 = vector.shape_cast %reshape3A_117 : vector<16x1xi32> to vector<16xi32>
        %gather3A_1629 = tpu.dynamic_gather %add3A_1624[%gather3A_1628] in [0] : vector<16xf32>, vector<16xi32> -> vector<16xf32>
        %add3A_1630 = arith.addf %add3A_1624, %gather3A_1629 : vector<16xf32>
        %mul3A_1631 = arith.constant 1.562500e-02 : f32
        %mul3A_1632 = vector.broadcast %mul3A_1631 : f32 to vector<16xf32>
        %mul3A_1633 = arith.mulf %add3A_1627, %mul3A_1632 : vector<16xf32>
        %mul3A_1634 = arith.constant 1.562500e-02 : f32
        %mul3A_1635 = vector.broadcast %mul3A_1634 : f32 to vector<16xf32>
        %mul3A_1636 = arith.mulf %add3A_1630, %mul3A_1635 : vector<16xf32>
        %mul3A_1637 = arith.mulf %mul3A_1633, %mul3A_1633 : vector<16xf32>
        %sub3A_1638 = arith.subf %mul3A_1636, %mul3A_1637 : vector<16xf32>
        %add3A_1639 = arith.constant 9.99999974E-6 : f32
        %add3A_1640 = vector.broadcast %add3A_1639 : f32 to vector<16xf32>
        %add3A_1641 = arith.addf %sub3A_1638, %add3A_1640 : vector<16xf32>
        %bitcast3A_1642 = vector.bitcast %add3A_1641 : vector<16xf32> to vector<16xi32>
        %shift_right_arithmetic3A_1643 = arith.constant 1 : i32
        %shift_right_arithmetic3A_1644 = vector.broadcast %shift_right_arithmetic3A_1643 : i32 to vector<16xi32>
        %shift_right_arithmetic3A_1645 = arith.shrsi %bitcast3A_1642, %shift_right_arithmetic3A_1644 : vector<16xi32>
        %sub3A_1646 = arith.constant 1597463007 : i32
        %sub3A_1647 = vector.broadcast %sub3A_1646 : i32 to vector<16xi32>
        %sub3A_1648 = arith.subi %sub3A_1647, %shift_right_arithmetic3A_1645 : vector<16xi32>
        %bitcast3A_1649 = vector.bitcast %sub3A_1648 : vector<16xi32> to vector<16xf32>
        %mul3A_1650 = arith.constant 5.000000e-01 : f32
        %mul3A_1651 = vector.broadcast %mul3A_1650 : f32 to vector<16xf32>
        %mul3A_1652 = arith.mulf %mul3A_1651, %add3A_1641 : vector<16xf32>
        %mul3A_1653 = arith.mulf %mul3A_1652, %bitcast3A_1649 : vector<16xf32>
        %mul3A_1654 = arith.mulf %mul3A_1653, %bitcast3A_1649 : vector<16xf32>
        %sub3A_1655 = arith.constant 1.500000e+00 : f32
        %sub3A_1656 = vector.broadcast %sub3A_1655 : f32 to vector<16xf32>
        %sub3A_1657 = arith.subf %sub3A_1656, %mul3A_1654 : vector<16xf32>
        %mul3A_1658 = arith.mulf %bitcast3A_1649, %sub3A_1657 : vector<16xf32>
        %mul3A_1659 = arith.constant 5.000000e-01 : f32
        %mul3A_1660 = vector.broadcast %mul3A_1659 : f32 to vector<16xf32>
        %mul3A_1661 = arith.mulf %mul3A_1660, %add3A_1641 : vector<16xf32>
        %mul3A_1662 = arith.mulf %mul3A_1661, %mul3A_1658 : vector<16xf32>
        %mul3A_1663 = arith.mulf %mul3A_1662, %mul3A_1658 : vector<16xf32>
        %sub3A_1664 = arith.constant 1.500000e+00 : f32
        %sub3A_1665 = vector.broadcast %sub3A_1664 : f32 to vector<16xf32>
        %sub3A_1666 = arith.subf %sub3A_1665, %mul3A_1663 : vector<16xf32>
        %mul3A_1667 = arith.mulf %mul3A_1658, %sub3A_1666 : vector<16xf32>
        %mul3A_1668 = arith.constant 8 : i32
        %mul3A_1669 = arith.muli %add3A_275, %mul3A_1668 : i32
        %add3A_1670 = arith.constant 5 : i32
        %add3A_1671 = arith.addi %mul3A_1669, %add3A_1670 : i32
        %sub3A_1672 = arith.subf %get3A_1587, %mul3A_1633 : vector<16xf32>
        %mul3A_1673 = arith.mulf %sub3A_1672, %mul3A_1667 : vector<16xf32>
        %mul3A_1674 = arith.mulf %mul3A_1673, %get3A_118 : vector<16xf32>
        %add3A_1675 = arith.addf %mul3A_1674, %get3A_120 : vector<16xf32>
        %swap3A_1676 = arith.index_cast %add3A_1671 : i32 to index
        %swap3A_1677 = arith.constant 64 : index
        %swap3A_1678 = tpu.vector_load %arg10[%swap3A_1676, %swap3A_1677] {strides = array<i32>} : memref<64x128xf32, #tpu.memory_space<vmem>>, vector<16xf32>,
        tpu.vector_store %arg10[%swap3A_1676, %swap3A_1677], %add3A_1675 {strides = array<i32>} : memref<64x128xf32, #tpu.memory_space<vmem>>, vector<16xf32>,
        %sub3A_1679 = arith.subf %get3A_1590, %mul3A_1633 : vector<16xf32>
        %mul3A_1680 = arith.mulf %sub3A_1679, %mul3A_1667 : vector<16xf32>
        %mul3A_1681 = arith.mulf %mul3A_1680, %get3A_122 : vector<16xf32>
        %add3A_1682 = arith.addf %mul3A_1681, %get3A_124 : vector<16xf32>
        %swap3A_1683 = arith.index_cast %add3A_1671 : i32 to index
        %swap3A_1684 = arith.constant 80 : index
        %swap3A_1685 = tpu.vector_load %arg10[%swap3A_1683, %swap3A_1684] {strides = array<i32>} : memref<64x128xf32, #tpu.memory_space<vmem>>, vector<16xf32>,
        tpu.vector_store %arg10[%swap3A_1683, %swap3A_1684], %add3A_1682 {strides = array<i32>} : memref<64x128xf32, #tpu.memory_space<vmem>>, vector<16xf32>,
        %sub3A_1686 = arith.subf %get3A_1593, %mul3A_1633 : vector<16xf32>
        %mul3A_1687 = arith.mulf %sub3A_1686, %mul3A_1667 : vector<16xf32>
        %mul3A_1688 = arith.mulf %mul3A_1687, %get3A_126 : vector<16xf32>
        %add3A_1689 = arith.addf %mul3A_1688, %get3A_128 : vector<16xf32>
        %swap3A_1690 = arith.index_cast %add3A_1671 : i32 to index
        %swap3A_1691 = arith.constant 96 : index
        %swap3A_1692 = tpu.vector_load %arg10[%swap3A_1690, %swap3A_1691] {strides = array<i32>} : memref<64x128xf32, #tpu.memory_space<vmem>>, vector<16xf32>,
        tpu.vector_store %arg10[%swap3A_1690, %swap3A_1691], %add3A_1689 {strides = array<i32>} : memref<64x128xf32, #tpu.memory_space<vmem>>, vector<16xf32>,
        %sub3A_1693 = arith.subf %get3A_1596, %mul3A_1633 : vector<16xf32>
        %mul3A_1694 = arith.mulf %sub3A_1693, %mul3A_1667 : vector<16xf32>
        %mul3A_1695 = arith.mulf %mul3A_1694, %get3A_130 : vector<16xf32>
        %add3A_1696 = arith.addf %mul3A_1695, %get3A_132 : vector<16xf32>
        %swap3A_1697 = arith.index_cast %add3A_1671 : i32 to index
        %swap3A_1698 = arith.constant 112 : index
        %swap3A_1699 = tpu.vector_load %arg10[%swap3A_1697, %swap3A_1698] {strides = array<i32>} : memref<64x128xf32, #tpu.memory_space<vmem>>, vector<16xf32>,
        tpu.vector_store %arg10[%swap3A_1697, %swap3A_1698], %add3A_1696 {strides = array<i32>} : memref<64x128xf32, #tpu.memory_space<vmem>>, vector<16xf32>,
        %mul3A_1700 = arith.constant 16 : i32
        %mul3A_1701 = arith.muli %add3A_275, %mul3A_1700 : i32
        %add3A_1702 = arith.constant 12 : i32
        %add3A_1703 = arith.addi %mul3A_1701, %add3A_1702 : i32
        %get3A_1704 = arith.index_cast %add3A_1703 : i32 to index
        %get3A_1705 = arith.constant 0 : index
        %get3A_1706 = tpu.vector_load %arg8[%get3A_1704, %get3A_1705] {strides = array<i32>} : memref<128x64xf32, #tpu.memory_space<vmem>>, vector<16xf32>,
        %get3A_1707 = arith.index_cast %add3A_1703 : i32 to index
        %get3A_1708 = arith.constant 16 : index
        %get3A_1709 = tpu.vector_load %arg8[%get3A_1707, %get3A_1708] {strides = array<i32>} : memref<128x64xf32, #tpu.memory_space<vmem>>, vector<16xf32>,
        %get3A_1710 = arith.index_cast %add3A_1703 : i32 to index
        %get3A_1711 = arith.constant 32 : index
        %get3A_1712 = tpu.vector_load %arg8[%get3A_1710, %get3A_1711] {strides = array<i32>} : memref<128x64xf32, #tpu.memory_space<vmem>>, vector<16xf32>,
        %get3A_1713 = arith.index_cast %add3A_1703 : i32 to index
        %get3A_1714 = arith.constant 48 : index
        %get3A_1715 = tpu.vector_load %arg8[%get3A_1713, %get3A_1714] {strides = array<i32>} : memref<128x64xf32, #tpu.memory_space<vmem>>, vector<16xf32>,
        %add3A_1716 = arith.addf %get3A_1706, %get3A_1709 : vector<16xf32>
        %add3A_1717 = arith.addf %get3A_1712, %get3A_1715 : vector<16xf32>
        %add3A_1718 = arith.addf %add3A_1716, %add3A_1717 : vector<16xf32>
        %mul3A_1719 = arith.mulf %get3A_1706, %get3A_1706 : vector<16xf32>
        %mul3A_1720 = arith.mulf %get3A_1709, %get3A_1709 : vector<16xf32>
        %add3A_1721 = arith.addf %mul3A_1719, %mul3A_1720 : vector<16xf32>
        %mul3A_1722 = arith.mulf %get3A_1712, %get3A_1712 : vector<16xf32>
        %mul3A_1723 = arith.mulf %get3A_1715, %get3A_1715 : vector<16xf32>
        %add3A_1724 = arith.addf %mul3A_1722, %mul3A_1723 : vector<16xf32>
        %add3A_1725 = arith.addf %add3A_1721, %add3A_1724 : vector<16xf32>
        %gather3A_1726 = vector.shape_cast %reshape3A : vector<16x1xi32> to vector<16xi32>
        %gather3A_1727 = tpu.dynamic_gather %add3A_1718[%gather3A_1726] in [0] : vector<16xf32>, vector<16xi32> -> vector<16xf32>
        %add3A_1728 = arith.addf %add3A_1718, %gather3A_1727 : vector<16xf32>
        %gather3A_1729 = vector.shape_cast %reshape3A : vector<16x1xi32> to vector<16xi32>
        %gather3A_1730 = tpu.dynamic_gather %add3A_1725[%gather3A_1729] in [0] : vector<16xf32>, vector<16xi32> -> vector<16xf32>
        %add3A_1731 = arith.addf %add3A_1725, %gather3A_1730 : vector<16xf32>
        %gather3A_1732 = vector.shape_cast %reshape3A_103 : vector<16x1xi32> to vector<16xi32>
        %gather3A_1733 = tpu.dynamic_gather %add3A_1728[%gather3A_1732] in [0] : vector<16xf32>, vector<16xi32> -> vector<16xf32>
        %add3A_1734 = arith.addf %add3A_1728, %gather3A_1733 : vector<16xf32>
        %gather3A_1735 = vector.shape_cast %reshape3A_103 : vector<16x1xi32> to vector<16xi32>
        %gather3A_1736 = tpu.dynamic_gather %add3A_1731[%gather3A_1735] in [0] : vector<16xf32>, vector<16xi32> -> vector<16xf32>
        %add3A_1737 = arith.addf %add3A_1731, %gather3A_1736 : vector<16xf32>
        %gather3A_1738 = vector.shape_cast %reshape3A_110 : vector<16x1xi32> to vector<16xi32>
        %gather3A_1739 = tpu.dynamic_gather %add3A_1734[%gather3A_1738] in [0] : vector<16xf32>, vector<16xi32> -> vector<16xf32>
        %add3A_1740 = arith.addf %add3A_1734, %gather3A_1739 : vector<16xf32>
        %gather3A_1741 = vector.shape_cast %reshape3A_110 : vector<16x1xi32> to vector<16xi32>
        %gather3A_1742 = tpu.dynamic_gather %add3A_1737[%gather3A_1741] in [0] : vector<16xf32>, vector<16xi32> -> vector<16xf32>
        %add3A_1743 = arith.addf %add3A_1737, %gather3A_1742 : vector<16xf32>
        %gather3A_1744 = vector.shape_cast %reshape3A_117 : vector<16x1xi32> to vector<16xi32>
        %gather3A_1745 = tpu.dynamic_gather %add3A_1740[%gather3A_1744] in [0] : vector<16xf32>, vector<16xi32> -> vector<16xf32>
        %add3A_1746 = arith.addf %add3A_1740, %gather3A_1745 : vector<16xf32>
        %gather3A_1747 = vector.shape_cast %reshape3A_117 : vector<16x1xi32> to vector<16xi32>
        %gather3A_1748 = tpu.dynamic_gather %add3A_1743[%gather3A_1747] in [0] : vector<16xf32>, vector<16xi32> -> vector<16xf32>
        %add3A_1749 = arith.addf %add3A_1743, %gather3A_1748 : vector<16xf32>
        %mul3A_1750 = arith.constant 1.562500e-02 : f32
        %mul3A_1751 = vector.broadcast %mul3A_1750 : f32 to vector<16xf32>
        %mul3A_1752 = arith.mulf %add3A_1746, %mul3A_1751 : vector<16xf32>
        %mul3A_1753 = arith.constant 1.562500e-02 : f32
        %mul3A_1754 = vector.broadcast %mul3A_1753 : f32 to vector<16xf32>
        %mul3A_1755 = arith.mulf %add3A_1749, %mul3A_1754 : vector<16xf32>
        %mul3A_1756 = arith.mulf %mul3A_1752, %mul3A_1752 : vector<16xf32>
        %sub3A_1757 = arith.subf %mul3A_1755, %mul3A_1756 : vector<16xf32>
        %add3A_1758 = arith.constant 9.99999974E-6 : f32
        %add3A_1759 = vector.broadcast %add3A_1758 : f32 to vector<16xf32>
        %add3A_1760 = arith.addf %sub3A_1757, %add3A_1759 : vector<16xf32>
        %bitcast3A_1761 = vector.bitcast %add3A_1760 : vector<16xf32> to vector<16xi32>
        %shift_right_arithmetic3A_1762 = arith.constant 1 : i32
        %shift_right_arithmetic3A_1763 = vector.broadcast %shift_right_arithmetic3A_1762 : i32 to vector<16xi32>
        %shift_right_arithmetic3A_1764 = arith.shrsi %bitcast3A_1761, %shift_right_arithmetic3A_1763 : vector<16xi32>
        %sub3A_1765 = arith.constant 1597463007 : i32
        %sub3A_1766 = vector.broadcast %sub3A_1765 : i32 to vector<16xi32>
        %sub3A_1767 = arith.subi %sub3A_1766, %shift_right_arithmetic3A_1764 : vector<16xi32>
        %bitcast3A_1768 = vector.bitcast %sub3A_1767 : vector<16xi32> to vector<16xf32>
        %mul3A_1769 = arith.constant 5.000000e-01 : f32
        %mul3A_1770 = vector.broadcast %mul3A_1769 : f32 to vector<16xf32>
        %mul3A_1771 = arith.mulf %mul3A_1770, %add3A_1760 : vector<16xf32>
        %mul3A_1772 = arith.mulf %mul3A_1771, %bitcast3A_1768 : vector<16xf32>
        %mul3A_1773 = arith.mulf %mul3A_1772, %bitcast3A_1768 : vector<16xf32>
        %sub3A_1774 = arith.constant 1.500000e+00 : f32
        %sub3A_1775 = vector.broadcast %sub3A_1774 : f32 to vector<16xf32>
        %sub3A_1776 = arith.subf %sub3A_1775, %mul3A_1773 : vector<16xf32>
        %mul3A_1777 = arith.mulf %bitcast3A_1768, %sub3A_1776 : vector<16xf32>
        %mul3A_1778 = arith.constant 5.000000e-01 : f32
        %mul3A_1779 = vector.broadcast %mul3A_1778 : f32 to vector<16xf32>
        %mul3A_1780 = arith.mulf %mul3A_1779, %add3A_1760 : vector<16xf32>
        %mul3A_1781 = arith.mulf %mul3A_1780, %mul3A_1777 : vector<16xf32>
        %mul3A_1782 = arith.mulf %mul3A_1781, %mul3A_1777 : vector<16xf32>
        %sub3A_1783 = arith.constant 1.500000e+00 : f32
        %sub3A_1784 = vector.broadcast %sub3A_1783 : f32 to vector<16xf32>
        %sub3A_1785 = arith.subf %sub3A_1784, %mul3A_1782 : vector<16xf32>
        %mul3A_1786 = arith.mulf %mul3A_1777, %sub3A_1785 : vector<16xf32>
        %mul3A_1787 = arith.constant 8 : i32
        %mul3A_1788 = arith.muli %add3A_275, %mul3A_1787 : i32
        %add3A_1789 = arith.constant 6 : i32
        %add3A_1790 = arith.addi %mul3A_1788, %add3A_1789 : i32
        %sub3A_1791 = arith.subf %get3A_1706, %mul3A_1752 : vector<16xf32>
        %mul3A_1792 = arith.mulf %sub3A_1791, %mul3A_1786 : vector<16xf32>
        %mul3A_1793 = arith.mulf %mul3A_1792, %get3A_118 : vector<16xf32>
        %add3A_1794 = arith.addf %mul3A_1793, %get3A_120 : vector<16xf32>
        %swap3A_1795 = arith.index_cast %add3A_1790 : i32 to index
        %swap3A_1796 = arith.constant 0 : index
        %swap3A_1797 = tpu.vector_load %arg10[%swap3A_1795, %swap3A_1796] {strides = array<i32>} : memref<64x128xf32, #tpu.memory_space<vmem>>, vector<16xf32>,
        tpu.vector_store %arg10[%swap3A_1795, %swap3A_1796], %add3A_1794 {strides = array<i32>} : memref<64x128xf32, #tpu.memory_space<vmem>>, vector<16xf32>,
        %sub3A_1798 = arith.subf %get3A_1709, %mul3A_1752 : vector<16xf32>
        %mul3A_1799 = arith.mulf %sub3A_1798, %mul3A_1786 : vector<16xf32>
        %mul3A_1800 = arith.mulf %mul3A_1799, %get3A_122 : vector<16xf32>
        %add3A_1801 = arith.addf %mul3A_1800, %get3A_124 : vector<16xf32>
        %swap3A_1802 = arith.index_cast %add3A_1790 : i32 to index
        %swap3A_1803 = arith.constant 16 : index
        %swap3A_1804 = tpu.vector_load %arg10[%swap3A_1802, %swap3A_1803] {strides = array<i32>} : memref<64x128xf32, #tpu.memory_space<vmem>>, vector<16xf32>,
        tpu.vector_store %arg10[%swap3A_1802, %swap3A_1803], %add3A_1801 {strides = array<i32>} : memref<64x128xf32, #tpu.memory_space<vmem>>, vector<16xf32>,
        %sub3A_1805 = arith.subf %get3A_1712, %mul3A_1752 : vector<16xf32>
        %mul3A_1806 = arith.mulf %sub3A_1805, %mul3A_1786 : vector<16xf32>
        %mul3A_1807 = arith.mulf %mul3A_1806, %get3A_126 : vector<16xf32>
        %add3A_1808 = arith.addf %mul3A_1807, %get3A_128 : vector<16xf32>
        %swap3A_1809 = arith.index_cast %add3A_1790 : i32 to index
        %swap3A_1810 = arith.constant 32 : index
        %swap3A_1811 = tpu.vector_load %arg10[%swap3A_1809, %swap3A_1810] {strides = array<i32>} : memref<64x128xf32, #tpu.memory_space<vmem>>, vector<16xf32>,
        tpu.vector_store %arg10[%swap3A_1809, %swap3A_1810], %add3A_1808 {strides = array<i32>} : memref<64x128xf32, #tpu.memory_space<vmem>>, vector<16xf32>,
        %sub3A_1812 = arith.subf %get3A_1715, %mul3A_1752 : vector<16xf32>
        %mul3A_1813 = arith.mulf %sub3A_1812, %mul3A_1786 : vector<16xf32>
        %mul3A_1814 = arith.mulf %mul3A_1813, %get3A_130 : vector<16xf32>
        %add3A_1815 = arith.addf %mul3A_1814, %get3A_132 : vector<16xf32>
        %swap3A_1816 = arith.index_cast %add3A_1790 : i32 to index
        %swap3A_1817 = arith.constant 48 : index
        %swap3A_1818 = tpu.vector_load %arg10[%swap3A_1816, %swap3A_1817] {strides = array<i32>} : memref<64x128xf32, #tpu.memory_space<vmem>>, vector<16xf32>,
        tpu.vector_store %arg10[%swap3A_1816, %swap3A_1817], %add3A_1815 {strides = array<i32>} : memref<64x128xf32, #tpu.memory_space<vmem>>, vector<16xf32>,
        %mul3A_1819 = arith.constant 16 : i32
        %mul3A_1820 = arith.muli %add3A_275, %mul3A_1819 : i32
        %add3A_1821 = arith.constant 13 : i32
        %add3A_1822 = arith.addi %mul3A_1820, %add3A_1821 : i32
        %get3A_1823 = arith.index_cast %add3A_1822 : i32 to index
        %get3A_1824 = arith.constant 0 : index
        %get3A_1825 = tpu.vector_load %arg8[%get3A_1823, %get3A_1824] {strides = array<i32>} : memref<128x64xf32, #tpu.memory_space<vmem>>, vector<16xf32>,
        %get3A_1826 = arith.index_cast %add3A_1822 : i32 to index
        %get3A_1827 = arith.constant 16 : index
        %get3A_1828 = tpu.vector_load %arg8[%get3A_1826, %get3A_1827] {strides = array<i32>} : memref<128x64xf32, #tpu.memory_space<vmem>>, vector<16xf32>,
        %get3A_1829 = arith.index_cast %add3A_1822 : i32 to index
        %get3A_1830 = arith.constant 32 : index
        %get3A_1831 = tpu.vector_load %arg8[%get3A_1829, %get3A_1830] {strides = array<i32>} : memref<128x64xf32, #tpu.memory_space<vmem>>, vector<16xf32>,
        %get3A_1832 = arith.index_cast %add3A_1822 : i32 to index
        %get3A_1833 = arith.constant 48 : index
        %get3A_1834 = tpu.vector_load %arg8[%get3A_1832, %get3A_1833] {strides = array<i32>} : memref<128x64xf32, #tpu.memory_space<vmem>>, vector<16xf32>,
        %add3A_1835 = arith.addf %get3A_1825, %get3A_1828 : vector<16xf32>
        %add3A_1836 = arith.addf %get3A_1831, %get3A_1834 : vector<16xf32>
        %add3A_1837 = arith.addf %add3A_1835, %add3A_1836 : vector<16xf32>
        %mul3A_1838 = arith.mulf %get3A_1825, %get3A_1825 : vector<16xf32>
        %mul3A_1839 = arith.mulf %get3A_1828, %get3A_1828 : vector<16xf32>
        %add3A_1840 = arith.addf %mul3A_1838, %mul3A_1839 : vector<16xf32>
        %mul3A_1841 = arith.mulf %get3A_1831, %get3A_1831 : vector<16xf32>
        %mul3A_1842 = arith.mulf %get3A_1834, %get3A_1834 : vector<16xf32>
        %add3A_1843 = arith.addf %mul3A_1841, %mul3A_1842 : vector<16xf32>
        %add3A_1844 = arith.addf %add3A_1840, %add3A_1843 : vector<16xf32>
        %gather3A_1845 = vector.shape_cast %reshape3A : vector<16x1xi32> to vector<16xi32>
        %gather3A_1846 = tpu.dynamic_gather %add3A_1837[%gather3A_1845] in [0] : vector<16xf32>, vector<16xi32> -> vector<16xf32>
        %add3A_1847 = arith.addf %add3A_1837, %gather3A_1846 : vector<16xf32>
        %gather3A_1848 = vector.shape_cast %reshape3A : vector<16x1xi32> to vector<16xi32>
        %gather3A_1849 = tpu.dynamic_gather %add3A_1844[%gather3A_1848] in [0] : vector<16xf32>, vector<16xi32> -> vector<16xf32>
        %add3A_1850 = arith.addf %add3A_1844, %gather3A_1849 : vector<16xf32>
        %gather3A_1851 = vector.shape_cast %reshape3A_103 : vector<16x1xi32> to vector<16xi32>
        %gather3A_1852 = tpu.dynamic_gather %add3A_1847[%gather3A_1851] in [0] : vector<16xf32>, vector<16xi32> -> vector<16xf32>
        %add3A_1853 = arith.addf %add3A_1847, %gather3A_1852 : vector<16xf32>
        %gather3A_1854 = vector.shape_cast %reshape3A_103 : vector<16x1xi32> to vector<16xi32>
        %gather3A_1855 = tpu.dynamic_gather %add3A_1850[%gather3A_1854] in [0] : vector<16xf32>, vector<16xi32> -> vector<16xf32>
        %add3A_1856 = arith.addf %add3A_1850, %gather3A_1855 : vector<16xf32>
        %gather3A_1857 = vector.shape_cast %reshape3A_110 : vector<16x1xi32> to vector<16xi32>
        %gather3A_1858 = tpu.dynamic_gather %add3A_1853[%gather3A_1857] in [0] : vector<16xf32>, vector<16xi32> -> vector<16xf32>
        %add3A_1859 = arith.addf %add3A_1853, %gather3A_1858 : vector<16xf32>
        %gather3A_1860 = vector.shape_cast %reshape3A_110 : vector<16x1xi32> to vector<16xi32>
        %gather3A_1861 = tpu.dynamic_gather %add3A_1856[%gather3A_1860] in [0] : vector<16xf32>, vector<16xi32> -> vector<16xf32>
        %add3A_1862 = arith.addf %add3A_1856, %gather3A_1861 : vector<16xf32>
        %gather3A_1863 = vector.shape_cast %reshape3A_117 : vector<16x1xi32> to vector<16xi32>
        %gather3A_1864 = tpu.dynamic_gather %add3A_1859[%gather3A_1863] in [0] : vector<16xf32>, vector<16xi32> -> vector<16xf32>
        %add3A_1865 = arith.addf %add3A_1859, %gather3A_1864 : vector<16xf32>
        %gather3A_1866 = vector.shape_cast %reshape3A_117 : vector<16x1xi32> to vector<16xi32>
        %gather3A_1867 = tpu.dynamic_gather %add3A_1862[%gather3A_1866] in [0] : vector<16xf32>, vector<16xi32> -> vector<16xf32>
        %add3A_1868 = arith.addf %add3A_1862, %gather3A_1867 : vector<16xf32>
        %mul3A_1869 = arith.constant 1.562500e-02 : f32
        %mul3A_1870 = vector.broadcast %mul3A_1869 : f32 to vector<16xf32>
        %mul3A_1871 = arith.mulf %add3A_1865, %mul3A_1870 : vector<16xf32>
        %mul3A_1872 = arith.constant 1.562500e-02 : f32
        %mul3A_1873 = vector.broadcast %mul3A_1872 : f32 to vector<16xf32>
        %mul3A_1874 = arith.mulf %add3A_1868, %mul3A_1873 : vector<16xf32>
        %mul3A_1875 = arith.mulf %mul3A_1871, %mul3A_1871 : vector<16xf32>
        %sub3A_1876 = arith.subf %mul3A_1874, %mul3A_1875 : vector<16xf32>
        %add3A_1877 = arith.constant 9.99999974E-6 : f32
        %add3A_1878 = vector.broadcast %add3A_1877 : f32 to vector<16xf32>
        %add3A_1879 = arith.addf %sub3A_1876, %add3A_1878 : vector<16xf32>
        %bitcast3A_1880 = vector.bitcast %add3A_1879 : vector<16xf32> to vector<16xi32>
        %shift_right_arithmetic3A_1881 = arith.constant 1 : i32
        %shift_right_arithmetic3A_1882 = vector.broadcast %shift_right_arithmetic3A_1881 : i32 to vector<16xi32>
        %shift_right_arithmetic3A_1883 = arith.shrsi %bitcast3A_1880, %shift_right_arithmetic3A_1882 : vector<16xi32>
        %sub3A_1884 = arith.constant 1597463007 : i32
        %sub3A_1885 = vector.broadcast %sub3A_1884 : i32 to vector<16xi32>
        %sub3A_1886 = arith.subi %sub3A_1885, %shift_right_arithmetic3A_1883 : vector<16xi32>
        %bitcast3A_1887 = vector.bitcast %sub3A_1886 : vector<16xi32> to vector<16xf32>
        %mul3A_1888 = arith.constant 5.000000e-01 : f32
        %mul3A_1889 = vector.broadcast %mul3A_1888 : f32 to vector<16xf32>
        %mul3A_1890 = arith.mulf %mul3A_1889, %add3A_1879 : vector<16xf32>
        %mul3A_1891 = arith.mulf %mul3A_1890, %bitcast3A_1887 : vector<16xf32>
        %mul3A_1892 = arith.mulf %mul3A_1891, %bitcast3A_1887 : vector<16xf32>
        %sub3A_1893 = arith.constant 1.500000e+00 : f32
        %sub3A_1894 = vector.broadcast %sub3A_1893 : f32 to vector<16xf32>
        %sub3A_1895 = arith.subf %sub3A_1894, %mul3A_1892 : vector<16xf32>
        %mul3A_1896 = arith.mulf %bitcast3A_1887, %sub3A_1895 : vector<16xf32>
        %mul3A_1897 = arith.constant 5.000000e-01 : f32
        %mul3A_1898 = vector.broadcast %mul3A_1897 : f32 to vector<16xf32>
        %mul3A_1899 = arith.mulf %mul3A_1898, %add3A_1879 : vector<16xf32>
        %mul3A_1900 = arith.mulf %mul3A_1899, %mul3A_1896 : vector<16xf32>
        %mul3A_1901 = arith.mulf %mul3A_1900, %mul3A_1896 : vector<16xf32>
        %sub3A_1902 = arith.constant 1.500000e+00 : f32
        %sub3A_1903 = vector.broadcast %sub3A_1902 : f32 to vector<16xf32>
        %sub3A_1904 = arith.subf %sub3A_1903, %mul3A_1901 : vector<16xf32>
        %mul3A_1905 = arith.mulf %mul3A_1896, %sub3A_1904 : vector<16xf32>
        %mul3A_1906 = arith.constant 8 : i32
        %mul3A_1907 = arith.muli %add3A_275, %mul3A_1906 : i32
        %add3A_1908 = arith.constant 6 : i32
        %add3A_1909 = arith.addi %mul3A_1907, %add3A_1908 : i32
        %sub3A_1910 = arith.subf %get3A_1825, %mul3A_1871 : vector<16xf32>
        %mul3A_1911 = arith.mulf %sub3A_1910, %mul3A_1905 : vector<16xf32>
        %mul3A_1912 = arith.mulf %mul3A_1911, %get3A_118 : vector<16xf32>
        %add3A_1913 = arith.addf %mul3A_1912, %get3A_120 : vector<16xf32>
        %swap3A_1914 = arith.index_cast %add3A_1909 : i32 to index
        %swap3A_1915 = arith.constant 64 : index
        %swap3A_1916 = tpu.vector_load %arg10[%swap3A_1914, %swap3A_1915] {strides = array<i32>} : memref<64x128xf32, #tpu.memory_space<vmem>>, vector<16xf32>,
        tpu.vector_store %arg10[%swap3A_1914, %swap3A_1915], %add3A_1913 {strides = array<i32>} : memref<64x128xf32, #tpu.memory_space<vmem>>, vector<16xf32>,
        %sub3A_1917 = arith.subf %get3A_1828, %mul3A_1871 : vector<16xf32>
        %mul3A_1918 = arith.mulf %sub3A_1917, %mul3A_1905 : vector<16xf32>
        %mul3A_1919 = arith.mulf %mul3A_1918, %get3A_122 : vector<16xf32>
        %add3A_1920 = arith.addf %mul3A_1919, %get3A_124 : vector<16xf32>
        %swap3A_1921 = arith.index_cast %add3A_1909 : i32 to index
        %swap3A_1922 = arith.constant 80 : index
        %swap3A_1923 = tpu.vector_load %arg10[%swap3A_1921, %swap3A_1922] {strides = array<i32>} : memref<64x128xf32, #tpu.memory_space<vmem>>, vector<16xf32>,
        tpu.vector_store %arg10[%swap3A_1921, %swap3A_1922], %add3A_1920 {strides = array<i32>} : memref<64x128xf32, #tpu.memory_space<vmem>>, vector<16xf32>,
        %sub3A_1924 = arith.subf %get3A_1831, %mul3A_1871 : vector<16xf32>
        %mul3A_1925 = arith.mulf %sub3A_1924, %mul3A_1905 : vector<16xf32>
        %mul3A_1926 = arith.mulf %mul3A_1925, %get3A_126 : vector<16xf32>
        %add3A_1927 = arith.addf %mul3A_1926, %get3A_128 : vector<16xf32>
        %swap3A_1928 = arith.index_cast %add3A_1909 : i32 to index
        %swap3A_1929 = arith.constant 96 : index
        %swap3A_1930 = tpu.vector_load %arg10[%swap3A_1928, %swap3A_1929] {strides = array<i32>} : memref<64x128xf32, #tpu.memory_space<vmem>>, vector<16xf32>,
        tpu.vector_store %arg10[%swap3A_1928, %swap3A_1929], %add3A_1927 {strides = array<i32>} : memref<64x128xf32, #tpu.memory_space<vmem>>, vector<16xf32>,
        %sub3A_1931 = arith.subf %get3A_1834, %mul3A_1871 : vector<16xf32>
        %mul3A_1932 = arith.mulf %sub3A_1931, %mul3A_1905 : vector<16xf32>
        %mul3A_1933 = arith.mulf %mul3A_1932, %get3A_130 : vector<16xf32>
        %add3A_1934 = arith.addf %mul3A_1933, %get3A_132 : vector<16xf32>
        %swap3A_1935 = arith.index_cast %add3A_1909 : i32 to index
        %swap3A_1936 = arith.constant 112 : index
        %swap3A_1937 = tpu.vector_load %arg10[%swap3A_1935, %swap3A_1936] {strides = array<i32>} : memref<64x128xf32, #tpu.memory_space<vmem>>, vector<16xf32>,
        tpu.vector_store %arg10[%swap3A_1935, %swap3A_1936], %add3A_1934 {strides = array<i32>} : memref<64x128xf32, #tpu.memory_space<vmem>>, vector<16xf32>,
        %mul3A_1938 = arith.constant 16 : i32
        %mul3A_1939 = arith.muli %add3A_275, %mul3A_1938 : i32
        %add3A_1940 = arith.constant 14 : i32
        %add3A_1941 = arith.addi %mul3A_1939, %add3A_1940 : i32
        %get3A_1942 = arith.index_cast %add3A_1941 : i32 to index
        %get3A_1943 = arith.constant 0 : index
        %get3A_1944 = tpu.vector_load %arg8[%get3A_1942, %get3A_1943] {strides = array<i32>} : memref<128x64xf32, #tpu.memory_space<vmem>>, vector<16xf32>,
        %get3A_1945 = arith.index_cast %add3A_1941 : i32 to index
        %get3A_1946 = arith.constant 16 : index
        %get3A_1947 = tpu.vector_load %arg8[%get3A_1945, %get3A_1946] {strides = array<i32>} : memref<128x64xf32, #tpu.memory_space<vmem>>, vector<16xf32>,
        %get3A_1948 = arith.index_cast %add3A_1941 : i32 to index
        %get3A_1949 = arith.constant 32 : index
        %get3A_1950 = tpu.vector_load %arg8[%get3A_1948, %get3A_1949] {strides = array<i32>} : memref<128x64xf32, #tpu.memory_space<vmem>>, vector<16xf32>,
        %get3A_1951 = arith.index_cast %add3A_1941 : i32 to index
        %get3A_1952 = arith.constant 48 : index
        %get3A_1953 = tpu.vector_load %arg8[%get3A_1951, %get3A_1952] {strides = array<i32>} : memref<128x64xf32, #tpu.memory_space<vmem>>, vector<16xf32>,
        %add3A_1954 = arith.addf %get3A_1944, %get3A_1947 : vector<16xf32>
        %add3A_1955 = arith.addf %get3A_1950, %get3A_1953 : vector<16xf32>
        %add3A_1956 = arith.addf %add3A_1954, %add3A_1955 : vector<16xf32>
        %mul3A_1957 = arith.mulf %get3A_1944, %get3A_1944 : vector<16xf32>
        %mul3A_1958 = arith.mulf %get3A_1947, %get3A_1947 : vector<16xf32>
        %add3A_1959 = arith.addf %mul3A_1957, %mul3A_1958 : vector<16xf32>
        %mul3A_1960 = arith.mulf %get3A_1950, %get3A_1950 : vector<16xf32>
        %mul3A_1961 = arith.mulf %get3A_1953, %get3A_1953 : vector<16xf32>
        %add3A_1962 = arith.addf %mul3A_1960, %mul3A_1961 : vector<16xf32>
        %add3A_1963 = arith.addf %add3A_1959, %add3A_1962 : vector<16xf32>
        %gather3A_1964 = vector.shape_cast %reshape3A : vector<16x1xi32> to vector<16xi32>
        %gather3A_1965 = tpu.dynamic_gather %add3A_1956[%gather3A_1964] in [0] : vector<16xf32>, vector<16xi32> -> vector<16xf32>
        %add3A_1966 = arith.addf %add3A_1956, %gather3A_1965 : vector<16xf32>
        %gather3A_1967 = vector.shape_cast %reshape3A : vector<16x1xi32> to vector<16xi32>
        %gather3A_1968 = tpu.dynamic_gather %add3A_1963[%gather3A_1967] in [0] : vector<16xf32>, vector<16xi32> -> vector<16xf32>
        %add3A_1969 = arith.addf %add3A_1963, %gather3A_1968 : vector<16xf32>
        %gather3A_1970 = vector.shape_cast %reshape3A_103 : vector<16x1xi32> to vector<16xi32>
        %gather3A_1971 = tpu.dynamic_gather %add3A_1966[%gather3A_1970] in [0] : vector<16xf32>, vector<16xi32> -> vector<16xf32>
        %add3A_1972 = arith.addf %add3A_1966, %gather3A_1971 : vector<16xf32>
        %gather3A_1973 = vector.shape_cast %reshape3A_103 : vector<16x1xi32> to vector<16xi32>
        %gather3A_1974 = tpu.dynamic_gather %add3A_1969[%gather3A_1973] in [0] : vector<16xf32>, vector<16xi32> -> vector<16xf32>
        %add3A_1975 = arith.addf %add3A_1969, %gather3A_1974 : vector<16xf32>
        %gather3A_1976 = vector.shape_cast %reshape3A_110 : vector<16x1xi32> to vector<16xi32>
        %gather3A_1977 = tpu.dynamic_gather %add3A_1972[%gather3A_1976] in [0] : vector<16xf32>, vector<16xi32> -> vector<16xf32>
        %add3A_1978 = arith.addf %add3A_1972, %gather3A_1977 : vector<16xf32>
        %gather3A_1979 = vector.shape_cast %reshape3A_110 : vector<16x1xi32> to vector<16xi32>
        %gather3A_1980 = tpu.dynamic_gather %add3A_1975[%gather3A_1979] in [0] : vector<16xf32>, vector<16xi32> -> vector<16xf32>
        %add3A_1981 = arith.addf %add3A_1975, %gather3A_1980 : vector<16xf32>
        %gather3A_1982 = vector.shape_cast %reshape3A_117 : vector<16x1xi32> to vector<16xi32>
        %gather3A_1983 = tpu.dynamic_gather %add3A_1978[%gather3A_1982] in [0] : vector<16xf32>, vector<16xi32> -> vector<16xf32>
        %add3A_1984 = arith.addf %add3A_1978, %gather3A_1983 : vector<16xf32>
        %gather3A_1985 = vector.shape_cast %reshape3A_117 : vector<16x1xi32> to vector<16xi32>
        %gather3A_1986 = tpu.dynamic_gather %add3A_1981[%gather3A_1985] in [0] : vector<16xf32>, vector<16xi32> -> vector<16xf32>
        %add3A_1987 = arith.addf %add3A_1981, %gather3A_1986 : vector<16xf32>
        %mul3A_1988 = arith.constant 1.562500e-02 : f32
        %mul3A_1989 = vector.broadcast %mul3A_1988 : f32 to vector<16xf32>
        %mul3A_1990 = arith.mulf %add3A_1984, %mul3A_1989 : vector<16xf32>
        %mul3A_1991 = arith.constant 1.562500e-02 : f32
        %mul3A_1992 = vector.broadcast %mul3A_1991 : f32 to vector<16xf32>
        %mul3A_1993 = arith.mulf %add3A_1987, %mul3A_1992 : vector<16xf32>
        %mul3A_1994 = arith.mulf %mul3A_1990, %mul3A_1990 : vector<16xf32>
        %sub3A_1995 = arith.subf %mul3A_1993, %mul3A_1994 : vector<16xf32>
        %add3A_1996 = arith.constant 9.99999974E-6 : f32
        %add3A_1997 = vector.broadcast %add3A_1996 : f32 to vector<16xf32>
        %add3A_1998 = arith.addf %sub3A_1995, %add3A_1997 : vector<16xf32>
        %bitcast3A_1999 = vector.bitcast %add3A_1998 : vector<16xf32> to vector<16xi32>
        %shift_right_arithmetic3A_2000 = arith.constant 1 : i32
        %shift_right_arithmetic3A_2001 = vector.broadcast %shift_right_arithmetic3A_2000 : i32 to vector<16xi32>
        %shift_right_arithmetic3A_2002 = arith.shrsi %bitcast3A_1999, %shift_right_arithmetic3A_2001 : vector<16xi32>
        %sub3A_2003 = arith.constant 1597463007 : i32
        %sub3A_2004 = vector.broadcast %sub3A_2003 : i32 to vector<16xi32>
        %sub3A_2005 = arith.subi %sub3A_2004, %shift_right_arithmetic3A_2002 : vector<16xi32>
        %bitcast3A_2006 = vector.bitcast %sub3A_2005 : vector<16xi32> to vector<16xf32>
        %mul3A_2007 = arith.constant 5.000000e-01 : f32
        %mul3A_2008 = vector.broadcast %mul3A_2007 : f32 to vector<16xf32>
        %mul3A_2009 = arith.mulf %mul3A_2008, %add3A_1998 : vector<16xf32>
        %mul3A_2010 = arith.mulf %mul3A_2009, %bitcast3A_2006 : vector<16xf32>
        %mul3A_2011 = arith.mulf %mul3A_2010, %bitcast3A_2006 : vector<16xf32>
        %sub3A_2012 = arith.constant 1.500000e+00 : f32
        %sub3A_2013 = vector.broadcast %sub3A_2012 : f32 to vector<16xf32>
        %sub3A_2014 = arith.subf %sub3A_2013, %mul3A_2011 : vector<16xf32>
        %mul3A_2015 = arith.mulf %bitcast3A_2006, %sub3A_2014 : vector<16xf32>
        %mul3A_2016 = arith.constant 5.000000e-01 : f32
        %mul3A_2017 = vector.broadcast %mul3A_2016 : f32 to vector<16xf32>
        %mul3A_2018 = arith.mulf %mul3A_2017, %add3A_1998 : vector<16xf32>
        %mul3A_2019 = arith.mulf %mul3A_2018, %mul3A_2015 : vector<16xf32>
        %mul3A_2020 = arith.mulf %mul3A_2019, %mul3A_2015 : vector<16xf32>
        %sub3A_2021 = arith.constant 1.500000e+00 : f32
        %sub3A_2022 = vector.broadcast %sub3A_2021 : f32 to vector<16xf32>
        %sub3A_2023 = arith.subf %sub3A_2022, %mul3A_2020 : vector<16xf32>
        %mul3A_2024 = arith.mulf %mul3A_2015, %sub3A_2023 : vector<16xf32>
        %mul3A_2025 = arith.constant 8 : i32
        %mul3A_2026 = arith.muli %add3A_275, %mul3A_2025 : i32
        %add3A_2027 = arith.constant 7 : i32
        %add3A_2028 = arith.addi %mul3A_2026, %add3A_2027 : i32
        %sub3A_2029 = arith.subf %get3A_1944, %mul3A_1990 : vector<16xf32>
        %mul3A_2030 = arith.mulf %sub3A_2029, %mul3A_2024 : vector<16xf32>
        %mul3A_2031 = arith.mulf %mul3A_2030, %get3A_118 : vector<16xf32>
        %add3A_2032 = arith.addf %mul3A_2031, %get3A_120 : vector<16xf32>
        %swap3A_2033 = arith.index_cast %add3A_2028 : i32 to index
        %swap3A_2034 = arith.constant 0 : index
        %swap3A_2035 = tpu.vector_load %arg10[%swap3A_2033, %swap3A_2034] {strides = array<i32>} : memref<64x128xf32, #tpu.memory_space<vmem>>, vector<16xf32>,
        tpu.vector_store %arg10[%swap3A_2033, %swap3A_2034], %add3A_2032 {strides = array<i32>} : memref<64x128xf32, #tpu.memory_space<vmem>>, vector<16xf32>,
        %sub3A_2036 = arith.subf %get3A_1947, %mul3A_1990 : vector<16xf32>
        %mul3A_2037 = arith.mulf %sub3A_2036, %mul3A_2024 : vector<16xf32>
        %mul3A_2038 = arith.mulf %mul3A_2037, %get3A_122 : vector<16xf32>
        %add3A_2039 = arith.addf %mul3A_2038, %get3A_124 : vector<16xf32>
        %swap3A_2040 = arith.index_cast %add3A_2028 : i32 to index
        %swap3A_2041 = arith.constant 16 : index
        %swap3A_2042 = tpu.vector_load %arg10[%swap3A_2040, %swap3A_2041] {strides = array<i32>} : memref<64x128xf32, #tpu.memory_space<vmem>>, vector<16xf32>,
        tpu.vector_store %arg10[%swap3A_2040, %swap3A_2041], %add3A_2039 {strides = array<i32>} : memref<64x128xf32, #tpu.memory_space<vmem>>, vector<16xf32>,
        %sub3A_2043 = arith.subf %get3A_1950, %mul3A_1990 : vector<16xf32>
        %mul3A_2044 = arith.mulf %sub3A_2043, %mul3A_2024 : vector<16xf32>
        %mul3A_2045 = arith.mulf %mul3A_2044, %get3A_126 : vector<16xf32>
        %add3A_2046 = arith.addf %mul3A_2045, %get3A_128 : vector<16xf32>
        %swap3A_2047 = arith.index_cast %add3A_2028 : i32 to index
        %swap3A_2048 = arith.constant 32 : index
        %swap3A_2049 = tpu.vector_load %arg10[%swap3A_2047, %swap3A_2048] {strides = array<i32>} : memref<64x128xf32, #tpu.memory_space<vmem>>, vector<16xf32>,
        tpu.vector_store %arg10[%swap3A_2047, %swap3A_2048], %add3A_2046 {strides = array<i32>} : memref<64x128xf32, #tpu.memory_space<vmem>>, vector<16xf32>,
        %sub3A_2050 = arith.subf %get3A_1953, %mul3A_1990 : vector<16xf32>
        %mul3A_2051 = arith.mulf %sub3A_2050, %mul3A_2024 : vector<16xf32>
        %mul3A_2052 = arith.mulf %mul3A_2051, %get3A_130 : vector<16xf32>
        %add3A_2053 = arith.addf %mul3A_2052, %get3A_132 : vector<16xf32>
        %swap3A_2054 = arith.index_cast %add3A_2028 : i32 to index
        %swap3A_2055 = arith.constant 48 : index
        %swap3A_2056 = tpu.vector_load %arg10[%swap3A_2054, %swap3A_2055] {strides = array<i32>} : memref<64x128xf32, #tpu.memory_space<vmem>>, vector<16xf32>,
        tpu.vector_store %arg10[%swap3A_2054, %swap3A_2055], %add3A_2053 {strides = array<i32>} : memref<64x128xf32, #tpu.memory_space<vmem>>, vector<16xf32>,
        %mul3A_2057 = arith.constant 16 : i32
        %mul3A_2058 = arith.muli %add3A_275, %mul3A_2057 : i32
        %add3A_2059 = arith.constant 15 : i32
        %add3A_2060 = arith.addi %mul3A_2058, %add3A_2059 : i32
        %get3A_2061 = arith.index_cast %add3A_2060 : i32 to index
        %get3A_2062 = arith.constant 0 : index
        %get3A_2063 = tpu.vector_load %arg8[%get3A_2061, %get3A_2062] {strides = array<i32>} : memref<128x64xf32, #tpu.memory_space<vmem>>, vector<16xf32>,
        %get3A_2064 = arith.index_cast %add3A_2060 : i32 to index
        %get3A_2065 = arith.constant 16 : index
        %get3A_2066 = tpu.vector_load %arg8[%get3A_2064, %get3A_2065] {strides = array<i32>} : memref<128x64xf32, #tpu.memory_space<vmem>>, vector<16xf32>,
        %get3A_2067 = arith.index_cast %add3A_2060 : i32 to index
        %get3A_2068 = arith.constant 32 : index
        %get3A_2069 = tpu.vector_load %arg8[%get3A_2067, %get3A_2068] {strides = array<i32>} : memref<128x64xf32, #tpu.memory_space<vmem>>, vector<16xf32>,
        %get3A_2070 = arith.index_cast %add3A_2060 : i32 to index
        %get3A_2071 = arith.constant 48 : index
        %get3A_2072 = tpu.vector_load %arg8[%get3A_2070, %get3A_2071] {strides = array<i32>} : memref<128x64xf32, #tpu.memory_space<vmem>>, vector<16xf32>,
        %add3A_2073 = arith.addf %get3A_2063, %get3A_2066 : vector<16xf32>
        %add3A_2074 = arith.addf %get3A_2069, %get3A_2072 : vector<16xf32>
        %add3A_2075 = arith.addf %add3A_2073, %add3A_2074 : vector<16xf32>
        %mul3A_2076 = arith.mulf %get3A_2063, %get3A_2063 : vector<16xf32>
        %mul3A_2077 = arith.mulf %get3A_2066, %get3A_2066 : vector<16xf32>
        %add3A_2078 = arith.addf %mul3A_2076, %mul3A_2077 : vector<16xf32>
        %mul3A_2079 = arith.mulf %get3A_2069, %get3A_2069 : vector<16xf32>
        %mul3A_2080 = arith.mulf %get3A_2072, %get3A_2072 : vector<16xf32>
        %add3A_2081 = arith.addf %mul3A_2079, %mul3A_2080 : vector<16xf32>
        %add3A_2082 = arith.addf %add3A_2078, %add3A_2081 : vector<16xf32>
        %gather3A_2083 = vector.shape_cast %reshape3A : vector<16x1xi32> to vector<16xi32>
        %gather3A_2084 = tpu.dynamic_gather %add3A_2075[%gather3A_2083] in [0] : vector<16xf32>, vector<16xi32> -> vector<16xf32>
        %add3A_2085 = arith.addf %add3A_2075, %gather3A_2084 : vector<16xf32>
        %gather3A_2086 = vector.shape_cast %reshape3A : vector<16x1xi32> to vector<16xi32>
        %gather3A_2087 = tpu.dynamic_gather %add3A_2082[%gather3A_2086] in [0] : vector<16xf32>, vector<16xi32> -> vector<16xf32>
        %add3A_2088 = arith.addf %add3A_2082, %gather3A_2087 : vector<16xf32>
        %gather3A_2089 = vector.shape_cast %reshape3A_103 : vector<16x1xi32> to vector<16xi32>
        %gather3A_2090 = tpu.dynamic_gather %add3A_2085[%gather3A_2089] in [0] : vector<16xf32>, vector<16xi32> -> vector<16xf32>
        %add3A_2091 = arith.addf %add3A_2085, %gather3A_2090 : vector<16xf32>
        %gather3A_2092 = vector.shape_cast %reshape3A_103 : vector<16x1xi32> to vector<16xi32>
        %gather3A_2093 = tpu.dynamic_gather %add3A_2088[%gather3A_2092] in [0] : vector<16xf32>, vector<16xi32> -> vector<16xf32>
        %add3A_2094 = arith.addf %add3A_2088, %gather3A_2093 : vector<16xf32>
        %gather3A_2095 = vector.shape_cast %reshape3A_110 : vector<16x1xi32> to vector<16xi32>
        %gather3A_2096 = tpu.dynamic_gather %add3A_2091[%gather3A_2095] in [0] : vector<16xf32>, vector<16xi32> -> vector<16xf32>
        %add3A_2097 = arith.addf %add3A_2091, %gather3A_2096 : vector<16xf32>
        %gather3A_2098 = vector.shape_cast %reshape3A_110 : vector<16x1xi32> to vector<16xi32>
        %gather3A_2099 = tpu.dynamic_gather %add3A_2094[%gather3A_2098] in [0] : vector<16xf32>, vector<16xi32> -> vector<16xf32>
        %add3A_2100 = arith.addf %add3A_2094, %gather3A_2099 : vector<16xf32>
        %gather3A_2101 = vector.shape_cast %reshape3A_117 : vector<16x1xi32> to vector<16xi32>
        %gather3A_2102 = tpu.dynamic_gather %add3A_2097[%gather3A_2101] in [0] : vector<16xf32>, vector<16xi32> -> vector<16xf32>
        %add3A_2103 = arith.addf %add3A_2097, %gather3A_2102 : vector<16xf32>
        %gather3A_2104 = vector.shape_cast %reshape3A_117 : vector<16x1xi32> to vector<16xi32>
        %gather3A_2105 = tpu.dynamic_gather %add3A_2100[%gather3A_2104] in [0] : vector<16xf32>, vector<16xi32> -> vector<16xf32>
        %add3A_2106 = arith.addf %add3A_2100, %gather3A_2105 : vector<16xf32>
        %mul3A_2107 = arith.constant 1.562500e-02 : f32
        %mul3A_2108 = vector.broadcast %mul3A_2107 : f32 to vector<16xf32>
        %mul3A_2109 = arith.mulf %add3A_2103, %mul3A_2108 : vector<16xf32>
        %mul3A_2110 = arith.constant 1.562500e-02 : f32
        %mul3A_2111 = vector.broadcast %mul3A_2110 : f32 to vector<16xf32>
        %mul3A_2112 = arith.mulf %add3A_2106, %mul3A_2111 : vector<16xf32>
        %mul3A_2113 = arith.mulf %mul3A_2109, %mul3A_2109 : vector<16xf32>
        %sub3A_2114 = arith.subf %mul3A_2112, %mul3A_2113 : vector<16xf32>
        %add3A_2115 = arith.constant 9.99999974E-6 : f32
        %add3A_2116 = vector.broadcast %add3A_2115 : f32 to vector<16xf32>
        %add3A_2117 = arith.addf %sub3A_2114, %add3A_2116 : vector<16xf32>
        %bitcast3A_2118 = vector.bitcast %add3A_2117 : vector<16xf32> to vector<16xi32>
        %shift_right_arithmetic3A_2119 = arith.constant 1 : i32
        %shift_right_arithmetic3A_2120 = vector.broadcast %shift_right_arithmetic3A_2119 : i32 to vector<16xi32>
        %shift_right_arithmetic3A_2121 = arith.shrsi %bitcast3A_2118, %shift_right_arithmetic3A_2120 : vector<16xi32>
        %sub3A_2122 = arith.constant 1597463007 : i32
        %sub3A_2123 = vector.broadcast %sub3A_2122 : i32 to vector<16xi32>
        %sub3A_2124 = arith.subi %sub3A_2123, %shift_right_arithmetic3A_2121 : vector<16xi32>
        %bitcast3A_2125 = vector.bitcast %sub3A_2124 : vector<16xi32> to vector<16xf32>
        %mul3A_2126 = arith.constant 5.000000e-01 : f32
        %mul3A_2127 = vector.broadcast %mul3A_2126 : f32 to vector<16xf32>
        %mul3A_2128 = arith.mulf %mul3A_2127, %add3A_2117 : vector<16xf32>
        %mul3A_2129 = arith.mulf %mul3A_2128, %bitcast3A_2125 : vector<16xf32>
        %mul3A_2130 = arith.mulf %mul3A_2129, %bitcast3A_2125 : vector<16xf32>
        %sub3A_2131 = arith.constant 1.500000e+00 : f32
        %sub3A_2132 = vector.broadcast %sub3A_2131 : f32 to vector<16xf32>
        %sub3A_2133 = arith.subf %sub3A_2132, %mul3A_2130 : vector<16xf32>
        %mul3A_2134 = arith.mulf %bitcast3A_2125, %sub3A_2133 : vector<16xf32>
        %mul3A_2135 = arith.constant 5.000000e-01 : f32
        %mul3A_2136 = vector.broadcast %mul3A_2135 : f32 to vector<16xf32>
        %mul3A_2137 = arith.mulf %mul3A_2136, %add3A_2117 : vector<16xf32>
        %mul3A_2138 = arith.mulf %mul3A_2137, %mul3A_2134 : vector<16xf32>
        %mul3A_2139 = arith.mulf %mul3A_2138, %mul3A_2134 : vector<16xf32>
        %sub3A_2140 = arith.constant 1.500000e+00 : f32
        %sub3A_2141 = vector.broadcast %sub3A_2140 : f32 to vector<16xf32>
        %sub3A_2142 = arith.subf %sub3A_2141, %mul3A_2139 : vector<16xf32>
        %mul3A_2143 = arith.mulf %mul3A_2134, %sub3A_2142 : vector<16xf32>
        %mul3A_2144 = arith.constant 8 : i32
        %mul3A_2145 = arith.muli %add3A_275, %mul3A_2144 : i32
        %add3A_2146 = arith.constant 7 : i32
        %add3A_2147 = arith.addi %mul3A_2145, %add3A_2146 : i32
        %sub3A_2148 = arith.subf %get3A_2063, %mul3A_2109 : vector<16xf32>
        %mul3A_2149 = arith.mulf %sub3A_2148, %mul3A_2143 : vector<16xf32>
        %mul3A_2150 = arith.mulf %mul3A_2149, %get3A_118 : vector<16xf32>
        %add3A_2151 = arith.addf %mul3A_2150, %get3A_120 : vector<16xf32>
        %swap3A_2152 = arith.index_cast %add3A_2147 : i32 to index
        %swap3A_2153 = arith.constant 64 : index
        %swap3A_2154 = tpu.vector_load %arg10[%swap3A_2152, %swap3A_2153] {strides = array<i32>} : memref<64x128xf32, #tpu.memory_space<vmem>>, vector<16xf32>,
        tpu.vector_store %arg10[%swap3A_2152, %swap3A_2153], %add3A_2151 {strides = array<i32>} : memref<64x128xf32, #tpu.memory_space<vmem>>, vector<16xf32>,
        %sub3A_2155 = arith.subf %get3A_2066, %mul3A_2109 : vector<16xf32>
        %mul3A_2156 = arith.mulf %sub3A_2155, %mul3A_2143 : vector<16xf32>
        %mul3A_2157 = arith.mulf %mul3A_2156, %get3A_122 : vector<16xf32>
        %add3A_2158 = arith.addf %mul3A_2157, %get3A_124 : vector<16xf32>
        %swap3A_2159 = arith.index_cast %add3A_2147 : i32 to index
        %swap3A_2160 = arith.constant 80 : index
        %swap3A_2161 = tpu.vector_load %arg10[%swap3A_2159, %swap3A_2160] {strides = array<i32>} : memref<64x128xf32, #tpu.memory_space<vmem>>, vector<16xf32>,
        tpu.vector_store %arg10[%swap3A_2159, %swap3A_2160], %add3A_2158 {strides = array<i32>} : memref<64x128xf32, #tpu.memory_space<vmem>>, vector<16xf32>,
        %sub3A_2162 = arith.subf %get3A_2069, %mul3A_2109 : vector<16xf32>
        %mul3A_2163 = arith.mulf %sub3A_2162, %mul3A_2143 : vector<16xf32>
        %mul3A_2164 = arith.mulf %mul3A_2163, %get3A_126 : vector<16xf32>
        %add3A_2165 = arith.addf %mul3A_2164, %get3A_128 : vector<16xf32>
        %swap3A_2166 = arith.index_cast %add3A_2147 : i32 to index
        %swap3A_2167 = arith.constant 96 : index
        %swap3A_2168 = tpu.vector_load %arg10[%swap3A_2166, %swap3A_2167] {strides = array<i32>} : memref<64x128xf32, #tpu.memory_space<vmem>>, vector<16xf32>,
        tpu.vector_store %arg10[%swap3A_2166, %swap3A_2167], %add3A_2165 {strides = array<i32>} : memref<64x128xf32, #tpu.memory_space<vmem>>, vector<16xf32>,
        %sub3A_2169 = arith.subf %get3A_2072, %mul3A_2109 : vector<16xf32>
        %mul3A_2170 = arith.mulf %sub3A_2169, %mul3A_2143 : vector<16xf32>
        %mul3A_2171 = arith.mulf %mul3A_2170, %get3A_130 : vector<16xf32>
        %add3A_2172 = arith.addf %mul3A_2171, %get3A_132 : vector<16xf32>
        %swap3A_2173 = arith.index_cast %add3A_2147 : i32 to index
        %swap3A_2174 = arith.constant 112 : index
        %swap3A_2175 = tpu.vector_load %arg10[%swap3A_2173, %swap3A_2174] {strides = array<i32>} : memref<64x128xf32, #tpu.memory_space<vmem>>, vector<16xf32>,
        tpu.vector_store %arg10[%swap3A_2173, %swap3A_2174], %add3A_2172 {strides = array<i32>} : memref<64x128xf32, #tpu.memory_space<vmem>>, vector<16xf32>,
      }
      %scan3A_137 = arith.constant 8 : i32
      %mul3A_138 = arith.constant 128 : i32
      %mul3A_139 = arith.muli %add3A_74, %mul3A_138 : i32
      %add3A_140 = arith.addi %mul3A_2, %mul3A_139 : i32
      %mul3A_141 = arith.constant 64 : i32
      %mul3A_142 = arith.muli %add3A_140, %mul3A_141 : i32
      %jit3A_143 = arith.constant 128 : i32
      %div3A_144 = arith.divsi %mul3A_142, %jit3A_143 : i32
      %sign3A_145 = arith.constant 0 : i32
      %sign3A_146 = arith.cmpi sgt, %mul3A_142, %sign3A_145 : i32
      %sign3A_147 = arith.extui %sign3A_146 : i1 to i32
      %sign3A_148 = arith.constant 0 : i32
      %sign3A_149 = arith.cmpi slt, %mul3A_142, %sign3A_148 : i32
      %sign3A_150 = arith.extui %sign3A_149 : i1 to i32
      %sign3A_151 = arith.subi %sign3A_147, %sign3A_150 : i32
      %sign3A_152 = arith.constant 0 : i32
      %sign3A_153 = arith.cmpi sgt, %jit3A_143, %sign3A_152 : i32
      %sign3A_154 = arith.extui %sign3A_153 : i1 to i32
      %sign3A_155 = arith.constant 0 : i32
      %sign3A_156 = arith.cmpi slt, %jit3A_143, %sign3A_155 : i32
      %sign3A_157 = arith.extui %sign3A_156 : i1 to i32
      %sign3A_158 = arith.subi %sign3A_154, %sign3A_157 : i32
      %ne3A_159 = arith.cmpi ne, %sign3A_151, %sign3A_158 : i32
      %rem3A_160 = arith.remsi %mul3A_142, %jit3A_143 : i32
      %ne3A_161 = arith.constant 0 : i32
      %ne3A_162 = arith.cmpi ne, %rem3A_160, %ne3A_161 : i32
      %and3A_163 = arith.andi %ne3A_159, %ne3A_162 : i1
      %sub3A_164 = arith.constant 1 : i32
      %sub3A_165 = arith.subi %div3A_144, %sub3A_164 : i32
      %select_n3A_166 = arith.select %and3A_163, %sub3A_165, %div3A_144 : i32
      %dma_start3A_167 = arith.constant 0 : i32
      %dma_start3A_168 = tpu.memref_slice %arg6[%select_n3A_166, %dma_start3A_167] : memref<409600x128xf32, #tpu.memory_space<hbm>> -> memref<64x128xf32, #tpu.memory_space<hbm>>
      %dma_start3A_169 = arith.constant 0 : i32
      %dma_start3A_170 = tpu.memref_slice %arg6[%select_n3A_166, %dma_start3A_169] : memref<409600x128xf32, #tpu.memory_space<hbm>> -> memref<64x128xf32, #tpu.memory_space<hbm>>
      tpu.enqueue_dma source(%arg10 : memref<64x128xf32, #tpu.memory_space<vmem>>) target(%dma_start3A_170 : memref<64x128xf32, #tpu.memory_space<hbm>>) target_semaphore(%arg16 : memref<!tpu.dma_semaphore, #tpu.memory_space<semaphore_mem>>)
      %add3A_171 = arith.constant 1 : i32
      %add3A_172 = arith.addi %add3A_72, %add3A_171 : i32
      %lt3A = arith.constant 198 : i32
      %lt3A_173 = arith.cmpi slt, %add3A_72, %lt3A : i32
      %convert_element_type3A_174 = arith.extui %lt3A_173 : i1 to i32
      %cond3A_175 = arith.constant 0 : i32
      %cond3A_176 = arith.cmpi ne, %convert_element_type3A_174, %cond3A_175 : i32
      scf.if %cond3A_176 {
        %add3A_271 = arith.constant 2 : i32
        %add3A_272 = arith.addi %add3A_72, %add3A_271 : i32
        %mul3A_273 = arith.constant 128 : i32
        %mul3A_274 = arith.muli %add3A_272, %mul3A_273 : i32
        %dma_start3A_275 = tpu.memref_slice %arg7[%mul3A_274] : memref<25600xi32, #tpu.memory_space<vmem>> -> memref<128xi32, #tpu.memory_space<vmem>>
        %dma_start3A_276 = arith.constant 0 : i32
        %dma_start3A_277 = arith.constant 0 : i32
        %dma_start3A_278 = tpu.memref_slice %arg3[%dma_start3A_276, %dma_start3A_277] : memref<1000000x64xf32, #tpu.memory_space<hbm>> -> memref<1000000x64xf32, #tpu.memory_space<hbm>>
        tpu.enqueue_indirect_dma source(%dma_start3A_278 : memref<1000000x64xf32, #tpu.memory_space<hbm>>) target(%arg8 : memref<128x64xf32, #tpu.memory_space<vmem>>) offsets(%dma_start3A_275 : memref<128xi32, #tpu.memory_space<vmem>>) semaphore(%arg14 : memref<!tpu.dma_semaphore, #tpu.memory_space<semaphore_mem>>)
      } else {
      }
      %mul3A_177 = arith.constant 128 : i32
      %mul3A_178 = arith.muli %add3A_172, %mul3A_177 : i32
      %dma_wait3A_179 = tpu.memref_slice %arg7[%mul3A_178] : memref<25600xi32, #tpu.memory_space<vmem>> -> memref<128xi32, #tpu.memory_space<vmem>>
      %dma_wait3A_180 = arith.constant 0 : i32
      %dma_wait3A_181 = arith.constant 0 : i32
      %dma_wait3A_182 = tpu.memref_slice %arg3[%dma_wait3A_180, %dma_wait3A_181] : memref<1000000x64xf32, #tpu.memory_space<hbm>> -> memref<1000000x64xf32, #tpu.memory_space<hbm>>
      tpu.wait_indirect_dma semaphore(%arg15 : memref<!tpu.dma_semaphore, #tpu.memory_space<semaphore_mem>>) src(%dma_wait3A_182 : memref<1000000x64xf32, #tpu.memory_space<hbm>>) dst(%arg9 : memref<128x64xf32, #tpu.memory_space<vmem>>)
      %ge3A_183 = arith.constant 2 : i32
      %ge3A_184 = arith.cmpi sge, %add3A_172, %ge3A_183 : i32
      %convert_element_type3A_185 = arith.extui %ge3A_184 : i1 to i32
      %cond3A_186 = arith.constant 0 : i32
      %cond3A_187 = arith.cmpi ne, %convert_element_type3A_185, %cond3A_186 : i32
      scf.if %cond3A_187 {
        %sub3A_271 = arith.constant 2 : i32
        %sub3A_272 = arith.subi %add3A_172, %sub3A_271 : i32
        %mul3A_273 = arith.constant 128 : i32
        %mul3A_274 = arith.muli %sub3A_272, %mul3A_273 : i32
        %add3A_275 = arith.addi %mul3A_2, %mul3A_274 : i32
        %mul3A_276 = arith.constant 64 : i32
        %mul3A_277 = arith.muli %add3A_275, %mul3A_276 : i32
        %jit3A_278 = arith.constant 128 : i32
        %div3A_279 = arith.divsi %mul3A_277, %jit3A_278 : i32
        %sign3A_280 = arith.constant 0 : i32
        %sign3A_281 = arith.cmpi sgt, %mul3A_277, %sign3A_280 : i32
        %sign3A_282 = arith.extui %sign3A_281 : i1 to i32
        %sign3A_283 = arith.constant 0 : i32
        %sign3A_284 = arith.cmpi slt, %mul3A_277, %sign3A_283 : i32
        %sign3A_285 = arith.extui %sign3A_284 : i1 to i32
        %sign3A_286 = arith.subi %sign3A_282, %sign3A_285 : i32
        %sign3A_287 = arith.constant 0 : i32
        %sign3A_288 = arith.cmpi sgt, %jit3A_278, %sign3A_287 : i32
        %sign3A_289 = arith.extui %sign3A_288 : i1 to i32
        %sign3A_290 = arith.constant 0 : i32
        %sign3A_291 = arith.cmpi slt, %jit3A_278, %sign3A_290 : i32
        %sign3A_292 = arith.extui %sign3A_291 : i1 to i32
        %sign3A_293 = arith.subi %sign3A_289, %sign3A_292 : i32
        %ne3A_294 = arith.cmpi ne, %sign3A_286, %sign3A_293 : i32
        %rem3A_295 = arith.remsi %mul3A_277, %jit3A_278 : i32
        %ne3A_296 = arith.constant 0 : i32
        %ne3A_297 = arith.cmpi ne, %rem3A_295, %ne3A_296 : i32
        %and3A_298 = arith.andi %ne3A_294, %ne3A_297 : i1
        %sub3A_299 = arith.constant 1 : i32
        %sub3A_300 = arith.subi %div3A_279, %sub3A_299 : i32
        %select_n3A_301 = arith.select %and3A_298, %sub3A_300, %div3A_279 : i32
        %dma_wait3A_302 = arith.constant 0 : i32
        %dma_wait3A_303 = tpu.memref_slice %arg6[%select_n3A_301, %dma_wait3A_302] : memref<409600x128xf32, #tpu.memory_space<hbm>> -> memref<64x128xf32, #tpu.memory_space<hbm>>
        %dma_wait3A_304 = arith.constant 0 : i32
        %dma_wait3A_305 = tpu.memref_slice %arg6[%select_n3A_301, %dma_wait3A_304] : memref<409600x128xf32, #tpu.memory_space<hbm>> -> memref<64x128xf32, #tpu.memory_space<hbm>>
        tpu.wait_dma2 semaphore(%arg17 : memref<!tpu.dma_semaphore, #tpu.memory_space<semaphore_mem>>) src(%arg11 : memref<64x128xf32, #tpu.memory_space<vmem>>) dst(%dma_wait3A_305 : memref<64x128xf32, #tpu.memory_space<hbm>>)
      } else {
      }
      %iota3A_188 = tpu.iota {dimensions = array<i32: 0>} : vector<16xi32>
      %add3A_189 = arith.constant 8 : i32
      %add3A_190 = vector.broadcast %add3A_189 : i32 to vector<16xi32>
      %add3A_191 = arith.addi %iota3A_188, %add3A_190 : vector<16xi32>
      %and3A_192 = arith.constant 15 : i32
      %and3A_193 = vector.broadcast %and3A_192 : i32 to vector<16xi32>
      %and3A_194 = arith.andi %add3A_191, %and3A_193 : vector<16xi32>
      %reshape3A_195 = vector.shape_cast %and3A_194 : vector<16xi32> to vector<16x1xi32>
      %add3A_196 = arith.constant 4 : i32
      %add3A_197 = vector.broadcast %add3A_196 : i32 to vector<16xi32>
      %add3A_198 = arith.addi %iota3A_188, %add3A_197 : vector<16xi32>
      %and3A_199 = arith.constant 15 : i32
      %and3A_200 = vector.broadcast %and3A_199 : i32 to vector<16xi32>
      %and3A_201 = arith.andi %add3A_198, %and3A_200 : vector<16xi32>
      %reshape3A_202 = vector.shape_cast %and3A_201 : vector<16xi32> to vector<16x1xi32>
      %add3A_203 = arith.constant 2 : i32
      %add3A_204 = vector.broadcast %add3A_203 : i32 to vector<16xi32>
      %add3A_205 = arith.addi %iota3A_188, %add3A_204 : vector<16xi32>
      %and3A_206 = arith.constant 15 : i32
      %and3A_207 = vector.broadcast %and3A_206 : i32 to vector<16xi32>
      %and3A_208 = arith.andi %add3A_205, %and3A_207 : vector<16xi32>
      %reshape3A_209 = vector.shape_cast %and3A_208 : vector<16xi32> to vector<16x1xi32>
      %add3A_210 = arith.constant 1 : i32
      %add3A_211 = vector.broadcast %add3A_210 : i32 to vector<16xi32>
      %add3A_212 = arith.addi %iota3A_188, %add3A_211 : vector<16xi32>
      %and3A_213 = arith.constant 15 : i32
      %and3A_214 = vector.broadcast %and3A_213 : i32 to vector<16xi32>
      %and3A_215 = arith.andi %add3A_212, %and3A_214 : vector<16xi32>
      %reshape3A_216 = vector.shape_cast %and3A_215 : vector<16xi32> to vector<16x1xi32>
      %get3A_217 = arith.constant 0 : index
      %get3A_218 = tpu.vector_load %arg12[%get3A_217] {strides = array<i32>} : memref<64xf32, #tpu.memory_space<vmem>>, vector<16xf32>,
      %get3A_219 = arith.constant 0 : index
      %get3A_220 = tpu.vector_load %arg13[%get3A_219] {strides = array<i32>} : memref<64xf32, #tpu.memory_space<vmem>>, vector<16xf32>,
      %get3A_221 = arith.constant 16 : index
      %get3A_222 = tpu.vector_load %arg12[%get3A_221] {strides = array<i32>} : memref<64xf32, #tpu.memory_space<vmem>>, vector<16xf32>,
      %get3A_223 = arith.constant 16 : index
      %get3A_224 = tpu.vector_load %arg13[%get3A_223] {strides = array<i32>} : memref<64xf32, #tpu.memory_space<vmem>>, vector<16xf32>,
      %get3A_225 = arith.constant 32 : index
      %get3A_226 = tpu.vector_load %arg12[%get3A_225] {strides = array<i32>} : memref<64xf32, #tpu.memory_space<vmem>>, vector<16xf32>,
      %get3A_227 = arith.constant 32 : index
      %get3A_228 = tpu.vector_load %arg13[%get3A_227] {strides = array<i32>} : memref<64xf32, #tpu.memory_space<vmem>>, vector<16xf32>,
      %get3A_229 = arith.constant 48 : index
      %get3A_230 = tpu.vector_load %arg12[%get3A_229] {strides = array<i32>} : memref<64xf32, #tpu.memory_space<vmem>>, vector<16xf32>,
      %get3A_231 = arith.constant 48 : index
      %get3A_232 = tpu.vector_load %arg13[%get3A_231] {strides = array<i32>} : memref<64xf32, #tpu.memory_space<vmem>>, vector<16xf32>,
      %scan3A_233 = arith.constant 0 : i32
      %scan3A_234 = arith.constant 8 : i32
      %scan3A_235 = arith.addi %scan3A_233, %scan3A_234 : i32
      %scan3A_236 = arith.constant 1 : i32
      scf.for %scan3A_271 = %scan3A_233 to %scan3A_235 step %scan3A_236  : i32 {
        %mul3A_272 = arith.constant 1 : i32
        %mul3A_273 = arith.muli %scan3A_271, %mul3A_272 : i32
        %add3A_274 = arith.constant 0 : i32
        %add3A_275 = arith.addi %add3A_274, %mul3A_273 : i32
        %mul3A_276 = arith.constant 16 : i32
        %mul3A_277 = arith.muli %add3A_275, %mul3A_276 : i32
        %add3A_278 = arith.constant 0 : i32
        %add3A_279 = arith.addi %mul3A_277, %add3A_278 : i32
        %get3A_280 = arith.index_cast %add3A_279 : i32 to index
        %get3A_281 = arith.constant 0 : index
        %get3A_282 = tpu.vector_load %arg9[%get3A_280, %get3A_281] {strides = array<i32>} : memref<128x64xf32, #tpu.memory_space<vmem>>, vector<16xf32>,
        %get3A_283 = arith.index_cast %add3A_279 : i32 to index
        %get3A_284 = arith.constant 16 : index
        %get3A_285 = tpu.vector_load %arg9[%get3A_283, %get3A_284] {strides = array<i32>} : memref<128x64xf32, #tpu.memory_space<vmem>>, vector<16xf32>,
        %get3A_286 = arith.index_cast %add3A_279 : i32 to index
        %get3A_287 = arith.constant 32 : index
        %get3A_288 = tpu.vector_load %arg9[%get3A_286, %get3A_287] {strides = array<i32>} : memref<128x64xf32, #tpu.memory_space<vmem>>, vector<16xf32>,
        %get3A_289 = arith.index_cast %add3A_279 : i32 to index
        %get3A_290 = arith.constant 48 : index
        %get3A_291 = tpu.vector_load %arg9[%get3A_289, %get3A_290] {strides = array<i32>} : memref<128x64xf32, #tpu.memory_space<vmem>>, vector<16xf32>,
        %add3A_292 = arith.addf %get3A_282, %get3A_285 : vector<16xf32>
        %add3A_293 = arith.addf %get3A_288, %get3A_291 : vector<16xf32>
        %add3A_294 = arith.addf %add3A_292, %add3A_293 : vector<16xf32>
        %mul3A_295 = arith.mulf %get3A_282, %get3A_282 : vector<16xf32>
        %mul3A_296 = arith.mulf %get3A_285, %get3A_285 : vector<16xf32>
        %add3A_297 = arith.addf %mul3A_295, %mul3A_296 : vector<16xf32>
        %mul3A_298 = arith.mulf %get3A_288, %get3A_288 : vector<16xf32>
        %mul3A_299 = arith.mulf %get3A_291, %get3A_291 : vector<16xf32>
        %add3A_300 = arith.addf %mul3A_298, %mul3A_299 : vector<16xf32>
        %add3A_301 = arith.addf %add3A_297, %add3A_300 : vector<16xf32>
        %gather3A = vector.shape_cast %reshape3A_195 : vector<16x1xi32> to vector<16xi32>
        %gather3A_302 = tpu.dynamic_gather %add3A_294[%gather3A] in [0] : vector<16xf32>, vector<16xi32> -> vector<16xf32>
        %add3A_303 = arith.addf %add3A_294, %gather3A_302 : vector<16xf32>
        %gather3A_304 = vector.shape_cast %reshape3A_195 : vector<16x1xi32> to vector<16xi32>
        %gather3A_305 = tpu.dynamic_gather %add3A_301[%gather3A_304] in [0] : vector<16xf32>, vector<16xi32> -> vector<16xf32>
        %add3A_306 = arith.addf %add3A_301, %gather3A_305 : vector<16xf32>
        %gather3A_307 = vector.shape_cast %reshape3A_202 : vector<16x1xi32> to vector<16xi32>
        %gather3A_308 = tpu.dynamic_gather %add3A_303[%gather3A_307] in [0] : vector<16xf32>, vector<16xi32> -> vector<16xf32>
        %add3A_309 = arith.addf %add3A_303, %gather3A_308 : vector<16xf32>
        %gather3A_310 = vector.shape_cast %reshape3A_202 : vector<16x1xi32> to vector<16xi32>
        %gather3A_311 = tpu.dynamic_gather %add3A_306[%gather3A_310] in [0] : vector<16xf32>, vector<16xi32> -> vector<16xf32>
        %add3A_312 = arith.addf %add3A_306, %gather3A_311 : vector<16xf32>
        %gather3A_313 = vector.shape_cast %reshape3A_209 : vector<16x1xi32> to vector<16xi32>
        %gather3A_314 = tpu.dynamic_gather %add3A_309[%gather3A_313] in [0] : vector<16xf32>, vector<16xi32> -> vector<16xf32>
        %add3A_315 = arith.addf %add3A_309, %gather3A_314 : vector<16xf32>
        %gather3A_316 = vector.shape_cast %reshape3A_209 : vector<16x1xi32> to vector<16xi32>
        %gather3A_317 = tpu.dynamic_gather %add3A_312[%gather3A_316] in [0] : vector<16xf32>, vector<16xi32> -> vector<16xf32>
        %add3A_318 = arith.addf %add3A_312, %gather3A_317 : vector<16xf32>
        %gather3A_319 = vector.shape_cast %reshape3A_216 : vector<16x1xi32> to vector<16xi32>
        %gather3A_320 = tpu.dynamic_gather %add3A_315[%gather3A_319] in [0] : vector<16xf32>, vector<16xi32> -> vector<16xf32>
        %add3A_321 = arith.addf %add3A_315, %gather3A_320 : vector<16xf32>
        %gather3A_322 = vector.shape_cast %reshape3A_216 : vector<16x1xi32> to vector<16xi32>
        %gather3A_323 = tpu.dynamic_gather %add3A_318[%gather3A_322] in [0] : vector<16xf32>, vector<16xi32> -> vector<16xf32>
        %add3A_324 = arith.addf %add3A_318, %gather3A_323 : vector<16xf32>
        %mul3A_325 = arith.constant 1.562500e-02 : f32
        %mul3A_326 = vector.broadcast %mul3A_325 : f32 to vector<16xf32>
        %mul3A_327 = arith.mulf %add3A_321, %mul3A_326 : vector<16xf32>
        %mul3A_328 = arith.constant 1.562500e-02 : f32
        %mul3A_329 = vector.broadcast %mul3A_328 : f32 to vector<16xf32>
        %mul3A_330 = arith.mulf %add3A_324, %mul3A_329 : vector<16xf32>
        %mul3A_331 = arith.mulf %mul3A_327, %mul3A_327 : vector<16xf32>
        %sub3A_332 = arith.subf %mul3A_330, %mul3A_331 : vector<16xf32>
        %add3A_333 = arith.constant 9.99999974E-6 : f32
        %add3A_334 = vector.broadcast %add3A_333 : f32 to vector<16xf32>
        %add3A_335 = arith.addf %sub3A_332, %add3A_334 : vector<16xf32>
        %bitcast3A = vector.bitcast %add3A_335 : vector<16xf32> to vector<16xi32>
        %shift_right_arithmetic3A = arith.constant 1 : i32
        %shift_right_arithmetic3A_336 = vector.broadcast %shift_right_arithmetic3A : i32 to vector<16xi32>
        %shift_right_arithmetic3A_337 = arith.shrsi %bitcast3A, %shift_right_arithmetic3A_336 : vector<16xi32>
        %sub3A_338 = arith.constant 1597463007 : i32
        %sub3A_339 = vector.broadcast %sub3A_338 : i32 to vector<16xi32>
        %sub3A_340 = arith.subi %sub3A_339, %shift_right_arithmetic3A_337 : vector<16xi32>
        %bitcast3A_341 = vector.bitcast %sub3A_340 : vector<16xi32> to vector<16xf32>
        %mul3A_342 = arith.constant 5.000000e-01 : f32
        %mul3A_343 = vector.broadcast %mul3A_342 : f32 to vector<16xf32>
        %mul3A_344 = arith.mulf %mul3A_343, %add3A_335 : vector<16xf32>
        %mul3A_345 = arith.mulf %mul3A_344, %bitcast3A_341 : vector<16xf32>
        %mul3A_346 = arith.mulf %mul3A_345, %bitcast3A_341 : vector<16xf32>
        %sub3A_347 = arith.constant 1.500000e+00 : f32
        %sub3A_348 = vector.broadcast %sub3A_347 : f32 to vector<16xf32>
        %sub3A_349 = arith.subf %sub3A_348, %mul3A_346 : vector<16xf32>
        %mul3A_350 = arith.mulf %bitcast3A_341, %sub3A_349 : vector<16xf32>
        %mul3A_351 = arith.constant 5.000000e-01 : f32
        %mul3A_352 = vector.broadcast %mul3A_351 : f32 to vector<16xf32>
        %mul3A_353 = arith.mulf %mul3A_352, %add3A_335 : vector<16xf32>
        %mul3A_354 = arith.mulf %mul3A_353, %mul3A_350 : vector<16xf32>
        %mul3A_355 = arith.mulf %mul3A_354, %mul3A_350 : vector<16xf32>
        %sub3A_356 = arith.constant 1.500000e+00 : f32
        %sub3A_357 = vector.broadcast %sub3A_356 : f32 to vector<16xf32>
        %sub3A_358 = arith.subf %sub3A_357, %mul3A_355 : vector<16xf32>
        %mul3A_359 = arith.mulf %mul3A_350, %sub3A_358 : vector<16xf32>
        %mul3A_360 = arith.constant 8 : i32
        %mul3A_361 = arith.muli %add3A_275, %mul3A_360 : i32
        %add3A_362 = arith.constant 0 : i32
        %add3A_363 = arith.addi %mul3A_361, %add3A_362 : i32
        %sub3A_364 = arith.subf %get3A_282, %mul3A_327 : vector<16xf32>
        %mul3A_365 = arith.mulf %sub3A_364, %mul3A_359 : vector<16xf32>
        %mul3A_366 = arith.mulf %mul3A_365, %get3A_218 : vector<16xf32>
        %add3A_367 = arith.addf %mul3A_366, %get3A_220 : vector<16xf32>
        %swap3A = arith.index_cast %add3A_363 : i32 to index
        %swap3A_368 = arith.constant 0 : index
        %swap3A_369 = tpu.vector_load %arg11[%swap3A, %swap3A_368] {strides = array<i32>} : memref<64x128xf32, #tpu.memory_space<vmem>>, vector<16xf32>,
        tpu.vector_store %arg11[%swap3A, %swap3A_368], %add3A_367 {strides = array<i32>} : memref<64x128xf32, #tpu.memory_space<vmem>>, vector<16xf32>,
        %sub3A_370 = arith.subf %get3A_285, %mul3A_327 : vector<16xf32>
        %mul3A_371 = arith.mulf %sub3A_370, %mul3A_359 : vector<16xf32>
        %mul3A_372 = arith.mulf %mul3A_371, %get3A_222 : vector<16xf32>
        %add3A_373 = arith.addf %mul3A_372, %get3A_224 : vector<16xf32>
        %swap3A_374 = arith.index_cast %add3A_363 : i32 to index
        %swap3A_375 = arith.constant 16 : index
        %swap3A_376 = tpu.vector_load %arg11[%swap3A_374, %swap3A_375] {strides = array<i32>} : memref<64x128xf32, #tpu.memory_space<vmem>>, vector<16xf32>,
        tpu.vector_store %arg11[%swap3A_374, %swap3A_375], %add3A_373 {strides = array<i32>} : memref<64x128xf32, #tpu.memory_space<vmem>>, vector<16xf32>,
        %sub3A_377 = arith.subf %get3A_288, %mul3A_327 : vector<16xf32>
        %mul3A_378 = arith.mulf %sub3A_377, %mul3A_359 : vector<16xf32>
        %mul3A_379 = arith.mulf %mul3A_378, %get3A_226 : vector<16xf32>
        %add3A_380 = arith.addf %mul3A_379, %get3A_228 : vector<16xf32>
        %swap3A_381 = arith.index_cast %add3A_363 : i32 to index
        %swap3A_382 = arith.constant 32 : index
        %swap3A_383 = tpu.vector_load %arg11[%swap3A_381, %swap3A_382] {strides = array<i32>} : memref<64x128xf32, #tpu.memory_space<vmem>>, vector<16xf32>,
        tpu.vector_store %arg11[%swap3A_381, %swap3A_382], %add3A_380 {strides = array<i32>} : memref<64x128xf32, #tpu.memory_space<vmem>>, vector<16xf32>,
        %sub3A_384 = arith.subf %get3A_291, %mul3A_327 : vector<16xf32>
        %mul3A_385 = arith.mulf %sub3A_384, %mul3A_359 : vector<16xf32>
        %mul3A_386 = arith.mulf %mul3A_385, %get3A_230 : vector<16xf32>
        %add3A_387 = arith.addf %mul3A_386, %get3A_232 : vector<16xf32>
        %swap3A_388 = arith.index_cast %add3A_363 : i32 to index
        %swap3A_389 = arith.constant 48 : index
        %swap3A_390 = tpu.vector_load %arg11[%swap3A_388, %swap3A_389] {strides = array<i32>} : memref<64x128xf32, #tpu.memory_space<vmem>>, vector<16xf32>,
        tpu.vector_store %arg11[%swap3A_388, %swap3A_389], %add3A_387 {strides = array<i32>} : memref<64x128xf32, #tpu.memory_space<vmem>>, vector<16xf32>,
        %mul3A_391 = arith.constant 16 : i32
        %mul3A_392 = arith.muli %add3A_275, %mul3A_391 : i32
        %add3A_393 = arith.constant 1 : i32
        %add3A_394 = arith.addi %mul3A_392, %add3A_393 : i32
        %get3A_395 = arith.index_cast %add3A_394 : i32 to index
        %get3A_396 = arith.constant 0 : index
        %get3A_397 = tpu.vector_load %arg9[%get3A_395, %get3A_396] {strides = array<i32>} : memref<128x64xf32, #tpu.memory_space<vmem>>, vector<16xf32>,
        %get3A_398 = arith.index_cast %add3A_394 : i32 to index
        %get3A_399 = arith.constant 16 : index
        %get3A_400 = tpu.vector_load %arg9[%get3A_398, %get3A_399] {strides = array<i32>} : memref<128x64xf32, #tpu.memory_space<vmem>>, vector<16xf32>,
        %get3A_401 = arith.index_cast %add3A_394 : i32 to index
        %get3A_402 = arith.constant 32 : index
        %get3A_403 = tpu.vector_load %arg9[%get3A_401, %get3A_402] {strides = array<i32>} : memref<128x64xf32, #tpu.memory_space<vmem>>, vector<16xf32>,
        %get3A_404 = arith.index_cast %add3A_394 : i32 to index
        %get3A_405 = arith.constant 48 : index
        %get3A_406 = tpu.vector_load %arg9[%get3A_404, %get3A_405] {strides = array<i32>} : memref<128x64xf32, #tpu.memory_space<vmem>>, vector<16xf32>,
        %add3A_407 = arith.addf %get3A_397, %get3A_400 : vector<16xf32>
        %add3A_408 = arith.addf %get3A_403, %get3A_406 : vector<16xf32>
        %add3A_409 = arith.addf %add3A_407, %add3A_408 : vector<16xf32>
        %mul3A_410 = arith.mulf %get3A_397, %get3A_397 : vector<16xf32>
        %mul3A_411 = arith.mulf %get3A_400, %get3A_400 : vector<16xf32>
        %add3A_412 = arith.addf %mul3A_410, %mul3A_411 : vector<16xf32>
        %mul3A_413 = arith.mulf %get3A_403, %get3A_403 : vector<16xf32>
        %mul3A_414 = arith.mulf %get3A_406, %get3A_406 : vector<16xf32>
        %add3A_415 = arith.addf %mul3A_413, %mul3A_414 : vector<16xf32>
        %add3A_416 = arith.addf %add3A_412, %add3A_415 : vector<16xf32>
        %gather3A_417 = vector.shape_cast %reshape3A_195 : vector<16x1xi32> to vector<16xi32>
        %gather3A_418 = tpu.dynamic_gather %add3A_409[%gather3A_417] in [0] : vector<16xf32>, vector<16xi32> -> vector<16xf32>
        %add3A_419 = arith.addf %add3A_409, %gather3A_418 : vector<16xf32>
        %gather3A_420 = vector.shape_cast %reshape3A_195 : vector<16x1xi32> to vector<16xi32>
        %gather3A_421 = tpu.dynamic_gather %add3A_416[%gather3A_420] in [0] : vector<16xf32>, vector<16xi32> -> vector<16xf32>
        %add3A_422 = arith.addf %add3A_416, %gather3A_421 : vector<16xf32>
        %gather3A_423 = vector.shape_cast %reshape3A_202 : vector<16x1xi32> to vector<16xi32>
        %gather3A_424 = tpu.dynamic_gather %add3A_419[%gather3A_423] in [0] : vector<16xf32>, vector<16xi32> -> vector<16xf32>
        %add3A_425 = arith.addf %add3A_419, %gather3A_424 : vector<16xf32>
        %gather3A_426 = vector.shape_cast %reshape3A_202 : vector<16x1xi32> to vector<16xi32>
        %gather3A_427 = tpu.dynamic_gather %add3A_422[%gather3A_426] in [0] : vector<16xf32>, vector<16xi32> -> vector<16xf32>
        %add3A_428 = arith.addf %add3A_422, %gather3A_427 : vector<16xf32>
        %gather3A_429 = vector.shape_cast %reshape3A_209 : vector<16x1xi32> to vector<16xi32>
        %gather3A_430 = tpu.dynamic_gather %add3A_425[%gather3A_429] in [0] : vector<16xf32>, vector<16xi32> -> vector<16xf32>
        %add3A_431 = arith.addf %add3A_425, %gather3A_430 : vector<16xf32>
        %gather3A_432 = vector.shape_cast %reshape3A_209 : vector<16x1xi32> to vector<16xi32>
        %gather3A_433 = tpu.dynamic_gather %add3A_428[%gather3A_432] in [0] : vector<16xf32>, vector<16xi32> -> vector<16xf32>
        %add3A_434 = arith.addf %add3A_428, %gather3A_433 : vector<16xf32>
        %gather3A_435 = vector.shape_cast %reshape3A_216 : vector<16x1xi32> to vector<16xi32>
        %gather3A_436 = tpu.dynamic_gather %add3A_431[%gather3A_435] in [0] : vector<16xf32>, vector<16xi32> -> vector<16xf32>
        %add3A_437 = arith.addf %add3A_431, %gather3A_436 : vector<16xf32>
        %gather3A_438 = vector.shape_cast %reshape3A_216 : vector<16x1xi32> to vector<16xi32>
        %gather3A_439 = tpu.dynamic_gather %add3A_434[%gather3A_438] in [0] : vector<16xf32>, vector<16xi32> -> vector<16xf32>
        %add3A_440 = arith.addf %add3A_434, %gather3A_439 : vector<16xf32>
        %mul3A_441 = arith.constant 1.562500e-02 : f32
        %mul3A_442 = vector.broadcast %mul3A_441 : f32 to vector<16xf32>
        %mul3A_443 = arith.mulf %add3A_437, %mul3A_442 : vector<16xf32>
        %mul3A_444 = arith.constant 1.562500e-02 : f32
        %mul3A_445 = vector.broadcast %mul3A_444 : f32 to vector<16xf32>
        %mul3A_446 = arith.mulf %add3A_440, %mul3A_445 : vector<16xf32>
        %mul3A_447 = arith.mulf %mul3A_443, %mul3A_443 : vector<16xf32>
        %sub3A_448 = arith.subf %mul3A_446, %mul3A_447 : vector<16xf32>
        %add3A_449 = arith.constant 9.99999974E-6 : f32
        %add3A_450 = vector.broadcast %add3A_449 : f32 to vector<16xf32>
        %add3A_451 = arith.addf %sub3A_448, %add3A_450 : vector<16xf32>
        %bitcast3A_452 = vector.bitcast %add3A_451 : vector<16xf32> to vector<16xi32>
        %shift_right_arithmetic3A_453 = arith.constant 1 : i32
        %shift_right_arithmetic3A_454 = vector.broadcast %shift_right_arithmetic3A_453 : i32 to vector<16xi32>
        %shift_right_arithmetic3A_455 = arith.shrsi %bitcast3A_452, %shift_right_arithmetic3A_454 : vector<16xi32>
        %sub3A_456 = arith.constant 1597463007 : i32
        %sub3A_457 = vector.broadcast %sub3A_456 : i32 to vector<16xi32>
        %sub3A_458 = arith.subi %sub3A_457, %shift_right_arithmetic3A_455 : vector<16xi32>
        %bitcast3A_459 = vector.bitcast %sub3A_458 : vector<16xi32> to vector<16xf32>
        %mul3A_460 = arith.constant 5.000000e-01 : f32
        %mul3A_461 = vector.broadcast %mul3A_460 : f32 to vector<16xf32>
        %mul3A_462 = arith.mulf %mul3A_461, %add3A_451 : vector<16xf32>
        %mul3A_463 = arith.mulf %mul3A_462, %bitcast3A_459 : vector<16xf32>
        %mul3A_464 = arith.mulf %mul3A_463, %bitcast3A_459 : vector<16xf32>
        %sub3A_465 = arith.constant 1.500000e+00 : f32
        %sub3A_466 = vector.broadcast %sub3A_465 : f32 to vector<16xf32>
        %sub3A_467 = arith.subf %sub3A_466, %mul3A_464 : vector<16xf32>
        %mul3A_468 = arith.mulf %bitcast3A_459, %sub3A_467 : vector<16xf32>
        %mul3A_469 = arith.constant 5.000000e-01 : f32
        %mul3A_470 = vector.broadcast %mul3A_469 : f32 to vector<16xf32>
        %mul3A_471 = arith.mulf %mul3A_470, %add3A_451 : vector<16xf32>
        %mul3A_472 = arith.mulf %mul3A_471, %mul3A_468 : vector<16xf32>
        %mul3A_473 = arith.mulf %mul3A_472, %mul3A_468 : vector<16xf32>
        %sub3A_474 = arith.constant 1.500000e+00 : f32
        %sub3A_475 = vector.broadcast %sub3A_474 : f32 to vector<16xf32>
        %sub3A_476 = arith.subf %sub3A_475, %mul3A_473 : vector<16xf32>
        %mul3A_477 = arith.mulf %mul3A_468, %sub3A_476 : vector<16xf32>
        %mul3A_478 = arith.constant 8 : i32
        %mul3A_479 = arith.muli %add3A_275, %mul3A_478 : i32
        %add3A_480 = arith.constant 0 : i32
        %add3A_481 = arith.addi %mul3A_479, %add3A_480 : i32
        %sub3A_482 = arith.subf %get3A_397, %mul3A_443 : vector<16xf32>
        %mul3A_483 = arith.mulf %sub3A_482, %mul3A_477 : vector<16xf32>
        %mul3A_484 = arith.mulf %mul3A_483, %get3A_218 : vector<16xf32>
        %add3A_485 = arith.addf %mul3A_484, %get3A_220 : vector<16xf32>
        %swap3A_486 = arith.index_cast %add3A_481 : i32 to index
        %swap3A_487 = arith.constant 64 : index
        %swap3A_488 = tpu.vector_load %arg11[%swap3A_486, %swap3A_487] {strides = array<i32>} : memref<64x128xf32, #tpu.memory_space<vmem>>, vector<16xf32>,
        tpu.vector_store %arg11[%swap3A_486, %swap3A_487], %add3A_485 {strides = array<i32>} : memref<64x128xf32, #tpu.memory_space<vmem>>, vector<16xf32>,
        %sub3A_489 = arith.subf %get3A_400, %mul3A_443 : vector<16xf32>
        %mul3A_490 = arith.mulf %sub3A_489, %mul3A_477 : vector<16xf32>
        %mul3A_491 = arith.mulf %mul3A_490, %get3A_222 : vector<16xf32>
        %add3A_492 = arith.addf %mul3A_491, %get3A_224 : vector<16xf32>
        %swap3A_493 = arith.index_cast %add3A_481 : i32 to index
        %swap3A_494 = arith.constant 80 : index
        %swap3A_495 = tpu.vector_load %arg11[%swap3A_493, %swap3A_494] {strides = array<i32>} : memref<64x128xf32, #tpu.memory_space<vmem>>, vector<16xf32>,
        tpu.vector_store %arg11[%swap3A_493, %swap3A_494], %add3A_492 {strides = array<i32>} : memref<64x128xf32, #tpu.memory_space<vmem>>, vector<16xf32>,
        %sub3A_496 = arith.subf %get3A_403, %mul3A_443 : vector<16xf32>
        %mul3A_497 = arith.mulf %sub3A_496, %mul3A_477 : vector<16xf32>
        %mul3A_498 = arith.mulf %mul3A_497, %get3A_226 : vector<16xf32>
        %add3A_499 = arith.addf %mul3A_498, %get3A_228 : vector<16xf32>
        %swap3A_500 = arith.index_cast %add3A_481 : i32 to index
        %swap3A_501 = arith.constant 96 : index
        %swap3A_502 = tpu.vector_load %arg11[%swap3A_500, %swap3A_501] {strides = array<i32>} : memref<64x128xf32, #tpu.memory_space<vmem>>, vector<16xf32>,
        tpu.vector_store %arg11[%swap3A_500, %swap3A_501], %add3A_499 {strides = array<i32>} : memref<64x128xf32, #tpu.memory_space<vmem>>, vector<16xf32>,
        %sub3A_503 = arith.subf %get3A_406, %mul3A_443 : vector<16xf32>
        %mul3A_504 = arith.mulf %sub3A_503, %mul3A_477 : vector<16xf32>
        %mul3A_505 = arith.mulf %mul3A_504, %get3A_230 : vector<16xf32>
        %add3A_506 = arith.addf %mul3A_505, %get3A_232 : vector<16xf32>
        %swap3A_507 = arith.index_cast %add3A_481 : i32 to index
        %swap3A_508 = arith.constant 112 : index
        %swap3A_509 = tpu.vector_load %arg11[%swap3A_507, %swap3A_508] {strides = array<i32>} : memref<64x128xf32, #tpu.memory_space<vmem>>, vector<16xf32>,
        tpu.vector_store %arg11[%swap3A_507, %swap3A_508], %add3A_506 {strides = array<i32>} : memref<64x128xf32, #tpu.memory_space<vmem>>, vector<16xf32>,
        %mul3A_510 = arith.constant 16 : i32
        %mul3A_511 = arith.muli %add3A_275, %mul3A_510 : i32
        %add3A_512 = arith.constant 2 : i32
        %add3A_513 = arith.addi %mul3A_511, %add3A_512 : i32
        %get3A_514 = arith.index_cast %add3A_513 : i32 to index
        %get3A_515 = arith.constant 0 : index
        %get3A_516 = tpu.vector_load %arg9[%get3A_514, %get3A_515] {strides = array<i32>} : memref<128x64xf32, #tpu.memory_space<vmem>>, vector<16xf32>,
        %get3A_517 = arith.index_cast %add3A_513 : i32 to index
        %get3A_518 = arith.constant 16 : index
        %get3A_519 = tpu.vector_load %arg9[%get3A_517, %get3A_518] {strides = array<i32>} : memref<128x64xf32, #tpu.memory_space<vmem>>, vector<16xf32>,
        %get3A_520 = arith.index_cast %add3A_513 : i32 to index
        %get3A_521 = arith.constant 32 : index
        %get3A_522 = tpu.vector_load %arg9[%get3A_520, %get3A_521] {strides = array<i32>} : memref<128x64xf32, #tpu.memory_space<vmem>>, vector<16xf32>,
        %get3A_523 = arith.index_cast %add3A_513 : i32 to index
        %get3A_524 = arith.constant 48 : index
        %get3A_525 = tpu.vector_load %arg9[%get3A_523, %get3A_524] {strides = array<i32>} : memref<128x64xf32, #tpu.memory_space<vmem>>, vector<16xf32>,
        %add3A_526 = arith.addf %get3A_516, %get3A_519 : vector<16xf32>
        %add3A_527 = arith.addf %get3A_522, %get3A_525 : vector<16xf32>
        %add3A_528 = arith.addf %add3A_526, %add3A_527 : vector<16xf32>
        %mul3A_529 = arith.mulf %get3A_516, %get3A_516 : vector<16xf32>
        %mul3A_530 = arith.mulf %get3A_519, %get3A_519 : vector<16xf32>
        %add3A_531 = arith.addf %mul3A_529, %mul3A_530 : vector<16xf32>
        %mul3A_532 = arith.mulf %get3A_522, %get3A_522 : vector<16xf32>
        %mul3A_533 = arith.mulf %get3A_525, %get3A_525 : vector<16xf32>
        %add3A_534 = arith.addf %mul3A_532, %mul3A_533 : vector<16xf32>
        %add3A_535 = arith.addf %add3A_531, %add3A_534 : vector<16xf32>
        %gather3A_536 = vector.shape_cast %reshape3A_195 : vector<16x1xi32> to vector<16xi32>
        %gather3A_537 = tpu.dynamic_gather %add3A_528[%gather3A_536] in [0] : vector<16xf32>, vector<16xi32> -> vector<16xf32>
        %add3A_538 = arith.addf %add3A_528, %gather3A_537 : vector<16xf32>
        %gather3A_539 = vector.shape_cast %reshape3A_195 : vector<16x1xi32> to vector<16xi32>
        %gather3A_540 = tpu.dynamic_gather %add3A_535[%gather3A_539] in [0] : vector<16xf32>, vector<16xi32> -> vector<16xf32>
        %add3A_541 = arith.addf %add3A_535, %gather3A_540 : vector<16xf32>
        %gather3A_542 = vector.shape_cast %reshape3A_202 : vector<16x1xi32> to vector<16xi32>
        %gather3A_543 = tpu.dynamic_gather %add3A_538[%gather3A_542] in [0] : vector<16xf32>, vector<16xi32> -> vector<16xf32>
        %add3A_544 = arith.addf %add3A_538, %gather3A_543 : vector<16xf32>
        %gather3A_545 = vector.shape_cast %reshape3A_202 : vector<16x1xi32> to vector<16xi32>
        %gather3A_546 = tpu.dynamic_gather %add3A_541[%gather3A_545] in [0] : vector<16xf32>, vector<16xi32> -> vector<16xf32>
        %add3A_547 = arith.addf %add3A_541, %gather3A_546 : vector<16xf32>
        %gather3A_548 = vector.shape_cast %reshape3A_209 : vector<16x1xi32> to vector<16xi32>
        %gather3A_549 = tpu.dynamic_gather %add3A_544[%gather3A_548] in [0] : vector<16xf32>, vector<16xi32> -> vector<16xf32>
        %add3A_550 = arith.addf %add3A_544, %gather3A_549 : vector<16xf32>
        %gather3A_551 = vector.shape_cast %reshape3A_209 : vector<16x1xi32> to vector<16xi32>
        %gather3A_552 = tpu.dynamic_gather %add3A_547[%gather3A_551] in [0] : vector<16xf32>, vector<16xi32> -> vector<16xf32>
        %add3A_553 = arith.addf %add3A_547, %gather3A_552 : vector<16xf32>
        %gather3A_554 = vector.shape_cast %reshape3A_216 : vector<16x1xi32> to vector<16xi32>
        %gather3A_555 = tpu.dynamic_gather %add3A_550[%gather3A_554] in [0] : vector<16xf32>, vector<16xi32> -> vector<16xf32>
        %add3A_556 = arith.addf %add3A_550, %gather3A_555 : vector<16xf32>
        %gather3A_557 = vector.shape_cast %reshape3A_216 : vector<16x1xi32> to vector<16xi32>
        %gather3A_558 = tpu.dynamic_gather %add3A_553[%gather3A_557] in [0] : vector<16xf32>, vector<16xi32> -> vector<16xf32>
        %add3A_559 = arith.addf %add3A_553, %gather3A_558 : vector<16xf32>
        %mul3A_560 = arith.constant 1.562500e-02 : f32
        %mul3A_561 = vector.broadcast %mul3A_560 : f32 to vector<16xf32>
        %mul3A_562 = arith.mulf %add3A_556, %mul3A_561 : vector<16xf32>
        %mul3A_563 = arith.constant 1.562500e-02 : f32
        %mul3A_564 = vector.broadcast %mul3A_563 : f32 to vector<16xf32>
        %mul3A_565 = arith.mulf %add3A_559, %mul3A_564 : vector<16xf32>
        %mul3A_566 = arith.mulf %mul3A_562, %mul3A_562 : vector<16xf32>
        %sub3A_567 = arith.subf %mul3A_565, %mul3A_566 : vector<16xf32>
        %add3A_568 = arith.constant 9.99999974E-6 : f32
        %add3A_569 = vector.broadcast %add3A_568 : f32 to vector<16xf32>
        %add3A_570 = arith.addf %sub3A_567, %add3A_569 : vector<16xf32>
        %bitcast3A_571 = vector.bitcast %add3A_570 : vector<16xf32> to vector<16xi32>
        %shift_right_arithmetic3A_572 = arith.constant 1 : i32
        %shift_right_arithmetic3A_573 = vector.broadcast %shift_right_arithmetic3A_572 : i32 to vector<16xi32>
        %shift_right_arithmetic3A_574 = arith.shrsi %bitcast3A_571, %shift_right_arithmetic3A_573 : vector<16xi32>
        %sub3A_575 = arith.constant 1597463007 : i32
        %sub3A_576 = vector.broadcast %sub3A_575 : i32 to vector<16xi32>
        %sub3A_577 = arith.subi %sub3A_576, %shift_right_arithmetic3A_574 : vector<16xi32>
        %bitcast3A_578 = vector.bitcast %sub3A_577 : vector<16xi32> to vector<16xf32>
        %mul3A_579 = arith.constant 5.000000e-01 : f32
        %mul3A_580 = vector.broadcast %mul3A_579 : f32 to vector<16xf32>
        %mul3A_581 = arith.mulf %mul3A_580, %add3A_570 : vector<16xf32>
        %mul3A_582 = arith.mulf %mul3A_581, %bitcast3A_578 : vector<16xf32>
        %mul3A_583 = arith.mulf %mul3A_582, %bitcast3A_578 : vector<16xf32>
        %sub3A_584 = arith.constant 1.500000e+00 : f32
        %sub3A_585 = vector.broadcast %sub3A_584 : f32 to vector<16xf32>
        %sub3A_586 = arith.subf %sub3A_585, %mul3A_583 : vector<16xf32>
        %mul3A_587 = arith.mulf %bitcast3A_578, %sub3A_586 : vector<16xf32>
        %mul3A_588 = arith.constant 5.000000e-01 : f32
        %mul3A_589 = vector.broadcast %mul3A_588 : f32 to vector<16xf32>
        %mul3A_590 = arith.mulf %mul3A_589, %add3A_570 : vector<16xf32>
        %mul3A_591 = arith.mulf %mul3A_590, %mul3A_587 : vector<16xf32>
        %mul3A_592 = arith.mulf %mul3A_591, %mul3A_587 : vector<16xf32>
        %sub3A_593 = arith.constant 1.500000e+00 : f32
        %sub3A_594 = vector.broadcast %sub3A_593 : f32 to vector<16xf32>
        %sub3A_595 = arith.subf %sub3A_594, %mul3A_592 : vector<16xf32>
        %mul3A_596 = arith.mulf %mul3A_587, %sub3A_595 : vector<16xf32>
        %mul3A_597 = arith.constant 8 : i32
        %mul3A_598 = arith.muli %add3A_275, %mul3A_597 : i32
        %add3A_599 = arith.constant 1 : i32
        %add3A_600 = arith.addi %mul3A_598, %add3A_599 : i32
        %sub3A_601 = arith.subf %get3A_516, %mul3A_562 : vector<16xf32>
        %mul3A_602 = arith.mulf %sub3A_601, %mul3A_596 : vector<16xf32>
        %mul3A_603 = arith.mulf %mul3A_602, %get3A_218 : vector<16xf32>
        %add3A_604 = arith.addf %mul3A_603, %get3A_220 : vector<16xf32>
        %swap3A_605 = arith.index_cast %add3A_600 : i32 to index
        %swap3A_606 = arith.constant 0 : index
        %swap3A_607 = tpu.vector_load %arg11[%swap3A_605, %swap3A_606] {strides = array<i32>} : memref<64x128xf32, #tpu.memory_space<vmem>>, vector<16xf32>,
        tpu.vector_store %arg11[%swap3A_605, %swap3A_606], %add3A_604 {strides = array<i32>} : memref<64x128xf32, #tpu.memory_space<vmem>>, vector<16xf32>,
        %sub3A_608 = arith.subf %get3A_519, %mul3A_562 : vector<16xf32>
        %mul3A_609 = arith.mulf %sub3A_608, %mul3A_596 : vector<16xf32>
        %mul3A_610 = arith.mulf %mul3A_609, %get3A_222 : vector<16xf32>
        %add3A_611 = arith.addf %mul3A_610, %get3A_224 : vector<16xf32>
        %swap3A_612 = arith.index_cast %add3A_600 : i32 to index
        %swap3A_613 = arith.constant 16 : index
        %swap3A_614 = tpu.vector_load %arg11[%swap3A_612, %swap3A_613] {strides = array<i32>} : memref<64x128xf32, #tpu.memory_space<vmem>>, vector<16xf32>,
        tpu.vector_store %arg11[%swap3A_612, %swap3A_613], %add3A_611 {strides = array<i32>} : memref<64x128xf32, #tpu.memory_space<vmem>>, vector<16xf32>,
        %sub3A_615 = arith.subf %get3A_522, %mul3A_562 : vector<16xf32>
        %mul3A_616 = arith.mulf %sub3A_615, %mul3A_596 : vector<16xf32>
        %mul3A_617 = arith.mulf %mul3A_616, %get3A_226 : vector<16xf32>
        %add3A_618 = arith.addf %mul3A_617, %get3A_228 : vector<16xf32>
        %swap3A_619 = arith.index_cast %add3A_600 : i32 to index
        %swap3A_620 = arith.constant 32 : index
        %swap3A_621 = tpu.vector_load %arg11[%swap3A_619, %swap3A_620] {strides = array<i32>} : memref<64x128xf32, #tpu.memory_space<vmem>>, vector<16xf32>,
        tpu.vector_store %arg11[%swap3A_619, %swap3A_620], %add3A_618 {strides = array<i32>} : memref<64x128xf32, #tpu.memory_space<vmem>>, vector<16xf32>,
        %sub3A_622 = arith.subf %get3A_525, %mul3A_562 : vector<16xf32>
        %mul3A_623 = arith.mulf %sub3A_622, %mul3A_596 : vector<16xf32>
        %mul3A_624 = arith.mulf %mul3A_623, %get3A_230 : vector<16xf32>
        %add3A_625 = arith.addf %mul3A_624, %get3A_232 : vector<16xf32>
        %swap3A_626 = arith.index_cast %add3A_600 : i32 to index
        %swap3A_627 = arith.constant 48 : index
        %swap3A_628 = tpu.vector_load %arg11[%swap3A_626, %swap3A_627] {strides = array<i32>} : memref<64x128xf32, #tpu.memory_space<vmem>>, vector<16xf32>,
        tpu.vector_store %arg11[%swap3A_626, %swap3A_627], %add3A_625 {strides = array<i32>} : memref<64x128xf32, #tpu.memory_space<vmem>>, vector<16xf32>,
        %mul3A_629 = arith.constant 16 : i32
        %mul3A_630 = arith.muli %add3A_275, %mul3A_629 : i32
        %add3A_631 = arith.constant 3 : i32
        %add3A_632 = arith.addi %mul3A_630, %add3A_631 : i32
        %get3A_633 = arith.index_cast %add3A_632 : i32 to index
        %get3A_634 = arith.constant 0 : index
        %get3A_635 = tpu.vector_load %arg9[%get3A_633, %get3A_634] {strides = array<i32>} : memref<128x64xf32, #tpu.memory_space<vmem>>, vector<16xf32>,
        %get3A_636 = arith.index_cast %add3A_632 : i32 to index
        %get3A_637 = arith.constant 16 : index
        %get3A_638 = tpu.vector_load %arg9[%get3A_636, %get3A_637] {strides = array<i32>} : memref<128x64xf32, #tpu.memory_space<vmem>>, vector<16xf32>,
        %get3A_639 = arith.index_cast %add3A_632 : i32 to index
        %get3A_640 = arith.constant 32 : index
        %get3A_641 = tpu.vector_load %arg9[%get3A_639, %get3A_640] {strides = array<i32>} : memref<128x64xf32, #tpu.memory_space<vmem>>, vector<16xf32>,
        %get3A_642 = arith.index_cast %add3A_632 : i32 to index
        %get3A_643 = arith.constant 48 : index
        %get3A_644 = tpu.vector_load %arg9[%get3A_642, %get3A_643] {strides = array<i32>} : memref<128x64xf32, #tpu.memory_space<vmem>>, vector<16xf32>,
        %add3A_645 = arith.addf %get3A_635, %get3A_638 : vector<16xf32>
        %add3A_646 = arith.addf %get3A_641, %get3A_644 : vector<16xf32>
        %add3A_647 = arith.addf %add3A_645, %add3A_646 : vector<16xf32>
        %mul3A_648 = arith.mulf %get3A_635, %get3A_635 : vector<16xf32>
        %mul3A_649 = arith.mulf %get3A_638, %get3A_638 : vector<16xf32>
        %add3A_650 = arith.addf %mul3A_648, %mul3A_649 : vector<16xf32>
        %mul3A_651 = arith.mulf %get3A_641, %get3A_641 : vector<16xf32>
        %mul3A_652 = arith.mulf %get3A_644, %get3A_644 : vector<16xf32>
        %add3A_653 = arith.addf %mul3A_651, %mul3A_652 : vector<16xf32>
        %add3A_654 = arith.addf %add3A_650, %add3A_653 : vector<16xf32>
        %gather3A_655 = vector.shape_cast %reshape3A_195 : vector<16x1xi32> to vector<16xi32>
        %gather3A_656 = tpu.dynamic_gather %add3A_647[%gather3A_655] in [0] : vector<16xf32>, vector<16xi32> -> vector<16xf32>
        %add3A_657 = arith.addf %add3A_647, %gather3A_656 : vector<16xf32>
        %gather3A_658 = vector.shape_cast %reshape3A_195 : vector<16x1xi32> to vector<16xi32>
        %gather3A_659 = tpu.dynamic_gather %add3A_654[%gather3A_658] in [0] : vector<16xf32>, vector<16xi32> -> vector<16xf32>
        %add3A_660 = arith.addf %add3A_654, %gather3A_659 : vector<16xf32>
        %gather3A_661 = vector.shape_cast %reshape3A_202 : vector<16x1xi32> to vector<16xi32>
        %gather3A_662 = tpu.dynamic_gather %add3A_657[%gather3A_661] in [0] : vector<16xf32>, vector<16xi32> -> vector<16xf32>
        %add3A_663 = arith.addf %add3A_657, %gather3A_662 : vector<16xf32>
        %gather3A_664 = vector.shape_cast %reshape3A_202 : vector<16x1xi32> to vector<16xi32>
        %gather3A_665 = tpu.dynamic_gather %add3A_660[%gather3A_664] in [0] : vector<16xf32>, vector<16xi32> -> vector<16xf32>
        %add3A_666 = arith.addf %add3A_660, %gather3A_665 : vector<16xf32>
        %gather3A_667 = vector.shape_cast %reshape3A_209 : vector<16x1xi32> to vector<16xi32>
        %gather3A_668 = tpu.dynamic_gather %add3A_663[%gather3A_667] in [0] : vector<16xf32>, vector<16xi32> -> vector<16xf32>
        %add3A_669 = arith.addf %add3A_663, %gather3A_668 : vector<16xf32>
        %gather3A_670 = vector.shape_cast %reshape3A_209 : vector<16x1xi32> to vector<16xi32>
        %gather3A_671 = tpu.dynamic_gather %add3A_666[%gather3A_670] in [0] : vector<16xf32>, vector<16xi32> -> vector<16xf32>
        %add3A_672 = arith.addf %add3A_666, %gather3A_671 : vector<16xf32>
        %gather3A_673 = vector.shape_cast %reshape3A_216 : vector<16x1xi32> to vector<16xi32>
        %gather3A_674 = tpu.dynamic_gather %add3A_669[%gather3A_673] in [0] : vector<16xf32>, vector<16xi32> -> vector<16xf32>
        %add3A_675 = arith.addf %add3A_669, %gather3A_674 : vector<16xf32>
        %gather3A_676 = vector.shape_cast %reshape3A_216 : vector<16x1xi32> to vector<16xi32>
        %gather3A_677 = tpu.dynamic_gather %add3A_672[%gather3A_676] in [0] : vector<16xf32>, vector<16xi32> -> vector<16xf32>
        %add3A_678 = arith.addf %add3A_672, %gather3A_677 : vector<16xf32>
        %mul3A_679 = arith.constant 1.562500e-02 : f32
        %mul3A_680 = vector.broadcast %mul3A_679 : f32 to vector<16xf32>
        %mul3A_681 = arith.mulf %add3A_675, %mul3A_680 : vector<16xf32>
        %mul3A_682 = arith.constant 1.562500e-02 : f32
        %mul3A_683 = vector.broadcast %mul3A_682 : f32 to vector<16xf32>
        %mul3A_684 = arith.mulf %add3A_678, %mul3A_683 : vector<16xf32>
        %mul3A_685 = arith.mulf %mul3A_681, %mul3A_681 : vector<16xf32>
        %sub3A_686 = arith.subf %mul3A_684, %mul3A_685 : vector<16xf32>
        %add3A_687 = arith.constant 9.99999974E-6 : f32
        %add3A_688 = vector.broadcast %add3A_687 : f32 to vector<16xf32>
        %add3A_689 = arith.addf %sub3A_686, %add3A_688 : vector<16xf32>
        %bitcast3A_690 = vector.bitcast %add3A_689 : vector<16xf32> to vector<16xi32>
        %shift_right_arithmetic3A_691 = arith.constant 1 : i32
        %shift_right_arithmetic3A_692 = vector.broadcast %shift_right_arithmetic3A_691 : i32 to vector<16xi32>
        %shift_right_arithmetic3A_693 = arith.shrsi %bitcast3A_690, %shift_right_arithmetic3A_692 : vector<16xi32>
        %sub3A_694 = arith.constant 1597463007 : i32
        %sub3A_695 = vector.broadcast %sub3A_694 : i32 to vector<16xi32>
        %sub3A_696 = arith.subi %sub3A_695, %shift_right_arithmetic3A_693 : vector<16xi32>
        %bitcast3A_697 = vector.bitcast %sub3A_696 : vector<16xi32> to vector<16xf32>
        %mul3A_698 = arith.constant 5.000000e-01 : f32
        %mul3A_699 = vector.broadcast %mul3A_698 : f32 to vector<16xf32>
        %mul3A_700 = arith.mulf %mul3A_699, %add3A_689 : vector<16xf32>
        %mul3A_701 = arith.mulf %mul3A_700, %bitcast3A_697 : vector<16xf32>
        %mul3A_702 = arith.mulf %mul3A_701, %bitcast3A_697 : vector<16xf32>
        %sub3A_703 = arith.constant 1.500000e+00 : f32
        %sub3A_704 = vector.broadcast %sub3A_703 : f32 to vector<16xf32>
        %sub3A_705 = arith.subf %sub3A_704, %mul3A_702 : vector<16xf32>
        %mul3A_706 = arith.mulf %bitcast3A_697, %sub3A_705 : vector<16xf32>
        %mul3A_707 = arith.constant 5.000000e-01 : f32
        %mul3A_708 = vector.broadcast %mul3A_707 : f32 to vector<16xf32>
        %mul3A_709 = arith.mulf %mul3A_708, %add3A_689 : vector<16xf32>
        %mul3A_710 = arith.mulf %mul3A_709, %mul3A_706 : vector<16xf32>
        %mul3A_711 = arith.mulf %mul3A_710, %mul3A_706 : vector<16xf32>
        %sub3A_712 = arith.constant 1.500000e+00 : f32
        %sub3A_713 = vector.broadcast %sub3A_712 : f32 to vector<16xf32>
        %sub3A_714 = arith.subf %sub3A_713, %mul3A_711 : vector<16xf32>
        %mul3A_715 = arith.mulf %mul3A_706, %sub3A_714 : vector<16xf32>
        %mul3A_716 = arith.constant 8 : i32
        %mul3A_717 = arith.muli %add3A_275, %mul3A_716 : i32
        %add3A_718 = arith.constant 1 : i32
        %add3A_719 = arith.addi %mul3A_717, %add3A_718 : i32
        %sub3A_720 = arith.subf %get3A_635, %mul3A_681 : vector<16xf32>
        %mul3A_721 = arith.mulf %sub3A_720, %mul3A_715 : vector<16xf32>
        %mul3A_722 = arith.mulf %mul3A_721, %get3A_218 : vector<16xf32>
        %add3A_723 = arith.addf %mul3A_722, %get3A_220 : vector<16xf32>
        %swap3A_724 = arith.index_cast %add3A_719 : i32 to index
        %swap3A_725 = arith.constant 64 : index
        %swap3A_726 = tpu.vector_load %arg11[%swap3A_724, %swap3A_725] {strides = array<i32>} : memref<64x128xf32, #tpu.memory_space<vmem>>, vector<16xf32>,
        tpu.vector_store %arg11[%swap3A_724, %swap3A_725], %add3A_723 {strides = array<i32>} : memref<64x128xf32, #tpu.memory_space<vmem>>, vector<16xf32>,
        %sub3A_727 = arith.subf %get3A_638, %mul3A_681 : vector<16xf32>
        %mul3A_728 = arith.mulf %sub3A_727, %mul3A_715 : vector<16xf32>
        %mul3A_729 = arith.mulf %mul3A_728, %get3A_222 : vector<16xf32>
        %add3A_730 = arith.addf %mul3A_729, %get3A_224 : vector<16xf32>
        %swap3A_731 = arith.index_cast %add3A_719 : i32 to index
        %swap3A_732 = arith.constant 80 : index
        %swap3A_733 = tpu.vector_load %arg11[%swap3A_731, %swap3A_732] {strides = array<i32>} : memref<64x128xf32, #tpu.memory_space<vmem>>, vector<16xf32>,
        tpu.vector_store %arg11[%swap3A_731, %swap3A_732], %add3A_730 {strides = array<i32>} : memref<64x128xf32, #tpu.memory_space<vmem>>, vector<16xf32>,
        %sub3A_734 = arith.subf %get3A_641, %mul3A_681 : vector<16xf32>
        %mul3A_735 = arith.mulf %sub3A_734, %mul3A_715 : vector<16xf32>
        %mul3A_736 = arith.mulf %mul3A_735, %get3A_226 : vector<16xf32>
        %add3A_737 = arith.addf %mul3A_736, %get3A_228 : vector<16xf32>
        %swap3A_738 = arith.index_cast %add3A_719 : i32 to index
        %swap3A_739 = arith.constant 96 : index
        %swap3A_740 = tpu.vector_load %arg11[%swap3A_738, %swap3A_739] {strides = array<i32>} : memref<64x128xf32, #tpu.memory_space<vmem>>, vector<16xf32>,
        tpu.vector_store %arg11[%swap3A_738, %swap3A_739], %add3A_737 {strides = array<i32>} : memref<64x128xf32, #tpu.memory_space<vmem>>, vector<16xf32>,
        %sub3A_741 = arith.subf %get3A_644, %mul3A_681 : vector<16xf32>
        %mul3A_742 = arith.mulf %sub3A_741, %mul3A_715 : vector<16xf32>
        %mul3A_743 = arith.mulf %mul3A_742, %get3A_230 : vector<16xf32>
        %add3A_744 = arith.addf %mul3A_743, %get3A_232 : vector<16xf32>
        %swap3A_745 = arith.index_cast %add3A_719 : i32 to index
        %swap3A_746 = arith.constant 112 : index
        %swap3A_747 = tpu.vector_load %arg11[%swap3A_745, %swap3A_746] {strides = array<i32>} : memref<64x128xf32, #tpu.memory_space<vmem>>, vector<16xf32>,
        tpu.vector_store %arg11[%swap3A_745, %swap3A_746], %add3A_744 {strides = array<i32>} : memref<64x128xf32, #tpu.memory_space<vmem>>, vector<16xf32>,
        %mul3A_748 = arith.constant 16 : i32
        %mul3A_749 = arith.muli %add3A_275, %mul3A_748 : i32
        %add3A_750 = arith.constant 4 : i32
        %add3A_751 = arith.addi %mul3A_749, %add3A_750 : i32
        %get3A_752 = arith.index_cast %add3A_751 : i32 to index
        %get3A_753 = arith.constant 0 : index
        %get3A_754 = tpu.vector_load %arg9[%get3A_752, %get3A_753] {strides = array<i32>} : memref<128x64xf32, #tpu.memory_space<vmem>>, vector<16xf32>,
        %get3A_755 = arith.index_cast %add3A_751 : i32 to index
        %get3A_756 = arith.constant 16 : index
        %get3A_757 = tpu.vector_load %arg9[%get3A_755, %get3A_756] {strides = array<i32>} : memref<128x64xf32, #tpu.memory_space<vmem>>, vector<16xf32>,
        %get3A_758 = arith.index_cast %add3A_751 : i32 to index
        %get3A_759 = arith.constant 32 : index
        %get3A_760 = tpu.vector_load %arg9[%get3A_758, %get3A_759] {strides = array<i32>} : memref<128x64xf32, #tpu.memory_space<vmem>>, vector<16xf32>,
        %get3A_761 = arith.index_cast %add3A_751 : i32 to index
        %get3A_762 = arith.constant 48 : index
        %get3A_763 = tpu.vector_load %arg9[%get3A_761, %get3A_762] {strides = array<i32>} : memref<128x64xf32, #tpu.memory_space<vmem>>, vector<16xf32>,
        %add3A_764 = arith.addf %get3A_754, %get3A_757 : vector<16xf32>
        %add3A_765 = arith.addf %get3A_760, %get3A_763 : vector<16xf32>
        %add3A_766 = arith.addf %add3A_764, %add3A_765 : vector<16xf32>
        %mul3A_767 = arith.mulf %get3A_754, %get3A_754 : vector<16xf32>
        %mul3A_768 = arith.mulf %get3A_757, %get3A_757 : vector<16xf32>
        %add3A_769 = arith.addf %mul3A_767, %mul3A_768 : vector<16xf32>
        %mul3A_770 = arith.mulf %get3A_760, %get3A_760 : vector<16xf32>
        %mul3A_771 = arith.mulf %get3A_763, %get3A_763 : vector<16xf32>
        %add3A_772 = arith.addf %mul3A_770, %mul3A_771 : vector<16xf32>
        %add3A_773 = arith.addf %add3A_769, %add3A_772 : vector<16xf32>
        %gather3A_774 = vector.shape_cast %reshape3A_195 : vector<16x1xi32> to vector<16xi32>
        %gather3A_775 = tpu.dynamic_gather %add3A_766[%gather3A_774] in [0] : vector<16xf32>, vector<16xi32> -> vector<16xf32>
        %add3A_776 = arith.addf %add3A_766, %gather3A_775 : vector<16xf32>
        %gather3A_777 = vector.shape_cast %reshape3A_195 : vector<16x1xi32> to vector<16xi32>
        %gather3A_778 = tpu.dynamic_gather %add3A_773[%gather3A_777] in [0] : vector<16xf32>, vector<16xi32> -> vector<16xf32>
        %add3A_779 = arith.addf %add3A_773, %gather3A_778 : vector<16xf32>
        %gather3A_780 = vector.shape_cast %reshape3A_202 : vector<16x1xi32> to vector<16xi32>
        %gather3A_781 = tpu.dynamic_gather %add3A_776[%gather3A_780] in [0] : vector<16xf32>, vector<16xi32> -> vector<16xf32>
        %add3A_782 = arith.addf %add3A_776, %gather3A_781 : vector<16xf32>
        %gather3A_783 = vector.shape_cast %reshape3A_202 : vector<16x1xi32> to vector<16xi32>
        %gather3A_784 = tpu.dynamic_gather %add3A_779[%gather3A_783] in [0] : vector<16xf32>, vector<16xi32> -> vector<16xf32>
        %add3A_785 = arith.addf %add3A_779, %gather3A_784 : vector<16xf32>
        %gather3A_786 = vector.shape_cast %reshape3A_209 : vector<16x1xi32> to vector<16xi32>
        %gather3A_787 = tpu.dynamic_gather %add3A_782[%gather3A_786] in [0] : vector<16xf32>, vector<16xi32> -> vector<16xf32>
        %add3A_788 = arith.addf %add3A_782, %gather3A_787 : vector<16xf32>
        %gather3A_789 = vector.shape_cast %reshape3A_209 : vector<16x1xi32> to vector<16xi32>
        %gather3A_790 = tpu.dynamic_gather %add3A_785[%gather3A_789] in [0] : vector<16xf32>, vector<16xi32> -> vector<16xf32>
        %add3A_791 = arith.addf %add3A_785, %gather3A_790 : vector<16xf32>
        %gather3A_792 = vector.shape_cast %reshape3A_216 : vector<16x1xi32> to vector<16xi32>
        %gather3A_793 = tpu.dynamic_gather %add3A_788[%gather3A_792] in [0] : vector<16xf32>, vector<16xi32> -> vector<16xf32>
        %add3A_794 = arith.addf %add3A_788, %gather3A_793 : vector<16xf32>
        %gather3A_795 = vector.shape_cast %reshape3A_216 : vector<16x1xi32> to vector<16xi32>
        %gather3A_796 = tpu.dynamic_gather %add3A_791[%gather3A_795] in [0] : vector<16xf32>, vector<16xi32> -> vector<16xf32>
        %add3A_797 = arith.addf %add3A_791, %gather3A_796 : vector<16xf32>
        %mul3A_798 = arith.constant 1.562500e-02 : f32
        %mul3A_799 = vector.broadcast %mul3A_798 : f32 to vector<16xf32>
        %mul3A_800 = arith.mulf %add3A_794, %mul3A_799 : vector<16xf32>
        %mul3A_801 = arith.constant 1.562500e-02 : f32
        %mul3A_802 = vector.broadcast %mul3A_801 : f32 to vector<16xf32>
        %mul3A_803 = arith.mulf %add3A_797, %mul3A_802 : vector<16xf32>
        %mul3A_804 = arith.mulf %mul3A_800, %mul3A_800 : vector<16xf32>
        %sub3A_805 = arith.subf %mul3A_803, %mul3A_804 : vector<16xf32>
        %add3A_806 = arith.constant 9.99999974E-6 : f32
        %add3A_807 = vector.broadcast %add3A_806 : f32 to vector<16xf32>
        %add3A_808 = arith.addf %sub3A_805, %add3A_807 : vector<16xf32>
        %bitcast3A_809 = vector.bitcast %add3A_808 : vector<16xf32> to vector<16xi32>
        %shift_right_arithmetic3A_810 = arith.constant 1 : i32
        %shift_right_arithmetic3A_811 = vector.broadcast %shift_right_arithmetic3A_810 : i32 to vector<16xi32>
        %shift_right_arithmetic3A_812 = arith.shrsi %bitcast3A_809, %shift_right_arithmetic3A_811 : vector<16xi32>
        %sub3A_813 = arith.constant 1597463007 : i32
        %sub3A_814 = vector.broadcast %sub3A_813 : i32 to vector<16xi32>
        %sub3A_815 = arith.subi %sub3A_814, %shift_right_arithmetic3A_812 : vector<16xi32>
        %bitcast3A_816 = vector.bitcast %sub3A_815 : vector<16xi32> to vector<16xf32>
        %mul3A_817 = arith.constant 5.000000e-01 : f32
        %mul3A_818 = vector.broadcast %mul3A_817 : f32 to vector<16xf32>
        %mul3A_819 = arith.mulf %mul3A_818, %add3A_808 : vector<16xf32>
        %mul3A_820 = arith.mulf %mul3A_819, %bitcast3A_816 : vector<16xf32>
        %mul3A_821 = arith.mulf %mul3A_820, %bitcast3A_816 : vector<16xf32>
        %sub3A_822 = arith.constant 1.500000e+00 : f32
        %sub3A_823 = vector.broadcast %sub3A_822 : f32 to vector<16xf32>
        %sub3A_824 = arith.subf %sub3A_823, %mul3A_821 : vector<16xf32>
        %mul3A_825 = arith.mulf %bitcast3A_816, %sub3A_824 : vector<16xf32>
        %mul3A_826 = arith.constant 5.000000e-01 : f32
        %mul3A_827 = vector.broadcast %mul3A_826 : f32 to vector<16xf32>
        %mul3A_828 = arith.mulf %mul3A_827, %add3A_808 : vector<16xf32>
        %mul3A_829 = arith.mulf %mul3A_828, %mul3A_825 : vector<16xf32>
        %mul3A_830 = arith.mulf %mul3A_829, %mul3A_825 : vector<16xf32>
        %sub3A_831 = arith.constant 1.500000e+00 : f32
        %sub3A_832 = vector.broadcast %sub3A_831 : f32 to vector<16xf32>
        %sub3A_833 = arith.subf %sub3A_832, %mul3A_830 : vector<16xf32>
        %mul3A_834 = arith.mulf %mul3A_825, %sub3A_833 : vector<16xf32>
        %mul3A_835 = arith.constant 8 : i32
        %mul3A_836 = arith.muli %add3A_275, %mul3A_835 : i32
        %add3A_837 = arith.constant 2 : i32
        %add3A_838 = arith.addi %mul3A_836, %add3A_837 : i32
        %sub3A_839 = arith.subf %get3A_754, %mul3A_800 : vector<16xf32>
        %mul3A_840 = arith.mulf %sub3A_839, %mul3A_834 : vector<16xf32>
        %mul3A_841 = arith.mulf %mul3A_840, %get3A_218 : vector<16xf32>
        %add3A_842 = arith.addf %mul3A_841, %get3A_220 : vector<16xf32>
        %swap3A_843 = arith.index_cast %add3A_838 : i32 to index
        %swap3A_844 = arith.constant 0 : index
        %swap3A_845 = tpu.vector_load %arg11[%swap3A_843, %swap3A_844] {strides = array<i32>} : memref<64x128xf32, #tpu.memory_space<vmem>>, vector<16xf32>,
        tpu.vector_store %arg11[%swap3A_843, %swap3A_844], %add3A_842 {strides = array<i32>} : memref<64x128xf32, #tpu.memory_space<vmem>>, vector<16xf32>,
        %sub3A_846 = arith.subf %get3A_757, %mul3A_800 : vector<16xf32>
        %mul3A_847 = arith.mulf %sub3A_846, %mul3A_834 : vector<16xf32>
        %mul3A_848 = arith.mulf %mul3A_847, %get3A_222 : vector<16xf32>
        %add3A_849 = arith.addf %mul3A_848, %get3A_224 : vector<16xf32>
        %swap3A_850 = arith.index_cast %add3A_838 : i32 to index
        %swap3A_851 = arith.constant 16 : index
        %swap3A_852 = tpu.vector_load %arg11[%swap3A_850, %swap3A_851] {strides = array<i32>} : memref<64x128xf32, #tpu.memory_space<vmem>>, vector<16xf32>,
        tpu.vector_store %arg11[%swap3A_850, %swap3A_851], %add3A_849 {strides = array<i32>} : memref<64x128xf32, #tpu.memory_space<vmem>>, vector<16xf32>,
        %sub3A_853 = arith.subf %get3A_760, %mul3A_800 : vector<16xf32>
        %mul3A_854 = arith.mulf %sub3A_853, %mul3A_834 : vector<16xf32>
        %mul3A_855 = arith.mulf %mul3A_854, %get3A_226 : vector<16xf32>
        %add3A_856 = arith.addf %mul3A_855, %get3A_228 : vector<16xf32>
        %swap3A_857 = arith.index_cast %add3A_838 : i32 to index
        %swap3A_858 = arith.constant 32 : index
        %swap3A_859 = tpu.vector_load %arg11[%swap3A_857, %swap3A_858] {strides = array<i32>} : memref<64x128xf32, #tpu.memory_space<vmem>>, vector<16xf32>,
        tpu.vector_store %arg11[%swap3A_857, %swap3A_858], %add3A_856 {strides = array<i32>} : memref<64x128xf32, #tpu.memory_space<vmem>>, vector<16xf32>,
        %sub3A_860 = arith.subf %get3A_763, %mul3A_800 : vector<16xf32>
        %mul3A_861 = arith.mulf %sub3A_860, %mul3A_834 : vector<16xf32>
        %mul3A_862 = arith.mulf %mul3A_861, %get3A_230 : vector<16xf32>
        %add3A_863 = arith.addf %mul3A_862, %get3A_232 : vector<16xf32>
        %swap3A_864 = arith.index_cast %add3A_838 : i32 to index
        %swap3A_865 = arith.constant 48 : index
        %swap3A_866 = tpu.vector_load %arg11[%swap3A_864, %swap3A_865] {strides = array<i32>} : memref<64x128xf32, #tpu.memory_space<vmem>>, vector<16xf32>,
        tpu.vector_store %arg11[%swap3A_864, %swap3A_865], %add3A_863 {strides = array<i32>} : memref<64x128xf32, #tpu.memory_space<vmem>>, vector<16xf32>,
        %mul3A_867 = arith.constant 16 : i32
        %mul3A_868 = arith.muli %add3A_275, %mul3A_867 : i32
        %add3A_869 = arith.constant 5 : i32
        %add3A_870 = arith.addi %mul3A_868, %add3A_869 : i32
        %get3A_871 = arith.index_cast %add3A_870 : i32 to index
        %get3A_872 = arith.constant 0 : index
        %get3A_873 = tpu.vector_load %arg9[%get3A_871, %get3A_872] {strides = array<i32>} : memref<128x64xf32, #tpu.memory_space<vmem>>, vector<16xf32>,
        %get3A_874 = arith.index_cast %add3A_870 : i32 to index
        %get3A_875 = arith.constant 16 : index
        %get3A_876 = tpu.vector_load %arg9[%get3A_874, %get3A_875] {strides = array<i32>} : memref<128x64xf32, #tpu.memory_space<vmem>>, vector<16xf32>,
        %get3A_877 = arith.index_cast %add3A_870 : i32 to index
        %get3A_878 = arith.constant 32 : index
        %get3A_879 = tpu.vector_load %arg9[%get3A_877, %get3A_878] {strides = array<i32>} : memref<128x64xf32, #tpu.memory_space<vmem>>, vector<16xf32>,
        %get3A_880 = arith.index_cast %add3A_870 : i32 to index
        %get3A_881 = arith.constant 48 : index
        %get3A_882 = tpu.vector_load %arg9[%get3A_880, %get3A_881] {strides = array<i32>} : memref<128x64xf32, #tpu.memory_space<vmem>>, vector<16xf32>,
        %add3A_883 = arith.addf %get3A_873, %get3A_876 : vector<16xf32>
        %add3A_884 = arith.addf %get3A_879, %get3A_882 : vector<16xf32>
        %add3A_885 = arith.addf %add3A_883, %add3A_884 : vector<16xf32>
        %mul3A_886 = arith.mulf %get3A_873, %get3A_873 : vector<16xf32>
        %mul3A_887 = arith.mulf %get3A_876, %get3A_876 : vector<16xf32>
        %add3A_888 = arith.addf %mul3A_886, %mul3A_887 : vector<16xf32>
        %mul3A_889 = arith.mulf %get3A_879, %get3A_879 : vector<16xf32>
        %mul3A_890 = arith.mulf %get3A_882, %get3A_882 : vector<16xf32>
        %add3A_891 = arith.addf %mul3A_889, %mul3A_890 : vector<16xf32>
        %add3A_892 = arith.addf %add3A_888, %add3A_891 : vector<16xf32>
        %gather3A_893 = vector.shape_cast %reshape3A_195 : vector<16x1xi32> to vector<16xi32>
        %gather3A_894 = tpu.dynamic_gather %add3A_885[%gather3A_893] in [0] : vector<16xf32>, vector<16xi32> -> vector<16xf32>
        %add3A_895 = arith.addf %add3A_885, %gather3A_894 : vector<16xf32>
        %gather3A_896 = vector.shape_cast %reshape3A_195 : vector<16x1xi32> to vector<16xi32>
        %gather3A_897 = tpu.dynamic_gather %add3A_892[%gather3A_896] in [0] : vector<16xf32>, vector<16xi32> -> vector<16xf32>
        %add3A_898 = arith.addf %add3A_892, %gather3A_897 : vector<16xf32>
        %gather3A_899 = vector.shape_cast %reshape3A_202 : vector<16x1xi32> to vector<16xi32>
        %gather3A_900 = tpu.dynamic_gather %add3A_895[%gather3A_899] in [0] : vector<16xf32>, vector<16xi32> -> vector<16xf32>
        %add3A_901 = arith.addf %add3A_895, %gather3A_900 : vector<16xf32>
        %gather3A_902 = vector.shape_cast %reshape3A_202 : vector<16x1xi32> to vector<16xi32>
        %gather3A_903 = tpu.dynamic_gather %add3A_898[%gather3A_902] in [0] : vector<16xf32>, vector<16xi32> -> vector<16xf32>
        %add3A_904 = arith.addf %add3A_898, %gather3A_903 : vector<16xf32>
        %gather3A_905 = vector.shape_cast %reshape3A_209 : vector<16x1xi32> to vector<16xi32>
        %gather3A_906 = tpu.dynamic_gather %add3A_901[%gather3A_905] in [0] : vector<16xf32>, vector<16xi32> -> vector<16xf32>
        %add3A_907 = arith.addf %add3A_901, %gather3A_906 : vector<16xf32>
        %gather3A_908 = vector.shape_cast %reshape3A_209 : vector<16x1xi32> to vector<16xi32>
        %gather3A_909 = tpu.dynamic_gather %add3A_904[%gather3A_908] in [0] : vector<16xf32>, vector<16xi32> -> vector<16xf32>
        %add3A_910 = arith.addf %add3A_904, %gather3A_909 : vector<16xf32>
        %gather3A_911 = vector.shape_cast %reshape3A_216 : vector<16x1xi32> to vector<16xi32>
        %gather3A_912 = tpu.dynamic_gather %add3A_907[%gather3A_911] in [0] : vector<16xf32>, vector<16xi32> -> vector<16xf32>
        %add3A_913 = arith.addf %add3A_907, %gather3A_912 : vector<16xf32>
        %gather3A_914 = vector.shape_cast %reshape3A_216 : vector<16x1xi32> to vector<16xi32>
        %gather3A_915 = tpu.dynamic_gather %add3A_910[%gather3A_914] in [0] : vector<16xf32>, vector<16xi32> -> vector<16xf32>
        %add3A_916 = arith.addf %add3A_910, %gather3A_915 : vector<16xf32>
        %mul3A_917 = arith.constant 1.562500e-02 : f32
        %mul3A_918 = vector.broadcast %mul3A_917 : f32 to vector<16xf32>
        %mul3A_919 = arith.mulf %add3A_913, %mul3A_918 : vector<16xf32>
        %mul3A_920 = arith.constant 1.562500e-02 : f32
        %mul3A_921 = vector.broadcast %mul3A_920 : f32 to vector<16xf32>
        %mul3A_922 = arith.mulf %add3A_916, %mul3A_921 : vector<16xf32>
        %mul3A_923 = arith.mulf %mul3A_919, %mul3A_919 : vector<16xf32>
        %sub3A_924 = arith.subf %mul3A_922, %mul3A_923 : vector<16xf32>
        %add3A_925 = arith.constant 9.99999974E-6 : f32
        %add3A_926 = vector.broadcast %add3A_925 : f32 to vector<16xf32>
        %add3A_927 = arith.addf %sub3A_924, %add3A_926 : vector<16xf32>
        %bitcast3A_928 = vector.bitcast %add3A_927 : vector<16xf32> to vector<16xi32>
        %shift_right_arithmetic3A_929 = arith.constant 1 : i32
        %shift_right_arithmetic3A_930 = vector.broadcast %shift_right_arithmetic3A_929 : i32 to vector<16xi32>
        %shift_right_arithmetic3A_931 = arith.shrsi %bitcast3A_928, %shift_right_arithmetic3A_930 : vector<16xi32>
        %sub3A_932 = arith.constant 1597463007 : i32
        %sub3A_933 = vector.broadcast %sub3A_932 : i32 to vector<16xi32>
        %sub3A_934 = arith.subi %sub3A_933, %shift_right_arithmetic3A_931 : vector<16xi32>
        %bitcast3A_935 = vector.bitcast %sub3A_934 : vector<16xi32> to vector<16xf32>
        %mul3A_936 = arith.constant 5.000000e-01 : f32
        %mul3A_937 = vector.broadcast %mul3A_936 : f32 to vector<16xf32>
        %mul3A_938 = arith.mulf %mul3A_937, %add3A_927 : vector<16xf32>
        %mul3A_939 = arith.mulf %mul3A_938, %bitcast3A_935 : vector<16xf32>
        %mul3A_940 = arith.mulf %mul3A_939, %bitcast3A_935 : vector<16xf32>
        %sub3A_941 = arith.constant 1.500000e+00 : f32
        %sub3A_942 = vector.broadcast %sub3A_941 : f32 to vector<16xf32>
        %sub3A_943 = arith.subf %sub3A_942, %mul3A_940 : vector<16xf32>
        %mul3A_944 = arith.mulf %bitcast3A_935, %sub3A_943 : vector<16xf32>
        %mul3A_945 = arith.constant 5.000000e-01 : f32
        %mul3A_946 = vector.broadcast %mul3A_945 : f32 to vector<16xf32>
        %mul3A_947 = arith.mulf %mul3A_946, %add3A_927 : vector<16xf32>
        %mul3A_948 = arith.mulf %mul3A_947, %mul3A_944 : vector<16xf32>
        %mul3A_949 = arith.mulf %mul3A_948, %mul3A_944 : vector<16xf32>
        %sub3A_950 = arith.constant 1.500000e+00 : f32
        %sub3A_951 = vector.broadcast %sub3A_950 : f32 to vector<16xf32>
        %sub3A_952 = arith.subf %sub3A_951, %mul3A_949 : vector<16xf32>
        %mul3A_953 = arith.mulf %mul3A_944, %sub3A_952 : vector<16xf32>
        %mul3A_954 = arith.constant 8 : i32
        %mul3A_955 = arith.muli %add3A_275, %mul3A_954 : i32
        %add3A_956 = arith.constant 2 : i32
        %add3A_957 = arith.addi %mul3A_955, %add3A_956 : i32
        %sub3A_958 = arith.subf %get3A_873, %mul3A_919 : vector<16xf32>
        %mul3A_959 = arith.mulf %sub3A_958, %mul3A_953 : vector<16xf32>
        %mul3A_960 = arith.mulf %mul3A_959, %get3A_218 : vector<16xf32>
        %add3A_961 = arith.addf %mul3A_960, %get3A_220 : vector<16xf32>
        %swap3A_962 = arith.index_cast %add3A_957 : i32 to index
        %swap3A_963 = arith.constant 64 : index
        %swap3A_964 = tpu.vector_load %arg11[%swap3A_962, %swap3A_963] {strides = array<i32>} : memref<64x128xf32, #tpu.memory_space<vmem>>, vector<16xf32>,
        tpu.vector_store %arg11[%swap3A_962, %swap3A_963], %add3A_961 {strides = array<i32>} : memref<64x128xf32, #tpu.memory_space<vmem>>, vector<16xf32>,
        %sub3A_965 = arith.subf %get3A_876, %mul3A_919 : vector<16xf32>
        %mul3A_966 = arith.mulf %sub3A_965, %mul3A_953 : vector<16xf32>
        %mul3A_967 = arith.mulf %mul3A_966, %get3A_222 : vector<16xf32>
        %add3A_968 = arith.addf %mul3A_967, %get3A_224 : vector<16xf32>
        %swap3A_969 = arith.index_cast %add3A_957 : i32 to index
        %swap3A_970 = arith.constant 80 : index
        %swap3A_971 = tpu.vector_load %arg11[%swap3A_969, %swap3A_970] {strides = array<i32>} : memref<64x128xf32, #tpu.memory_space<vmem>>, vector<16xf32>,
        tpu.vector_store %arg11[%swap3A_969, %swap3A_970], %add3A_968 {strides = array<i32>} : memref<64x128xf32, #tpu.memory_space<vmem>>, vector<16xf32>,
        %sub3A_972 = arith.subf %get3A_879, %mul3A_919 : vector<16xf32>
        %mul3A_973 = arith.mulf %sub3A_972, %mul3A_953 : vector<16xf32>
        %mul3A_974 = arith.mulf %mul3A_973, %get3A_226 : vector<16xf32>
        %add3A_975 = arith.addf %mul3A_974, %get3A_228 : vector<16xf32>
        %swap3A_976 = arith.index_cast %add3A_957 : i32 to index
        %swap3A_977 = arith.constant 96 : index
        %swap3A_978 = tpu.vector_load %arg11[%swap3A_976, %swap3A_977] {strides = array<i32>} : memref<64x128xf32, #tpu.memory_space<vmem>>, vector<16xf32>,
        tpu.vector_store %arg11[%swap3A_976, %swap3A_977], %add3A_975 {strides = array<i32>} : memref<64x128xf32, #tpu.memory_space<vmem>>, vector<16xf32>,
        %sub3A_979 = arith.subf %get3A_882, %mul3A_919 : vector<16xf32>
        %mul3A_980 = arith.mulf %sub3A_979, %mul3A_953 : vector<16xf32>
        %mul3A_981 = arith.mulf %mul3A_980, %get3A_230 : vector<16xf32>
        %add3A_982 = arith.addf %mul3A_981, %get3A_232 : vector<16xf32>
        %swap3A_983 = arith.index_cast %add3A_957 : i32 to index
        %swap3A_984 = arith.constant 112 : index
        %swap3A_985 = tpu.vector_load %arg11[%swap3A_983, %swap3A_984] {strides = array<i32>} : memref<64x128xf32, #tpu.memory_space<vmem>>, vector<16xf32>,
        tpu.vector_store %arg11[%swap3A_983, %swap3A_984], %add3A_982 {strides = array<i32>} : memref<64x128xf32, #tpu.memory_space<vmem>>, vector<16xf32>,
        %mul3A_986 = arith.constant 16 : i32
        %mul3A_987 = arith.muli %add3A_275, %mul3A_986 : i32
        %add3A_988 = arith.constant 6 : i32
        %add3A_989 = arith.addi %mul3A_987, %add3A_988 : i32
        %get3A_990 = arith.index_cast %add3A_989 : i32 to index
        %get3A_991 = arith.constant 0 : index
        %get3A_992 = tpu.vector_load %arg9[%get3A_990, %get3A_991] {strides = array<i32>} : memref<128x64xf32, #tpu.memory_space<vmem>>, vector<16xf32>,
        %get3A_993 = arith.index_cast %add3A_989 : i32 to index
        %get3A_994 = arith.constant 16 : index
        %get3A_995 = tpu.vector_load %arg9[%get3A_993, %get3A_994] {strides = array<i32>} : memref<128x64xf32, #tpu.memory_space<vmem>>, vector<16xf32>,
        %get3A_996 = arith.index_cast %add3A_989 : i32 to index
        %get3A_997 = arith.constant 32 : index
        %get3A_998 = tpu.vector_load %arg9[%get3A_996, %get3A_997] {strides = array<i32>} : memref<128x64xf32, #tpu.memory_space<vmem>>, vector<16xf32>,
        %get3A_999 = arith.index_cast %add3A_989 : i32 to index
        %get3A_1000 = arith.constant 48 : index
        %get3A_1001 = tpu.vector_load %arg9[%get3A_999, %get3A_1000] {strides = array<i32>} : memref<128x64xf32, #tpu.memory_space<vmem>>, vector<16xf32>,
        %add3A_1002 = arith.addf %get3A_992, %get3A_995 : vector<16xf32>
        %add3A_1003 = arith.addf %get3A_998, %get3A_1001 : vector<16xf32>
        %add3A_1004 = arith.addf %add3A_1002, %add3A_1003 : vector<16xf32>
        %mul3A_1005 = arith.mulf %get3A_992, %get3A_992 : vector<16xf32>
        %mul3A_1006 = arith.mulf %get3A_995, %get3A_995 : vector<16xf32>
        %add3A_1007 = arith.addf %mul3A_1005, %mul3A_1006 : vector<16xf32>
        %mul3A_1008 = arith.mulf %get3A_998, %get3A_998 : vector<16xf32>
        %mul3A_1009 = arith.mulf %get3A_1001, %get3A_1001 : vector<16xf32>
        %add3A_1010 = arith.addf %mul3A_1008, %mul3A_1009 : vector<16xf32>
        %add3A_1011 = arith.addf %add3A_1007, %add3A_1010 : vector<16xf32>
        %gather3A_1012 = vector.shape_cast %reshape3A_195 : vector<16x1xi32> to vector<16xi32>
        %gather3A_1013 = tpu.dynamic_gather %add3A_1004[%gather3A_1012] in [0] : vector<16xf32>, vector<16xi32> -> vector<16xf32>
        %add3A_1014 = arith.addf %add3A_1004, %gather3A_1013 : vector<16xf32>
        %gather3A_1015 = vector.shape_cast %reshape3A_195 : vector<16x1xi32> to vector<16xi32>
        %gather3A_1016 = tpu.dynamic_gather %add3A_1011[%gather3A_1015] in [0] : vector<16xf32>, vector<16xi32> -> vector<16xf32>
        %add3A_1017 = arith.addf %add3A_1011, %gather3A_1016 : vector<16xf32>
        %gather3A_1018 = vector.shape_cast %reshape3A_202 : vector<16x1xi32> to vector<16xi32>
        %gather3A_1019 = tpu.dynamic_gather %add3A_1014[%gather3A_1018] in [0] : vector<16xf32>, vector<16xi32> -> vector<16xf32>
        %add3A_1020 = arith.addf %add3A_1014, %gather3A_1019 : vector<16xf32>
        %gather3A_1021 = vector.shape_cast %reshape3A_202 : vector<16x1xi32> to vector<16xi32>
        %gather3A_1022 = tpu.dynamic_gather %add3A_1017[%gather3A_1021] in [0] : vector<16xf32>, vector<16xi32> -> vector<16xf32>
        %add3A_1023 = arith.addf %add3A_1017, %gather3A_1022 : vector<16xf32>
        %gather3A_1024 = vector.shape_cast %reshape3A_209 : vector<16x1xi32> to vector<16xi32>
        %gather3A_1025 = tpu.dynamic_gather %add3A_1020[%gather3A_1024] in [0] : vector<16xf32>, vector<16xi32> -> vector<16xf32>
        %add3A_1026 = arith.addf %add3A_1020, %gather3A_1025 : vector<16xf32>
        %gather3A_1027 = vector.shape_cast %reshape3A_209 : vector<16x1xi32> to vector<16xi32>
        %gather3A_1028 = tpu.dynamic_gather %add3A_1023[%gather3A_1027] in [0] : vector<16xf32>, vector<16xi32> -> vector<16xf32>
        %add3A_1029 = arith.addf %add3A_1023, %gather3A_1028 : vector<16xf32>
        %gather3A_1030 = vector.shape_cast %reshape3A_216 : vector<16x1xi32> to vector<16xi32>
        %gather3A_1031 = tpu.dynamic_gather %add3A_1026[%gather3A_1030] in [0] : vector<16xf32>, vector<16xi32> -> vector<16xf32>
        %add3A_1032 = arith.addf %add3A_1026, %gather3A_1031 : vector<16xf32>
        %gather3A_1033 = vector.shape_cast %reshape3A_216 : vector<16x1xi32> to vector<16xi32>
        %gather3A_1034 = tpu.dynamic_gather %add3A_1029[%gather3A_1033] in [0] : vector<16xf32>, vector<16xi32> -> vector<16xf32>
        %add3A_1035 = arith.addf %add3A_1029, %gather3A_1034 : vector<16xf32>
        %mul3A_1036 = arith.constant 1.562500e-02 : f32
        %mul3A_1037 = vector.broadcast %mul3A_1036 : f32 to vector<16xf32>
        %mul3A_1038 = arith.mulf %add3A_1032, %mul3A_1037 : vector<16xf32>
        %mul3A_1039 = arith.constant 1.562500e-02 : f32
        %mul3A_1040 = vector.broadcast %mul3A_1039 : f32 to vector<16xf32>
        %mul3A_1041 = arith.mulf %add3A_1035, %mul3A_1040 : vector<16xf32>
        %mul3A_1042 = arith.mulf %mul3A_1038, %mul3A_1038 : vector<16xf32>
        %sub3A_1043 = arith.subf %mul3A_1041, %mul3A_1042 : vector<16xf32>
        %add3A_1044 = arith.constant 9.99999974E-6 : f32
        %add3A_1045 = vector.broadcast %add3A_1044 : f32 to vector<16xf32>
        %add3A_1046 = arith.addf %sub3A_1043, %add3A_1045 : vector<16xf32>
        %bitcast3A_1047 = vector.bitcast %add3A_1046 : vector<16xf32> to vector<16xi32>
        %shift_right_arithmetic3A_1048 = arith.constant 1 : i32
        %shift_right_arithmetic3A_1049 = vector.broadcast %shift_right_arithmetic3A_1048 : i32 to vector<16xi32>
        %shift_right_arithmetic3A_1050 = arith.shrsi %bitcast3A_1047, %shift_right_arithmetic3A_1049 : vector<16xi32>
        %sub3A_1051 = arith.constant 1597463007 : i32
        %sub3A_1052 = vector.broadcast %sub3A_1051 : i32 to vector<16xi32>
        %sub3A_1053 = arith.subi %sub3A_1052, %shift_right_arithmetic3A_1050 : vector<16xi32>
        %bitcast3A_1054 = vector.bitcast %sub3A_1053 : vector<16xi32> to vector<16xf32>
        %mul3A_1055 = arith.constant 5.000000e-01 : f32
        %mul3A_1056 = vector.broadcast %mul3A_1055 : f32 to vector<16xf32>
        %mul3A_1057 = arith.mulf %mul3A_1056, %add3A_1046 : vector<16xf32>
        %mul3A_1058 = arith.mulf %mul3A_1057, %bitcast3A_1054 : vector<16xf32>
        %mul3A_1059 = arith.mulf %mul3A_1058, %bitcast3A_1054 : vector<16xf32>
        %sub3A_1060 = arith.constant 1.500000e+00 : f32
        %sub3A_1061 = vector.broadcast %sub3A_1060 : f32 to vector<16xf32>
        %sub3A_1062 = arith.subf %sub3A_1061, %mul3A_1059 : vector<16xf32>
        %mul3A_1063 = arith.mulf %bitcast3A_1054, %sub3A_1062 : vector<16xf32>
        %mul3A_1064 = arith.constant 5.000000e-01 : f32
        %mul3A_1065 = vector.broadcast %mul3A_1064 : f32 to vector<16xf32>
        %mul3A_1066 = arith.mulf %mul3A_1065, %add3A_1046 : vector<16xf32>
        %mul3A_1067 = arith.mulf %mul3A_1066, %mul3A_1063 : vector<16xf32>
        %mul3A_1068 = arith.mulf %mul3A_1067, %mul3A_1063 : vector<16xf32>
        %sub3A_1069 = arith.constant 1.500000e+00 : f32
        %sub3A_1070 = vector.broadcast %sub3A_1069 : f32 to vector<16xf32>
        %sub3A_1071 = arith.subf %sub3A_1070, %mul3A_1068 : vector<16xf32>
        %mul3A_1072 = arith.mulf %mul3A_1063, %sub3A_1071 : vector<16xf32>
        %mul3A_1073 = arith.constant 8 : i32
        %mul3A_1074 = arith.muli %add3A_275, %mul3A_1073 : i32
        %add3A_1075 = arith.constant 3 : i32
        %add3A_1076 = arith.addi %mul3A_1074, %add3A_1075 : i32
        %sub3A_1077 = arith.subf %get3A_992, %mul3A_1038 : vector<16xf32>
        %mul3A_1078 = arith.mulf %sub3A_1077, %mul3A_1072 : vector<16xf32>
        %mul3A_1079 = arith.mulf %mul3A_1078, %get3A_218 : vector<16xf32>
        %add3A_1080 = arith.addf %mul3A_1079, %get3A_220 : vector<16xf32>
        %swap3A_1081 = arith.index_cast %add3A_1076 : i32 to index
        %swap3A_1082 = arith.constant 0 : index
        %swap3A_1083 = tpu.vector_load %arg11[%swap3A_1081, %swap3A_1082] {strides = array<i32>} : memref<64x128xf32, #tpu.memory_space<vmem>>, vector<16xf32>,
        tpu.vector_store %arg11[%swap3A_1081, %swap3A_1082], %add3A_1080 {strides = array<i32>} : memref<64x128xf32, #tpu.memory_space<vmem>>, vector<16xf32>,
        %sub3A_1084 = arith.subf %get3A_995, %mul3A_1038 : vector<16xf32>
        %mul3A_1085 = arith.mulf %sub3A_1084, %mul3A_1072 : vector<16xf32>
        %mul3A_1086 = arith.mulf %mul3A_1085, %get3A_222 : vector<16xf32>
        %add3A_1087 = arith.addf %mul3A_1086, %get3A_224 : vector<16xf32>
        %swap3A_1088 = arith.index_cast %add3A_1076 : i32 to index
        %swap3A_1089 = arith.constant 16 : index
        %swap3A_1090 = tpu.vector_load %arg11[%swap3A_1088, %swap3A_1089] {strides = array<i32>} : memref<64x128xf32, #tpu.memory_space<vmem>>, vector<16xf32>,
        tpu.vector_store %arg11[%swap3A_1088, %swap3A_1089], %add3A_1087 {strides = array<i32>} : memref<64x128xf32, #tpu.memory_space<vmem>>, vector<16xf32>,
        %sub3A_1091 = arith.subf %get3A_998, %mul3A_1038 : vector<16xf32>
        %mul3A_1092 = arith.mulf %sub3A_1091, %mul3A_1072 : vector<16xf32>
        %mul3A_1093 = arith.mulf %mul3A_1092, %get3A_226 : vector<16xf32>
        %add3A_1094 = arith.addf %mul3A_1093, %get3A_228 : vector<16xf32>
        %swap3A_1095 = arith.index_cast %add3A_1076 : i32 to index
        %swap3A_1096 = arith.constant 32 : index
        %swap3A_1097 = tpu.vector_load %arg11[%swap3A_1095, %swap3A_1096] {strides = array<i32>} : memref<64x128xf32, #tpu.memory_space<vmem>>, vector<16xf32>,
        tpu.vector_store %arg11[%swap3A_1095, %swap3A_1096], %add3A_1094 {strides = array<i32>} : memref<64x128xf32, #tpu.memory_space<vmem>>, vector<16xf32>,
        %sub3A_1098 = arith.subf %get3A_1001, %mul3A_1038 : vector<16xf32>
        %mul3A_1099 = arith.mulf %sub3A_1098, %mul3A_1072 : vector<16xf32>
        %mul3A_1100 = arith.mulf %mul3A_1099, %get3A_230 : vector<16xf32>
        %add3A_1101 = arith.addf %mul3A_1100, %get3A_232 : vector<16xf32>
        %swap3A_1102 = arith.index_cast %add3A_1076 : i32 to index
        %swap3A_1103 = arith.constant 48 : index
        %swap3A_1104 = tpu.vector_load %arg11[%swap3A_1102, %swap3A_1103] {strides = array<i32>} : memref<64x128xf32, #tpu.memory_space<vmem>>, vector<16xf32>,
        tpu.vector_store %arg11[%swap3A_1102, %swap3A_1103], %add3A_1101 {strides = array<i32>} : memref<64x128xf32, #tpu.memory_space<vmem>>, vector<16xf32>,
        %mul3A_1105 = arith.constant 16 : i32
        %mul3A_1106 = arith.muli %add3A_275, %mul3A_1105 : i32
        %add3A_1107 = arith.constant 7 : i32
        %add3A_1108 = arith.addi %mul3A_1106, %add3A_1107 : i32
        %get3A_1109 = arith.index_cast %add3A_1108 : i32 to index
        %get3A_1110 = arith.constant 0 : index
        %get3A_1111 = tpu.vector_load %arg9[%get3A_1109, %get3A_1110] {strides = array<i32>} : memref<128x64xf32, #tpu.memory_space<vmem>>, vector<16xf32>,
        %get3A_1112 = arith.index_cast %add3A_1108 : i32 to index
        %get3A_1113 = arith.constant 16 : index
        %get3A_1114 = tpu.vector_load %arg9[%get3A_1112, %get3A_1113] {strides = array<i32>} : memref<128x64xf32, #tpu.memory_space<vmem>>, vector<16xf32>,
        %get3A_1115 = arith.index_cast %add3A_1108 : i32 to index
        %get3A_1116 = arith.constant 32 : index
        %get3A_1117 = tpu.vector_load %arg9[%get3A_1115, %get3A_1116] {strides = array<i32>} : memref<128x64xf32, #tpu.memory_space<vmem>>, vector<16xf32>,
        %get3A_1118 = arith.index_cast %add3A_1108 : i32 to index
        %get3A_1119 = arith.constant 48 : index
        %get3A_1120 = tpu.vector_load %arg9[%get3A_1118, %get3A_1119] {strides = array<i32>} : memref<128x64xf32, #tpu.memory_space<vmem>>, vector<16xf32>,
        %add3A_1121 = arith.addf %get3A_1111, %get3A_1114 : vector<16xf32>
        %add3A_1122 = arith.addf %get3A_1117, %get3A_1120 : vector<16xf32>
        %add3A_1123 = arith.addf %add3A_1121, %add3A_1122 : vector<16xf32>
        %mul3A_1124 = arith.mulf %get3A_1111, %get3A_1111 : vector<16xf32>
        %mul3A_1125 = arith.mulf %get3A_1114, %get3A_1114 : vector<16xf32>
        %add3A_1126 = arith.addf %mul3A_1124, %mul3A_1125 : vector<16xf32>
        %mul3A_1127 = arith.mulf %get3A_1117, %get3A_1117 : vector<16xf32>
        %mul3A_1128 = arith.mulf %get3A_1120, %get3A_1120 : vector<16xf32>
        %add3A_1129 = arith.addf %mul3A_1127, %mul3A_1128 : vector<16xf32>
        %add3A_1130 = arith.addf %add3A_1126, %add3A_1129 : vector<16xf32>
        %gather3A_1131 = vector.shape_cast %reshape3A_195 : vector<16x1xi32> to vector<16xi32>
        %gather3A_1132 = tpu.dynamic_gather %add3A_1123[%gather3A_1131] in [0] : vector<16xf32>, vector<16xi32> -> vector<16xf32>
        %add3A_1133 = arith.addf %add3A_1123, %gather3A_1132 : vector<16xf32>
        %gather3A_1134 = vector.shape_cast %reshape3A_195 : vector<16x1xi32> to vector<16xi32>
        %gather3A_1135 = tpu.dynamic_gather %add3A_1130[%gather3A_1134] in [0] : vector<16xf32>, vector<16xi32> -> vector<16xf32>
        %add3A_1136 = arith.addf %add3A_1130, %gather3A_1135 : vector<16xf32>
        %gather3A_1137 = vector.shape_cast %reshape3A_202 : vector<16x1xi32> to vector<16xi32>
        %gather3A_1138 = tpu.dynamic_gather %add3A_1133[%gather3A_1137] in [0] : vector<16xf32>, vector<16xi32> -> vector<16xf32>
        %add3A_1139 = arith.addf %add3A_1133, %gather3A_1138 : vector<16xf32>
        %gather3A_1140 = vector.shape_cast %reshape3A_202 : vector<16x1xi32> to vector<16xi32>
        %gather3A_1141 = tpu.dynamic_gather %add3A_1136[%gather3A_1140] in [0] : vector<16xf32>, vector<16xi32> -> vector<16xf32>
        %add3A_1142 = arith.addf %add3A_1136, %gather3A_1141 : vector<16xf32>
        %gather3A_1143 = vector.shape_cast %reshape3A_209 : vector<16x1xi32> to vector<16xi32>
        %gather3A_1144 = tpu.dynamic_gather %add3A_1139[%gather3A_1143] in [0] : vector<16xf32>, vector<16xi32> -> vector<16xf32>
        %add3A_1145 = arith.addf %add3A_1139, %gather3A_1144 : vector<16xf32>
        %gather3A_1146 = vector.shape_cast %reshape3A_209 : vector<16x1xi32> to vector<16xi32>
        %gather3A_1147 = tpu.dynamic_gather %add3A_1142[%gather3A_1146] in [0] : vector<16xf32>, vector<16xi32> -> vector<16xf32>
        %add3A_1148 = arith.addf %add3A_1142, %gather3A_1147 : vector<16xf32>
        %gather3A_1149 = vector.shape_cast %reshape3A_216 : vector<16x1xi32> to vector<16xi32>
        %gather3A_1150 = tpu.dynamic_gather %add3A_1145[%gather3A_1149] in [0] : vector<16xf32>, vector<16xi32> -> vector<16xf32>
        %add3A_1151 = arith.addf %add3A_1145, %gather3A_1150 : vector<16xf32>
        %gather3A_1152 = vector.shape_cast %reshape3A_216 : vector<16x1xi32> to vector<16xi32>
        %gather3A_1153 = tpu.dynamic_gather %add3A_1148[%gather3A_1152] in [0] : vector<16xf32>, vector<16xi32> -> vector<16xf32>
        %add3A_1154 = arith.addf %add3A_1148, %gather3A_1153 : vector<16xf32>
        %mul3A_1155 = arith.constant 1.562500e-02 : f32
        %mul3A_1156 = vector.broadcast %mul3A_1155 : f32 to vector<16xf32>
        %mul3A_1157 = arith.mulf %add3A_1151, %mul3A_1156 : vector<16xf32>
        %mul3A_1158 = arith.constant 1.562500e-02 : f32
        %mul3A_1159 = vector.broadcast %mul3A_1158 : f32 to vector<16xf32>
        %mul3A_1160 = arith.mulf %add3A_1154, %mul3A_1159 : vector<16xf32>
        %mul3A_1161 = arith.mulf %mul3A_1157, %mul3A_1157 : vector<16xf32>
        %sub3A_1162 = arith.subf %mul3A_1160, %mul3A_1161 : vector<16xf32>
        %add3A_1163 = arith.constant 9.99999974E-6 : f32
        %add3A_1164 = vector.broadcast %add3A_1163 : f32 to vector<16xf32>
        %add3A_1165 = arith.addf %sub3A_1162, %add3A_1164 : vector<16xf32>
        %bitcast3A_1166 = vector.bitcast %add3A_1165 : vector<16xf32> to vector<16xi32>
        %shift_right_arithmetic3A_1167 = arith.constant 1 : i32
        %shift_right_arithmetic3A_1168 = vector.broadcast %shift_right_arithmetic3A_1167 : i32 to vector<16xi32>
        %shift_right_arithmetic3A_1169 = arith.shrsi %bitcast3A_1166, %shift_right_arithmetic3A_1168 : vector<16xi32>
        %sub3A_1170 = arith.constant 1597463007 : i32
        %sub3A_1171 = vector.broadcast %sub3A_1170 : i32 to vector<16xi32>
        %sub3A_1172 = arith.subi %sub3A_1171, %shift_right_arithmetic3A_1169 : vector<16xi32>
        %bitcast3A_1173 = vector.bitcast %sub3A_1172 : vector<16xi32> to vector<16xf32>
        %mul3A_1174 = arith.constant 5.000000e-01 : f32
        %mul3A_1175 = vector.broadcast %mul3A_1174 : f32 to vector<16xf32>
        %mul3A_1176 = arith.mulf %mul3A_1175, %add3A_1165 : vector<16xf32>
        %mul3A_1177 = arith.mulf %mul3A_1176, %bitcast3A_1173 : vector<16xf32>
        %mul3A_1178 = arith.mulf %mul3A_1177, %bitcast3A_1173 : vector<16xf32>
        %sub3A_1179 = arith.constant 1.500000e+00 : f32
        %sub3A_1180 = vector.broadcast %sub3A_1179 : f32 to vector<16xf32>
        %sub3A_1181 = arith.subf %sub3A_1180, %mul3A_1178 : vector<16xf32>
        %mul3A_1182 = arith.mulf %bitcast3A_1173, %sub3A_1181 : vector<16xf32>
        %mul3A_1183 = arith.constant 5.000000e-01 : f32
        %mul3A_1184 = vector.broadcast %mul3A_1183 : f32 to vector<16xf32>
        %mul3A_1185 = arith.mulf %mul3A_1184, %add3A_1165 : vector<16xf32>
        %mul3A_1186 = arith.mulf %mul3A_1185, %mul3A_1182 : vector<16xf32>
        %mul3A_1187 = arith.mulf %mul3A_1186, %mul3A_1182 : vector<16xf32>
        %sub3A_1188 = arith.constant 1.500000e+00 : f32
        %sub3A_1189 = vector.broadcast %sub3A_1188 : f32 to vector<16xf32>
        %sub3A_1190 = arith.subf %sub3A_1189, %mul3A_1187 : vector<16xf32>
        %mul3A_1191 = arith.mulf %mul3A_1182, %sub3A_1190 : vector<16xf32>
        %mul3A_1192 = arith.constant 8 : i32
        %mul3A_1193 = arith.muli %add3A_275, %mul3A_1192 : i32
        %add3A_1194 = arith.constant 3 : i32
        %add3A_1195 = arith.addi %mul3A_1193, %add3A_1194 : i32
        %sub3A_1196 = arith.subf %get3A_1111, %mul3A_1157 : vector<16xf32>
        %mul3A_1197 = arith.mulf %sub3A_1196, %mul3A_1191 : vector<16xf32>
        %mul3A_1198 = arith.mulf %mul3A_1197, %get3A_218 : vector<16xf32>
        %add3A_1199 = arith.addf %mul3A_1198, %get3A_220 : vector<16xf32>
        %swap3A_1200 = arith.index_cast %add3A_1195 : i32 to index
        %swap3A_1201 = arith.constant 64 : index
        %swap3A_1202 = tpu.vector_load %arg11[%swap3A_1200, %swap3A_1201] {strides = array<i32>} : memref<64x128xf32, #tpu.memory_space<vmem>>, vector<16xf32>,
        tpu.vector_store %arg11[%swap3A_1200, %swap3A_1201], %add3A_1199 {strides = array<i32>} : memref<64x128xf32, #tpu.memory_space<vmem>>, vector<16xf32>,
        %sub3A_1203 = arith.subf %get3A_1114, %mul3A_1157 : vector<16xf32>
        %mul3A_1204 = arith.mulf %sub3A_1203, %mul3A_1191 : vector<16xf32>
        %mul3A_1205 = arith.mulf %mul3A_1204, %get3A_222 : vector<16xf32>
        %add3A_1206 = arith.addf %mul3A_1205, %get3A_224 : vector<16xf32>
        %swap3A_1207 = arith.index_cast %add3A_1195 : i32 to index
        %swap3A_1208 = arith.constant 80 : index
        %swap3A_1209 = tpu.vector_load %arg11[%swap3A_1207, %swap3A_1208] {strides = array<i32>} : memref<64x128xf32, #tpu.memory_space<vmem>>, vector<16xf32>,
        tpu.vector_store %arg11[%swap3A_1207, %swap3A_1208], %add3A_1206 {strides = array<i32>} : memref<64x128xf32, #tpu.memory_space<vmem>>, vector<16xf32>,
        %sub3A_1210 = arith.subf %get3A_1117, %mul3A_1157 : vector<16xf32>
        %mul3A_1211 = arith.mulf %sub3A_1210, %mul3A_1191 : vector<16xf32>
        %mul3A_1212 = arith.mulf %mul3A_1211, %get3A_226 : vector<16xf32>
        %add3A_1213 = arith.addf %mul3A_1212, %get3A_228 : vector<16xf32>
        %swap3A_1214 = arith.index_cast %add3A_1195 : i32 to index
        %swap3A_1215 = arith.constant 96 : index
        %swap3A_1216 = tpu.vector_load %arg11[%swap3A_1214, %swap3A_1215] {strides = array<i32>} : memref<64x128xf32, #tpu.memory_space<vmem>>, vector<16xf32>,
        tpu.vector_store %arg11[%swap3A_1214, %swap3A_1215], %add3A_1213 {strides = array<i32>} : memref<64x128xf32, #tpu.memory_space<vmem>>, vector<16xf32>,
        %sub3A_1217 = arith.subf %get3A_1120, %mul3A_1157 : vector<16xf32>
        %mul3A_1218 = arith.mulf %sub3A_1217, %mul3A_1191 : vector<16xf32>
        %mul3A_1219 = arith.mulf %mul3A_1218, %get3A_230 : vector<16xf32>
        %add3A_1220 = arith.addf %mul3A_1219, %get3A_232 : vector<16xf32>
        %swap3A_1221 = arith.index_cast %add3A_1195 : i32 to index
        %swap3A_1222 = arith.constant 112 : index
        %swap3A_1223 = tpu.vector_load %arg11[%swap3A_1221, %swap3A_1222] {strides = array<i32>} : memref<64x128xf32, #tpu.memory_space<vmem>>, vector<16xf32>,
        tpu.vector_store %arg11[%swap3A_1221, %swap3A_1222], %add3A_1220 {strides = array<i32>} : memref<64x128xf32, #tpu.memory_space<vmem>>, vector<16xf32>,
        %mul3A_1224 = arith.constant 16 : i32
        %mul3A_1225 = arith.muli %add3A_275, %mul3A_1224 : i32
        %add3A_1226 = arith.constant 8 : i32
        %add3A_1227 = arith.addi %mul3A_1225, %add3A_1226 : i32
        %get3A_1228 = arith.index_cast %add3A_1227 : i32 to index
        %get3A_1229 = arith.constant 0 : index
        %get3A_1230 = tpu.vector_load %arg9[%get3A_1228, %get3A_1229] {strides = array<i32>} : memref<128x64xf32, #tpu.memory_space<vmem>>, vector<16xf32>,
        %get3A_1231 = arith.index_cast %add3A_1227 : i32 to index
        %get3A_1232 = arith.constant 16 : index
        %get3A_1233 = tpu.vector_load %arg9[%get3A_1231, %get3A_1232] {strides = array<i32>} : memref<128x64xf32, #tpu.memory_space<vmem>>, vector<16xf32>,
        %get3A_1234 = arith.index_cast %add3A_1227 : i32 to index
        %get3A_1235 = arith.constant 32 : index
        %get3A_1236 = tpu.vector_load %arg9[%get3A_1234, %get3A_1235] {strides = array<i32>} : memref<128x64xf32, #tpu.memory_space<vmem>>, vector<16xf32>,
        %get3A_1237 = arith.index_cast %add3A_1227 : i32 to index
        %get3A_1238 = arith.constant 48 : index
        %get3A_1239 = tpu.vector_load %arg9[%get3A_1237, %get3A_1238] {strides = array<i32>} : memref<128x64xf32, #tpu.memory_space<vmem>>, vector<16xf32>,
        %add3A_1240 = arith.addf %get3A_1230, %get3A_1233 : vector<16xf32>
        %add3A_1241 = arith.addf %get3A_1236, %get3A_1239 : vector<16xf32>
        %add3A_1242 = arith.addf %add3A_1240, %add3A_1241 : vector<16xf32>
        %mul3A_1243 = arith.mulf %get3A_1230, %get3A_1230 : vector<16xf32>
        %mul3A_1244 = arith.mulf %get3A_1233, %get3A_1233 : vector<16xf32>
        %add3A_1245 = arith.addf %mul3A_1243, %mul3A_1244 : vector<16xf32>
        %mul3A_1246 = arith.mulf %get3A_1236, %get3A_1236 : vector<16xf32>
        %mul3A_1247 = arith.mulf %get3A_1239, %get3A_1239 : vector<16xf32>
        %add3A_1248 = arith.addf %mul3A_1246, %mul3A_1247 : vector<16xf32>
        %add3A_1249 = arith.addf %add3A_1245, %add3A_1248 : vector<16xf32>
        %gather3A_1250 = vector.shape_cast %reshape3A_195 : vector<16x1xi32> to vector<16xi32>
        %gather3A_1251 = tpu.dynamic_gather %add3A_1242[%gather3A_1250] in [0] : vector<16xf32>, vector<16xi32> -> vector<16xf32>
        %add3A_1252 = arith.addf %add3A_1242, %gather3A_1251 : vector<16xf32>
        %gather3A_1253 = vector.shape_cast %reshape3A_195 : vector<16x1xi32> to vector<16xi32>
        %gather3A_1254 = tpu.dynamic_gather %add3A_1249[%gather3A_1253] in [0] : vector<16xf32>, vector<16xi32> -> vector<16xf32>
        %add3A_1255 = arith.addf %add3A_1249, %gather3A_1254 : vector<16xf32>
        %gather3A_1256 = vector.shape_cast %reshape3A_202 : vector<16x1xi32> to vector<16xi32>
        %gather3A_1257 = tpu.dynamic_gather %add3A_1252[%gather3A_1256] in [0] : vector<16xf32>, vector<16xi32> -> vector<16xf32>
        %add3A_1258 = arith.addf %add3A_1252, %gather3A_1257 : vector<16xf32>
        %gather3A_1259 = vector.shape_cast %reshape3A_202 : vector<16x1xi32> to vector<16xi32>
        %gather3A_1260 = tpu.dynamic_gather %add3A_1255[%gather3A_1259] in [0] : vector<16xf32>, vector<16xi32> -> vector<16xf32>
        %add3A_1261 = arith.addf %add3A_1255, %gather3A_1260 : vector<16xf32>
        %gather3A_1262 = vector.shape_cast %reshape3A_209 : vector<16x1xi32> to vector<16xi32>
        %gather3A_1263 = tpu.dynamic_gather %add3A_1258[%gather3A_1262] in [0] : vector<16xf32>, vector<16xi32> -> vector<16xf32>
        %add3A_1264 = arith.addf %add3A_1258, %gather3A_1263 : vector<16xf32>
        %gather3A_1265 = vector.shape_cast %reshape3A_209 : vector<16x1xi32> to vector<16xi32>
        %gather3A_1266 = tpu.dynamic_gather %add3A_1261[%gather3A_1265] in [0] : vector<16xf32>, vector<16xi32> -> vector<16xf32>
        %add3A_1267 = arith.addf %add3A_1261, %gather3A_1266 : vector<16xf32>
        %gather3A_1268 = vector.shape_cast %reshape3A_216 : vector<16x1xi32> to vector<16xi32>
        %gather3A_1269 = tpu.dynamic_gather %add3A_1264[%gather3A_1268] in [0] : vector<16xf32>, vector<16xi32> -> vector<16xf32>
        %add3A_1270 = arith.addf %add3A_1264, %gather3A_1269 : vector<16xf32>
        %gather3A_1271 = vector.shape_cast %reshape3A_216 : vector<16x1xi32> to vector<16xi32>
        %gather3A_1272 = tpu.dynamic_gather %add3A_1267[%gather3A_1271] in [0] : vector<16xf32>, vector<16xi32> -> vector<16xf32>
        %add3A_1273 = arith.addf %add3A_1267, %gather3A_1272 : vector<16xf32>
        %mul3A_1274 = arith.constant 1.562500e-02 : f32
        %mul3A_1275 = vector.broadcast %mul3A_1274 : f32 to vector<16xf32>
        %mul3A_1276 = arith.mulf %add3A_1270, %mul3A_1275 : vector<16xf32>
        %mul3A_1277 = arith.constant 1.562500e-02 : f32
        %mul3A_1278 = vector.broadcast %mul3A_1277 : f32 to vector<16xf32>
        %mul3A_1279 = arith.mulf %add3A_1273, %mul3A_1278 : vector<16xf32>
        %mul3A_1280 = arith.mulf %mul3A_1276, %mul3A_1276 : vector<16xf32>
        %sub3A_1281 = arith.subf %mul3A_1279, %mul3A_1280 : vector<16xf32>
        %add3A_1282 = arith.constant 9.99999974E-6 : f32
        %add3A_1283 = vector.broadcast %add3A_1282 : f32 to vector<16xf32>
        %add3A_1284 = arith.addf %sub3A_1281, %add3A_1283 : vector<16xf32>
        %bitcast3A_1285 = vector.bitcast %add3A_1284 : vector<16xf32> to vector<16xi32>
        %shift_right_arithmetic3A_1286 = arith.constant 1 : i32
        %shift_right_arithmetic3A_1287 = vector.broadcast %shift_right_arithmetic3A_1286 : i32 to vector<16xi32>
        %shift_right_arithmetic3A_1288 = arith.shrsi %bitcast3A_1285, %shift_right_arithmetic3A_1287 : vector<16xi32>
        %sub3A_1289 = arith.constant 1597463007 : i32
        %sub3A_1290 = vector.broadcast %sub3A_1289 : i32 to vector<16xi32>
        %sub3A_1291 = arith.subi %sub3A_1290, %shift_right_arithmetic3A_1288 : vector<16xi32>
        %bitcast3A_1292 = vector.bitcast %sub3A_1291 : vector<16xi32> to vector<16xf32>
        %mul3A_1293 = arith.constant 5.000000e-01 : f32
        %mul3A_1294 = vector.broadcast %mul3A_1293 : f32 to vector<16xf32>
        %mul3A_1295 = arith.mulf %mul3A_1294, %add3A_1284 : vector<16xf32>
        %mul3A_1296 = arith.mulf %mul3A_1295, %bitcast3A_1292 : vector<16xf32>
        %mul3A_1297 = arith.mulf %mul3A_1296, %bitcast3A_1292 : vector<16xf32>
        %sub3A_1298 = arith.constant 1.500000e+00 : f32
        %sub3A_1299 = vector.broadcast %sub3A_1298 : f32 to vector<16xf32>
        %sub3A_1300 = arith.subf %sub3A_1299, %mul3A_1297 : vector<16xf32>
        %mul3A_1301 = arith.mulf %bitcast3A_1292, %sub3A_1300 : vector<16xf32>
        %mul3A_1302 = arith.constant 5.000000e-01 : f32
        %mul3A_1303 = vector.broadcast %mul3A_1302 : f32 to vector<16xf32>
        %mul3A_1304 = arith.mulf %mul3A_1303, %add3A_1284 : vector<16xf32>
        %mul3A_1305 = arith.mulf %mul3A_1304, %mul3A_1301 : vector<16xf32>
        %mul3A_1306 = arith.mulf %mul3A_1305, %mul3A_1301 : vector<16xf32>
        %sub3A_1307 = arith.constant 1.500000e+00 : f32
        %sub3A_1308 = vector.broadcast %sub3A_1307 : f32 to vector<16xf32>
        %sub3A_1309 = arith.subf %sub3A_1308, %mul3A_1306 : vector<16xf32>
        %mul3A_1310 = arith.mulf %mul3A_1301, %sub3A_1309 : vector<16xf32>
        %mul3A_1311 = arith.constant 8 : i32
        %mul3A_1312 = arith.muli %add3A_275, %mul3A_1311 : i32
        %add3A_1313 = arith.constant 4 : i32
        %add3A_1314 = arith.addi %mul3A_1312, %add3A_1313 : i32
        %sub3A_1315 = arith.subf %get3A_1230, %mul3A_1276 : vector<16xf32>
        %mul3A_1316 = arith.mulf %sub3A_1315, %mul3A_1310 : vector<16xf32>
        %mul3A_1317 = arith.mulf %mul3A_1316, %get3A_218 : vector<16xf32>
        %add3A_1318 = arith.addf %mul3A_1317, %get3A_220 : vector<16xf32>
        %swap3A_1319 = arith.index_cast %add3A_1314 : i32 to index
        %swap3A_1320 = arith.constant 0 : index
        %swap3A_1321 = tpu.vector_load %arg11[%swap3A_1319, %swap3A_1320] {strides = array<i32>} : memref<64x128xf32, #tpu.memory_space<vmem>>, vector<16xf32>,
        tpu.vector_store %arg11[%swap3A_1319, %swap3A_1320], %add3A_1318 {strides = array<i32>} : memref<64x128xf32, #tpu.memory_space<vmem>>, vector<16xf32>,
        %sub3A_1322 = arith.subf %get3A_1233, %mul3A_1276 : vector<16xf32>
        %mul3A_1323 = arith.mulf %sub3A_1322, %mul3A_1310 : vector<16xf32>
        %mul3A_1324 = arith.mulf %mul3A_1323, %get3A_222 : vector<16xf32>
        %add3A_1325 = arith.addf %mul3A_1324, %get3A_224 : vector<16xf32>
        %swap3A_1326 = arith.index_cast %add3A_1314 : i32 to index
        %swap3A_1327 = arith.constant 16 : index
        %swap3A_1328 = tpu.vector_load %arg11[%swap3A_1326, %swap3A_1327] {strides = array<i32>} : memref<64x128xf32, #tpu.memory_space<vmem>>, vector<16xf32>,
        tpu.vector_store %arg11[%swap3A_1326, %swap3A_1327], %add3A_1325 {strides = array<i32>} : memref<64x128xf32, #tpu.memory_space<vmem>>, vector<16xf32>,
        %sub3A_1329 = arith.subf %get3A_1236, %mul3A_1276 : vector<16xf32>
        %mul3A_1330 = arith.mulf %sub3A_1329, %mul3A_1310 : vector<16xf32>
        %mul3A_1331 = arith.mulf %mul3A_1330, %get3A_226 : vector<16xf32>
        %add3A_1332 = arith.addf %mul3A_1331, %get3A_228 : vector<16xf32>
        %swap3A_1333 = arith.index_cast %add3A_1314 : i32 to index
        %swap3A_1334 = arith.constant 32 : index
        %swap3A_1335 = tpu.vector_load %arg11[%swap3A_1333, %swap3A_1334] {strides = array<i32>} : memref<64x128xf32, #tpu.memory_space<vmem>>, vector<16xf32>,
        tpu.vector_store %arg11[%swap3A_1333, %swap3A_1334], %add3A_1332 {strides = array<i32>} : memref<64x128xf32, #tpu.memory_space<vmem>>, vector<16xf32>,
        %sub3A_1336 = arith.subf %get3A_1239, %mul3A_1276 : vector<16xf32>
        %mul3A_1337 = arith.mulf %sub3A_1336, %mul3A_1310 : vector<16xf32>
        %mul3A_1338 = arith.mulf %mul3A_1337, %get3A_230 : vector<16xf32>
        %add3A_1339 = arith.addf %mul3A_1338, %get3A_232 : vector<16xf32>
        %swap3A_1340 = arith.index_cast %add3A_1314 : i32 to index
        %swap3A_1341 = arith.constant 48 : index
        %swap3A_1342 = tpu.vector_load %arg11[%swap3A_1340, %swap3A_1341] {strides = array<i32>} : memref<64x128xf32, #tpu.memory_space<vmem>>, vector<16xf32>,
        tpu.vector_store %arg11[%swap3A_1340, %swap3A_1341], %add3A_1339 {strides = array<i32>} : memref<64x128xf32, #tpu.memory_space<vmem>>, vector<16xf32>,
        %mul3A_1343 = arith.constant 16 : i32
        %mul3A_1344 = arith.muli %add3A_275, %mul3A_1343 : i32
        %add3A_1345 = arith.constant 9 : i32
        %add3A_1346 = arith.addi %mul3A_1344, %add3A_1345 : i32
        %get3A_1347 = arith.index_cast %add3A_1346 : i32 to index
        %get3A_1348 = arith.constant 0 : index
        %get3A_1349 = tpu.vector_load %arg9[%get3A_1347, %get3A_1348] {strides = array<i32>} : memref<128x64xf32, #tpu.memory_space<vmem>>, vector<16xf32>,
        %get3A_1350 = arith.index_cast %add3A_1346 : i32 to index
        %get3A_1351 = arith.constant 16 : index
        %get3A_1352 = tpu.vector_load %arg9[%get3A_1350, %get3A_1351] {strides = array<i32>} : memref<128x64xf32, #tpu.memory_space<vmem>>, vector<16xf32>,
        %get3A_1353 = arith.index_cast %add3A_1346 : i32 to index
        %get3A_1354 = arith.constant 32 : index
        %get3A_1355 = tpu.vector_load %arg9[%get3A_1353, %get3A_1354] {strides = array<i32>} : memref<128x64xf32, #tpu.memory_space<vmem>>, vector<16xf32>,
        %get3A_1356 = arith.index_cast %add3A_1346 : i32 to index
        %get3A_1357 = arith.constant 48 : index
        %get3A_1358 = tpu.vector_load %arg9[%get3A_1356, %get3A_1357] {strides = array<i32>} : memref<128x64xf32, #tpu.memory_space<vmem>>, vector<16xf32>,
        %add3A_1359 = arith.addf %get3A_1349, %get3A_1352 : vector<16xf32>
        %add3A_1360 = arith.addf %get3A_1355, %get3A_1358 : vector<16xf32>
        %add3A_1361 = arith.addf %add3A_1359, %add3A_1360 : vector<16xf32>
        %mul3A_1362 = arith.mulf %get3A_1349, %get3A_1349 : vector<16xf32>
        %mul3A_1363 = arith.mulf %get3A_1352, %get3A_1352 : vector<16xf32>
        %add3A_1364 = arith.addf %mul3A_1362, %mul3A_1363 : vector<16xf32>
        %mul3A_1365 = arith.mulf %get3A_1355, %get3A_1355 : vector<16xf32>
        %mul3A_1366 = arith.mulf %get3A_1358, %get3A_1358 : vector<16xf32>
        %add3A_1367 = arith.addf %mul3A_1365, %mul3A_1366 : vector<16xf32>
        %add3A_1368 = arith.addf %add3A_1364, %add3A_1367 : vector<16xf32>
        %gather3A_1369 = vector.shape_cast %reshape3A_195 : vector<16x1xi32> to vector<16xi32>
        %gather3A_1370 = tpu.dynamic_gather %add3A_1361[%gather3A_1369] in [0] : vector<16xf32>, vector<16xi32> -> vector<16xf32>
        %add3A_1371 = arith.addf %add3A_1361, %gather3A_1370 : vector<16xf32>
        %gather3A_1372 = vector.shape_cast %reshape3A_195 : vector<16x1xi32> to vector<16xi32>
        %gather3A_1373 = tpu.dynamic_gather %add3A_1368[%gather3A_1372] in [0] : vector<16xf32>, vector<16xi32> -> vector<16xf32>
        %add3A_1374 = arith.addf %add3A_1368, %gather3A_1373 : vector<16xf32>
        %gather3A_1375 = vector.shape_cast %reshape3A_202 : vector<16x1xi32> to vector<16xi32>
        %gather3A_1376 = tpu.dynamic_gather %add3A_1371[%gather3A_1375] in [0] : vector<16xf32>, vector<16xi32> -> vector<16xf32>
        %add3A_1377 = arith.addf %add3A_1371, %gather3A_1376 : vector<16xf32>
        %gather3A_1378 = vector.shape_cast %reshape3A_202 : vector<16x1xi32> to vector<16xi32>
        %gather3A_1379 = tpu.dynamic_gather %add3A_1374[%gather3A_1378] in [0] : vector<16xf32>, vector<16xi32> -> vector<16xf32>
        %add3A_1380 = arith.addf %add3A_1374, %gather3A_1379 : vector<16xf32>
        %gather3A_1381 = vector.shape_cast %reshape3A_209 : vector<16x1xi32> to vector<16xi32>
        %gather3A_1382 = tpu.dynamic_gather %add3A_1377[%gather3A_1381] in [0] : vector<16xf32>, vector<16xi32> -> vector<16xf32>
        %add3A_1383 = arith.addf %add3A_1377, %gather3A_1382 : vector<16xf32>
        %gather3A_1384 = vector.shape_cast %reshape3A_209 : vector<16x1xi32> to vector<16xi32>
        %gather3A_1385 = tpu.dynamic_gather %add3A_1380[%gather3A_1384] in [0] : vector<16xf32>, vector<16xi32> -> vector<16xf32>
        %add3A_1386 = arith.addf %add3A_1380, %gather3A_1385 : vector<16xf32>
        %gather3A_1387 = vector.shape_cast %reshape3A_216 : vector<16x1xi32> to vector<16xi32>
        %gather3A_1388 = tpu.dynamic_gather %add3A_1383[%gather3A_1387] in [0] : vector<16xf32>, vector<16xi32> -> vector<16xf32>
        %add3A_1389 = arith.addf %add3A_1383, %gather3A_1388 : vector<16xf32>
        %gather3A_1390 = vector.shape_cast %reshape3A_216 : vector<16x1xi32> to vector<16xi32>
        %gather3A_1391 = tpu.dynamic_gather %add3A_1386[%gather3A_1390] in [0] : vector<16xf32>, vector<16xi32> -> vector<16xf32>
        %add3A_1392 = arith.addf %add3A_1386, %gather3A_1391 : vector<16xf32>
        %mul3A_1393 = arith.constant 1.562500e-02 : f32
        %mul3A_1394 = vector.broadcast %mul3A_1393 : f32 to vector<16xf32>
        %mul3A_1395 = arith.mulf %add3A_1389, %mul3A_1394 : vector<16xf32>
        %mul3A_1396 = arith.constant 1.562500e-02 : f32
        %mul3A_1397 = vector.broadcast %mul3A_1396 : f32 to vector<16xf32>
        %mul3A_1398 = arith.mulf %add3A_1392, %mul3A_1397 : vector<16xf32>
        %mul3A_1399 = arith.mulf %mul3A_1395, %mul3A_1395 : vector<16xf32>
        %sub3A_1400 = arith.subf %mul3A_1398, %mul3A_1399 : vector<16xf32>
        %add3A_1401 = arith.constant 9.99999974E-6 : f32
        %add3A_1402 = vector.broadcast %add3A_1401 : f32 to vector<16xf32>
        %add3A_1403 = arith.addf %sub3A_1400, %add3A_1402 : vector<16xf32>
        %bitcast3A_1404 = vector.bitcast %add3A_1403 : vector<16xf32> to vector<16xi32>
        %shift_right_arithmetic3A_1405 = arith.constant 1 : i32
        %shift_right_arithmetic3A_1406 = vector.broadcast %shift_right_arithmetic3A_1405 : i32 to vector<16xi32>
        %shift_right_arithmetic3A_1407 = arith.shrsi %bitcast3A_1404, %shift_right_arithmetic3A_1406 : vector<16xi32>
        %sub3A_1408 = arith.constant 1597463007 : i32
        %sub3A_1409 = vector.broadcast %sub3A_1408 : i32 to vector<16xi32>
        %sub3A_1410 = arith.subi %sub3A_1409, %shift_right_arithmetic3A_1407 : vector<16xi32>
        %bitcast3A_1411 = vector.bitcast %sub3A_1410 : vector<16xi32> to vector<16xf32>
        %mul3A_1412 = arith.constant 5.000000e-01 : f32
        %mul3A_1413 = vector.broadcast %mul3A_1412 : f32 to vector<16xf32>
        %mul3A_1414 = arith.mulf %mul3A_1413, %add3A_1403 : vector<16xf32>
        %mul3A_1415 = arith.mulf %mul3A_1414, %bitcast3A_1411 : vector<16xf32>
        %mul3A_1416 = arith.mulf %mul3A_1415, %bitcast3A_1411 : vector<16xf32>
        %sub3A_1417 = arith.constant 1.500000e+00 : f32
        %sub3A_1418 = vector.broadcast %sub3A_1417 : f32 to vector<16xf32>
        %sub3A_1419 = arith.subf %sub3A_1418, %mul3A_1416 : vector<16xf32>
        %mul3A_1420 = arith.mulf %bitcast3A_1411, %sub3A_1419 : vector<16xf32>
        %mul3A_1421 = arith.constant 5.000000e-01 : f32
        %mul3A_1422 = vector.broadcast %mul3A_1421 : f32 to vector<16xf32>
        %mul3A_1423 = arith.mulf %mul3A_1422, %add3A_1403 : vector<16xf32>
        %mul3A_1424 = arith.mulf %mul3A_1423, %mul3A_1420 : vector<16xf32>
        %mul3A_1425 = arith.mulf %mul3A_1424, %mul3A_1420 : vector<16xf32>
        %sub3A_1426 = arith.constant 1.500000e+00 : f32
        %sub3A_1427 = vector.broadcast %sub3A_1426 : f32 to vector<16xf32>
        %sub3A_1428 = arith.subf %sub3A_1427, %mul3A_1425 : vector<16xf32>
        %mul3A_1429 = arith.mulf %mul3A_1420, %sub3A_1428 : vector<16xf32>
        %mul3A_1430 = arith.constant 8 : i32
        %mul3A_1431 = arith.muli %add3A_275, %mul3A_1430 : i32
        %add3A_1432 = arith.constant 4 : i32
        %add3A_1433 = arith.addi %mul3A_1431, %add3A_1432 : i32
        %sub3A_1434 = arith.subf %get3A_1349, %mul3A_1395 : vector<16xf32>
        %mul3A_1435 = arith.mulf %sub3A_1434, %mul3A_1429 : vector<16xf32>
        %mul3A_1436 = arith.mulf %mul3A_1435, %get3A_218 : vector<16xf32>
        %add3A_1437 = arith.addf %mul3A_1436, %get3A_220 : vector<16xf32>
        %swap3A_1438 = arith.index_cast %add3A_1433 : i32 to index
        %swap3A_1439 = arith.constant 64 : index
        %swap3A_1440 = tpu.vector_load %arg11[%swap3A_1438, %swap3A_1439] {strides = array<i32>} : memref<64x128xf32, #tpu.memory_space<vmem>>, vector<16xf32>,
        tpu.vector_store %arg11[%swap3A_1438, %swap3A_1439], %add3A_1437 {strides = array<i32>} : memref<64x128xf32, #tpu.memory_space<vmem>>, vector<16xf32>,
        %sub3A_1441 = arith.subf %get3A_1352, %mul3A_1395 : vector<16xf32>
        %mul3A_1442 = arith.mulf %sub3A_1441, %mul3A_1429 : vector<16xf32>
        %mul3A_1443 = arith.mulf %mul3A_1442, %get3A_222 : vector<16xf32>
        %add3A_1444 = arith.addf %mul3A_1443, %get3A_224 : vector<16xf32>
        %swap3A_1445 = arith.index_cast %add3A_1433 : i32 to index
        %swap3A_1446 = arith.constant 80 : index
        %swap3A_1447 = tpu.vector_load %arg11[%swap3A_1445, %swap3A_1446] {strides = array<i32>} : memref<64x128xf32, #tpu.memory_space<vmem>>, vector<16xf32>,
        tpu.vector_store %arg11[%swap3A_1445, %swap3A_1446], %add3A_1444 {strides = array<i32>} : memref<64x128xf32, #tpu.memory_space<vmem>>, vector<16xf32>,
        %sub3A_1448 = arith.subf %get3A_1355, %mul3A_1395 : vector<16xf32>
        %mul3A_1449 = arith.mulf %sub3A_1448, %mul3A_1429 : vector<16xf32>
        %mul3A_1450 = arith.mulf %mul3A_1449, %get3A_226 : vector<16xf32>
        %add3A_1451 = arith.addf %mul3A_1450, %get3A_228 : vector<16xf32>
        %swap3A_1452 = arith.index_cast %add3A_1433 : i32 to index
        %swap3A_1453 = arith.constant 96 : index
        %swap3A_1454 = tpu.vector_load %arg11[%swap3A_1452, %swap3A_1453] {strides = array<i32>} : memref<64x128xf32, #tpu.memory_space<vmem>>, vector<16xf32>,
        tpu.vector_store %arg11[%swap3A_1452, %swap3A_1453], %add3A_1451 {strides = array<i32>} : memref<64x128xf32, #tpu.memory_space<vmem>>, vector<16xf32>,
        %sub3A_1455 = arith.subf %get3A_1358, %mul3A_1395 : vector<16xf32>
        %mul3A_1456 = arith.mulf %sub3A_1455, %mul3A_1429 : vector<16xf32>
        %mul3A_1457 = arith.mulf %mul3A_1456, %get3A_230 : vector<16xf32>
        %add3A_1458 = arith.addf %mul3A_1457, %get3A_232 : vector<16xf32>
        %swap3A_1459 = arith.index_cast %add3A_1433 : i32 to index
        %swap3A_1460 = arith.constant 112 : index
        %swap3A_1461 = tpu.vector_load %arg11[%swap3A_1459, %swap3A_1460] {strides = array<i32>} : memref<64x128xf32, #tpu.memory_space<vmem>>, vector<16xf32>,
        tpu.vector_store %arg11[%swap3A_1459, %swap3A_1460], %add3A_1458 {strides = array<i32>} : memref<64x128xf32, #tpu.memory_space<vmem>>, vector<16xf32>,
        %mul3A_1462 = arith.constant 16 : i32
        %mul3A_1463 = arith.muli %add3A_275, %mul3A_1462 : i32
        %add3A_1464 = arith.constant 10 : i32
        %add3A_1465 = arith.addi %mul3A_1463, %add3A_1464 : i32
        %get3A_1466 = arith.index_cast %add3A_1465 : i32 to index
        %get3A_1467 = arith.constant 0 : index
        %get3A_1468 = tpu.vector_load %arg9[%get3A_1466, %get3A_1467] {strides = array<i32>} : memref<128x64xf32, #tpu.memory_space<vmem>>, vector<16xf32>,
        %get3A_1469 = arith.index_cast %add3A_1465 : i32 to index
        %get3A_1470 = arith.constant 16 : index
        %get3A_1471 = tpu.vector_load %arg9[%get3A_1469, %get3A_1470] {strides = array<i32>} : memref<128x64xf32, #tpu.memory_space<vmem>>, vector<16xf32>,
        %get3A_1472 = arith.index_cast %add3A_1465 : i32 to index
        %get3A_1473 = arith.constant 32 : index
        %get3A_1474 = tpu.vector_load %arg9[%get3A_1472, %get3A_1473] {strides = array<i32>} : memref<128x64xf32, #tpu.memory_space<vmem>>, vector<16xf32>,
        %get3A_1475 = arith.index_cast %add3A_1465 : i32 to index
        %get3A_1476 = arith.constant 48 : index
        %get3A_1477 = tpu.vector_load %arg9[%get3A_1475, %get3A_1476] {strides = array<i32>} : memref<128x64xf32, #tpu.memory_space<vmem>>, vector<16xf32>,
        %add3A_1478 = arith.addf %get3A_1468, %get3A_1471 : vector<16xf32>
        %add3A_1479 = arith.addf %get3A_1474, %get3A_1477 : vector<16xf32>
        %add3A_1480 = arith.addf %add3A_1478, %add3A_1479 : vector<16xf32>
        %mul3A_1481 = arith.mulf %get3A_1468, %get3A_1468 : vector<16xf32>
        %mul3A_1482 = arith.mulf %get3A_1471, %get3A_1471 : vector<16xf32>
        %add3A_1483 = arith.addf %mul3A_1481, %mul3A_1482 : vector<16xf32>
        %mul3A_1484 = arith.mulf %get3A_1474, %get3A_1474 : vector<16xf32>
        %mul3A_1485 = arith.mulf %get3A_1477, %get3A_1477 : vector<16xf32>
        %add3A_1486 = arith.addf %mul3A_1484, %mul3A_1485 : vector<16xf32>
        %add3A_1487 = arith.addf %add3A_1483, %add3A_1486 : vector<16xf32>
        %gather3A_1488 = vector.shape_cast %reshape3A_195 : vector<16x1xi32> to vector<16xi32>
        %gather3A_1489 = tpu.dynamic_gather %add3A_1480[%gather3A_1488] in [0] : vector<16xf32>, vector<16xi32> -> vector<16xf32>
        %add3A_1490 = arith.addf %add3A_1480, %gather3A_1489 : vector<16xf32>
        %gather3A_1491 = vector.shape_cast %reshape3A_195 : vector<16x1xi32> to vector<16xi32>
        %gather3A_1492 = tpu.dynamic_gather %add3A_1487[%gather3A_1491] in [0] : vector<16xf32>, vector<16xi32> -> vector<16xf32>
        %add3A_1493 = arith.addf %add3A_1487, %gather3A_1492 : vector<16xf32>
        %gather3A_1494 = vector.shape_cast %reshape3A_202 : vector<16x1xi32> to vector<16xi32>
        %gather3A_1495 = tpu.dynamic_gather %add3A_1490[%gather3A_1494] in [0] : vector<16xf32>, vector<16xi32> -> vector<16xf32>
        %add3A_1496 = arith.addf %add3A_1490, %gather3A_1495 : vector<16xf32>
        %gather3A_1497 = vector.shape_cast %reshape3A_202 : vector<16x1xi32> to vector<16xi32>
        %gather3A_1498 = tpu.dynamic_gather %add3A_1493[%gather3A_1497] in [0] : vector<16xf32>, vector<16xi32> -> vector<16xf32>
        %add3A_1499 = arith.addf %add3A_1493, %gather3A_1498 : vector<16xf32>
        %gather3A_1500 = vector.shape_cast %reshape3A_209 : vector<16x1xi32> to vector<16xi32>
        %gather3A_1501 = tpu.dynamic_gather %add3A_1496[%gather3A_1500] in [0] : vector<16xf32>, vector<16xi32> -> vector<16xf32>
        %add3A_1502 = arith.addf %add3A_1496, %gather3A_1501 : vector<16xf32>
        %gather3A_1503 = vector.shape_cast %reshape3A_209 : vector<16x1xi32> to vector<16xi32>
        %gather3A_1504 = tpu.dynamic_gather %add3A_1499[%gather3A_1503] in [0] : vector<16xf32>, vector<16xi32> -> vector<16xf32>
        %add3A_1505 = arith.addf %add3A_1499, %gather3A_1504 : vector<16xf32>
        %gather3A_1506 = vector.shape_cast %reshape3A_216 : vector<16x1xi32> to vector<16xi32>
        %gather3A_1507 = tpu.dynamic_gather %add3A_1502[%gather3A_1506] in [0] : vector<16xf32>, vector<16xi32> -> vector<16xf32>
        %add3A_1508 = arith.addf %add3A_1502, %gather3A_1507 : vector<16xf32>
        %gather3A_1509 = vector.shape_cast %reshape3A_216 : vector<16x1xi32> to vector<16xi32>
        %gather3A_1510 = tpu.dynamic_gather %add3A_1505[%gather3A_1509] in [0] : vector<16xf32>, vector<16xi32> -> vector<16xf32>
        %add3A_1511 = arith.addf %add3A_1505, %gather3A_1510 : vector<16xf32>
        %mul3A_1512 = arith.constant 1.562500e-02 : f32
        %mul3A_1513 = vector.broadcast %mul3A_1512 : f32 to vector<16xf32>
        %mul3A_1514 = arith.mulf %add3A_1508, %mul3A_1513 : vector<16xf32>
        %mul3A_1515 = arith.constant 1.562500e-02 : f32
        %mul3A_1516 = vector.broadcast %mul3A_1515 : f32 to vector<16xf32>
        %mul3A_1517 = arith.mulf %add3A_1511, %mul3A_1516 : vector<16xf32>
        %mul3A_1518 = arith.mulf %mul3A_1514, %mul3A_1514 : vector<16xf32>
        %sub3A_1519 = arith.subf %mul3A_1517, %mul3A_1518 : vector<16xf32>
        %add3A_1520 = arith.constant 9.99999974E-6 : f32
        %add3A_1521 = vector.broadcast %add3A_1520 : f32 to vector<16xf32>
        %add3A_1522 = arith.addf %sub3A_1519, %add3A_1521 : vector<16xf32>
        %bitcast3A_1523 = vector.bitcast %add3A_1522 : vector<16xf32> to vector<16xi32>
        %shift_right_arithmetic3A_1524 = arith.constant 1 : i32
        %shift_right_arithmetic3A_1525 = vector.broadcast %shift_right_arithmetic3A_1524 : i32 to vector<16xi32>
        %shift_right_arithmetic3A_1526 = arith.shrsi %bitcast3A_1523, %shift_right_arithmetic3A_1525 : vector<16xi32>
        %sub3A_1527 = arith.constant 1597463007 : i32
        %sub3A_1528 = vector.broadcast %sub3A_1527 : i32 to vector<16xi32>
        %sub3A_1529 = arith.subi %sub3A_1528, %shift_right_arithmetic3A_1526 : vector<16xi32>
        %bitcast3A_1530 = vector.bitcast %sub3A_1529 : vector<16xi32> to vector<16xf32>
        %mul3A_1531 = arith.constant 5.000000e-01 : f32
        %mul3A_1532 = vector.broadcast %mul3A_1531 : f32 to vector<16xf32>
        %mul3A_1533 = arith.mulf %mul3A_1532, %add3A_1522 : vector<16xf32>
        %mul3A_1534 = arith.mulf %mul3A_1533, %bitcast3A_1530 : vector<16xf32>
        %mul3A_1535 = arith.mulf %mul3A_1534, %bitcast3A_1530 : vector<16xf32>
        %sub3A_1536 = arith.constant 1.500000e+00 : f32
        %sub3A_1537 = vector.broadcast %sub3A_1536 : f32 to vector<16xf32>
        %sub3A_1538 = arith.subf %sub3A_1537, %mul3A_1535 : vector<16xf32>
        %mul3A_1539 = arith.mulf %bitcast3A_1530, %sub3A_1538 : vector<16xf32>
        %mul3A_1540 = arith.constant 5.000000e-01 : f32
        %mul3A_1541 = vector.broadcast %mul3A_1540 : f32 to vector<16xf32>
        %mul3A_1542 = arith.mulf %mul3A_1541, %add3A_1522 : vector<16xf32>
        %mul3A_1543 = arith.mulf %mul3A_1542, %mul3A_1539 : vector<16xf32>
        %mul3A_1544 = arith.mulf %mul3A_1543, %mul3A_1539 : vector<16xf32>
        %sub3A_1545 = arith.constant 1.500000e+00 : f32
        %sub3A_1546 = vector.broadcast %sub3A_1545 : f32 to vector<16xf32>
        %sub3A_1547 = arith.subf %sub3A_1546, %mul3A_1544 : vector<16xf32>
        %mul3A_1548 = arith.mulf %mul3A_1539, %sub3A_1547 : vector<16xf32>
        %mul3A_1549 = arith.constant 8 : i32
        %mul3A_1550 = arith.muli %add3A_275, %mul3A_1549 : i32
        %add3A_1551 = arith.constant 5 : i32
        %add3A_1552 = arith.addi %mul3A_1550, %add3A_1551 : i32
        %sub3A_1553 = arith.subf %get3A_1468, %mul3A_1514 : vector<16xf32>
        %mul3A_1554 = arith.mulf %sub3A_1553, %mul3A_1548 : vector<16xf32>
        %mul3A_1555 = arith.mulf %mul3A_1554, %get3A_218 : vector<16xf32>
        %add3A_1556 = arith.addf %mul3A_1555, %get3A_220 : vector<16xf32>
        %swap3A_1557 = arith.index_cast %add3A_1552 : i32 to index
        %swap3A_1558 = arith.constant 0 : index
        %swap3A_1559 = tpu.vector_load %arg11[%swap3A_1557, %swap3A_1558] {strides = array<i32>} : memref<64x128xf32, #tpu.memory_space<vmem>>, vector<16xf32>,
        tpu.vector_store %arg11[%swap3A_1557, %swap3A_1558], %add3A_1556 {strides = array<i32>} : memref<64x128xf32, #tpu.memory_space<vmem>>, vector<16xf32>,
        %sub3A_1560 = arith.subf %get3A_1471, %mul3A_1514 : vector<16xf32>
        %mul3A_1561 = arith.mulf %sub3A_1560, %mul3A_1548 : vector<16xf32>
        %mul3A_1562 = arith.mulf %mul3A_1561, %get3A_222 : vector<16xf32>
        %add3A_1563 = arith.addf %mul3A_1562, %get3A_224 : vector<16xf32>
        %swap3A_1564 = arith.index_cast %add3A_1552 : i32 to index
        %swap3A_1565 = arith.constant 16 : index
        %swap3A_1566 = tpu.vector_load %arg11[%swap3A_1564, %swap3A_1565] {strides = array<i32>} : memref<64x128xf32, #tpu.memory_space<vmem>>, vector<16xf32>,
        tpu.vector_store %arg11[%swap3A_1564, %swap3A_1565], %add3A_1563 {strides = array<i32>} : memref<64x128xf32, #tpu.memory_space<vmem>>, vector<16xf32>,
        %sub3A_1567 = arith.subf %get3A_1474, %mul3A_1514 : vector<16xf32>
        %mul3A_1568 = arith.mulf %sub3A_1567, %mul3A_1548 : vector<16xf32>
        %mul3A_1569 = arith.mulf %mul3A_1568, %get3A_226 : vector<16xf32>
        %add3A_1570 = arith.addf %mul3A_1569, %get3A_228 : vector<16xf32>
        %swap3A_1571 = arith.index_cast %add3A_1552 : i32 to index
        %swap3A_1572 = arith.constant 32 : index
        %swap3A_1573 = tpu.vector_load %arg11[%swap3A_1571, %swap3A_1572] {strides = array<i32>} : memref<64x128xf32, #tpu.memory_space<vmem>>, vector<16xf32>,
        tpu.vector_store %arg11[%swap3A_1571, %swap3A_1572], %add3A_1570 {strides = array<i32>} : memref<64x128xf32, #tpu.memory_space<vmem>>, vector<16xf32>,
        %sub3A_1574 = arith.subf %get3A_1477, %mul3A_1514 : vector<16xf32>
        %mul3A_1575 = arith.mulf %sub3A_1574, %mul3A_1548 : vector<16xf32>
        %mul3A_1576 = arith.mulf %mul3A_1575, %get3A_230 : vector<16xf32>
        %add3A_1577 = arith.addf %mul3A_1576, %get3A_232 : vector<16xf32>
        %swap3A_1578 = arith.index_cast %add3A_1552 : i32 to index
        %swap3A_1579 = arith.constant 48 : index
        %swap3A_1580 = tpu.vector_load %arg11[%swap3A_1578, %swap3A_1579] {strides = array<i32>} : memref<64x128xf32, #tpu.memory_space<vmem>>, vector<16xf32>,
        tpu.vector_store %arg11[%swap3A_1578, %swap3A_1579], %add3A_1577 {strides = array<i32>} : memref<64x128xf32, #tpu.memory_space<vmem>>, vector<16xf32>,
        %mul3A_1581 = arith.constant 16 : i32
        %mul3A_1582 = arith.muli %add3A_275, %mul3A_1581 : i32
        %add3A_1583 = arith.constant 11 : i32
        %add3A_1584 = arith.addi %mul3A_1582, %add3A_1583 : i32
        %get3A_1585 = arith.index_cast %add3A_1584 : i32 to index
        %get3A_1586 = arith.constant 0 : index
        %get3A_1587 = tpu.vector_load %arg9[%get3A_1585, %get3A_1586] {strides = array<i32>} : memref<128x64xf32, #tpu.memory_space<vmem>>, vector<16xf32>,
        %get3A_1588 = arith.index_cast %add3A_1584 : i32 to index
        %get3A_1589 = arith.constant 16 : index
        %get3A_1590 = tpu.vector_load %arg9[%get3A_1588, %get3A_1589] {strides = array<i32>} : memref<128x64xf32, #tpu.memory_space<vmem>>, vector<16xf32>,
        %get3A_1591 = arith.index_cast %add3A_1584 : i32 to index
        %get3A_1592 = arith.constant 32 : index
        %get3A_1593 = tpu.vector_load %arg9[%get3A_1591, %get3A_1592] {strides = array<i32>} : memref<128x64xf32, #tpu.memory_space<vmem>>, vector<16xf32>,
        %get3A_1594 = arith.index_cast %add3A_1584 : i32 to index
        %get3A_1595 = arith.constant 48 : index
        %get3A_1596 = tpu.vector_load %arg9[%get3A_1594, %get3A_1595] {strides = array<i32>} : memref<128x64xf32, #tpu.memory_space<vmem>>, vector<16xf32>,
        %add3A_1597 = arith.addf %get3A_1587, %get3A_1590 : vector<16xf32>
        %add3A_1598 = arith.addf %get3A_1593, %get3A_1596 : vector<16xf32>
        %add3A_1599 = arith.addf %add3A_1597, %add3A_1598 : vector<16xf32>
        %mul3A_1600 = arith.mulf %get3A_1587, %get3A_1587 : vector<16xf32>
        %mul3A_1601 = arith.mulf %get3A_1590, %get3A_1590 : vector<16xf32>
        %add3A_1602 = arith.addf %mul3A_1600, %mul3A_1601 : vector<16xf32>
        %mul3A_1603 = arith.mulf %get3A_1593, %get3A_1593 : vector<16xf32>
        %mul3A_1604 = arith.mulf %get3A_1596, %get3A_1596 : vector<16xf32>
        %add3A_1605 = arith.addf %mul3A_1603, %mul3A_1604 : vector<16xf32>
        %add3A_1606 = arith.addf %add3A_1602, %add3A_1605 : vector<16xf32>
        %gather3A_1607 = vector.shape_cast %reshape3A_195 : vector<16x1xi32> to vector<16xi32>
        %gather3A_1608 = tpu.dynamic_gather %add3A_1599[%gather3A_1607] in [0] : vector<16xf32>, vector<16xi32> -> vector<16xf32>
        %add3A_1609 = arith.addf %add3A_1599, %gather3A_1608 : vector<16xf32>
        %gather3A_1610 = vector.shape_cast %reshape3A_195 : vector<16x1xi32> to vector<16xi32>
        %gather3A_1611 = tpu.dynamic_gather %add3A_1606[%gather3A_1610] in [0] : vector<16xf32>, vector<16xi32> -> vector<16xf32>
        %add3A_1612 = arith.addf %add3A_1606, %gather3A_1611 : vector<16xf32>
        %gather3A_1613 = vector.shape_cast %reshape3A_202 : vector<16x1xi32> to vector<16xi32>
        %gather3A_1614 = tpu.dynamic_gather %add3A_1609[%gather3A_1613] in [0] : vector<16xf32>, vector<16xi32> -> vector<16xf32>
        %add3A_1615 = arith.addf %add3A_1609, %gather3A_1614 : vector<16xf32>
        %gather3A_1616 = vector.shape_cast %reshape3A_202 : vector<16x1xi32> to vector<16xi32>
        %gather3A_1617 = tpu.dynamic_gather %add3A_1612[%gather3A_1616] in [0] : vector<16xf32>, vector<16xi32> -> vector<16xf32>
        %add3A_1618 = arith.addf %add3A_1612, %gather3A_1617 : vector<16xf32>
        %gather3A_1619 = vector.shape_cast %reshape3A_209 : vector<16x1xi32> to vector<16xi32>
        %gather3A_1620 = tpu.dynamic_gather %add3A_1615[%gather3A_1619] in [0] : vector<16xf32>, vector<16xi32> -> vector<16xf32>
        %add3A_1621 = arith.addf %add3A_1615, %gather3A_1620 : vector<16xf32>
        %gather3A_1622 = vector.shape_cast %reshape3A_209 : vector<16x1xi32> to vector<16xi32>
        %gather3A_1623 = tpu.dynamic_gather %add3A_1618[%gather3A_1622] in [0] : vector<16xf32>, vector<16xi32> -> vector<16xf32>
        %add3A_1624 = arith.addf %add3A_1618, %gather3A_1623 : vector<16xf32>
        %gather3A_1625 = vector.shape_cast %reshape3A_216 : vector<16x1xi32> to vector<16xi32>
        %gather3A_1626 = tpu.dynamic_gather %add3A_1621[%gather3A_1625] in [0] : vector<16xf32>, vector<16xi32> -> vector<16xf32>
        %add3A_1627 = arith.addf %add3A_1621, %gather3A_1626 : vector<16xf32>
        %gather3A_1628 = vector.shape_cast %reshape3A_216 : vector<16x1xi32> to vector<16xi32>
        %gather3A_1629 = tpu.dynamic_gather %add3A_1624[%gather3A_1628] in [0] : vector<16xf32>, vector<16xi32> -> vector<16xf32>
        %add3A_1630 = arith.addf %add3A_1624, %gather3A_1629 : vector<16xf32>
        %mul3A_1631 = arith.constant 1.562500e-02 : f32
        %mul3A_1632 = vector.broadcast %mul3A_1631 : f32 to vector<16xf32>
        %mul3A_1633 = arith.mulf %add3A_1627, %mul3A_1632 : vector<16xf32>
        %mul3A_1634 = arith.constant 1.562500e-02 : f32
        %mul3A_1635 = vector.broadcast %mul3A_1634 : f32 to vector<16xf32>
        %mul3A_1636 = arith.mulf %add3A_1630, %mul3A_1635 : vector<16xf32>
        %mul3A_1637 = arith.mulf %mul3A_1633, %mul3A_1633 : vector<16xf32>
        %sub3A_1638 = arith.subf %mul3A_1636, %mul3A_1637 : vector<16xf32>
        %add3A_1639 = arith.constant 9.99999974E-6 : f32
        %add3A_1640 = vector.broadcast %add3A_1639 : f32 to vector<16xf32>
        %add3A_1641 = arith.addf %sub3A_1638, %add3A_1640 : vector<16xf32>
        %bitcast3A_1642 = vector.bitcast %add3A_1641 : vector<16xf32> to vector<16xi32>
        %shift_right_arithmetic3A_1643 = arith.constant 1 : i32
        %shift_right_arithmetic3A_1644 = vector.broadcast %shift_right_arithmetic3A_1643 : i32 to vector<16xi32>
        %shift_right_arithmetic3A_1645 = arith.shrsi %bitcast3A_1642, %shift_right_arithmetic3A_1644 : vector<16xi32>
        %sub3A_1646 = arith.constant 1597463007 : i32
        %sub3A_1647 = vector.broadcast %sub3A_1646 : i32 to vector<16xi32>
        %sub3A_1648 = arith.subi %sub3A_1647, %shift_right_arithmetic3A_1645 : vector<16xi32>
        %bitcast3A_1649 = vector.bitcast %sub3A_1648 : vector<16xi32> to vector<16xf32>
        %mul3A_1650 = arith.constant 5.000000e-01 : f32
        %mul3A_1651 = vector.broadcast %mul3A_1650 : f32 to vector<16xf32>
        %mul3A_1652 = arith.mulf %mul3A_1651, %add3A_1641 : vector<16xf32>
        %mul3A_1653 = arith.mulf %mul3A_1652, %bitcast3A_1649 : vector<16xf32>
        %mul3A_1654 = arith.mulf %mul3A_1653, %bitcast3A_1649 : vector<16xf32>
        %sub3A_1655 = arith.constant 1.500000e+00 : f32
        %sub3A_1656 = vector.broadcast %sub3A_1655 : f32 to vector<16xf32>
        %sub3A_1657 = arith.subf %sub3A_1656, %mul3A_1654 : vector<16xf32>
        %mul3A_1658 = arith.mulf %bitcast3A_1649, %sub3A_1657 : vector<16xf32>
        %mul3A_1659 = arith.constant 5.000000e-01 : f32
        %mul3A_1660 = vector.broadcast %mul3A_1659 : f32 to vector<16xf32>
        %mul3A_1661 = arith.mulf %mul3A_1660, %add3A_1641 : vector<16xf32>
        %mul3A_1662 = arith.mulf %mul3A_1661, %mul3A_1658 : vector<16xf32>
        %mul3A_1663 = arith.mulf %mul3A_1662, %mul3A_1658 : vector<16xf32>
        %sub3A_1664 = arith.constant 1.500000e+00 : f32
        %sub3A_1665 = vector.broadcast %sub3A_1664 : f32 to vector<16xf32>
        %sub3A_1666 = arith.subf %sub3A_1665, %mul3A_1663 : vector<16xf32>
        %mul3A_1667 = arith.mulf %mul3A_1658, %sub3A_1666 : vector<16xf32>
        %mul3A_1668 = arith.constant 8 : i32
        %mul3A_1669 = arith.muli %add3A_275, %mul3A_1668 : i32
        %add3A_1670 = arith.constant 5 : i32
        %add3A_1671 = arith.addi %mul3A_1669, %add3A_1670 : i32
        %sub3A_1672 = arith.subf %get3A_1587, %mul3A_1633 : vector<16xf32>
        %mul3A_1673 = arith.mulf %sub3A_1672, %mul3A_1667 : vector<16xf32>
        %mul3A_1674 = arith.mulf %mul3A_1673, %get3A_218 : vector<16xf32>
        %add3A_1675 = arith.addf %mul3A_1674, %get3A_220 : vector<16xf32>
        %swap3A_1676 = arith.index_cast %add3A_1671 : i32 to index
        %swap3A_1677 = arith.constant 64 : index
        %swap3A_1678 = tpu.vector_load %arg11[%swap3A_1676, %swap3A_1677] {strides = array<i32>} : memref<64x128xf32, #tpu.memory_space<vmem>>, vector<16xf32>,
        tpu.vector_store %arg11[%swap3A_1676, %swap3A_1677], %add3A_1675 {strides = array<i32>} : memref<64x128xf32, #tpu.memory_space<vmem>>, vector<16xf32>,
        %sub3A_1679 = arith.subf %get3A_1590, %mul3A_1633 : vector<16xf32>
        %mul3A_1680 = arith.mulf %sub3A_1679, %mul3A_1667 : vector<16xf32>
        %mul3A_1681 = arith.mulf %mul3A_1680, %get3A_222 : vector<16xf32>
        %add3A_1682 = arith.addf %mul3A_1681, %get3A_224 : vector<16xf32>
        %swap3A_1683 = arith.index_cast %add3A_1671 : i32 to index
        %swap3A_1684 = arith.constant 80 : index
        %swap3A_1685 = tpu.vector_load %arg11[%swap3A_1683, %swap3A_1684] {strides = array<i32>} : memref<64x128xf32, #tpu.memory_space<vmem>>, vector<16xf32>,
        tpu.vector_store %arg11[%swap3A_1683, %swap3A_1684], %add3A_1682 {strides = array<i32>} : memref<64x128xf32, #tpu.memory_space<vmem>>, vector<16xf32>,
        %sub3A_1686 = arith.subf %get3A_1593, %mul3A_1633 : vector<16xf32>
        %mul3A_1687 = arith.mulf %sub3A_1686, %mul3A_1667 : vector<16xf32>
        %mul3A_1688 = arith.mulf %mul3A_1687, %get3A_226 : vector<16xf32>
        %add3A_1689 = arith.addf %mul3A_1688, %get3A_228 : vector<16xf32>
        %swap3A_1690 = arith.index_cast %add3A_1671 : i32 to index
        %swap3A_1691 = arith.constant 96 : index
        %swap3A_1692 = tpu.vector_load %arg11[%swap3A_1690, %swap3A_1691] {strides = array<i32>} : memref<64x128xf32, #tpu.memory_space<vmem>>, vector<16xf32>,
        tpu.vector_store %arg11[%swap3A_1690, %swap3A_1691], %add3A_1689 {strides = array<i32>} : memref<64x128xf32, #tpu.memory_space<vmem>>, vector<16xf32>,
        %sub3A_1693 = arith.subf %get3A_1596, %mul3A_1633 : vector<16xf32>
        %mul3A_1694 = arith.mulf %sub3A_1693, %mul3A_1667 : vector<16xf32>
        %mul3A_1695 = arith.mulf %mul3A_1694, %get3A_230 : vector<16xf32>
        %add3A_1696 = arith.addf %mul3A_1695, %get3A_232 : vector<16xf32>
        %swap3A_1697 = arith.index_cast %add3A_1671 : i32 to index
        %swap3A_1698 = arith.constant 112 : index
        %swap3A_1699 = tpu.vector_load %arg11[%swap3A_1697, %swap3A_1698] {strides = array<i32>} : memref<64x128xf32, #tpu.memory_space<vmem>>, vector<16xf32>,
        tpu.vector_store %arg11[%swap3A_1697, %swap3A_1698], %add3A_1696 {strides = array<i32>} : memref<64x128xf32, #tpu.memory_space<vmem>>, vector<16xf32>,
        %mul3A_1700 = arith.constant 16 : i32
        %mul3A_1701 = arith.muli %add3A_275, %mul3A_1700 : i32
        %add3A_1702 = arith.constant 12 : i32
        %add3A_1703 = arith.addi %mul3A_1701, %add3A_1702 : i32
        %get3A_1704 = arith.index_cast %add3A_1703 : i32 to index
        %get3A_1705 = arith.constant 0 : index
        %get3A_1706 = tpu.vector_load %arg9[%get3A_1704, %get3A_1705] {strides = array<i32>} : memref<128x64xf32, #tpu.memory_space<vmem>>, vector<16xf32>,
        %get3A_1707 = arith.index_cast %add3A_1703 : i32 to index
        %get3A_1708 = arith.constant 16 : index
        %get3A_1709 = tpu.vector_load %arg9[%get3A_1707, %get3A_1708] {strides = array<i32>} : memref<128x64xf32, #tpu.memory_space<vmem>>, vector<16xf32>,
        %get3A_1710 = arith.index_cast %add3A_1703 : i32 to index
        %get3A_1711 = arith.constant 32 : index
        %get3A_1712 = tpu.vector_load %arg9[%get3A_1710, %get3A_1711] {strides = array<i32>} : memref<128x64xf32, #tpu.memory_space<vmem>>, vector<16xf32>,
        %get3A_1713 = arith.index_cast %add3A_1703 : i32 to index
        %get3A_1714 = arith.constant 48 : index
        %get3A_1715 = tpu.vector_load %arg9[%get3A_1713, %get3A_1714] {strides = array<i32>} : memref<128x64xf32, #tpu.memory_space<vmem>>, vector<16xf32>,
        %add3A_1716 = arith.addf %get3A_1706, %get3A_1709 : vector<16xf32>
        %add3A_1717 = arith.addf %get3A_1712, %get3A_1715 : vector<16xf32>
        %add3A_1718 = arith.addf %add3A_1716, %add3A_1717 : vector<16xf32>
        %mul3A_1719 = arith.mulf %get3A_1706, %get3A_1706 : vector<16xf32>
        %mul3A_1720 = arith.mulf %get3A_1709, %get3A_1709 : vector<16xf32>
        %add3A_1721 = arith.addf %mul3A_1719, %mul3A_1720 : vector<16xf32>
        %mul3A_1722 = arith.mulf %get3A_1712, %get3A_1712 : vector<16xf32>
        %mul3A_1723 = arith.mulf %get3A_1715, %get3A_1715 : vector<16xf32>
        %add3A_1724 = arith.addf %mul3A_1722, %mul3A_1723 : vector<16xf32>
        %add3A_1725 = arith.addf %add3A_1721, %add3A_1724 : vector<16xf32>
        %gather3A_1726 = vector.shape_cast %reshape3A_195 : vector<16x1xi32> to vector<16xi32>
        %gather3A_1727 = tpu.dynamic_gather %add3A_1718[%gather3A_1726] in [0] : vector<16xf32>, vector<16xi32> -> vector<16xf32>
        %add3A_1728 = arith.addf %add3A_1718, %gather3A_1727 : vector<16xf32>
        %gather3A_1729 = vector.shape_cast %reshape3A_195 : vector<16x1xi32> to vector<16xi32>
        %gather3A_1730 = tpu.dynamic_gather %add3A_1725[%gather3A_1729] in [0] : vector<16xf32>, vector<16xi32> -> vector<16xf32>
        %add3A_1731 = arith.addf %add3A_1725, %gather3A_1730 : vector<16xf32>
        %gather3A_1732 = vector.shape_cast %reshape3A_202 : vector<16x1xi32> to vector<16xi32>
        %gather3A_1733 = tpu.dynamic_gather %add3A_1728[%gather3A_1732] in [0] : vector<16xf32>, vector<16xi32> -> vector<16xf32>
        %add3A_1734 = arith.addf %add3A_1728, %gather3A_1733 : vector<16xf32>
        %gather3A_1735 = vector.shape_cast %reshape3A_202 : vector<16x1xi32> to vector<16xi32>
        %gather3A_1736 = tpu.dynamic_gather %add3A_1731[%gather3A_1735] in [0] : vector<16xf32>, vector<16xi32> -> vector<16xf32>
        %add3A_1737 = arith.addf %add3A_1731, %gather3A_1736 : vector<16xf32>
        %gather3A_1738 = vector.shape_cast %reshape3A_209 : vector<16x1xi32> to vector<16xi32>
        %gather3A_1739 = tpu.dynamic_gather %add3A_1734[%gather3A_1738] in [0] : vector<16xf32>, vector<16xi32> -> vector<16xf32>
        %add3A_1740 = arith.addf %add3A_1734, %gather3A_1739 : vector<16xf32>
        %gather3A_1741 = vector.shape_cast %reshape3A_209 : vector<16x1xi32> to vector<16xi32>
        %gather3A_1742 = tpu.dynamic_gather %add3A_1737[%gather3A_1741] in [0] : vector<16xf32>, vector<16xi32> -> vector<16xf32>
        %add3A_1743 = arith.addf %add3A_1737, %gather3A_1742 : vector<16xf32>
        %gather3A_1744 = vector.shape_cast %reshape3A_216 : vector<16x1xi32> to vector<16xi32>
        %gather3A_1745 = tpu.dynamic_gather %add3A_1740[%gather3A_1744] in [0] : vector<16xf32>, vector<16xi32> -> vector<16xf32>
        %add3A_1746 = arith.addf %add3A_1740, %gather3A_1745 : vector<16xf32>
        %gather3A_1747 = vector.shape_cast %reshape3A_216 : vector<16x1xi32> to vector<16xi32>
        %gather3A_1748 = tpu.dynamic_gather %add3A_1743[%gather3A_1747] in [0] : vector<16xf32>, vector<16xi32> -> vector<16xf32>
        %add3A_1749 = arith.addf %add3A_1743, %gather3A_1748 : vector<16xf32>
        %mul3A_1750 = arith.constant 1.562500e-02 : f32
        %mul3A_1751 = vector.broadcast %mul3A_1750 : f32 to vector<16xf32>
        %mul3A_1752 = arith.mulf %add3A_1746, %mul3A_1751 : vector<16xf32>
        %mul3A_1753 = arith.constant 1.562500e-02 : f32
        %mul3A_1754 = vector.broadcast %mul3A_1753 : f32 to vector<16xf32>
        %mul3A_1755 = arith.mulf %add3A_1749, %mul3A_1754 : vector<16xf32>
        %mul3A_1756 = arith.mulf %mul3A_1752, %mul3A_1752 : vector<16xf32>
        %sub3A_1757 = arith.subf %mul3A_1755, %mul3A_1756 : vector<16xf32>
        %add3A_1758 = arith.constant 9.99999974E-6 : f32
        %add3A_1759 = vector.broadcast %add3A_1758 : f32 to vector<16xf32>
        %add3A_1760 = arith.addf %sub3A_1757, %add3A_1759 : vector<16xf32>
        %bitcast3A_1761 = vector.bitcast %add3A_1760 : vector<16xf32> to vector<16xi32>
        %shift_right_arithmetic3A_1762 = arith.constant 1 : i32
        %shift_right_arithmetic3A_1763 = vector.broadcast %shift_right_arithmetic3A_1762 : i32 to vector<16xi32>
        %shift_right_arithmetic3A_1764 = arith.shrsi %bitcast3A_1761, %shift_right_arithmetic3A_1763 : vector<16xi32>
        %sub3A_1765 = arith.constant 1597463007 : i32
        %sub3A_1766 = vector.broadcast %sub3A_1765 : i32 to vector<16xi32>
        %sub3A_1767 = arith.subi %sub3A_1766, %shift_right_arithmetic3A_1764 : vector<16xi32>
        %bitcast3A_1768 = vector.bitcast %sub3A_1767 : vector<16xi32> to vector<16xf32>
        %mul3A_1769 = arith.constant 5.000000e-01 : f32
        %mul3A_1770 = vector.broadcast %mul3A_1769 : f32 to vector<16xf32>
        %mul3A_1771 = arith.mulf %mul3A_1770, %add3A_1760 : vector<16xf32>
        %mul3A_1772 = arith.mulf %mul3A_1771, %bitcast3A_1768 : vector<16xf32>
        %mul3A_1773 = arith.mulf %mul3A_1772, %bitcast3A_1768 : vector<16xf32>
        %sub3A_1774 = arith.constant 1.500000e+00 : f32
        %sub3A_1775 = vector.broadcast %sub3A_1774 : f32 to vector<16xf32>
        %sub3A_1776 = arith.subf %sub3A_1775, %mul3A_1773 : vector<16xf32>
        %mul3A_1777 = arith.mulf %bitcast3A_1768, %sub3A_1776 : vector<16xf32>
        %mul3A_1778 = arith.constant 5.000000e-01 : f32
        %mul3A_1779 = vector.broadcast %mul3A_1778 : f32 to vector<16xf32>
        %mul3A_1780 = arith.mulf %mul3A_1779, %add3A_1760 : vector<16xf32>
        %mul3A_1781 = arith.mulf %mul3A_1780, %mul3A_1777 : vector<16xf32>
        %mul3A_1782 = arith.mulf %mul3A_1781, %mul3A_1777 : vector<16xf32>
        %sub3A_1783 = arith.constant 1.500000e+00 : f32
        %sub3A_1784 = vector.broadcast %sub3A_1783 : f32 to vector<16xf32>
        %sub3A_1785 = arith.subf %sub3A_1784, %mul3A_1782 : vector<16xf32>
        %mul3A_1786 = arith.mulf %mul3A_1777, %sub3A_1785 : vector<16xf32>
        %mul3A_1787 = arith.constant 8 : i32
        %mul3A_1788 = arith.muli %add3A_275, %mul3A_1787 : i32
        %add3A_1789 = arith.constant 6 : i32
        %add3A_1790 = arith.addi %mul3A_1788, %add3A_1789 : i32
        %sub3A_1791 = arith.subf %get3A_1706, %mul3A_1752 : vector<16xf32>
        %mul3A_1792 = arith.mulf %sub3A_1791, %mul3A_1786 : vector<16xf32>
        %mul3A_1793 = arith.mulf %mul3A_1792, %get3A_218 : vector<16xf32>
        %add3A_1794 = arith.addf %mul3A_1793, %get3A_220 : vector<16xf32>
        %swap3A_1795 = arith.index_cast %add3A_1790 : i32 to index
        %swap3A_1796 = arith.constant 0 : index
        %swap3A_1797 = tpu.vector_load %arg11[%swap3A_1795, %swap3A_1796] {strides = array<i32>} : memref<64x128xf32, #tpu.memory_space<vmem>>, vector<16xf32>,
        tpu.vector_store %arg11[%swap3A_1795, %swap3A_1796], %add3A_1794 {strides = array<i32>} : memref<64x128xf32, #tpu.memory_space<vmem>>, vector<16xf32>,
        %sub3A_1798 = arith.subf %get3A_1709, %mul3A_1752 : vector<16xf32>
        %mul3A_1799 = arith.mulf %sub3A_1798, %mul3A_1786 : vector<16xf32>
        %mul3A_1800 = arith.mulf %mul3A_1799, %get3A_222 : vector<16xf32>
        %add3A_1801 = arith.addf %mul3A_1800, %get3A_224 : vector<16xf32>
        %swap3A_1802 = arith.index_cast %add3A_1790 : i32 to index
        %swap3A_1803 = arith.constant 16 : index
        %swap3A_1804 = tpu.vector_load %arg11[%swap3A_1802, %swap3A_1803] {strides = array<i32>} : memref<64x128xf32, #tpu.memory_space<vmem>>, vector<16xf32>,
        tpu.vector_store %arg11[%swap3A_1802, %swap3A_1803], %add3A_1801 {strides = array<i32>} : memref<64x128xf32, #tpu.memory_space<vmem>>, vector<16xf32>,
        %sub3A_1805 = arith.subf %get3A_1712, %mul3A_1752 : vector<16xf32>
        %mul3A_1806 = arith.mulf %sub3A_1805, %mul3A_1786 : vector<16xf32>
        %mul3A_1807 = arith.mulf %mul3A_1806, %get3A_226 : vector<16xf32>
        %add3A_1808 = arith.addf %mul3A_1807, %get3A_228 : vector<16xf32>
        %swap3A_1809 = arith.index_cast %add3A_1790 : i32 to index
        %swap3A_1810 = arith.constant 32 : index
        %swap3A_1811 = tpu.vector_load %arg11[%swap3A_1809, %swap3A_1810] {strides = array<i32>} : memref<64x128xf32, #tpu.memory_space<vmem>>, vector<16xf32>,
        tpu.vector_store %arg11[%swap3A_1809, %swap3A_1810], %add3A_1808 {strides = array<i32>} : memref<64x128xf32, #tpu.memory_space<vmem>>, vector<16xf32>,
        %sub3A_1812 = arith.subf %get3A_1715, %mul3A_1752 : vector<16xf32>
        %mul3A_1813 = arith.mulf %sub3A_1812, %mul3A_1786 : vector<16xf32>
        %mul3A_1814 = arith.mulf %mul3A_1813, %get3A_230 : vector<16xf32>
        %add3A_1815 = arith.addf %mul3A_1814, %get3A_232 : vector<16xf32>
        %swap3A_1816 = arith.index_cast %add3A_1790 : i32 to index
        %swap3A_1817 = arith.constant 48 : index
        %swap3A_1818 = tpu.vector_load %arg11[%swap3A_1816, %swap3A_1817] {strides = array<i32>} : memref<64x128xf32, #tpu.memory_space<vmem>>, vector<16xf32>,
        tpu.vector_store %arg11[%swap3A_1816, %swap3A_1817], %add3A_1815 {strides = array<i32>} : memref<64x128xf32, #tpu.memory_space<vmem>>, vector<16xf32>,
        %mul3A_1819 = arith.constant 16 : i32
        %mul3A_1820 = arith.muli %add3A_275, %mul3A_1819 : i32
        %add3A_1821 = arith.constant 13 : i32
        %add3A_1822 = arith.addi %mul3A_1820, %add3A_1821 : i32
        %get3A_1823 = arith.index_cast %add3A_1822 : i32 to index
        %get3A_1824 = arith.constant 0 : index
        %get3A_1825 = tpu.vector_load %arg9[%get3A_1823, %get3A_1824] {strides = array<i32>} : memref<128x64xf32, #tpu.memory_space<vmem>>, vector<16xf32>,
        %get3A_1826 = arith.index_cast %add3A_1822 : i32 to index
        %get3A_1827 = arith.constant 16 : index
        %get3A_1828 = tpu.vector_load %arg9[%get3A_1826, %get3A_1827] {strides = array<i32>} : memref<128x64xf32, #tpu.memory_space<vmem>>, vector<16xf32>,
        %get3A_1829 = arith.index_cast %add3A_1822 : i32 to index
        %get3A_1830 = arith.constant 32 : index
        %get3A_1831 = tpu.vector_load %arg9[%get3A_1829, %get3A_1830] {strides = array<i32>} : memref<128x64xf32, #tpu.memory_space<vmem>>, vector<16xf32>,
        %get3A_1832 = arith.index_cast %add3A_1822 : i32 to index
        %get3A_1833 = arith.constant 48 : index
        %get3A_1834 = tpu.vector_load %arg9[%get3A_1832, %get3A_1833] {strides = array<i32>} : memref<128x64xf32, #tpu.memory_space<vmem>>, vector<16xf32>,
        %add3A_1835 = arith.addf %get3A_1825, %get3A_1828 : vector<16xf32>
        %add3A_1836 = arith.addf %get3A_1831, %get3A_1834 : vector<16xf32>
        %add3A_1837 = arith.addf %add3A_1835, %add3A_1836 : vector<16xf32>
        %mul3A_1838 = arith.mulf %get3A_1825, %get3A_1825 : vector<16xf32>
        %mul3A_1839 = arith.mulf %get3A_1828, %get3A_1828 : vector<16xf32>
        %add3A_1840 = arith.addf %mul3A_1838, %mul3A_1839 : vector<16xf32>
        %mul3A_1841 = arith.mulf %get3A_1831, %get3A_1831 : vector<16xf32>
        %mul3A_1842 = arith.mulf %get3A_1834, %get3A_1834 : vector<16xf32>
        %add3A_1843 = arith.addf %mul3A_1841, %mul3A_1842 : vector<16xf32>
        %add3A_1844 = arith.addf %add3A_1840, %add3A_1843 : vector<16xf32>
        %gather3A_1845 = vector.shape_cast %reshape3A_195 : vector<16x1xi32> to vector<16xi32>
        %gather3A_1846 = tpu.dynamic_gather %add3A_1837[%gather3A_1845] in [0] : vector<16xf32>, vector<16xi32> -> vector<16xf32>
        %add3A_1847 = arith.addf %add3A_1837, %gather3A_1846 : vector<16xf32>
        %gather3A_1848 = vector.shape_cast %reshape3A_195 : vector<16x1xi32> to vector<16xi32>
        %gather3A_1849 = tpu.dynamic_gather %add3A_1844[%gather3A_1848] in [0] : vector<16xf32>, vector<16xi32> -> vector<16xf32>
        %add3A_1850 = arith.addf %add3A_1844, %gather3A_1849 : vector<16xf32>
        %gather3A_1851 = vector.shape_cast %reshape3A_202 : vector<16x1xi32> to vector<16xi32>
        %gather3A_1852 = tpu.dynamic_gather %add3A_1847[%gather3A_1851] in [0] : vector<16xf32>, vector<16xi32> -> vector<16xf32>
        %add3A_1853 = arith.addf %add3A_1847, %gather3A_1852 : vector<16xf32>
        %gather3A_1854 = vector.shape_cast %reshape3A_202 : vector<16x1xi32> to vector<16xi32>
        %gather3A_1855 = tpu.dynamic_gather %add3A_1850[%gather3A_1854] in [0] : vector<16xf32>, vector<16xi32> -> vector<16xf32>
        %add3A_1856 = arith.addf %add3A_1850, %gather3A_1855 : vector<16xf32>
        %gather3A_1857 = vector.shape_cast %reshape3A_209 : vector<16x1xi32> to vector<16xi32>
        %gather3A_1858 = tpu.dynamic_gather %add3A_1853[%gather3A_1857] in [0] : vector<16xf32>, vector<16xi32> -> vector<16xf32>
        %add3A_1859 = arith.addf %add3A_1853, %gather3A_1858 : vector<16xf32>
        %gather3A_1860 = vector.shape_cast %reshape3A_209 : vector<16x1xi32> to vector<16xi32>
        %gather3A_1861 = tpu.dynamic_gather %add3A_1856[%gather3A_1860] in [0] : vector<16xf32>, vector<16xi32> -> vector<16xf32>
        %add3A_1862 = arith.addf %add3A_1856, %gather3A_1861 : vector<16xf32>
        %gather3A_1863 = vector.shape_cast %reshape3A_216 : vector<16x1xi32> to vector<16xi32>
        %gather3A_1864 = tpu.dynamic_gather %add3A_1859[%gather3A_1863] in [0] : vector<16xf32>, vector<16xi32> -> vector<16xf32>
        %add3A_1865 = arith.addf %add3A_1859, %gather3A_1864 : vector<16xf32>
        %gather3A_1866 = vector.shape_cast %reshape3A_216 : vector<16x1xi32> to vector<16xi32>
        %gather3A_1867 = tpu.dynamic_gather %add3A_1862[%gather3A_1866] in [0] : vector<16xf32>, vector<16xi32> -> vector<16xf32>
        %add3A_1868 = arith.addf %add3A_1862, %gather3A_1867 : vector<16xf32>
        %mul3A_1869 = arith.constant 1.562500e-02 : f32
        %mul3A_1870 = vector.broadcast %mul3A_1869 : f32 to vector<16xf32>
        %mul3A_1871 = arith.mulf %add3A_1865, %mul3A_1870 : vector<16xf32>
        %mul3A_1872 = arith.constant 1.562500e-02 : f32
        %mul3A_1873 = vector.broadcast %mul3A_1872 : f32 to vector<16xf32>
        %mul3A_1874 = arith.mulf %add3A_1868, %mul3A_1873 : vector<16xf32>
        %mul3A_1875 = arith.mulf %mul3A_1871, %mul3A_1871 : vector<16xf32>
        %sub3A_1876 = arith.subf %mul3A_1874, %mul3A_1875 : vector<16xf32>
        %add3A_1877 = arith.constant 9.99999974E-6 : f32
        %add3A_1878 = vector.broadcast %add3A_1877 : f32 to vector<16xf32>
        %add3A_1879 = arith.addf %sub3A_1876, %add3A_1878 : vector<16xf32>
        %bitcast3A_1880 = vector.bitcast %add3A_1879 : vector<16xf32> to vector<16xi32>
        %shift_right_arithmetic3A_1881 = arith.constant 1 : i32
        %shift_right_arithmetic3A_1882 = vector.broadcast %shift_right_arithmetic3A_1881 : i32 to vector<16xi32>
        %shift_right_arithmetic3A_1883 = arith.shrsi %bitcast3A_1880, %shift_right_arithmetic3A_1882 : vector<16xi32>
        %sub3A_1884 = arith.constant 1597463007 : i32
        %sub3A_1885 = vector.broadcast %sub3A_1884 : i32 to vector<16xi32>
        %sub3A_1886 = arith.subi %sub3A_1885, %shift_right_arithmetic3A_1883 : vector<16xi32>
        %bitcast3A_1887 = vector.bitcast %sub3A_1886 : vector<16xi32> to vector<16xf32>
        %mul3A_1888 = arith.constant 5.000000e-01 : f32
        %mul3A_1889 = vector.broadcast %mul3A_1888 : f32 to vector<16xf32>
        %mul3A_1890 = arith.mulf %mul3A_1889, %add3A_1879 : vector<16xf32>
        %mul3A_1891 = arith.mulf %mul3A_1890, %bitcast3A_1887 : vector<16xf32>
        %mul3A_1892 = arith.mulf %mul3A_1891, %bitcast3A_1887 : vector<16xf32>
        %sub3A_1893 = arith.constant 1.500000e+00 : f32
        %sub3A_1894 = vector.broadcast %sub3A_1893 : f32 to vector<16xf32>
        %sub3A_1895 = arith.subf %sub3A_1894, %mul3A_1892 : vector<16xf32>
        %mul3A_1896 = arith.mulf %bitcast3A_1887, %sub3A_1895 : vector<16xf32>
        %mul3A_1897 = arith.constant 5.000000e-01 : f32
        %mul3A_1898 = vector.broadcast %mul3A_1897 : f32 to vector<16xf32>
        %mul3A_1899 = arith.mulf %mul3A_1898, %add3A_1879 : vector<16xf32>
        %mul3A_1900 = arith.mulf %mul3A_1899, %mul3A_1896 : vector<16xf32>
        %mul3A_1901 = arith.mulf %mul3A_1900, %mul3A_1896 : vector<16xf32>
        %sub3A_1902 = arith.constant 1.500000e+00 : f32
        %sub3A_1903 = vector.broadcast %sub3A_1902 : f32 to vector<16xf32>
        %sub3A_1904 = arith.subf %sub3A_1903, %mul3A_1901 : vector<16xf32>
        %mul3A_1905 = arith.mulf %mul3A_1896, %sub3A_1904 : vector<16xf32>
        %mul3A_1906 = arith.constant 8 : i32
        %mul3A_1907 = arith.muli %add3A_275, %mul3A_1906 : i32
        %add3A_1908 = arith.constant 6 : i32
        %add3A_1909 = arith.addi %mul3A_1907, %add3A_1908 : i32
        %sub3A_1910 = arith.subf %get3A_1825, %mul3A_1871 : vector<16xf32>
        %mul3A_1911 = arith.mulf %sub3A_1910, %mul3A_1905 : vector<16xf32>
        %mul3A_1912 = arith.mulf %mul3A_1911, %get3A_218 : vector<16xf32>
        %add3A_1913 = arith.addf %mul3A_1912, %get3A_220 : vector<16xf32>
        %swap3A_1914 = arith.index_cast %add3A_1909 : i32 to index
        %swap3A_1915 = arith.constant 64 : index
        %swap3A_1916 = tpu.vector_load %arg11[%swap3A_1914, %swap3A_1915] {strides = array<i32>} : memref<64x128xf32, #tpu.memory_space<vmem>>, vector<16xf32>,
        tpu.vector_store %arg11[%swap3A_1914, %swap3A_1915], %add3A_1913 {strides = array<i32>} : memref<64x128xf32, #tpu.memory_space<vmem>>, vector<16xf32>,
        %sub3A_1917 = arith.subf %get3A_1828, %mul3A_1871 : vector<16xf32>
        %mul3A_1918 = arith.mulf %sub3A_1917, %mul3A_1905 : vector<16xf32>
        %mul3A_1919 = arith.mulf %mul3A_1918, %get3A_222 : vector<16xf32>
        %add3A_1920 = arith.addf %mul3A_1919, %get3A_224 : vector<16xf32>
        %swap3A_1921 = arith.index_cast %add3A_1909 : i32 to index
        %swap3A_1922 = arith.constant 80 : index
        %swap3A_1923 = tpu.vector_load %arg11[%swap3A_1921, %swap3A_1922] {strides = array<i32>} : memref<64x128xf32, #tpu.memory_space<vmem>>, vector<16xf32>,
        tpu.vector_store %arg11[%swap3A_1921, %swap3A_1922], %add3A_1920 {strides = array<i32>} : memref<64x128xf32, #tpu.memory_space<vmem>>, vector<16xf32>,
        %sub3A_1924 = arith.subf %get3A_1831, %mul3A_1871 : vector<16xf32>
        %mul3A_1925 = arith.mulf %sub3A_1924, %mul3A_1905 : vector<16xf32>
        %mul3A_1926 = arith.mulf %mul3A_1925, %get3A_226 : vector<16xf32>
        %add3A_1927 = arith.addf %mul3A_1926, %get3A_228 : vector<16xf32>
        %swap3A_1928 = arith.index_cast %add3A_1909 : i32 to index
        %swap3A_1929 = arith.constant 96 : index
        %swap3A_1930 = tpu.vector_load %arg11[%swap3A_1928, %swap3A_1929] {strides = array<i32>} : memref<64x128xf32, #tpu.memory_space<vmem>>, vector<16xf32>,
        tpu.vector_store %arg11[%swap3A_1928, %swap3A_1929], %add3A_1927 {strides = array<i32>} : memref<64x128xf32, #tpu.memory_space<vmem>>, vector<16xf32>,
        %sub3A_1931 = arith.subf %get3A_1834, %mul3A_1871 : vector<16xf32>
        %mul3A_1932 = arith.mulf %sub3A_1931, %mul3A_1905 : vector<16xf32>
        %mul3A_1933 = arith.mulf %mul3A_1932, %get3A_230 : vector<16xf32>
        %add3A_1934 = arith.addf %mul3A_1933, %get3A_232 : vector<16xf32>
        %swap3A_1935 = arith.index_cast %add3A_1909 : i32 to index
        %swap3A_1936 = arith.constant 112 : index
        %swap3A_1937 = tpu.vector_load %arg11[%swap3A_1935, %swap3A_1936] {strides = array<i32>} : memref<64x128xf32, #tpu.memory_space<vmem>>, vector<16xf32>,
        tpu.vector_store %arg11[%swap3A_1935, %swap3A_1936], %add3A_1934 {strides = array<i32>} : memref<64x128xf32, #tpu.memory_space<vmem>>, vector<16xf32>,
        %mul3A_1938 = arith.constant 16 : i32
        %mul3A_1939 = arith.muli %add3A_275, %mul3A_1938 : i32
        %add3A_1940 = arith.constant 14 : i32
        %add3A_1941 = arith.addi %mul3A_1939, %add3A_1940 : i32
        %get3A_1942 = arith.index_cast %add3A_1941 : i32 to index
        %get3A_1943 = arith.constant 0 : index
        %get3A_1944 = tpu.vector_load %arg9[%get3A_1942, %get3A_1943] {strides = array<i32>} : memref<128x64xf32, #tpu.memory_space<vmem>>, vector<16xf32>,
        %get3A_1945 = arith.index_cast %add3A_1941 : i32 to index
        %get3A_1946 = arith.constant 16 : index
        %get3A_1947 = tpu.vector_load %arg9[%get3A_1945, %get3A_1946] {strides = array<i32>} : memref<128x64xf32, #tpu.memory_space<vmem>>, vector<16xf32>,
        %get3A_1948 = arith.index_cast %add3A_1941 : i32 to index
        %get3A_1949 = arith.constant 32 : index
        %get3A_1950 = tpu.vector_load %arg9[%get3A_1948, %get3A_1949] {strides = array<i32>} : memref<128x64xf32, #tpu.memory_space<vmem>>, vector<16xf32>,
        %get3A_1951 = arith.index_cast %add3A_1941 : i32 to index
        %get3A_1952 = arith.constant 48 : index
        %get3A_1953 = tpu.vector_load %arg9[%get3A_1951, %get3A_1952] {strides = array<i32>} : memref<128x64xf32, #tpu.memory_space<vmem>>, vector<16xf32>,
        %add3A_1954 = arith.addf %get3A_1944, %get3A_1947 : vector<16xf32>
        %add3A_1955 = arith.addf %get3A_1950, %get3A_1953 : vector<16xf32>
        %add3A_1956 = arith.addf %add3A_1954, %add3A_1955 : vector<16xf32>
        %mul3A_1957 = arith.mulf %get3A_1944, %get3A_1944 : vector<16xf32>
        %mul3A_1958 = arith.mulf %get3A_1947, %get3A_1947 : vector<16xf32>
        %add3A_1959 = arith.addf %mul3A_1957, %mul3A_1958 : vector<16xf32>
        %mul3A_1960 = arith.mulf %get3A_1950, %get3A_1950 : vector<16xf32>
        %mul3A_1961 = arith.mulf %get3A_1953, %get3A_1953 : vector<16xf32>
        %add3A_1962 = arith.addf %mul3A_1960, %mul3A_1961 : vector<16xf32>
        %add3A_1963 = arith.addf %add3A_1959, %add3A_1962 : vector<16xf32>
        %gather3A_1964 = vector.shape_cast %reshape3A_195 : vector<16x1xi32> to vector<16xi32>
        %gather3A_1965 = tpu.dynamic_gather %add3A_1956[%gather3A_1964] in [0] : vector<16xf32>, vector<16xi32> -> vector<16xf32>
        %add3A_1966 = arith.addf %add3A_1956, %gather3A_1965 : vector<16xf32>
        %gather3A_1967 = vector.shape_cast %reshape3A_195 : vector<16x1xi32> to vector<16xi32>
        %gather3A_1968 = tpu.dynamic_gather %add3A_1963[%gather3A_1967] in [0] : vector<16xf32>, vector<16xi32> -> vector<16xf32>
        %add3A_1969 = arith.addf %add3A_1963, %gather3A_1968 : vector<16xf32>
        %gather3A_1970 = vector.shape_cast %reshape3A_202 : vector<16x1xi32> to vector<16xi32>
        %gather3A_1971 = tpu.dynamic_gather %add3A_1966[%gather3A_1970] in [0] : vector<16xf32>, vector<16xi32> -> vector<16xf32>
        %add3A_1972 = arith.addf %add3A_1966, %gather3A_1971 : vector<16xf32>
        %gather3A_1973 = vector.shape_cast %reshape3A_202 : vector<16x1xi32> to vector<16xi32>
        %gather3A_1974 = tpu.dynamic_gather %add3A_1969[%gather3A_1973] in [0] : vector<16xf32>, vector<16xi32> -> vector<16xf32>
        %add3A_1975 = arith.addf %add3A_1969, %gather3A_1974 : vector<16xf32>
        %gather3A_1976 = vector.shape_cast %reshape3A_209 : vector<16x1xi32> to vector<16xi32>
        %gather3A_1977 = tpu.dynamic_gather %add3A_1972[%gather3A_1976] in [0] : vector<16xf32>, vector<16xi32> -> vector<16xf32>
        %add3A_1978 = arith.addf %add3A_1972, %gather3A_1977 : vector<16xf32>
        %gather3A_1979 = vector.shape_cast %reshape3A_209 : vector<16x1xi32> to vector<16xi32>
        %gather3A_1980 = tpu.dynamic_gather %add3A_1975[%gather3A_1979] in [0] : vector<16xf32>, vector<16xi32> -> vector<16xf32>
        %add3A_1981 = arith.addf %add3A_1975, %gather3A_1980 : vector<16xf32>
        %gather3A_1982 = vector.shape_cast %reshape3A_216 : vector<16x1xi32> to vector<16xi32>
        %gather3A_1983 = tpu.dynamic_gather %add3A_1978[%gather3A_1982] in [0] : vector<16xf32>, vector<16xi32> -> vector<16xf32>
        %add3A_1984 = arith.addf %add3A_1978, %gather3A_1983 : vector<16xf32>
        %gather3A_1985 = vector.shape_cast %reshape3A_216 : vector<16x1xi32> to vector<16xi32>
        %gather3A_1986 = tpu.dynamic_gather %add3A_1981[%gather3A_1985] in [0] : vector<16xf32>, vector<16xi32> -> vector<16xf32>
        %add3A_1987 = arith.addf %add3A_1981, %gather3A_1986 : vector<16xf32>
        %mul3A_1988 = arith.constant 1.562500e-02 : f32
        %mul3A_1989 = vector.broadcast %mul3A_1988 : f32 to vector<16xf32>
        %mul3A_1990 = arith.mulf %add3A_1984, %mul3A_1989 : vector<16xf32>
        %mul3A_1991 = arith.constant 1.562500e-02 : f32
        %mul3A_1992 = vector.broadcast %mul3A_1991 : f32 to vector<16xf32>
        %mul3A_1993 = arith.mulf %add3A_1987, %mul3A_1992 : vector<16xf32>
        %mul3A_1994 = arith.mulf %mul3A_1990, %mul3A_1990 : vector<16xf32>
        %sub3A_1995 = arith.subf %mul3A_1993, %mul3A_1994 : vector<16xf32>
        %add3A_1996 = arith.constant 9.99999974E-6 : f32
        %add3A_1997 = vector.broadcast %add3A_1996 : f32 to vector<16xf32>
        %add3A_1998 = arith.addf %sub3A_1995, %add3A_1997 : vector<16xf32>
        %bitcast3A_1999 = vector.bitcast %add3A_1998 : vector<16xf32> to vector<16xi32>
        %shift_right_arithmetic3A_2000 = arith.constant 1 : i32
        %shift_right_arithmetic3A_2001 = vector.broadcast %shift_right_arithmetic3A_2000 : i32 to vector<16xi32>
        %shift_right_arithmetic3A_2002 = arith.shrsi %bitcast3A_1999, %shift_right_arithmetic3A_2001 : vector<16xi32>
        %sub3A_2003 = arith.constant 1597463007 : i32
        %sub3A_2004 = vector.broadcast %sub3A_2003 : i32 to vector<16xi32>
        %sub3A_2005 = arith.subi %sub3A_2004, %shift_right_arithmetic3A_2002 : vector<16xi32>
        %bitcast3A_2006 = vector.bitcast %sub3A_2005 : vector<16xi32> to vector<16xf32>
        %mul3A_2007 = arith.constant 5.000000e-01 : f32
        %mul3A_2008 = vector.broadcast %mul3A_2007 : f32 to vector<16xf32>
        %mul3A_2009 = arith.mulf %mul3A_2008, %add3A_1998 : vector<16xf32>
        %mul3A_2010 = arith.mulf %mul3A_2009, %bitcast3A_2006 : vector<16xf32>
        %mul3A_2011 = arith.mulf %mul3A_2010, %bitcast3A_2006 : vector<16xf32>
        %sub3A_2012 = arith.constant 1.500000e+00 : f32
        %sub3A_2013 = vector.broadcast %sub3A_2012 : f32 to vector<16xf32>
        %sub3A_2014 = arith.subf %sub3A_2013, %mul3A_2011 : vector<16xf32>
        %mul3A_2015 = arith.mulf %bitcast3A_2006, %sub3A_2014 : vector<16xf32>
        %mul3A_2016 = arith.constant 5.000000e-01 : f32
        %mul3A_2017 = vector.broadcast %mul3A_2016 : f32 to vector<16xf32>
        %mul3A_2018 = arith.mulf %mul3A_2017, %add3A_1998 : vector<16xf32>
        %mul3A_2019 = arith.mulf %mul3A_2018, %mul3A_2015 : vector<16xf32>
        %mul3A_2020 = arith.mulf %mul3A_2019, %mul3A_2015 : vector<16xf32>
        %sub3A_2021 = arith.constant 1.500000e+00 : f32
        %sub3A_2022 = vector.broadcast %sub3A_2021 : f32 to vector<16xf32>
        %sub3A_2023 = arith.subf %sub3A_2022, %mul3A_2020 : vector<16xf32>
        %mul3A_2024 = arith.mulf %mul3A_2015, %sub3A_2023 : vector<16xf32>
        %mul3A_2025 = arith.constant 8 : i32
        %mul3A_2026 = arith.muli %add3A_275, %mul3A_2025 : i32
        %add3A_2027 = arith.constant 7 : i32
        %add3A_2028 = arith.addi %mul3A_2026, %add3A_2027 : i32
        %sub3A_2029 = arith.subf %get3A_1944, %mul3A_1990 : vector<16xf32>
        %mul3A_2030 = arith.mulf %sub3A_2029, %mul3A_2024 : vector<16xf32>
        %mul3A_2031 = arith.mulf %mul3A_2030, %get3A_218 : vector<16xf32>
        %add3A_2032 = arith.addf %mul3A_2031, %get3A_220 : vector<16xf32>
        %swap3A_2033 = arith.index_cast %add3A_2028 : i32 to index
        %swap3A_2034 = arith.constant 0 : index
        %swap3A_2035 = tpu.vector_load %arg11[%swap3A_2033, %swap3A_2034] {strides = array<i32>} : memref<64x128xf32, #tpu.memory_space<vmem>>, vector<16xf32>,
        tpu.vector_store %arg11[%swap3A_2033, %swap3A_2034], %add3A_2032 {strides = array<i32>} : memref<64x128xf32, #tpu.memory_space<vmem>>, vector<16xf32>,
        %sub3A_2036 = arith.subf %get3A_1947, %mul3A_1990 : vector<16xf32>
        %mul3A_2037 = arith.mulf %sub3A_2036, %mul3A_2024 : vector<16xf32>
        %mul3A_2038 = arith.mulf %mul3A_2037, %get3A_222 : vector<16xf32>
        %add3A_2039 = arith.addf %mul3A_2038, %get3A_224 : vector<16xf32>
        %swap3A_2040 = arith.index_cast %add3A_2028 : i32 to index
        %swap3A_2041 = arith.constant 16 : index
        %swap3A_2042 = tpu.vector_load %arg11[%swap3A_2040, %swap3A_2041] {strides = array<i32>} : memref<64x128xf32, #tpu.memory_space<vmem>>, vector<16xf32>,
        tpu.vector_store %arg11[%swap3A_2040, %swap3A_2041], %add3A_2039 {strides = array<i32>} : memref<64x128xf32, #tpu.memory_space<vmem>>, vector<16xf32>,
        %sub3A_2043 = arith.subf %get3A_1950, %mul3A_1990 : vector<16xf32>
        %mul3A_2044 = arith.mulf %sub3A_2043, %mul3A_2024 : vector<16xf32>
        %mul3A_2045 = arith.mulf %mul3A_2044, %get3A_226 : vector<16xf32>
        %add3A_2046 = arith.addf %mul3A_2045, %get3A_228 : vector<16xf32>
        %swap3A_2047 = arith.index_cast %add3A_2028 : i32 to index
        %swap3A_2048 = arith.constant 32 : index
        %swap3A_2049 = tpu.vector_load %arg11[%swap3A_2047, %swap3A_2048] {strides = array<i32>} : memref<64x128xf32, #tpu.memory_space<vmem>>, vector<16xf32>,
        tpu.vector_store %arg11[%swap3A_2047, %swap3A_2048], %add3A_2046 {strides = array<i32>} : memref<64x128xf32, #tpu.memory_space<vmem>>, vector<16xf32>,
        %sub3A_2050 = arith.subf %get3A_1953, %mul3A_1990 : vector<16xf32>
        %mul3A_2051 = arith.mulf %sub3A_2050, %mul3A_2024 : vector<16xf32>
        %mul3A_2052 = arith.mulf %mul3A_2051, %get3A_230 : vector<16xf32>
        %add3A_2053 = arith.addf %mul3A_2052, %get3A_232 : vector<16xf32>
        %swap3A_2054 = arith.index_cast %add3A_2028 : i32 to index
        %swap3A_2055 = arith.constant 48 : index
        %swap3A_2056 = tpu.vector_load %arg11[%swap3A_2054, %swap3A_2055] {strides = array<i32>} : memref<64x128xf32, #tpu.memory_space<vmem>>, vector<16xf32>,
        tpu.vector_store %arg11[%swap3A_2054, %swap3A_2055], %add3A_2053 {strides = array<i32>} : memref<64x128xf32, #tpu.memory_space<vmem>>, vector<16xf32>,
        %mul3A_2057 = arith.constant 16 : i32
        %mul3A_2058 = arith.muli %add3A_275, %mul3A_2057 : i32
        %add3A_2059 = arith.constant 15 : i32
        %add3A_2060 = arith.addi %mul3A_2058, %add3A_2059 : i32
        %get3A_2061 = arith.index_cast %add3A_2060 : i32 to index
        %get3A_2062 = arith.constant 0 : index
        %get3A_2063 = tpu.vector_load %arg9[%get3A_2061, %get3A_2062] {strides = array<i32>} : memref<128x64xf32, #tpu.memory_space<vmem>>, vector<16xf32>,
        %get3A_2064 = arith.index_cast %add3A_2060 : i32 to index
        %get3A_2065 = arith.constant 16 : index
        %get3A_2066 = tpu.vector_load %arg9[%get3A_2064, %get3A_2065] {strides = array<i32>} : memref<128x64xf32, #tpu.memory_space<vmem>>, vector<16xf32>,
        %get3A_2067 = arith.index_cast %add3A_2060 : i32 to index
        %get3A_2068 = arith.constant 32 : index
        %get3A_2069 = tpu.vector_load %arg9[%get3A_2067, %get3A_2068] {strides = array<i32>} : memref<128x64xf32, #tpu.memory_space<vmem>>, vector<16xf32>,
        %get3A_2070 = arith.index_cast %add3A_2060 : i32 to index
        %get3A_2071 = arith.constant 48 : index
        %get3A_2072 = tpu.vector_load %arg9[%get3A_2070, %get3A_2071] {strides = array<i32>} : memref<128x64xf32, #tpu.memory_space<vmem>>, vector<16xf32>,
        %add3A_2073 = arith.addf %get3A_2063, %get3A_2066 : vector<16xf32>
        %add3A_2074 = arith.addf %get3A_2069, %get3A_2072 : vector<16xf32>
        %add3A_2075 = arith.addf %add3A_2073, %add3A_2074 : vector<16xf32>
        %mul3A_2076 = arith.mulf %get3A_2063, %get3A_2063 : vector<16xf32>
        %mul3A_2077 = arith.mulf %get3A_2066, %get3A_2066 : vector<16xf32>
        %add3A_2078 = arith.addf %mul3A_2076, %mul3A_2077 : vector<16xf32>
        %mul3A_2079 = arith.mulf %get3A_2069, %get3A_2069 : vector<16xf32>
        %mul3A_2080 = arith.mulf %get3A_2072, %get3A_2072 : vector<16xf32>
        %add3A_2081 = arith.addf %mul3A_2079, %mul3A_2080 : vector<16xf32>
        %add3A_2082 = arith.addf %add3A_2078, %add3A_2081 : vector<16xf32>
        %gather3A_2083 = vector.shape_cast %reshape3A_195 : vector<16x1xi32> to vector<16xi32>
        %gather3A_2084 = tpu.dynamic_gather %add3A_2075[%gather3A_2083] in [0] : vector<16xf32>, vector<16xi32> -> vector<16xf32>
        %add3A_2085 = arith.addf %add3A_2075, %gather3A_2084 : vector<16xf32>
        %gather3A_2086 = vector.shape_cast %reshape3A_195 : vector<16x1xi32> to vector<16xi32>
        %gather3A_2087 = tpu.dynamic_gather %add3A_2082[%gather3A_2086] in [0] : vector<16xf32>, vector<16xi32> -> vector<16xf32>
        %add3A_2088 = arith.addf %add3A_2082, %gather3A_2087 : vector<16xf32>
        %gather3A_2089 = vector.shape_cast %reshape3A_202 : vector<16x1xi32> to vector<16xi32>
        %gather3A_2090 = tpu.dynamic_gather %add3A_2085[%gather3A_2089] in [0] : vector<16xf32>, vector<16xi32> -> vector<16xf32>
        %add3A_2091 = arith.addf %add3A_2085, %gather3A_2090 : vector<16xf32>
        %gather3A_2092 = vector.shape_cast %reshape3A_202 : vector<16x1xi32> to vector<16xi32>
        %gather3A_2093 = tpu.dynamic_gather %add3A_2088[%gather3A_2092] in [0] : vector<16xf32>, vector<16xi32> -> vector<16xf32>
        %add3A_2094 = arith.addf %add3A_2088, %gather3A_2093 : vector<16xf32>
        %gather3A_2095 = vector.shape_cast %reshape3A_209 : vector<16x1xi32> to vector<16xi32>
        %gather3A_2096 = tpu.dynamic_gather %add3A_2091[%gather3A_2095] in [0] : vector<16xf32>, vector<16xi32> -> vector<16xf32>
        %add3A_2097 = arith.addf %add3A_2091, %gather3A_2096 : vector<16xf32>
        %gather3A_2098 = vector.shape_cast %reshape3A_209 : vector<16x1xi32> to vector<16xi32>
        %gather3A_2099 = tpu.dynamic_gather %add3A_2094[%gather3A_2098] in [0] : vector<16xf32>, vector<16xi32> -> vector<16xf32>
        %add3A_2100 = arith.addf %add3A_2094, %gather3A_2099 : vector<16xf32>
        %gather3A_2101 = vector.shape_cast %reshape3A_216 : vector<16x1xi32> to vector<16xi32>
        %gather3A_2102 = tpu.dynamic_gather %add3A_2097[%gather3A_2101] in [0] : vector<16xf32>, vector<16xi32> -> vector<16xf32>
        %add3A_2103 = arith.addf %add3A_2097, %gather3A_2102 : vector<16xf32>
        %gather3A_2104 = vector.shape_cast %reshape3A_216 : vector<16x1xi32> to vector<16xi32>
        %gather3A_2105 = tpu.dynamic_gather %add3A_2100[%gather3A_2104] in [0] : vector<16xf32>, vector<16xi32> -> vector<16xf32>
        %add3A_2106 = arith.addf %add3A_2100, %gather3A_2105 : vector<16xf32>
        %mul3A_2107 = arith.constant 1.562500e-02 : f32
        %mul3A_2108 = vector.broadcast %mul3A_2107 : f32 to vector<16xf32>
        %mul3A_2109 = arith.mulf %add3A_2103, %mul3A_2108 : vector<16xf32>
        %mul3A_2110 = arith.constant 1.562500e-02 : f32
        %mul3A_2111 = vector.broadcast %mul3A_2110 : f32 to vector<16xf32>
        %mul3A_2112 = arith.mulf %add3A_2106, %mul3A_2111 : vector<16xf32>
        %mul3A_2113 = arith.mulf %mul3A_2109, %mul3A_2109 : vector<16xf32>
        %sub3A_2114 = arith.subf %mul3A_2112, %mul3A_2113 : vector<16xf32>
        %add3A_2115 = arith.constant 9.99999974E-6 : f32
        %add3A_2116 = vector.broadcast %add3A_2115 : f32 to vector<16xf32>
        %add3A_2117 = arith.addf %sub3A_2114, %add3A_2116 : vector<16xf32>
        %bitcast3A_2118 = vector.bitcast %add3A_2117 : vector<16xf32> to vector<16xi32>
        %shift_right_arithmetic3A_2119 = arith.constant 1 : i32
        %shift_right_arithmetic3A_2120 = vector.broadcast %shift_right_arithmetic3A_2119 : i32 to vector<16xi32>
        %shift_right_arithmetic3A_2121 = arith.shrsi %bitcast3A_2118, %shift_right_arithmetic3A_2120 : vector<16xi32>
        %sub3A_2122 = arith.constant 1597463007 : i32
        %sub3A_2123 = vector.broadcast %sub3A_2122 : i32 to vector<16xi32>
        %sub3A_2124 = arith.subi %sub3A_2123, %shift_right_arithmetic3A_2121 : vector<16xi32>
        %bitcast3A_2125 = vector.bitcast %sub3A_2124 : vector<16xi32> to vector<16xf32>
        %mul3A_2126 = arith.constant 5.000000e-01 : f32
        %mul3A_2127 = vector.broadcast %mul3A_2126 : f32 to vector<16xf32>
        %mul3A_2128 = arith.mulf %mul3A_2127, %add3A_2117 : vector<16xf32>
        %mul3A_2129 = arith.mulf %mul3A_2128, %bitcast3A_2125 : vector<16xf32>
        %mul3A_2130 = arith.mulf %mul3A_2129, %bitcast3A_2125 : vector<16xf32>
        %sub3A_2131 = arith.constant 1.500000e+00 : f32
        %sub3A_2132 = vector.broadcast %sub3A_2131 : f32 to vector<16xf32>
        %sub3A_2133 = arith.subf %sub3A_2132, %mul3A_2130 : vector<16xf32>
        %mul3A_2134 = arith.mulf %bitcast3A_2125, %sub3A_2133 : vector<16xf32>
        %mul3A_2135 = arith.constant 5.000000e-01 : f32
        %mul3A_2136 = vector.broadcast %mul3A_2135 : f32 to vector<16xf32>
        %mul3A_2137 = arith.mulf %mul3A_2136, %add3A_2117 : vector<16xf32>
        %mul3A_2138 = arith.mulf %mul3A_2137, %mul3A_2134 : vector<16xf32>
        %mul3A_2139 = arith.mulf %mul3A_2138, %mul3A_2134 : vector<16xf32>
        %sub3A_2140 = arith.constant 1.500000e+00 : f32
        %sub3A_2141 = vector.broadcast %sub3A_2140 : f32 to vector<16xf32>
        %sub3A_2142 = arith.subf %sub3A_2141, %mul3A_2139 : vector<16xf32>
        %mul3A_2143 = arith.mulf %mul3A_2134, %sub3A_2142 : vector<16xf32>
        %mul3A_2144 = arith.constant 8 : i32
        %mul3A_2145 = arith.muli %add3A_275, %mul3A_2144 : i32
        %add3A_2146 = arith.constant 7 : i32
        %add3A_2147 = arith.addi %mul3A_2145, %add3A_2146 : i32
        %sub3A_2148 = arith.subf %get3A_2063, %mul3A_2109 : vector<16xf32>
        %mul3A_2149 = arith.mulf %sub3A_2148, %mul3A_2143 : vector<16xf32>
        %mul3A_2150 = arith.mulf %mul3A_2149, %get3A_218 : vector<16xf32>
        %add3A_2151 = arith.addf %mul3A_2150, %get3A_220 : vector<16xf32>
        %swap3A_2152 = arith.index_cast %add3A_2147 : i32 to index
        %swap3A_2153 = arith.constant 64 : index
        %swap3A_2154 = tpu.vector_load %arg11[%swap3A_2152, %swap3A_2153] {strides = array<i32>} : memref<64x128xf32, #tpu.memory_space<vmem>>, vector<16xf32>,
        tpu.vector_store %arg11[%swap3A_2152, %swap3A_2153], %add3A_2151 {strides = array<i32>} : memref<64x128xf32, #tpu.memory_space<vmem>>, vector<16xf32>,
        %sub3A_2155 = arith.subf %get3A_2066, %mul3A_2109 : vector<16xf32>
        %mul3A_2156 = arith.mulf %sub3A_2155, %mul3A_2143 : vector<16xf32>
        %mul3A_2157 = arith.mulf %mul3A_2156, %get3A_222 : vector<16xf32>
        %add3A_2158 = arith.addf %mul3A_2157, %get3A_224 : vector<16xf32>
        %swap3A_2159 = arith.index_cast %add3A_2147 : i32 to index
        %swap3A_2160 = arith.constant 80 : index
        %swap3A_2161 = tpu.vector_load %arg11[%swap3A_2159, %swap3A_2160] {strides = array<i32>} : memref<64x128xf32, #tpu.memory_space<vmem>>, vector<16xf32>,
        tpu.vector_store %arg11[%swap3A_2159, %swap3A_2160], %add3A_2158 {strides = array<i32>} : memref<64x128xf32, #tpu.memory_space<vmem>>, vector<16xf32>,
        %sub3A_2162 = arith.subf %get3A_2069, %mul3A_2109 : vector<16xf32>
        %mul3A_2163 = arith.mulf %sub3A_2162, %mul3A_2143 : vector<16xf32>
        %mul3A_2164 = arith.mulf %mul3A_2163, %get3A_226 : vector<16xf32>
        %add3A_2165 = arith.addf %mul3A_2164, %get3A_228 : vector<16xf32>
        %swap3A_2166 = arith.index_cast %add3A_2147 : i32 to index
        %swap3A_2167 = arith.constant 96 : index
        %swap3A_2168 = tpu.vector_load %arg11[%swap3A_2166, %swap3A_2167] {strides = array<i32>} : memref<64x128xf32, #tpu.memory_space<vmem>>, vector<16xf32>,
        tpu.vector_store %arg11[%swap3A_2166, %swap3A_2167], %add3A_2165 {strides = array<i32>} : memref<64x128xf32, #tpu.memory_space<vmem>>, vector<16xf32>,
        %sub3A_2169 = arith.subf %get3A_2072, %mul3A_2109 : vector<16xf32>
        %mul3A_2170 = arith.mulf %sub3A_2169, %mul3A_2143 : vector<16xf32>
        %mul3A_2171 = arith.mulf %mul3A_2170, %get3A_230 : vector<16xf32>
        %add3A_2172 = arith.addf %mul3A_2171, %get3A_232 : vector<16xf32>
        %swap3A_2173 = arith.index_cast %add3A_2147 : i32 to index
        %swap3A_2174 = arith.constant 112 : index
        %swap3A_2175 = tpu.vector_load %arg11[%swap3A_2173, %swap3A_2174] {strides = array<i32>} : memref<64x128xf32, #tpu.memory_space<vmem>>, vector<16xf32>,
        tpu.vector_store %arg11[%swap3A_2173, %swap3A_2174], %add3A_2172 {strides = array<i32>} : memref<64x128xf32, #tpu.memory_space<vmem>>, vector<16xf32>,
      }
      %scan3A_237 = arith.constant 8 : i32
      %mul3A_238 = arith.constant 128 : i32
      %mul3A_239 = arith.muli %add3A_172, %mul3A_238 : i32
      %add3A_240 = arith.addi %mul3A_2, %mul3A_239 : i32
      %mul3A_241 = arith.constant 64 : i32
      %mul3A_242 = arith.muli %add3A_240, %mul3A_241 : i32
      %jit3A_243 = arith.constant 128 : i32
      %div3A_244 = arith.divsi %mul3A_242, %jit3A_243 : i32
      %sign3A_245 = arith.constant 0 : i32
      %sign3A_246 = arith.cmpi sgt, %mul3A_242, %sign3A_245 : i32
      %sign3A_247 = arith.extui %sign3A_246 : i1 to i32
      %sign3A_248 = arith.constant 0 : i32
      %sign3A_249 = arith.cmpi slt, %mul3A_242, %sign3A_248 : i32
      %sign3A_250 = arith.extui %sign3A_249 : i1 to i32
      %sign3A_251 = arith.subi %sign3A_247, %sign3A_250 : i32
      %sign3A_252 = arith.constant 0 : i32
      %sign3A_253 = arith.cmpi sgt, %jit3A_243, %sign3A_252 : i32
      %sign3A_254 = arith.extui %sign3A_253 : i1 to i32
      %sign3A_255 = arith.constant 0 : i32
      %sign3A_256 = arith.cmpi slt, %jit3A_243, %sign3A_255 : i32
      %sign3A_257 = arith.extui %sign3A_256 : i1 to i32
      %sign3A_258 = arith.subi %sign3A_254, %sign3A_257 : i32
      %ne3A_259 = arith.cmpi ne, %sign3A_251, %sign3A_258 : i32
      %rem3A_260 = arith.remsi %mul3A_242, %jit3A_243 : i32
      %ne3A_261 = arith.constant 0 : i32
      %ne3A_262 = arith.cmpi ne, %rem3A_260, %ne3A_261 : i32
      %and3A_263 = arith.andi %ne3A_259, %ne3A_262 : i1
      %sub3A_264 = arith.constant 1 : i32
      %sub3A_265 = arith.subi %div3A_244, %sub3A_264 : i32
      %select_n3A_266 = arith.select %and3A_263, %sub3A_265, %div3A_244 : i32
      %dma_start3A_267 = arith.constant 0 : i32
      %dma_start3A_268 = tpu.memref_slice %arg6[%select_n3A_266, %dma_start3A_267] : memref<409600x128xf32, #tpu.memory_space<hbm>> -> memref<64x128xf32, #tpu.memory_space<hbm>>
      %dma_start3A_269 = arith.constant 0 : i32
      %dma_start3A_270 = tpu.memref_slice %arg6[%select_n3A_266, %dma_start3A_269] : memref<409600x128xf32, #tpu.memory_space<hbm>> -> memref<64x128xf32, #tpu.memory_space<hbm>>
      tpu.enqueue_dma source(%arg11 : memref<64x128xf32, #tpu.memory_space<vmem>>) target(%dma_start3A_270 : memref<64x128xf32, #tpu.memory_space<hbm>>) target_semaphore(%arg17 : memref<!tpu.dma_semaphore, #tpu.memory_space<semaphore_mem>>)
    }
    %scan3A_12 = arith.constant 100 : i32
    %add3A_13 = arith.constant 25344 : i32
    %add3A_14 = arith.addi %mul3A_2, %add3A_13 : i32
    %mul3A_15 = arith.constant 64 : i32
    %mul3A_16 = arith.muli %add3A_14, %mul3A_15 : i32
    %jit3A = arith.constant 128 : i32
    %div3A = arith.divsi %mul3A_16, %jit3A : i32
    %sign3A = arith.constant 0 : i32
    %sign3A_17 = arith.cmpi sgt, %mul3A_16, %sign3A : i32
    %sign3A_18 = arith.extui %sign3A_17 : i1 to i32
    %sign3A_19 = arith.constant 0 : i32
    %sign3A_20 = arith.cmpi slt, %mul3A_16, %sign3A_19 : i32
    %sign3A_21 = arith.extui %sign3A_20 : i1 to i32
    %sign3A_22 = arith.subi %sign3A_18, %sign3A_21 : i32
    %sign3A_23 = arith.constant 0 : i32
    %sign3A_24 = arith.cmpi sgt, %jit3A, %sign3A_23 : i32
    %sign3A_25 = arith.extui %sign3A_24 : i1 to i32
    %sign3A_26 = arith.constant 0 : i32
    %sign3A_27 = arith.cmpi slt, %jit3A, %sign3A_26 : i32
    %sign3A_28 = arith.extui %sign3A_27 : i1 to i32
    %sign3A_29 = arith.subi %sign3A_25, %sign3A_28 : i32
    %ne3A = arith.cmpi ne, %sign3A_22, %sign3A_29 : i32
    %rem3A = arith.remsi %mul3A_16, %jit3A : i32
    %ne3A_30 = arith.constant 0 : i32
    %ne3A_31 = arith.cmpi ne, %rem3A, %ne3A_30 : i32
    %and3A = arith.andi %ne3A, %ne3A_31 : i1
    %sub3A = arith.constant 1 : i32
    %sub3A_32 = arith.subi %div3A, %sub3A : i32
    %select_n3A = arith.select %and3A, %sub3A_32, %div3A : i32
    %dma_wait3A = arith.constant 0 : i32
    %dma_wait3A_33 = tpu.memref_slice %arg6[%select_n3A, %dma_wait3A] : memref<409600x128xf32, #tpu.memory_space<hbm>> -> memref<64x128xf32, #tpu.memory_space<hbm>>
    %dma_wait3A_34 = arith.constant 0 : i32
    %dma_wait3A_35 = tpu.memref_slice %arg6[%select_n3A, %dma_wait3A_34] : memref<409600x128xf32, #tpu.memory_space<hbm>> -> memref<64x128xf32, #tpu.memory_space<hbm>>
    tpu.wait_dma2 semaphore(%arg16 : memref<!tpu.dma_semaphore, #tpu.memory_space<semaphore_mem>>) src(%arg10 : memref<64x128xf32, #tpu.memory_space<vmem>>) dst(%dma_wait3A_35 : memref<64x128xf32, #tpu.memory_space<hbm>>)
    %add3A_36 = arith.constant 25472 : i32
    %add3A_37 = arith.addi %mul3A_2, %add3A_36 : i32
    %mul3A_38 = arith.constant 64 : i32
    %mul3A_39 = arith.muli %add3A_37, %mul3A_38 : i32
    %jit3A_40 = arith.constant 128 : i32
    %div3A_41 = arith.divsi %mul3A_39, %jit3A_40 : i32
    %sign3A_42 = arith.constant 0 : i32
    %sign3A_43 = arith.cmpi sgt, %mul3A_39, %sign3A_42 : i32
    %sign3A_44 = arith.extui %sign3A_43 : i1 to i32
    %sign3A_45 = arith.constant 0 : i32
    %sign3A_46 = arith.cmpi slt, %mul3A_39, %sign3A_45 : i32
    %sign3A_47 = arith.extui %sign3A_46 : i1 to i32
    %sign3A_48 = arith.subi %sign3A_44, %sign3A_47 : i32
    %sign3A_49 = arith.constant 0 : i32
    %sign3A_50 = arith.cmpi sgt, %jit3A_40, %sign3A_49 : i32
    %sign3A_51 = arith.extui %sign3A_50 : i1 to i32
    %sign3A_52 = arith.constant 0 : i32
    %sign3A_53 = arith.cmpi slt, %jit3A_40, %sign3A_52 : i32
    %sign3A_54 = arith.extui %sign3A_53 : i1 to i32
    %sign3A_55 = arith.subi %sign3A_51, %sign3A_54 : i32
    %ne3A_56 = arith.cmpi ne, %sign3A_48, %sign3A_55 : i32
    %rem3A_57 = arith.remsi %mul3A_39, %jit3A_40 : i32
    %ne3A_58 = arith.constant 0 : i32
    %ne3A_59 = arith.cmpi ne, %rem3A_57, %ne3A_58 : i32
    %and3A_60 = arith.andi %ne3A_56, %ne3A_59 : i1
    %sub3A_61 = arith.constant 1 : i32
    %sub3A_62 = arith.subi %div3A_41, %sub3A_61 : i32
    %select_n3A_63 = arith.select %and3A_60, %sub3A_62, %div3A_41 : i32
    %dma_wait3A_64 = arith.constant 0 : i32
    %dma_wait3A_65 = tpu.memref_slice %arg6[%select_n3A_63, %dma_wait3A_64] : memref<409600x128xf32, #tpu.memory_space<hbm>> -> memref<64x128xf32, #tpu.memory_space<hbm>>
    %dma_wait3A_66 = arith.constant 0 : i32
    %dma_wait3A_67 = tpu.memref_slice %arg6[%select_n3A_63, %dma_wait3A_66] : memref<409600x128xf32, #tpu.memory_space<hbm>> -> memref<64x128xf32, #tpu.memory_space<hbm>>
    tpu.wait_dma2 semaphore(%arg17 : memref<!tpu.dma_semaphore, #tpu.memory_space<semaphore_mem>>) src(%arg11 : memref<64x128xf32, #tpu.memory_space<vmem>>) dst(%dma_wait3A_67 : memref<64x128xf32, #tpu.memory_space<hbm>>)
    return
  }
}

</mosaic_0001>

<sc_bundles>
// kernel: kernel.3.cloned.1.call-start
scs
__scs_entry_jumppad:
0x0: {  	(pc) =	sbr.rel $0x88, $3  }
0x1: {  	(tag) =	ssettag $0x0;
	lr =	simm.s32 $0x1  }
0x2: {  	[smem:$0x3F9D] =	sst lr;
	_ =	strace $0xD0000000  }
0x3: {  	_ = 	snop  }
0x4: {  	_ = 	snop  }
0x5: {  	_ = 	snop  }
0x6: {  	_ = 	snop  }
0x7: {  	_ = 	snop  }
__scs_overlays_trampoline_lowered:
0x8: {  	[smem:$0x3FAC] =	sst s0  }
0x9: {  	[smem:$0x3FAD] =	sst s1  }
0xa: {  	[smem:$0x3FAE] =	sst s2  }
0xb: {  	[smem:$0x3FAF] =	sst s3  }
0xc: {  	[smem:$0x3FB0] =	sst s4  }
0xd: {  	[smem:$0x3FB1] =	sst s5  }
0xe: {  	[smem:$0x3FB2] =	sst s6  }
0xf: {  	[smem:$0x3FB3] =	sst s7  }
0x10: {  	[smem:$0x3FB4] =	sst s8  }
0x11: {  	[smem:$0x3FB5] =	sst s9;
	s0 =	simm.s32 @!p0 $0x0  }
0x12: {  	s1 =	sld [smem:$0x3F9B];
	s0 =	simm.s32 @p0 $0x1  }
0x13: {  	[smem:$0x3FB6] =	sst s0;
	s0 =	simm.s32 @!p1 $0x0  }
0x14: {  	s2 =	sld [smem:$0x3F9A];
	s0 =	simm.s32 @p1 $0x1  }
0x15: {  	[smem:$0x3FB7] =	sst s0;
	s0 =	simm.s32 @!p2 $0x0  }
0x16: {  	s3 =	sld [smem:$0x3FDB];
	s0 =	simm.s32 @p2 $0x1  }
0x17: {  	s4 =	simm.s32 $0x1BF5;
	[smem:$0x3FB9] =	sst s0  }
0x18: {  	s0 =	sld [smem:$0x3F9C];
	_ =	swait.ge [sflag:s4], $0x0  }
0x19: {  	s7 =	sld [smem:$0x3F9D]  }
0x1a: {  	s8 =	sadd.s32 $0xFFFFE003, lr  }
0x1b: {  	s9 =	sadd.s32 $0xFFFFFEF7, lr;
	s5 =	simm.s32 $0xFFFFFFFF;
	p2 =	slt.u32 s8, $0xFFFFF086  }
0x1c: {  	p1 =	slt.u32 s9, $0xF7A;
	s5 =	simm.s32 @!p2 $0x0  }
0x1d: {  	s5 =	simm.s32 @p1 $0x1;
	p0 =	seq.s32 s7, s2  }
0x1e: {  	s7 =	smul.u32 @!p0 $0xF7A, s2;
	p2 =	seq.s32 @!p0 s5, $0x0  }
0x1f: {  	s9 =	smul.u32 $0xF7A, s1;
	s8 =	simm.s32 @!p0 $0x1BF5;
	p2 =	por !p2, p0  }
0x20: {  	[sflag:s8] =	ssyncset.s32 @!p0 $0xFFFFF086;
	s6 =	sadd.s32 @!p0 s3, s7;
	s7 =	simm.s32 @!p0 $0x108  }
0x21: {  	s3 =	sadd.s32 s3, s9;
	s6 =	sadd.s32 @!p0 $0x88, s6;
	s7 =	simm.s32 @p2 $0x1082  }
0x22: {  	[simem:s7], [sflag:s8] =	dma.local @!p0 [hbm:s6], $0xF7A  }
0x23: {  	s9 =	sor.u32 $0xD0000000, s2;
	s6 =	simm.s32 $0x108;
	_ =	swait.ge @!p0 [sflag:s8], $0x0  }
0x24: {  	s3 =	sadd.s32 $0x88, s3;
	s6 =	simm.s32 @!p1 $0x1082;
	[sflag:s4] =	ssyncset.s32 $0xFFFFF086  }
0x25: {  	[simem:s6], [sflag:s4] =	dma.local [hbm:s3], $0xF7A  }
0x26: {  	[smem:$0x3F9D] =	sst s1;
	(tag) =	ssettag s2;
	_ =	strace s9  }
0x27: {  	s1 =	sld [smem:$0x3FAD]  }
0x28: {  	s2 =	sld [smem:$0x3FAE]  }
0x29: {  	s4 =	sld [smem:$0x3FB0]  }
0x2a: {  	p0 =	seq.s32 s5, $0x0;
	s5 =	sld [smem:$0x3FB1]  }
0x2b: {  	s6 =	sld [smem:$0x3FB2]  }
0x2c: {  	s7 =	sld [smem:$0x3FB3]  }
0x2d: {  	s3 =	simm.s32 $0x108;
	s8 =	sld [smem:$0x3FB4]  }
0x2e: {  	s3 =	simm.s32 @!p0 $0x1082;
	s9 =	sld [smem:$0x3FB5]  }
0x2f: {  	lr =	sadd.s32 s0, s3;
	s0 =	sld [smem:$0x3FAC]  }
0x30: {  	s3 =	sld [smem:$0x3FAF]  }
0x31: {  	[smem:$0x3FB8] =	sst s10  }
0x32: {  	s10 =	sld [smem:$0x3FB6];
	_ =	sdelay $0x3  }
0x33: {  	p0 =	seq.s32 s10, $0x1;
	s10 =	sld [smem:$0x3FB8];
	_ =	sdelay $0x3  }
0x34: {  	[smem:$0x3FB8] =	sst s10  }
0x35: {  	s10 =	sld [smem:$0x3FB7];
	_ =	sdelay $0x3  }
0x36: {  	p1 =	seq.s32 s10, $0x1;
	s10 =	sld [smem:$0x3FB8];
	_ =	sdelay $0x3  }
0x37: {  	[smem:$0x3FB8] =	sst s10  }
0x38: {  	s10 =	sld [smem:$0x3FB9]  }
0x39: {  	_ = 	snop;
	(pc) =	sbr.ind lr, $3  }
0x3a: {  	_ = 	snop  }
0x3b: {  	_ = 	snop  }
0x3c: {  	p2 =	seq.s32 s10, $0x1;
	s10 =	sld [smem:$0x3FB8]  }
0x3d: {  	_ =	shalt  }
0x3e: {  	_ =	shalt  }
0x3f: {  	_ =	shalt  }
0x40: {  	_ =	shalt  }
0x41: {  	_ =	shalt  }
0x42: {  	_ =	shalt  }
0x43: {  	_ =	shalt  }
0x44: {  	_ =	shalt  }
0x45: {  	_ =	shalt  }
0x46: {  	_ =	shalt  }
0x47: {  	_ =	shalt  }
0x48: {  	_ =	shalt  }
0x49: {  	_ =	shalt  }
0x4a: {  	_ =	shalt  }
0x4b: {  	_ =	shalt  }
0x4c: {  	_ =	shalt  }
0x4d: {  	_ =	shalt  }
0x4e: {  	_ =	shalt  }
0x4f: {  	_ =	shalt  }
0x50: {  	_ =	shalt  }
0x51: {  	_ =	shalt  }
0x52: {  	_ =	shalt  }
0x53: {  	_ =	shalt  }
0x54: {  	_ =	shalt  }
0x55: {  	_ =	shalt  }
0x56: {  	_ =	shalt  }
0x57: {  	_ =	shalt  }
0x58: {  	_ =	shalt  }
0x59: {  	_ =	shalt  }
0x5a: {  	_ =	shalt  }
0x5b: {  	_ =	shalt  }
0x5c: {  	_ =	shalt  }
0x5d: {  	_ =	shalt  }
0x5e: {  	_ =	shalt  }
0x5f: {  	_ =	shalt  }
0x60: {  	_ =	shalt  }
0x61: {  	_ =	shalt  }
0x62: {  	_ =	shalt  }
0x63: {  	_ =	shalt  }
0x64: {  	_ =	shalt  }
0x65: {  	_ =	shalt  }
0x66: {  	_ =	shalt  }
0x67: {  	_ =	shalt  }
0x68: {  	_ =	shalt  }
0x69: {  	_ =	shalt  }
0x6a: {  	_ =	shalt  }
0x6b: {  	_ =	shalt  }
0x6c: {  	_ =	shalt  }
0x6d: {  	_ =	shalt  }
0x6e: {  	_ =	shalt  }
0x6f: {  	_ =	shalt  }
0x70: {  	_ =	shalt  }
0x71: {  	_ =	shalt  }
0x72: {  	_ =	shalt  }
0x73: {  	_ =	shalt  }
0x74: {  	_ =	shalt  }
0x75: {  	_ =	shalt  }
0x76: {  	_ =	shalt  }
0x77: {  	_ =	shalt  }
0x78: {  	_ =	shalt  }
0x79: {  	_ =	shalt  }
0x7a: {  	_ =	shalt  }
0x7b: {  	_ =	shalt  }
0x7c: {  	_ =	shalt  }
0x7d: {  	_ =	shalt  }
0x7e: {  	_ =	shalt  }
0x7f: {  	_ =	shalt  }
0x80: {  	_ =	shalt  }
0x81: {  	_ =	shalt  }
0x82: {  	_ =	shalt  }
0x83: {  	_ =	shalt  }
0x84: {  	_ =	shalt  }
0x85: {  	_ =	shalt  }
0x86: {  	_ =	shalt  }
0x87: {  	_ =	shalt  }
.Lfunc_end0:
.L_simem_size_0:
called_computation.1_lowered:
.L_overlay_start_0:
0x88: {  	s2 =	sld [smem:$0x3FD9]  }
0x89: {  	s3 =	sld [smem:$0x3FFE];
	_ =	sdelay $0x1  }
0x8a: {  	s1 =	srdreg.scid  }
0x8b: {  	s0 =	sand.u32 $0x1, s1  }
0x8c: {  	s17 =	sshll.u32 s0, $0xA;
	s2 =	sadd.s32 s3, s2  }
0x8d: {  	s2 =	sadd.s32 s2, s17  }
0x8e: {  	[smem:$0x3FC4] =	sst s2  }
0x8f: {  	_ = 	snop  }
0x90: {  	s2 =	sld [smem:$0x3FC7]  }
0x91: {  	s18 =	sld [smem:$0x3FC6]  }
0x92: {  	s4 =	sld [smem:$0x3FD0];
	(tm) =	ssettm $0x1  }
0x93: {  	s5 =	sld [smem:$0x3FFB];
	_ =	sdelay $0x3  }
0x94: {  	_ =	strace s5  }
0x95: {  	s5 =	sld [smem:$0x3FFC];
	_ =	sdelay $0x3  }
0x96: {  	_ =	strace s5  }
0x97: {  	s5 =	sld [smem:$0x3FFD];
	_ =	sdelay $0x3  }
0x98: {  	_ =	strace s5  }
0x99: {  	_ =	strace $0x8FFFFFFF  }
0x9a: {  	s19 =	sld [smem:$0x3FDB];
	_ =	sdelay $0x1  }
0x9b: {  	s6 =	simm.s32 $_scs_section_size  }
0x9c: {  	s7 =	simm.s32 $_size__tile_overlayer_lowered;
	s8 =	simm.s32 $_tile_overlayer_lowered  }
0x9d: {  	s22 =	simm.s32 $0x1BFF;
	s21 =	sshll.u32 s8, $0x1;
	s5 =	sadd.s32 s6, s19  }
0x9e: {  	s9 =	simm.s32 $0x0;
	s20 =	sshll.u32 s7, $0x1;
	s7 =	sadd.s32 s21, s5  }
0x9f: {  	[timem:s9], [sflag:s22] =	dma.local [hbm:s7], s20  }
0xa0: {  	_ =	swait.ge [sflag:s22], s20  }
0xa1: {  	s6 =	ssub.s32 $0x0, s20;
	[sflag:s22] =	ssyncset.done $0x0  }
0xa2: {  	[sflag:s22] =	ssyncadd.s32 s6;
	_ =	sdelay $0x1  }
0xa3: {  	s23 =	simm.s32 $0x1B8B  }
0xa4: {  	_ =	swait.ge [sflag:s23], $0x1  }
0xa5: {  	[sflag:s23] =	ssyncset.done $0x0  }
0xa6: {  	s25 =	simm.s32 $0x1B8E;
	s24 =	sld [smem:$0x3FFE];
	[sflag:s23] =	ssyncadd.s32 $0xFFFFFFFF  }
0xa7: {  	s26 =	simm.s32 $execute0_lowered;
	[smem:$0x3FD2] =	sst s25  }
0xa8: {  	s7 =	sshll.u32 s26, $0x1;
	_ =	strace $0x80000046;
	[dreg:$0x1] =	wrdreg $0xFFFFFFFF  }
0xa9: {  	s28 =	simm.s32 $_size_execute0_lowered;
	s5 =	sadd.s32 s5, s7;
	[dreg:$0x0] =	wrdreg $0x0  }
0xaa: {  	s7 =	sshll.u32 s28, $0x1;
	[dreg:$0x2] =	wrdreg s5  }
0xab: {  	[dreg:$0x3] =	wrdreg s7  }
0xac: {  	[dreg:$0x4] =	wrdreg $0xC0  }
0xad: {  	_ =	task [dreg:s9], $0x5FFFF  }
0xae: {  	[dreg:$0x1] =	wrdreg $0xFFFFFFFF  }
0xaf: {  	[dreg:$0x0] =	wrdreg $0x60  }
0xb0: {  	[dreg:$0x2] =	wrdreg s24  }
0xb1: {  	[dreg:$0x3] =	wrdreg s2  }
0xb2: {  	[dreg:$0x4] =	wrdreg s18  }
0xb3: {  	[dreg:$0x5] =	wrdreg s4  }
0xb4: {  	[dreg:$0x6] =	wrdreg $0x9  }
0xb5: {  	_ =	task.clear_ibuf [dreg:s9], $0x7FFFF;
	_ =	strace $0x90000046  }
0xb6: {  	s29 =	simm.s32 $0x9;
	_ =	strace $0x80000048  }
0xb7: {  	_ =	swait.ge [sflag:s29], $0x1  }
0xb8: {  	[sflag:s29] =	ssyncadd.s32 $0xFFFFFFFF  }
0xb9: {  	_ =	strace $0x90000048  }
0xba: {  	_ =	sfence  }
0xbb: {  	s30 =	sld [smem:$0x0];
	_ =	sdelay $0x2  }
0xbc: {  	s31 =	sshll.u32 s1, $0xD;
	s1 =	sshrl.u32 s1, $0x2  }
0xbd: {  	s3 =	sand.u32 $0x4000, s31;
	s1 =	sadd.s32 s1, s30  }
0xbe: {  	s0 =	sor.u32 s3, s0;
	s1 =	sshll.u32 s1, $0x11  }
0xbf: {  	s0 =	sor.u32 s1, s0  }
0xc0: {  	s0 =	sadd.s32 $0x8F2B, s0  }
0xc1: {  	[sflag:s0] =	ssyncadd.remote.s32 $0x1  }
0xc2: {  	_ =	sfence.sel $0xFFFF  }
0xc3: {  	[dreg:$0x0] =	wrdreg $0xFFFFFFFF;
	(pc) =	sbr.abs _section_cstart, $3  }
0xc4: {  	[dreg:$0x1] =	wrdreg $0xFFFFFFFF  }
0xc5: {  	_ =	task.clear_ibuf [dreg:s9], $0x2FFFF;
	_ =	strace $0x9FFFFFFF  }
0xc6: {  	(tm) =	ssettm $0x7FFFFFFF  }
0xc7: {  	_ =	shalt  }
tec
execute0_lowered:
.L_overlay_start_1:
0x0: {  	(tag) =	ssettag $0x1  }
0x1: {  	v0 =	vimm.s32 $0xFEDCBA98;
	s7 =	rddreg [dreg:$0x0]  }
0x2: {  	s1 =	srdreg.scid;
	v1 =	vimm.s32 $0x76543210;
	s4 =	rddreg [dreg:$0x3];
	v2 =	vimm.s32 $0x3210FEDC;
	v3 =	vimm.s32 $0xBA987654  }
0x3: {  	s0 =	stileid.u32;
	s5 =	simm.s32 $0x0;
	v4 =	vimm.s32 $0x10FEDCBA;
	s6 =	rddreg [dreg:$0x4];
	v5 =	vimm.s32 $0x98765432;
	v6 =	vimm.s32 $0xFEDCBA9  }
0x4: {  	v7 =	vimm.s32 $0x87654321;
	s12 =	simm.s32 $0x5;
	s13 =	simm.s32 $0xE440;
	s14 =	simm.s32 $0x80;
	v2 =	vunpack.c.l.s4.s8 v2;
	v3 =	vunpack.c.l.s4.s8 v3  }
0x5: {  	s15 =	simm.s32 $0x6400;
	s16 =	simm.s32 $0x8400;
	s17 =	simm.s32 $0x1;
	v4 =	vunpack.c.l.s4.s8 v4;
	v5 =	vunpack.c.l.s4.s8 v5;
	v6 =	vunpack.c.l.s4.s8 v6  }
0x6: {  	s18 =	simm.s32 $0xA400;
	s19 =	simm.s32 $0x2;
	s20 =	simm.s32 $0x4;
	v7 =	vunpack.c.l.s4.s8 v7;
	v2 =	vunpack.c.0.s8.s32 v2;
	v3 =	vunpack.c.0.s8.s32 v3  }
0x7: {  	s21 =	simm.s32 $0xC400;
	s8 =	sand.u32 $0x1, s1;
	s2 =	sshll.u32 s0, $0x1;
	v0 =	vunpack.c.l.s4.s8 v0;
	v4 =	vunpack.c.0.s8.s32 v4;
	v5 =	vunpack.c.0.s8.s32 v5  }
0x8: {  	s22 =	simm.s32 $0x3;
	s1 =	rddreg [dreg:$0x1];
	s9 =	sor.u32 s8, s2;
	v6 =	vunpack.c.0.s8.s32 v6;
	v7 =	vunpack.c.0.s8.s32 v7;
	v2 =	vcombine.low v3, v2  }
0x9: {  	s23 =	simm.s32 $0x0;
	v1 =	vunpack.c.l.s4.s8 v1;
	[smem:$0x7FF] =	sst s5;
	s3 =	smul.u32 $0x6400, s9;
	v3 =	vcombine.low v5, v4  }
0xa: {  	s2 =	rddreg [dreg:$0x2];
	s8 =	ssub.s32 $0x2, s8;
	_ =	strace $0x80000047;
	v0 =	vunpack.c.0.s8.s32 v0;
	v63 =	vcombine.low v7, v6;
	v55 =	vand.u32 $0xF, v2  }
0xb: {  	s11 =	sshrl.u32 s8, $0x1;
	s9 =	smul.u32 $0x190000, s9;
	v1 =	vunpack.c.0.s8.s32 v1;
	s10 =	sshrl.u32 s3, $0x3;
	v57 =	vand.u32 $0xF, v3;
	[tilespmem:$0x1FFD0] =	vst v55  }
0xc: {  	s11 =	ssub.s32 s8, s11;
	v0 =	vand.u32 $0xF, v0;
	s10 =	sadd.s32 s10, s7;
	s7 =	sadd.s32 $0xF42E00, s7;
	v36 =	vand.u32 $0xF, v63;
	[tilespmem:$0x1FFE0] =	vst v57  }
0xd: {  	v0 =	vcombine.low v0, v1;
	s8 =	sadd.s32 $0xA00, s10;
	s10 =	smax.u32 s11, $0x1;
	s11 =	simm.s32 $0xE400;
	[tilespmem:$0x1FFF0] =	vst v36  }
.LBB2_1:
0xe: {  	[tilespmem:s11], [sflag:$0x5] =	stream.linear.gather [hbm4b:s1+s5], $0x40, $0x38;
	[tilespmem:$0xE480] =	vst v63  }
0xf: {  	_ =	swait.ge [sflag:s12], $0x40  }
0x10: {  	[sflag:s12] =	ssyncset.done $0x0  }
0x11: {  	[sflag:s12] =	ssyncadd.s32 $0xFFFFFFC0  }
0x12: {  	[tilespmem:s13], [sflag:$0x5] =	stream.linear.gather [hbm4b:s2+s5], $0x40, $0x38;
	[tilespmem:$0xE480] =	vst v63  }
0x13: {  	_ =	swait.ge [sflag:s12], $0x40  }
0x14: {  	[sflag:s12] =	ssyncset.done $0x0  }
0x15: {  	[sflag:s12] =	ssyncadd.s32 $0xFFFFFFC0  }
0x16: {  	[tilespmem:s5], [sflag:$0x5] =	stream.linear.gather [hbm4b:s8+s5], $0x6400, $0x38;
	[tilespmem:$0xE480] =	vst v63  }
0x17: {  	_ =	swait.ge [sflag:s12], $0x6400  }
0x18: {  	[sflag:s12] =	ssyncset.done $0x0  }
0x19: {  	s24 =	simm.s32 $0x0;
	[sflag:s12] =	ssyncadd.s32 $0xFFFF9C00  }
0x1a: {  	[tilespmem:s15], [sflag:$0x1] =	stream.indirect.gather [hbm4b:s7+s14], $0x40, s5, s14, $0xb8;
	[tilespmem:$0xE480] =	vst v63  }
.LBB2_2:
0x1b: {  	s26 =	sshll.u32 s24, $0x8  }
0x1c: {  	s25 =	sor.u32 $0x80, s26  }
0x1d: {  	[tilespmem:s16], [sflag:$0x2] =	stream.indirect.gather [hbm4b:s7+s14], $0x40, s25, s14, $0xb8;
	[tilespmem:$0xE480] =	vst v63  }
0x1e: {  	_ =	swait.ge [sflag:s17], $0x2000  }
0x1f: {  	p0 =	seq.s32 s24, $0x0;
	[sflag:s17] =	ssyncset.done $0x0  }
0x20: {  	s28 =	simm.s32 @!p0 $0x3;
	[sflag:s17] =	ssyncadd.s32 $0xFFFFE000  }
0x21: {  	_ =	swait.ge @!p0 [sflag:s28], $0x2000  }
0x22: {  	[sflag:s28] =	ssyncset.done @!p0 $0x0  }
0x23: {  	[sflag:s28] =	ssyncadd.s32 @!p0 $0xFFFFE000  }
0x24: {  	v1 =	vld [tilespmem:$0xE400];
	_ =	sdelay $0x4  }
0x25: {  	[tilespmem:$0x1FF50] =	vst v1;
	v1 =	vld [tilespmem:$0xE440];
	_ =	sdelay $0x4  }
0x26: {  	[tilespmem:$0x1FF60] =	vst v1;
	v1 =	vld [tilespmem:$0xE410];
	_ =	sdelay $0x4  }
0x27: {  	[tilespmem:$0x1FF70] =	vst v1;
	v1 =	vld [tilespmem:$0xE450];
	_ =	sdelay $0x4  }
0x28: {  	[tilespmem:$0x1FF80] =	vst v1;
	v1 =	vld [tilespmem:$0xE420];
	_ =	sdelay $0x4  }
0x29: {  	[tilespmem:$0x1FF90] =	vst v1;
	v1 =	vld [tilespmem:$0xE460];
	_ =	sdelay $0x4  }
0x2a: {  	[tilespmem:$0x1FFA0] =	vst v1;
	v1 =	vld [tilespmem:$0xE430];
	_ =	sdelay $0x4  }
0x2b: {  	[tilespmem:$0x1FFB0] =	vst v1;
	v1 =	vld [tilespmem:$0xE470];
	_ =	sdelay $0x4  }
0x2c: {  	s28 =	simm.s32 $0x0;
	[tilespmem:$0x1FFC0] =	vst v1  }
.LBB2_3:
0x2d: {  	s29 =	sshra.s32 s28, $0x2  }
0x2e: {  	v20 =	vld [tilespmem:s29+$0x6400]  }
0x2f: {  	v18 =	vld [tilespmem:s29+$0x6410]  }
0x30: {  	v14 =	vld [tilespmem:s29+$0x6420]  }
0x31: {  	v4 =	vld [tilespmem:s29+$0x6430];
	_ =	sdelay $0x3  }
0x32: {  	v12 =	vadd.f32 v18, v20  }
0x33: {  	v13 =	vadd.f32 v4, v14;
	v15 =	vmul.f32 v20, v20;
	v16 =	vmul.f32 v18, v18  }
0x34: {  	v17 =	vmul.f32 v14, v14;
	v19 =	vmul.f32 v4, v4  }
0x35: {  	v12 =	vadd.f32 v13, v12  }
0x36: {  	v27 =	vadd.f32 v16, v15;
	v28 =	vadd.f32 v19, v17;
	_ =	sdelay $0x1  }
0x37: {  	v13 =	vadd.f32 v28, v27;
	v29 =	vperm.xlane v12, v0;
	_ =	sdelay $0x1  }
0x38: {  	v12 =	vadd.f32 v12, v29;
	v30 =	vperm.xlane v13, v0;
	_ =	sdelay $0x1  }
0x39: {  	v13 =	vadd.f32 v13, v30;
	v31 =	vperm.xlane v12, v55;
	_ =	sdelay $0x1  }
0x3a: {  	v12 =	vadd.f32 v31, v12;
	v32 =	vperm.xlane v13, v55  }
0x3b: {  	v26 =	vld [tilespmem:s29+$0x6450]  }
0x3c: {  	v16 =	vld [tilespmem:s29+$0x6460];
	v15 =	vadd.f32 v32, v13;
	v33 =	vperm.xlane v12, v57  }
0x3d: {  	v27 =	vld [tilespmem:s29+$0x6440]  }
0x3e: {  	v13 =	vld [tilespmem:s29+$0x6470];
	v12 =	vadd.f32 v33, v12;
	v34 =	vperm.xlane v15, v57;
	_ =	sdelay $0x1  }
0x3f: {  	v15 =	vadd.f32 v34, v15;
	v35 =	vperm.xlane v12, v36  }
0x40: {  	v23 =	vmul.f32 v26, v26  }
0x41: {  	v24 =	vmul.f32 v16, v16;
	v12 =	vadd.f32 v35, v12;
	v38 =	vperm.xlane v15, v36  }
0x42: {  	v37 =	vadd.f32 v26, v27;
	v22 =	vmul.f32 v27, v27;
	v25 =	vmul.f32 v13, v13  }
0x43: {  	v21 =	vadd.f32 v13, v16;
	v15 =	vadd.f32 v38, v15;
	v29 =	vmul.f32 $1.562500000e-02, v12  }
0x44: {  	v39 =	vadd.f32 v23, v22;
	v40 =	vadd.f32 v25, v24  }
0x45: {  	v19 =	vadd.f32 v21, v37;
	v15 =	vmul.f32 $1.562500000e-02, v15;
	v43 =	vmul.f32 v29, v29  }
0x46: {  	v41 =	vadd.f32 v40, v39  }
0x47: {  	v42 =	vperm.xlane v19, v0;
	v15 =	vsub.f32 v15, v43  }
0x48: {  	v23 =	vld [tilespmem:s29+$0x64B0];
	v44 =	vperm.xlane v41, v0  }
0x49: {  	v25 =	vld [tilespmem:s29+$0x6480];
	v17 =	vadd.f32 v19, v42;
	v15 =	vadd.f32 $9.999999740e-06, v15  }
0x4a: {  	v19 =	vld [tilespmem:s29+$0x6490];
	v12 =	vadd.f32 v41, v44  }
0x4b: {  	v45 =	vperm.xlane v17, v55;
	v47 =	vshra.s32 v15, $0x1;
	v48 =	vmul.f32 $5.000000000e-01, v15;
	v15 =	vld [tilespmem:s29+$0x64A0]  }
0x4c: {  	v46 =	vperm.xlane v12, v55  }
0x4d: {  	v17 =	vadd.f32 v45, v17  }
0x4e: {  	v12 =	vadd.f32 v46, v12  }
0x4f: {  	v1 =	vld [tilespmem:$0x1FFF0];
	v49 =	vperm.xlane v17, v57  }
0x50: {  	v31 =	vadd.f32 v19, v25;
	v50 =	vperm.xlane v12, v57;
	v32 =	vadd.f32 v23, v15  }
0x51: {  	v52 =	vmul.f32 v23, v23;
	v33 =	vmul.f32 v25, v25;
	v17 =	vadd.f32 v49, v17  }
0x52: {  	v34 =	vmul.f32 v19, v19;
	v12 =	vadd.f32 v50, v12;
	v31 =	vadd.f32 v32, v31  }
0x53: {  	v22 =	vsub.s32 $0x5F3759DF, v47;
	v51 =	vperm.xlane v17, v36;
	v35 =	vmul.f32 v15, v15  }
0x54: {  	v54 =	vadd.f32 v34, v33;
	v53 =	vperm.xlane v12, v1;
	v60 =	vperm.xlane v31, v0  }
0x55: {  	v30 =	vmul.f32 v22, v48;
	v17 =	vadd.f32 v51, v17;
	v56 =	vadd.f32 v52, v35  }
0x56: {  	v12 =	vadd.f32 v53, v12;
	v31 =	vadd.f32 v31, v60  }
0x57: {  	v30 =	vmul.f32 v22, v30;
	v34 =	vmul.f32 $1.562500000e-02, v17;
	v59 =	vadd.f32 v56, v54  }
0x58: {  	v12 =	vmul.f32 $1.562500000e-02, v12;
	v6 =	vperm.xlane v31, v55  }
0x59: {  	v24 =	vld [tilespmem:s29+$0x64C0];
	v30 =	vsub.f32 $1.500000000e+00, v30;
	v61 =	vmul.f32 v34, v34;
	v62 =	vperm.xlane v59, v0  }
0x5a: {  	v20 =	vsub.f32 v20, v29;
	v1 =	vld [tilespmem:$0x1FFF0];
	v31 =	vadd.f32 v6, v31  }
0x5b: {  	v58 =	vmul.f32 v22, v30;
	v22 =	vld [tilespmem:s29+$0x64D0];
	v12 =	vsub.f32 v12, v61;
	v5 =	vadd.f32 v59, v62  }
0x5c: {  	v18 =	vsub.f32 v18, v29;
	v14 =	vsub.f32 v14, v29;
	v17 =	vld [tilespmem:s29+$0x64E0];
	v10 =	vperm.xlane v31, v57  }
0x5d: {  	v63 =	vmul.f32 v58, v48;
	v7 =	vadd.f32 $9.999999740e-06, v12;
	v8 =	vperm.xlane v5, v55;
	v12 =	vld [tilespmem:s29+$0x64F0]  }
0x5e: {  	v29 =	vsub.f32 v4, v29;
	v31 =	vadd.f32 v10, v31  }
0x5f: {  	v39 =	vmul.f32 v24, v24;
	v32 =	vmul.f32 v63, v58;
	v30 =	vadd.f32 v8, v5  }
0x60: {  	v9 =	vshra.s32 v7, $0x1;
	v35 =	vmul.f32 $5.000000000e-01, v7;
	v46 =	vperm.xlane v31, v1;
	v1 =	vld [tilespmem:$0x1FFF0]  }
0x61: {  	v32 =	vsub.f32 $1.500000000e+00, v32;
	v36 =	vsub.s32 $0x5F3759DF, v9;
	v45 =	vperm.xlane v30, v57  }
0x62: {  	v37 =	vadd.f32 v22, v24;
	v11 =	vmul.f32 v36, v35;
	v38 =	vadd.f32 v12, v17  }
0x63: {  	v40 =	vmul.f32 v22, v22;
	v32 =	vmul.f32 v32, v58;
	v30 =	vadd.f32 v45, v30  }
0x64: {  	v41 =	vmul.f32 v17, v17;
	v21 =	vmul.f32 v36, v11;
	v37 =	vadd.f32 v38, v37  }
0x65: {  	v31 =	vadd.f32 v46, v31;
	v49 =	vperm.xlane v30, v1;
	v1 =	vmul.f32 v32, v20  }
0x66: {  	v42 =	vmul.f32 v12, v12;
	v21 =	vsub.f32 $1.500000000e+00, v21;
	v50 =	vperm.xlane v37, v0  }
0x67: {  	v47 =	vadd.f32 v40, v39;
	v31 =	vmul.f32 $1.562500000e-02, v31;
	[tilespmem:$0x1FD70] =	vst v1;
	v1 =	vmul.f32 v32, v18  }
0x68: {  	v48 =	vadd.f32 v42, v41;
	v52 =	vmul.f32 v36, v21;
	v53 =	vadd.f32 v37, v50  }
0x69: {  	v56 =	vmul.f32 v31, v31;
	v51 =	vadd.f32 v49, v30;
	[tilespmem:$0x1FD80] =	vst v1;
	v1 =	vmul.f32 v32, v14  }
0x6a: {  	v35 =	vmul.f32 v52, v35;
	v37 =	vperm.xlane v53, v55  }
0x6b: {  	v4 =	vld [tilespmem:s29+$0x6530];
	v38 =	vadd.f32 v48, v47;
	v20 =	vmul.f32 $1.562500000e-02, v51;
	[tilespmem:$0x1FD90] =	vst v1;
	v1 =	vmul.f32 v32, v29  }
0x6c: {  	v21 =	vld [tilespmem:s29+$0x6510];
	v60 =	vmul.f32 v35, v52;
	v58 =	vadd.f32 v37, v53  }
0x6d: {  	v54 =	vperm.xlane v38, v0;
	v20 =	vsub.f32 v20, v56;
	[tilespmem:$0x1FDA0] =	vst v1;
	v1 =	vld [tilespmem:$0x1FFF0]  }
0x6e: {  	v18 =	vld [tilespmem:s29+$0x6500];
	v35 =	vsub.f32 $1.500000000e+00, v60;
	v61 =	vperm.xlane v58, v57  }
0x6f: {  	v33 =	vadd.f32 v38, v54;
	v14 =	vld [tilespmem:s29+$0x6520];
	v20 =	vadd.f32 $9.999999740e-06, v20  }
0x70: {  	v27 =	vsub.f32 v27, v34;
	v35 =	vmul.f32 v35, v52;
	v36 =	vadd.f32 v61, v58  }
0x71: {  	v59 =	vperm.xlane v33, v55;
	v62 =	vshra.s32 v20, $0x1;
	v20 =	vmul.f32 $5.000000000e-01, v20  }
0x72: {  	v9 =	vperm.xlane v36, v1;
	v1 =	vmul.f32 v35, v27  }
0x73: {  	v26 =	vsub.f32 v26, v34;
	v33 =	vadd.f32 v59, v33;
	v37 =	vsub.s32 $0x5F3759DF, v62  }
0x74: {  	v45 =	vadd.f32 v21, v18;
	v46 =	vadd.f32 v4, v14;
	v7 =	vmul.f32 v37, v20;
	[tilespmem:$0x1FDB0] =	vst v1;
	v1 =	vld [tilespmem:$0x1FFF0]  }
0x75: {  	v16 =	vsub.f32 v16, v34;
	v48 =	vmul.f32 v21, v21;
	v63 =	vperm.xlane v33, v57  }
0x76: {  	v47 =	vmul.f32 v18, v18;
	v51 =	vadd.f32 v46, v45;
	v10 =	vmul.f32 v37, v7  }
0x77: {  	v50 =	vmul.f32 v4, v4;
	v49 =	vmul.f32 v14, v14;
	v8 =	vadd.f32 v63, v33  }
0x78: {  	v52 =	vadd.f32 v48, v47;
	v58 =	vperm.xlane v51, v0;
	v27 =	vsub.f32 $1.500000000e+00, v10  }
0x79: {  	v53 =	vadd.f32 v50, v49;
	v44 =	vperm.xlane v8, v1;
	v1 =	vmul.f32 v35, v26  }
0x7a: {  	v33 =	vadd.f32 v51, v58;
	v27 =	vmul.f32 v37, v27  }
0x7b: {  	v13 =	vsub.f32 v13, v34;
	v56 =	vadd.f32 v53, v52;
	[tilespmem:$0x1FDC0] =	vst v1;
	v1 =	vmul.f32 v35, v16  }
0x7c: {  	v60 =	vperm.xlane v33, v55;
	v20 =	vmul.f32 v27, v20  }
0x7d: {  	v30 =	vld [tilespmem:s29+$0x6550];
	v11 =	vadd.f32 v9, v36;
	v59 =	vperm.xlane v56, v0;
	[tilespmem:$0x1FDD0] =	vst v1;
	v1 =	vmul.f32 v35, v13  }
0x7e: {  	v32 =	vld [tilespmem:s29+$0x6540];
	v33 =	vadd.f32 v60, v33;
	v20 =	vmul.f32 v20, v27  }
0x7f: {  	v42 =	vmul.f32 $1.562500000e-02, v11;
	v26 =	vadd.f32 v56, v59;
	[tilespmem:$0x1FDE0] =	vst v1;
	v1 =	vld [tilespmem:$0x1FFF0]  }
0x80: {  	v5 =	vperm.xlane v33, v57;
	v29 =	vadd.f32 v44, v8;
	v16 =	vld [tilespmem:s29+$0x6560];
	v20 =	vsub.f32 $1.500000000e+00, v20  }
0x81: {  	v25 =	vsub.f32 v25, v31;
	v54 =	vmul.f32 v42, v42;
	v62 =	vperm.xlane v26, v55;
	v13 =	vld [tilespmem:s29+$0x6570]  }
0x82: {  	v33 =	vadd.f32 v5, v33;
	v29 =	vmul.f32 $1.562500000e-02, v29;
	v20 =	vmul.f32 v20, v27  }
0x83: {  	v19 =	vsub.f32 v19, v31;
	v26 =	vadd.f32 v62, v26  }
0x84: {  	v29 =	vsub.f32 v29, v54;
	v47 =	vperm.xlane v33, v1;
	v1 =	vmul.f32 v20, v25  }
0x85: {  	v6 =	vadd.f32 v30, v32;
	v9 =	vmul.f32 v30, v30;
	v8 =	vmul.f32 v32, v32  }
0x86: {  	v44 =	vperm.xlane v26, v57;
	v29 =	vadd.f32 $9.999999740e-06, v29;
	v7 =	vadd.f32 v13, v16;
	[tilespmem:$0x1FDF0] =	vst v1;
	v1 =	vld [tilespmem:$0x1FFF0]  }
0x87: {  	v45 =	vadd.f32 v9, v8;
	v10 =	vmul.f32 v16, v16;
	v11 =	vmul.f32 v13, v13  }
0x88: {  	v61 =	vshra.s32 v29, $0x1;
	v29 =	vmul.f32 $5.000000000e-01, v29;
	v36 =	vadd.f32 v7, v6  }
0x89: {  	v26 =	vadd.f32 v44, v26;
	v35 =	vsub.s32 $0x5F3759DF, v61;
	v46 =	vadd.f32 v11, v10  }
0x8a: {  	v59 =	vsub.f32 v15, v31;
	v63 =	vmul.f32 v35, v29;
	v48 =	vperm.xlane v36, v0  }
0x8b: {  	v34 =	vld [tilespmem:s29+$0x6580];
	v37 =	vadd.f32 v46, v45;
	v50 =	vperm.xlane v26, v1;
	v1 =	vmul.f32 v20, v19  }
0x8c: {  	v27 =	vmul.f32 v35, v63;
	v51 =	vadd.f32 v36, v48  }
0x8d: {  	v23 =	vsub.f32 v23, v31;
	v52 =	vperm.xlane v37, v0;
	[tilespmem:$0x1FE00] =	vst v1;
	v1 =	vmul.f32 v20, v59  }
0x8e: {  	v24 =	vsub.f32 v24, v42;
	v15 =	vld [tilespmem:s29+$0x65B0];
	v27 =	vsub.f32 $1.500000000e+00, v27;
	v36 =	vperm.xlane v51, v55  }
0x8f: {  	v49 =	vadd.f32 v47, v33;
	v54 =	vadd.f32 v37, v52;
	v37 =	vld [tilespmem:s29+$0x6590];
	[tilespmem:$0x1FE10] =	vst v1;
	v1 =	vmul.f32 v20, v23  }
0x90: {  	v9 =	vmul.f32 v34, v34;
	v27 =	vmul.f32 v35, v27;
	v19 =	vld [tilespmem:s29+$0x65A0];
	v35 =	vadd.f32 v36, v51  }
0x91: {  	v12 =	vsub.f32 v12, v42;
	v33 =	vmul.f32 $1.562500000e-02, v49;
	v58 =	vperm.xlane v54, v55;
	[tilespmem:$0x1FE20] =	vst v1;
	v1 =	vld [tilespmem:$0x1FFF0]  }
0x92: {  	v26 =	vadd.f32 v50, v26;
	v53 =	vmul.f32 v27, v29;
	v60 =	vperm.xlane v35, v57  }
0x93: {  	v44 =	vmul.f32 v15, v15;
	v56 =	vmul.f32 v33, v33;
	v29 =	vadd.f32 v58, v54  }
0x94: {  	v26 =	vmul.f32 $1.562500000e-02, v26;
	v25 =	vmul.f32 v53, v27;
	v61 =	vadd.f32 v60, v35  }
0x95: {  	v7 =	vadd.f32 v37, v34;
	v62 =	vperm.xlane v29, v57;
	v8 =	vadd.f32 v15, v19  }
0x96: {  	v26 =	vsub.f32 v26, v56;
	v25 =	vsub.f32 $1.500000000e+00, v25;
	v6 =	vperm.xlane v61, v1;
	v1 =	vld [tilespmem:$0x1FFF0]  }
0x97: {  	v10 =	vmul.f32 v37, v37;
	v23 =	vadd.f32 v62, v29;
	v29 =	vadd.f32 v8, v7  }
0x98: {  	v51 =	vsub.f32 v22, v42;
	v11 =	vmul.f32 v19, v19;
	v26 =	vadd.f32 $9.999999740e-06, v26  }
0x99: {  	v36 =	vadd.f32 v10, v9;
	v25 =	vmul.f32 v25, v27;
	v50 =	vperm.xlane v29, v0  }
0x9a: {  	v63 =	vshra.s32 v26, $0x1;
	v5 =	vmul.f32 $5.000000000e-01, v26;
	v20 =	vadd.f32 v6, v61  }
0x9b: {  	v27 =	vsub.s32 $0x5F3759DF, v63;
	v45 =	vperm.xlane v23, v1;
	v1 =	vmul.f32 v25, v24  }
0x9c: {  	v56 =	vsub.f32 v17, v42;
	v46 =	vmul.f32 v27, v5;
	v20 =	vmul.f32 $1.562500000e-02, v20  }
0x9d: {  	v47 =	vadd.f32 v44, v11;
	v23 =	vadd.f32 v45, v23;
	[tilespmem:$0x1FE30] =	vst v1;
	v1 =	vmul.f32 v25, v51  }
0x9e: {  	v40 =	vld [tilespmem:s29+$0x65D0];
	v29 =	vadd.f32 v29, v50;
	v48 =	vmul.f32 v27, v46;
	v52 =	vmul.f32 v20, v20  }
0x9f: {  	v22 =	vld [tilespmem:s29+$0x65C0];
	v49 =	vadd.f32 v47, v36;
	v23 =	vmul.f32 $1.562500000e-02, v23;
	[tilespmem:$0x1FE40] =	vst v1;
	v1 =	vmul.f32 v25, v56  }
0xa0: {  	v17 =	vld [tilespmem:s29+$0x65F0];
	v58 =	vperm.xlane v29, v55;
	v26 =	vsub.f32 $1.500000000e+00, v48  }
0xa1: {  	v53 =	vperm.xlane v49, v0;
	v54 =	vsub.f32 v23, v52;
	v23 =	vld [tilespmem:s29+$0x65E0];
	[tilespmem:$0x1FE50] =	vst v1;
	v1 =	vmul.f32 v25, v12  }
0xa2: {  	v29 =	vadd.f32 v58, v29;
	v59 =	vmul.f32 v27, v26  }
0xa3: {  	v35 =	vadd.f32 v49, v53;
	[tilespmem:$0x1FE60] =	vst v1;
	v1 =	vld [tilespmem:$0x1FFF0]  }
0xa4: {  	v61 =	vmul.f32 v59, v5;
	v5 =	vperm.xlane v29, v57  }
0xa5: {  	v18 =	vsub.f32 v18, v33;
	v6 =	vadd.f32 v40, v22;
	v60 =	vperm.xlane v35, v55  }
0xa6: {  	v43 =	vmul.f32 v40, v40;
	v29 =	vadd.f32 v5, v29;
	v7 =	vadd.f32 v17, v23  }
0xa7: {  	v21 =	vsub.f32 v21, v33;
	v63 =	vadd.f32 v60, v35;
	v12 =	vmul.f32 v61, v59  }
0xa8: {  	v8 =	vmul.f32 v22, v22;
	v36 =	vadd.f32 v7, v6;
	v24 =	vperm.xlane v29, v1;
	v1 =	vld [tilespmem:$0x1FFF0]  }
0xa9: {  	v45 =	vmul.f32 v17, v17;
	v9 =	vperm.xlane v63, v57;
	v12 =	vsub.f32 $1.500000000e+00, v12  }
0xaa: {  	v10 =	vadd.f32 v43, v8;
	v44 =	vmul.f32 v23, v23;
	v26 =	vperm.xlane v36, v0  }
0xab: {  	v31 =	vadd.f32 v9, v63;
	v38 =	vadd.f32 $9.999999740e-06, v54;
	v35 =	vmul.f32 v12, v59  }
0xac: {  	v11 =	vadd.f32 v45, v44;
	v36 =	vadd.f32 v36, v26  }
0xad: {  	v29 =	vadd.f32 v24, v29;
	v49 =	vperm.xlane v31, v1;
	v1 =	vmul.f32 v35, v18  }
0xae: {  	v62 =	vshra.s32 v38, $0x1;
	v39 =	vadd.f32 v11, v10;
	v52 =	vperm.xlane v36, v55  }
0xaf: {  	v46 =	vmul.f32 $1.562500000e-02, v29;
	v31 =	vadd.f32 v49, v31;
	[tilespmem:$0x1FE70] =	vst v1;
	v1 =	vmul.f32 v35, v21  }
0xb0: {  	v38 =	vmul.f32 $5.000000000e-01, v38;
	v51 =	vperm.xlane v39, v0;
	v29 =	vadd.f32 v52, v36  }
0xb1: {  	v25 =	vsub.s32 $0x5F3759DF, v62;
	v54 =	vmul.f32 v46, v46;
	v31 =	vmul.f32 $1.562500000e-02, v31;
	[tilespmem:$0x1FE80] =	vst v1;
	v1 =	vld [tilespmem:$0x1FFF0]  }
0xb2: {  	v48 =	vmul.f32 v25, v38;
	v39 =	vadd.f32 v39, v51;
	v59 =	vperm.xlane v29, v57  }
0xb3: {  	v41 =	vsub.f32 v31, v54  }
0xb4: {  	v50 =	vmul.f32 v25, v48;
	v58 =	vperm.xlane v39, v55;
	v63 =	vadd.f32 v59, v29  }
0xb5: {  	v14 =	vsub.f32 v14, v33;
	v12 =	vld [tilespmem:s29+$0x6600];
	v62 =	vadd.f32 $9.999999740e-06, v41  }
0xb6: {  	v45 =	vld [tilespmem:s29+$0x6620];
	v53 =	vsub.f32 $1.500000000e+00, v50;
	v61 =	vadd.f32 v58, v39;
	v7 =	vperm.xlane v63, v1  }
0xb7: {  	v44 =	vld [tilespmem:s29+$0x6630];
	v1 =	vmul.f32 v35, v14;
	v6 =	vshra.s32 v62, $0x1;
	v39 =	vmul.f32 $5.000000000e-01, v62  }
0xb8: {  	v42 =	vsub.s32 $0x5F3759DF, v6  }
0xb9: {  	v56 =	vmul.f32 v25, v53;
	[tilespmem:$0x1FE90] =	vst v1;
	v1 =	vld [tilespmem:$0x1FFF0];
	v8 =	vmul.f32 v42, v39  }
0xba: {  	v24 =	vmul.f32 v12, v12;
	v5 =	vperm.xlane v61, v57  }
0xbb: {  	v4 =	vsub.f32 v4, v33;
	v60 =	vmul.f32 v56, v38;
	v21 =	vld [tilespmem:s29+$0x6610];
	v14 =	vmul.f32 v42, v8  }
0xbc: {  	v27 =	vmul.f32 v45, v45;
	v47 =	vmul.f32 v44, v44;
	v38 =	vadd.f32 v5, v61  }
0xbd: {  	v50 =	vadd.f32 v44, v45;
	v18 =	vmul.f32 v60, v56;
	v54 =	vsub.f32 $1.500000000e+00, v14  }
0xbe: {  	v53 =	vadd.f32 v47, v27;
	v41 =	vadd.f32 v7, v63;
	v9 =	vperm.xlane v38, v1  }
0xbf: {  	v18 =	vsub.f32 $1.500000000e+00, v18;
	v1 =	vmul.f32 v35, v4;
	v4 =	vmul.f32 v42, v54  }
0xc0: {  	v25 =	vmul.f32 v21, v21;
	v49 =	vadd.f32 v21, v12;
	v43 =	vmul.f32 $1.562500000e-02, v41  }
0xc1: {  	v18 =	vmul.f32 v18, v56;
	v11 =	vadd.f32 v9, v38;
	v39 =	vmul.f32 v4, v39  }
0xc2: {  	v33 =	vadd.f32 v25, v24;
	v56 =	vadd.f32 v50, v49;
	v51 =	vmul.f32 v43, v43  }
0xc3: {  	v10 =	vsub.f32 v32, v20;
	v48 =	vmul.f32 $1.562500000e-02, v11;
	v7 =	vmul.f32 v39, v4  }
0xc4: {  	v26 =	vsub.f32 v30, v20;
	v59 =	vadd.f32 v53, v33;
	v60 =	vperm.xlane v56, v0  }
0xc5: {  	v58 =	vsub.f32 v48, v51;
	v11 =	vsub.f32 $1.500000000e+00, v7  }
0xc6: {  	v33 =	vmul.f32 v18, v26;
	v26 =	vsub.f32 v34, v46;
	v14 =	vadd.f32 v56, v60  }
0xc7: {  	[tilespmem:$0x1FEA0] =	vst v1;
	v1 =	vmul.f32 v18, v10;
	v35 =	vadd.f32 $9.999999740e-06, v58;
	v4 =	vmul.f32 v11, v4  }
0xc8: {  	v8 =	vperm.xlane v14, v55  }
0xc9: {  	[tilespmem:$0x1FEB0] =	vst v1;
	v62 =	vshra.s32 v35, $0x1;
	v63 =	vmul.f32 $5.000000000e-01, v35;
	v1 =	vmul.f32 v4, v26  }
0xca: {  	v14 =	vadd.f32 v8, v14;
	v38 =	vsub.s32 $0x5F3759DF, v62  }
0xcb: {  	v61 =	vperm.xlane v59, v0;
	v9 =	vmul.f32 v38, v63;
	[tilespmem:$0x1FEC0] =	vst v1;
	v1 =	vld [tilespmem:$0x1FFF0]  }
0xcc: {  	v47 =	vld [tilespmem:s29+$0x6640];
	v27 =	vperm.xlane v14, v57  }
0xcd: {  	v13 =	vsub.f32 v13, v20;
	v49 =	vld [tilespmem:s29+$0x6660];
	v41 =	vadd.f32 v59, v61;
	v24 =	vmul.f32 v38, v9  }
0xce: {  	v37 =	vsub.f32 v37, v46;
	v50 =	vld [tilespmem:s29+$0x6670];
	v14 =	vadd.f32 v27, v14  }
0xcf: {  	v36 =	vmul.f32 v18, v13;
	v10 =	vperm.xlane v41, v55;
	v48 =	vld [tilespmem:s29+$0x6650];
	v13 =	vsub.f32 $1.500000000e+00, v24  }
0xd0: {  	v53 =	vperm.xlane v14, v1;
	v1 =	vmul.f32 v4, v37  }
0xd1: {  	v25 =	vadd.f32 v10, v41;
	v13 =	vmul.f32 v38, v13  }
0xd2: {  	v16 =	vsub.f32 v16, v20;
	v29 =	vmul.f32 v47, v47;
	v31 =	vmul.f32 v49, v49;
	[tilespmem:$0x1FED0] =	vst v1;
	v1 =	vld [tilespmem:$0x1FFF0]  }
0xd3: {  	v19 =	vsub.f32 v19, v46;
	v28 =	vperm.xlane v25, v57;
	v59 =	vmul.f32 v13, v63  }
0xd4: {  	v32 =	vmul.f32 v50, v50;
	v52 =	vadd.f32 v50, v49;
	v34 =	vadd.f32 v48, v47  }
0xd5: {  	v35 =	vmul.f32 v18, v16;
	v18 =	vadd.f32 v28, v25;
	v41 =	vmul.f32 v59, v13  }
0xd6: {  	v8 =	vsub.f32 v15, v46;
	v30 =	vmul.f32 v48, v48;
	v16 =	vadd.f32 v52, v34  }
0xd7: {  	v6 =	vsub.f32 $1.500000000e+00, v41;
	v58 =	vperm.xlane v18, v1;
	v1 =	vmul.f32 v4, v19  }
0xd8: {  	v56 =	vadd.f32 v32, v31;
	v10 =	vsub.f32 v22, v43;
	v60 =	vperm.xlane v16, v0  }
0xd9: {  	v20 =	vadd.f32 v30, v29;
	v13 =	vmul.f32 v6, v13;
	[tilespmem:$0x1FEE0] =	vst v1;
	v1 =	vmul.f32 v4, v8  }
0xda: {  	v16 =	vadd.f32 v16, v60  }
0xdb: {  	v26 =	vsub.f32 v40, v43;
	v39 =	vadd.f32 v56, v20;
	[tilespmem:$0x1FEF0] =	vst v1;
	v1 =	vmul.f32 v13, v10  }
0xdc: {  	v7 =	vperm.xlane v16, v55  }
0xdd: {  	v15 =	vld [tilespmem:s29+$0x6690];
	v61 =	vperm.xlane v39, v0;
	[tilespmem:$0x1FF00] =	vst v1;
	v1 =	vmul.f32 v13, v26  }
0xde: {  	v22 =	vld [tilespmem:s29+$0x66B0];
	v11 =	vadd.f32 v7, v16  }
0xdf: {  	v63 =	vadd.f32 v39, v61;
	v14 =	vadd.f32 v53, v14;
	[tilespmem:$0x1FF10] =	vst v1;
	v1 =	vld [tilespmem:$0x1FFF0]  }
0xe0: {  	v16 =	vld [tilespmem:s29+$0x66A0];
	v27 =	vperm.xlane v11, v57  }
0xe1: {  	v9 =	vperm.xlane v63, v55;
	v20 =	vmul.f32 $1.562500000e-02, v14;
	v14 =	vld [tilespmem:s29+$0x6680];
	v18 =	vadd.f32 v58, v18  }
0xe2: {  	v46 =	vadd.f32 v27, v11  }
0xe3: {  	v25 =	vadd.f32 v9, v63;
	v62 =	vmul.f32 v20, v20;
	v18 =	vmul.f32 $1.562500000e-02, v18  }
0xe4: {  	v60 =	vperm.xlane v46, v1;
	v1 =	vld [tilespmem:$0x1FFF0]  }
0xe5: {  	v23 =	vsub.f32 v23, v43;
	v29 =	vperm.xlane v25, v57;
	v18 =	vsub.f32 v18, v62  }
0xe6: {  	v34 =	vmul.f32 v15, v15;
	v32 =	vadd.f32 v22, v16;
	v31 =	vadd.f32 v15, v14  }
0xe7: {  	v59 =	vmul.f32 v22, v22;
	v24 =	vadd.f32 $9.999999740e-06, v18;
	v18 =	vadd.f32 v29, v25  }
0xe8: {  	v56 =	vmul.f32 v14, v14;
	v58 =	vmul.f32 v16, v16;
	v62 =	vadd.f32 v32, v31  }
0xe9: {  	v17 =	vsub.f32 v17, v43;
	v61 =	vperm.xlane v18, v1;
	v1 =	vmul.f32 v13, v23  }
0xea: {  	v39 =	vperm.xlane v62, v0  }
0xeb: {  	v37 =	vadd.f32 v34, v56;
	v38 =	vadd.f32 v59, v58;
	[tilespmem:$0x1FF20] =	vst v1;
	v1 =	vmul.f32 v13, v17  }
0xec: {  	v43 =	vadd.f32 v62, v39  }
0xed: {  	v23 =	vadd.f32 v38, v37;
	[tilespmem:$0x1FF30] =	vst v1;
	v1 =	vld [tilespmem:$0x1FFE0]  }
0xee: {  	v26 =	vperm.xlane v43, v55  }
0xef: {  	v54 =	vperm.xlane v23, v0  }
0xf0: {  	v58 =	vadd.f32 v26, v43  }
0xf1: {  	v3 =	vld [tilespmem:s29+$0x66C0];
	v23 =	vadd.f32 v23, v54  }
0xf2: {  	v29 =	vperm.xlane v58, v1;
	v1 =	vld [tilespmem:$0x1FFE0]  }
0xf3: {  	v4 =	vld [tilespmem:s29+$0x66F0];
	v27 =	vperm.xlane v23, v55  }
0xf4: {  	v25 =	vld [tilespmem:s29+$0x66D0]  }
0xf5: {  	v28 =	vshra.s32 v24, $0x1;
	v52 =	vmul.f32 $5.000000000e-01, v24;
	v24 =	vld [tilespmem:s29+$0x66E0];
	v23 =	vadd.f32 v27, v23;
	_ =	sdelay $0x1  }
0xf6: {  	v32 =	vperm.xlane v23, v1;
	v1 =	vld [tilespmem:$0x1FFF0];
	_ =	sdelay $0x1  }
0xf7: {  	v30 =	vsub.s32 $0x5F3759DF, v28;
	v5 =	vadd.f32 v25, v3  }
0xf8: {  	v51 =	vmul.f32 v30, v52;
	v6 =	vadd.f32 v4, v24;
	v58 =	vadd.f32 v29, v58  }
0xf9: {  	v7 =	vmul.f32 v3, v3;
	v8 =	vmul.f32 v25, v25  }
0xfa: {  	v51 =	vmul.f32 v30, v51;
	v57 =	vadd.f32 v6, v5;
	v38 =	vperm.xlane v58, v1;
	v1 =	vld [tilespmem:$0x1FFF0]  }
0xfb: {  	v10 =	vmul.f32 v4, v4;
	v46 =	vadd.f32 v60, v46;
	v9 =	vmul.f32 v24, v24  }
0xfc: {  	v59 =	vadd.f32 v8, v7;
	v51 =	vsub.f32 $1.500000000e+00, v51;
	v28 =	vperm.xlane v57, v0  }
0xfd: {  	v56 =	vmul.f32 $1.562500000e-02, v46;
	v46 =	vadd.f32 v10, v9;
	v23 =	vadd.f32 v32, v23  }
0xfe: {  	v51 =	vmul.f32 v30, v51;
	v30 =	vadd.f32 v57, v28  }
0xff: {  	v46 =	vadd.f32 v46, v59;
	v39 =	vperm.xlane v23, v1;
	v1 =	vld [tilespmem:$0x1FFE0]  }
0x100: {  	v18 =	vadd.f32 v61, v18;
	v34 =	vperm.xlane v30, v55  }
0x101: {  	v59 =	vperm.xlane v46, v0  }
0x102: {  	v19 =	vld [tilespmem:s29+$0x6730];
	v11 =	vmul.f32 v56, v56;
	v18 =	vmul.f32 $1.562500000e-02, v18;
	v60 =	vadd.f32 v34, v30  }
0x103: {  	v13 =	vld [tilespmem:s29+$0x6700];
	v46 =	vadd.f32 v46, v59  }
0x104: {  	v18 =	vsub.f32 v18, v11;
	v28 =	vperm.xlane v60, v1;
	v1 =	vld [tilespmem:$0x1FFE0]  }
0x105: {  	v17 =	vld [tilespmem:s29+$0x6710];
	v63 =	vperm.xlane v46, v55  }
0x106: {  	v12 =	vsub.f32 v12, v20;
	v52 =	vmul.f32 v51, v52;
	v31 =	vadd.f32 $9.999999740e-06, v18;
	v18 =	vld [tilespmem:s29+$0x6720]  }
0x107: {  	v21 =	vsub.f32 v21, v20;
	v7 =	vmul.f32 v19, v19;
	v46 =	vadd.f32 v63, v46  }
0x108: {  	v52 =	vmul.f32 v52, v51;
	v37 =	vshra.s32 v31, $0x1;
	v57 =	vmul.f32 $5.000000000e-01, v31  }
0x109: {  	v43 =	vmul.f32 v13, v13;
	v61 =	vsub.s32 $0x5F3759DF, v37;
	v54 =	vperm.xlane v46, v1;
	v1 =	vld [tilespmem:$0x1FFF0]  }
0x10a: {  	v26 =	vsub.f32 v44, v20;
	v5 =	vmul.f32 v17, v17;
	v40 =	vmul.f32 v61, v57  }
0x10b: {  	v52 =	vsub.f32 $1.500000000e+00, v52;
	v41 =	vadd.f32 v17, v13;
	v6 =	vmul.f32 v18, v18  }
0x10c: {  	v5 =	vadd.f32 v5, v43;
	v59 =	vmul.f32 v61, v40;
	v28 =	vadd.f32 v28, v60  }
0x10d: {  	v62 =	vld [tilespmem:s29+$0x6760];
	v51 =	vmul.f32 v52, v51;
	v42 =	vadd.f32 v19, v18;
	v6 =	vadd.f32 v7, v6  }
0x10e: {  	v59 =	vsub.f32 $1.500000000e+00, v59;
	v58 =	vadd.f32 v38, v58;
	v11 =	vperm.xlane v28, v1;
	v1 =	vld [tilespmem:$0x1FFF0]  }
0x10f: {  	v40 =	vmul.f32 v51, v12;
	v12 =	vld [tilespmem:s29+$0x6770];
	v5 =	vadd.f32 v6, v5;
	v60 =	vadd.f32 v42, v41  }
0x110: {  	v7 =	vmul.f32 v61, v59;
	v61 =	vld [tilespmem:s29+$0x6750];
	v52 =	vmul.f32 $1.562500000e-02, v58;
	v23 =	vadd.f32 v39, v23  }
0x111: {  	v34 =	vperm.xlane v5, v0;
	v63 =	vperm.xlane v60, v0;
	v46 =	vadd.f32 v54, v46  }
0x112: {  	v9 =	vsub.f32 v45, v20;
	v10 =	vmul.f32 v52, v52;
	v23 =	vmul.f32 $1.562500000e-02, v23  }
0x113: {  	v6 =	vadd.f32 v60, v63;
	v60 =	vld [tilespmem:s29+$0x6740];
	v32 =	vperm.xlane v46, v1;
	v1 =	vmul.f32 v51, v21  }
0x114: {  	v8 =	vmul.f32 v62, v62;
	v59 =	vsub.f32 v49, v56;
	v29 =	vadd.f32 v12, v62  }
0x115: {  	v31 =	vmul.f32 v61, v61;
	v23 =	vsub.f32 v23, v10;
	v41 =	vadd.f32 v5, v34;
	[tilespmem:$0x1FF40] =	vst v1;
	v1 =	vld [tilespmem:$0x1FFE0]  }
0x116: {  	v58 =	vsub.f32 v48, v56;
	v5 =	vmul.f32 v7, v57;
	v37 =	vperm.xlane v6, v55  }
0x117: {  	v23 =	vadd.f32 $9.999999740e-06, v23;
	v53 =	vperm.xlane v41, v55;
	v28 =	vadd.f32 v11, v28  }
0x118: {  	v48 =	vmul.f32 v5, v7;
	v42 =	vadd.f32 v37, v6;
	v27 =	vadd.f32 v61, v60  }
0x119: {  	v20 =	vmul.f32 $1.562500000e-02, v28;
	v28 =	vsub.f32 v47, v56;
	v47 =	vmul.f32 v51, v26  }
0x11a: {  	v26 =	vshra.s32 v23, $0x1;
	v23 =	vmul.f32 $5.000000000e-01, v23;
	v54 =	vperm.xlane v42, v1;
	v1 =	vld [tilespmem:$0x1FFE0]  }
0x11b: {  	v30 =	vmul.f32 v60, v60;
	v56 =	vsub.f32 v50, v56;
	v49 =	vsub.s32 $0x5F3759DF, v26  }
0x11c: {  	v50 =	vadd.f32 v29, v27;
	v34 =	vmul.f32 v49, v23;
	v38 =	vadd.f32 v32, v46  }
0x11d: {  	v43 =	vmul.f32 v20, v20;
	v32 =	vmul.f32 v51, v9;
	v46 =	vadd.f32 v53, v41  }
0x11e: {  	v51 =	vmul.f32 v49, v34;
	v45 =	vmul.f32 $1.562500000e-02, v38  }
0x11f: {  	v48 =	vsub.f32 $1.500000000e+00, v48;
	v38 =	vperm.xlane v50, v0;
	v37 =	vperm.xlane v46, v1;
	v1 =	vld [tilespmem:$0x1FFF0]  }
0x120: {  	v57 =	vadd.f32 v31, v30;
	v9 =	vmul.f32 v12, v12;
	v41 =	vsub.f32 $1.500000000e+00, v51  }
0x121: {  	v45 =	vsub.f32 v45, v43;
	v50 =	vadd.f32 v50, v38  }
0x122: {  	v7 =	vmul.f32 v48, v7;
	v48 =	vld [tilespmem:s29+$0x6780];
	v8 =	vadd.f32 v9, v8;
	v21 =	vadd.f32 v54, v42  }
0x123: {  	v63 =	vmul.f32 v49, v41;
	v49 =	vld [tilespmem:s29+$0x6790];
	v45 =	vadd.f32 $9.999999740e-06, v45;
	v54 =	vperm.xlane v50, v55  }
0x124: {  	v8 =	vadd.f32 v8, v57;
	v39 =	vperm.xlane v21, v1;
	v1 =	vld [tilespmem:$0x1FFF0]  }
0x125: {  	v57 =	vmul.f32 $5.000000000e-01, v45;
	v45 =	vshra.s32 v45, $0x1;
	v6 =	vadd.f32 v54, v50;
	v50 =	vld [tilespmem:s29+$0x67A0]  }
0x126: {  	v30 =	vmul.f32 v7, v58;
	v10 =	vsub.s32 $0x5F3759DF, v45;
	v45 =	vld [tilespmem:s29+$0x67B0]  }
0x127: {  	v58 =	vmul.f32 v7, v59;
	v31 =	vmul.f32 v7, v28;
	v9 =	vadd.f32 v37, v46  }
0x128: {  	v56 =	vmul.f32 v7, v56;
	v43 =	vperm.xlane v8, v0  }
0x129: {  	v34 =	vmov v0;
	v0 =	vld [tilespmem:$0x1FFE0];
	v54 =	vmul.f32 v48, v48;
	v42 =	vperm.xlane v9, v1  }
0x12a: {  	v5 =	vadd.f32 v8, v43;
	v37 =	vmul.f32 v49, v49;
	v41 =	vmul.f32 v50, v50  }
0x12b: {  	v21 =	vadd.f32 v39, v21;
	v1 =	vld [tilespmem:$0x1FFE0];
	v9 =	vadd.f32 v42, v9;
	v42 =	vmul.f32 v45, v45  }
0x12c: {  	v23 =	vmul.f32 v63, v23;
	v11 =	vperm.xlane v5, v55  }
0x12d: {  	v29 =	vld [tilespmem:$0x1FFF0];
	v39 =	vadd.f32 v37, v54;
	v8 =	vmul.f32 $1.562500000e-02, v21;
	v44 =	vadd.f32 v42, v41  }
0x12e: {  	v27 =	vmul.f32 v10, v57;
	v0 =	vperm.xlane v6, v0;
	v46 =	vadd.f32 v11, v5  }
0x12f: {  	v26 =	vmul.f32 v8, v8;
	v9 =	vmul.f32 $1.562500000e-02, v9;
	v7 =	vadd.f32 v44, v39;
	v39 =	vld [tilespmem:$0x1FFF0]  }
0x130: {  	v38 =	vmul.f32 v23, v63;
	v0 =	vadd.f32 v0, v6;
	v43 =	vperm.xlane v46, v1  }
0x131: {  	v2 =	vadd.f32 v45, v50;
	v51 =	vsub.f32 v9, v26;
	v9 =	vmul.f32 v10, v27  }
0x132: {  	v37 =	vperm.xlane v0, v29;
	v21 =	vsub.f32 $1.500000000e+00, v38;
	v55 =	vadd.f32 v43, v46  }
0x133: {  	v1 =	vadd.f32 v49, v48;
	v9 =	vsub.f32 $1.500000000e+00, v9  }
0x134: {  	v0 =	vadd.f32 v37, v0;
	v41 =	vperm.xlane v55, v39  }
0x135: {  	v54 =	vmul.f32 v21, v63;
	v1 =	vadd.f32 v2, v1;
	v2 =	vmul.f32 v10, v9  }
0x136: {  	v26 =	vsub.f32 v16, v52;
	v16 =	vmul.f32 $1.562500000e-02, v0;
	v0 =	vld [tilespmem:$0x1FFD0];
	v21 =	vadd.f32 v41, v55  }
0x137: {  	v42 =	vperm.xlane v1, v34;
	v44 =	vmul.f32 v2, v57  }
0x138: {  	v59 =	vsub.f32 v14, v52;
	v57 =	vmul.f32 v16, v16;
	v21 =	vmul.f32 $1.562500000e-02, v21  }
0x139: {  	v43 =	vadd.f32 $9.999999740e-06, v51;
	v1 =	vadd.f32 v1, v42  }
0x13a: {  	v63 =	vsub.f32 v15, v52;
	v28 =	vmul.f32 v54, v59;
	v59 =	vsub.f32 v21, v57;
	v21 =	vld [tilespmem:$0x1FFE0]  }
0x13b: {  	v51 =	vmul.f32 $5.000000000e-01, v43;
	v15 =	vshra.s32 v43, $0x1;
	v0 =	vperm.xlane v1, v0  }
0x13c: {  	v15 =	vsub.s32 $0x5F3759DF, v15  }
0x13d: {  	v55 =	vld [tilespmem:$0x1FFD0];
	v0 =	vadd.f32 v0, v1;
	v1 =	vmul.f32 v15, v51  }
0x13e: {  	v23 =	vperm.xlane v7, v34;
	v9 =	vmul.f32 v44, v2  }
0x13f: {  	v38 =	vsub.f32 v22, v52;
	v1 =	vmul.f32 v15, v1;
	v22 =	vperm.xlane v0, v21  }
0x140: {  	v7 =	vadd.f32 v7, v23;
	v9 =	vsub.f32 $1.500000000e+00, v9  }
0x141: {  	v37 =	vadd.f32 v22, v0;
	v0 =	vsub.f32 $1.500000000e+00, v1  }
0x142: {  	v23 =	vperm.xlane v7, v55  }
0x143: {  	v1 =	vmul.f32 v9, v2;
	v9 =	vmul.f32 v15, v0;
	v0 =	vld [tilespmem:$0x1FFF0]  }
0x144: {  	v7 =	vadd.f32 v23, v7;
	v23 =	vld [tilespmem:$0x1FFE0]  }
0x145: {  	v24 =	vsub.f32 v24, v20;
	v4 =	vsub.f32 v4, v20;
	v29 =	vmul.f32 v54, v63;
	v52 =	vld [tilespmem:s29+$0x67C0]  }
0x146: {  	v63 =	vmul.f32 v54, v38;
	v38 =	vsub.f32 v3, v20;
	v39 =	vsub.f32 v25, v20;
	v20 =	vld [tilespmem:s29+$0x67F0]  }
0x147: {  	v21 =	vld [tilespmem:s29+$0x67E0]  }
0x148: {  	v41 =	vperm.xlane v37, v0;
	v0 =	vld [tilespmem:$0x1FFF0]  }
0x149: {  	v27 =	vmul.f32 v54, v26;
	v22 =	vld [tilespmem:s29+$0x67D0];
	v26 =	vperm.xlane v7, v23;
	_ =	sdelay $0x1  }
0x14a: {  	v2 =	vadd.f32 v26, v7  }
0x14b: {  	v3 =	vadd.f32 v20, v21  }
0x14c: {  	v42 =	vmul.f32 v9, v51;
	v46 =	vadd.f32 v41, v37;
	v43 =	vperm.xlane v2, v0  }
0x14d: {  	v51 =	vsub.f32 v13, v8;
	v0 =	vadd.f32 v22, v52  }
0x14e: {  	v44 =	vmul.f32 v42, v9;
	v13 =	vmul.f32 $1.562500000e-02, v46;
	v2 =	vadd.f32 v43, v2  }
0x14f: {  	v0 =	vadd.f32 v3, v0  }
0x150: {  	v3 =	vsub.f32 $1.500000000e+00, v44;
	v44 =	vmul.f32 v13, v13;
	v2 =	vmul.f32 $1.562500000e-02, v2  }
0x151: {  	v53 =	vld [tilespmem:$0x1FF50]  }
0x152: {  	v11 =	vsub.f32 v2, v44;
	v2 =	vld [tilespmem:$0x1FD70]  }
0x153: {  	v26 =	vmul.f32 v1, v38  }
0x154: {  	v38 =	vmul.f32 v20, v20;
	v37 =	vmul.f32 v21, v21  }
0x155: {  	v46 =	vperm.xlane v0, v34  }
0x156: {  	v41 =	vadd.f32 v38, v37;
	v38 =	vld [tilespmem:$0x1FF70]  }
0x157: {  	v54 =	vmul.f32 v2, v53;
	v2 =	vadd.f32 v0, v46;
	v0 =	vld [tilespmem:$0x1FD80]  }
0x158: {  	v10 =	vadd.f32 $9.999999740e-06, v59;
	_ =	sdelay $0x1  }
0x159: {  	v25 =	vmul.f32 $5.000000000e-01, v10;
	v10 =	vshra.s32 v10, $0x1  }
0x15a: {  	v10 =	vsub.s32 $0x5F3759DF, v10;
	v15 =	vmul.f32 v1, v39;
	v44 =	vld [tilespmem:$0x1FF90]  }
0x15b: {  	v39 =	vmul.f32 v10, v25;
	v57 =	vmul.f32 v0, v38;
	v0 =	vld [tilespmem:$0x1FD90];
	_ =	sdelay $0x1  }
0x15c: {  	v42 =	vmul.f32 v10, v39;
	_ =	sdelay $0x1  }
0x15d: {  	v43 =	vsub.f32 $1.500000000e+00, v42;
	v42 =	vld [tilespmem:$0x1FFB0]  }
0x15e: {  	v59 =	vmul.f32 v0, v44;
	v0 =	vld [tilespmem:$0x1FDA0];
	_ =	sdelay $0x2  }
0x15f: {  	v6 =	vmul.f32 v52, v52;
	v7 =	vmul.f32 v22, v22  }
0x160: {  	v23 =	vmul.f32 v1, v24  }
0x161: {  	v14 =	vmul.f32 v1, v4;
	v1 =	vadd.f32 v7, v6;
	v6 =	vmul.f32 v0, v42;
	v0 =	vld [tilespmem:$0x1FDB0];
	_ =	sdelay $0x4  }
0x162: {  	v7 =	vmul.f32 v0, v53;
	v0 =	vld [tilespmem:$0x1FDC0];
	_ =	sdelay $0x3  }
0x163: {  	v10 =	vmul.f32 v10, v43;
	v43 =	vld [tilespmem:$0x1FFC0]  }
0x164: {  	v5 =	vmul.f32 v0, v38;
	v0 =	vld [tilespmem:$0x1FDD0];
	_ =	sdelay $0x1  }
0x165: {  	v1 =	vadd.f32 v41, v1  }
0x166: {  	v24 =	vsub.f32 v18, v8  }
0x167: {  	v37 =	vld [tilespmem:$0x1FF60];
	v55 =	vperm.xlane v1, v34;
	v3 =	vmul.f32 v3, v9;
	v9 =	vsub.f32 v17, v8  }
0x168: {  	v8 =	vsub.f32 v19, v8;
	v19 =	vadd.f32 v6, v43;
	v6 =	vmul.f32 v0, v44;
	v0 =	vld [tilespmem:$0x1FDE0];
	_ =	sdelay $0x1  }
0x169: {  	v4 =	vadd.f32 v1, v55;
	v1 =	vld [tilespmem:$0x1FE00]  }
0x16a: {  	v39 =	vld [tilespmem:$0x1FF80]  }
0x16b: {  	v41 =	vld [tilespmem:$0x1FFA0]  }
0x16c: {  	v18 =	vadd.f32 v54, v37;
	v54 =	vadd.f32 v7, v37;
	v7 =	vmul.f32 v0, v42;
	v0 =	vld [tilespmem:$0x1FDF0];
	_ =	sdelay $0x1  }
0x16d: {  	v1 =	vmul.f32 v1, v38  }
0x16e: {  	v17 =	vadd.f32 v57, v39  }
0x16f: {  	v57 =	vadd.f32 v6, v41;
	v6 =	vadd.f32 v1, v39;
	v1 =	vld [tilespmem:$0x1FE20]  }
0x170: {  	v0 =	vmul.f32 v0, v53;
	_ =	sdelay $0x1  }
0x171: {  	v55 =	vadd.f32 v5, v39;
	v5 =	vadd.f32 v0, v37;
	v0 =	vld [tilespmem:$0x1FE10];
	_ =	sdelay $0x1  }
0x172: {  	[tilespmem:s29+$0xA400] =	vst v18;
	v18 =	vmul.f32 v1, v42;
	v1 =	vld [tilespmem:$0x1FE30]  }
0x173: {  	[tilespmem:s29+$0xA450] =	vst v55;
	v55 =	vld [tilespmem:$0x1FFD0];
	_ =	sdelay $0x1  }
0x174: {  	v0 =	vmul.f32 v0, v44  }
0x175: {  	v46 =	vadd.f32 v59, v41  }
0x176: {  	v59 =	vadd.f32 v7, v43;
	v1 =	vmul.f32 v1, v53;
	v7 =	vadd.f32 v0, v41;
	v0 =	vld [tilespmem:$0x1FE40]  }
0x177: {  	v55 =	vperm.xlane v2, v55  }
0x178: {  	[tilespmem:s29+$0xA430] =	vst v19;
	v19 =	vld [tilespmem:$0x1FE70];
	v1 =	vadd.f32 v1, v37  }
0x179: {  	v2 =	vadd.f32 v55, v2;
	v55 =	vld [tilespmem:$0x1FFD0]  }
0x17a: {  	v25 =	vmul.f32 v10, v25;
	[tilespmem:s29+$0xA4C0] =	vst v1;
	v1 =	vld [tilespmem:$0x1FE80]  }
0x17b: {  	v33 =	vmul.f32 v33, v38;
	[tilespmem:s29+$0xA410] =	vst v17;
	v17 =	vmul.f32 v0, v38;
	v0 =	vld [tilespmem:$0x1FE50]  }
0x17c: {  	v9 =	vmul.f32 v3, v9;
	v25 =	vmul.f32 v25, v10;
	[tilespmem:s29+$0xA460] =	vst v57;
	v57 =	vld [tilespmem:$0x1FFE0]  }
0x17d: {  	v12 =	vsub.f32 v12, v16;
	v51 =	vmul.f32 v3, v51;
	[tilespmem:s29+$0xA420] =	vst v46  }
0x17e: {  	v33 =	vadd.f32 v33, v39;
	v9 =	vmul.f32 v9, v38;
	v25 =	vsub.f32 $1.500000000e+00, v25;
	[tilespmem:s29+$0xA490] =	vst v6  }
0x17f: {  	v19 =	vmul.f32 v19, v53;
	v46 =	vadd.f32 v18, v43;
	v18 =	vld [tilespmem:$0x1FE60];
	[tilespmem:s29+$0xA470] =	vst v59;
	v59 =	vperm.xlane v4, v55  }
0x180: {  	v6 =	vsub.f32 v61, v16;
	[tilespmem:s29+$0xA480] =	vst v5;
	v1 =	vmul.f32 v1, v38;
	v0 =	vmul.f32 v0, v44  }
0x181: {  	v61 =	vld [tilespmem:$0x1FE90];
	v5 =	vmul.f32 v25, v10;
	v25 =	vperm.xlane v2, v57;
	[tilespmem:s29+$0xA4A0] =	vst v7;
	v7 =	vsub.f32 v62, v16  }
0x182: {  	[tilespmem:s29+$0xA440] =	vst v54;
	v62 =	vld [tilespmem:$0x1FEA0];
	v1 =	vadd.f32 v1, v39;
	v54 =	vadd.f32 v0, v41;
	v0 =	vmul.f32 v3, v24  }
0x183: {  	v24 =	vmul.f32 v3, v8;
	v8 =	vsub.f32 v60, v16;
	v60 =	vadd.f32 $9.999999740e-06, v11  }
0x184: {  	v4 =	vadd.f32 v59, v4;
	v18 =	vmul.f32 v18, v42;
	v2 =	vadd.f32 v25, v2  }
0x185: {  	v12 =	vmul.f32 v5, v12;
	[tilespmem:s29+$0xA510] =	vst v1;
	v1 =	vmul.f32 v5, v6;
	v59 =	vshra.s32 v60, $0x1  }
0x186: {  	v3 =	vadd.f32 v18, v43;
	v10 =	vmul.f32 $5.000000000e-01, v60;
	v25 =	vsub.s32 $0x5F3759DF, v59;
	v59 =	vld [tilespmem:$0x1FEB0]  }
0x187: {  	v18 =	vadd.f32 v19, v37;
	v19 =	vmul.f32 v61, v44;
	v16 =	vmul.f32 v62, v42;
	[tilespmem:s29+$0xA4E0] =	vst v54;
	v54 =	vld [tilespmem:$0x1FEC0]  }
0x188: {  	v9 =	vadd.f32 v9, v39;
	[tilespmem:s29+$0xA4B0] =	vst v46;
	v62 =	vmul.f32 v36, v42;
	v36 =	vld [tilespmem:$0x1FFF0];
	v46 =	vmul.f32 v25, v10  }
0x189: {  	[tilespmem:s29+$0xA550] =	vst v33;
	v17 =	vadd.f32 v17, v39;
	v1 =	vmul.f32 v1, v38;
	v60 =	vperm.xlane v4, v57  }
0x18a: {  	[tilespmem:s29+$0xA4F0] =	vst v3;
	v3 =	vadd.f32 v19, v41;
	v61 =	vadd.f32 v16, v43;
	v11 =	vmul.f32 v25, v46  }
0x18b: {  	[tilespmem:s29+$0xA4D0] =	vst v17;
	v8 =	vmul.f32 v5, v8;
	v4 =	vadd.f32 v60, v4;
	v17 =	vmul.f32 v59, v53  }
0x18c: {  	v16 =	vmul.f32 v5, v7;
	[tilespmem:s29+$0xA520] =	vst v3;
	v5 =	vmul.f32 v54, v53;
	v54 =	vld [tilespmem:$0x1FF20];
	v11 =	vsub.f32 $1.500000000e+00, v11  }
0x18d: {  	v60 =	vmul.f32 v35, v44;
	[tilespmem:s29+$0xA530] =	vst v61;
	v61 =	vld [tilespmem:$0x1FEE0];
	v46 =	vperm.xlane v4, v36;
	v3 =	vadd.f32 v17, v37  }
0x18e: {  	[tilespmem:s29+$0xA710] =	vst v9;
	v1 =	vadd.f32 v1, v39;
	v0 =	vmul.f32 v0, v44;
	v6 =	vmul.f32 v25, v11;
	v25 =	vld [tilespmem:$0x1FF00]  }
0x18f: {  	v4 =	vadd.f32 v46, v4;
	v17 =	vperm.xlane v2, v36;
	[tilespmem:s29+$0xA540] =	vst v3;
	v3 =	vadd.f32 v60, v41;
	v60 =	vld [tilespmem:$0x1FED0]  }
0x190: {  	v26 =	vmul.f32 v26, v53;
	v47 =	vmul.f32 v47, v42;
	[tilespmem:s29+$0xA750] =	vst v1;
	v0 =	vadd.f32 v0, v41  }
0x191: {  	[tilespmem:s29+$0xA500] =	vst v18;
	v4 =	vmul.f32 $1.562500000e-02, v4;
	v2 =	vadd.f32 v17, v2;
	v18 =	vmul.f32 v54, v44  }
0x192: {  	v54 =	vmul.f32 v31, v53;
	[tilespmem:s29+$0xA560] =	vst v3;
	v3 =	vadd.f32 v5, v37;
	v5 =	vmul.f32 v61, v44  }
0x193: {  	v19 =	vld [tilespmem:$0x1FEF0];
	[tilespmem:s29+$0xA720] =	vst v0;
	v59 =	vadd.f32 v62, v43;
	v10 =	vmul.f32 v6, v10;
	v17 =	vmul.f32 v25, v53  }
0x194: {  	v2 =	vmul.f32 $1.562500000e-02, v2;
	[tilespmem:s29+$0xA580] =	vst v3;
	v3 =	vadd.f32 v5, v41;
	v11 =	vmul.f32 v60, v38;
	v60 =	vld [tilespmem:$0x1FF30]  }
0x195: {  	[tilespmem:s29+$0xA570] =	vst v59;
	v25 =	vmul.f32 v40, v53;
	v40 =	vmul.f32 v32, v44;
	v59 =	vadd.f32 v17, v37  }
0x196: {  	v31 =	vmul.f32 v56, v42;
	v32 =	vmul.f32 v28, v53;
	[tilespmem:s29+$0xA5A0] =	vst v3;
	v62 =	vadd.f32 v11, v39  }
0x197: {  	v46 =	vld [tilespmem:$0x1FF10];
	v28 =	vmul.f32 v15, v38;
	v33 =	vmul.f32 v2, v2;
	[tilespmem:s29+$0xA5C0] =	vst v59;
	v59 =	vadd.f32 v40, v41  }
0x198: {  	v10 =	vmul.f32 v10, v6;
	v11 =	vmul.f32 v19, v42;
	v40 =	vadd.f32 v31, v43;
	[tilespmem:s29+$0xA590] =	vst v62  }
0x199: {  	v3 =	vsub.f32 v4, v33;
	v31 =	vadd.f32 v28, v39;
	[tilespmem:s29+$0xA620] =	vst v59;
	v5 =	vmul.f32 v60, v42  }
0x19a: {  	v14 =	vmul.f32 v14, v42;
	v10 =	vsub.f32 $1.500000000e+00, v10;
	v35 =	vadd.f32 v11, v43;
	[tilespmem:s29+$0xA670] =	vst v40  }
0x19b: {  	v8 =	vmul.f32 v8, v53;
	v3 =	vadd.f32 $9.999999740e-06, v3;
	[tilespmem:s29+$0xA6D0] =	vst v31;
	v33 =	vadd.f32 v5, v43  }
0x19c: {  	v52 =	vsub.f32 v52, v2;
	v11 =	vmul.f32 v46, v38;
	v62 =	vadd.f32 v18, v41;
	[tilespmem:s29+$0xA5B0] =	vst v35  }
0x19d: {  	v46 =	vadd.f32 v25, v37;
	[tilespmem:s29+$0xA5F0] =	vst v33;
	v33 =	vshra.s32 v3, $0x1;
	v3 =	vmul.f32 $5.000000000e-01, v3  }
0x19e: {  	v60 =	vadd.f32 v47, v43;
	v61 =	vadd.f32 v11, v39;
	[tilespmem:s29+$0xA5E0] =	vst v62;
	v11 =	vsub.s32 $0x5F3759DF, v33  }
0x19f: {  	v59 =	vsub.f32 v49, v13;
	v49 =	vmul.f32 v16, v44;
	[tilespmem:s29+$0xA600] =	vst v46;
	v47 =	vmul.f32 v11, v3  }
0x1a0: {  	v6 =	vmul.f32 v10, v6;
	v62 =	vmul.f32 v30, v38;
	v46 =	vadd.f32 v32, v37;
	[tilespmem:s29+$0xA630] =	vst v60  }
0x1a1: {  	v60 =	vsub.f32 v50, v13;
	v50 =	vadd.f32 v49, v41;
	[tilespmem:s29+$0xA5D0] =	vst v61;
	v10 =	vmul.f32 v11, v47  }
0x1a2: {  	v56 =	vmul.f32 v27, v44;
	v1 =	vsub.f32 v20, v2;
	v61 =	vadd.f32 v54, v37;
	[tilespmem:s29+$0xA680] =	vst v46  }
0x1a3: {  	v35 =	vld [tilespmem:$0x1FF40];
	v30 =	vadd.f32 v62, v39;
	v62 =	vmul.f32 v63, v42;
	[tilespmem:s29+$0xA760] =	vst v50;
	v10 =	vsub.f32 $1.500000000e+00, v10  }
0x1a4: {  	v25 =	vmul.f32 v58, v44;
	v54 =	vmul.f32 v29, v38;
	v63 =	vadd.f32 v56, v41;
	[tilespmem:s29+$0xA640] =	vst v61  }
0x1a5: {  	v29 =	vmul.f32 v23, v44;
	[tilespmem:s29+$0xA650] =	vst v30;
	v27 =	vadd.f32 v62, v43;
	v10 =	vmul.f32 v11, v10  }
0x1a6: {  	v58 =	vsub.f32 v48, v13;
	v4 =	vmul.f32 v6, v59;
	[tilespmem:s29+$0xA6A0] =	vst v63;
	v30 =	vadd.f32 v26, v37  }
0x1a7: {  	v32 =	vadd.f32 v29, v41;
	v33 =	vmul.f32 v51, v53;
	[tilespmem:s29+$0xA6B0] =	vst v27;
	v3 =	vmul.f32 v10, v3  }
0x1a8: {  	v61 =	vsub.f32 v45, v13;
	v5 =	vmul.f32 v35, v38;
	v35 =	vadd.f32 v25, v41;
	[tilespmem:s29+$0xA6C0] =	vst v30  }
0x1a9: {  	v45 =	vmul.f32 v24, v42;
	v40 =	vadd.f32 v33, v37;
	[tilespmem:s29+$0xA6E0] =	vst v32;
	v3 =	vmul.f32 v3, v10  }
0x1aa: {  	v46 =	vmul.f32 v6, v58;
	v56 =	vsub.f32 v21, v2;
	v5 =	vadd.f32 v5, v39;
	[tilespmem:s29+$0xA660] =	vst v35  }
0x1ab: {  	v51 =	vmul.f32 v12, v42;
	v48 =	vadd.f32 v45, v43;
	[tilespmem:s29+$0xA700] =	vst v40;
	v3 =	vsub.f32 $1.500000000e+00, v3  }
0x1ac: {  	v47 =	vmul.f32 v6, v60;
	v6 =	vmul.f32 v6, v61;
	[tilespmem:s29+$0xA610] =	vst v5;
	v5 =	vadd.f32 v54, v39  }
0x1ad: {  	v4 =	vmul.f32 v4, v38;
	[tilespmem:s29+$0xA730] =	vst v48;
	v0 =	vmul.f32 v3, v10;
	v3 =	vadd.f32 v8, v37  }
0x1ae: {  	v54 =	vsub.f32 v22, v2;
	v2 =	vadd.f32 v51, v43;
	v59 =	vmul.f32 v6, v42;
	[tilespmem:s29+$0xA690] =	vst v5  }
0x1af: {  	v35 =	vadd.f32 v14, v43;
	v5 =	vmul.f32 v47, v44;
	[tilespmem:s29+$0xA740] =	vst v3;
	v3 =	vmul.f32 v46, v53  }
0x1b0: {  	[tilespmem:s29+$0xA770] =	vst v2;
	v2 =	vadd.f32 v4, v39;
	v58 =	vmul.f32 v0, v52;
	v60 =	vmul.f32 v0, v54  }
0x1b1: {  	[tilespmem:s29+$0xA6F0] =	vst v35;
	v62 =	vmul.f32 v0, v56;
	v0 =	vmul.f32 v0, v1;
	v3 =	vadd.f32 v3, v37  }
0x1b2: {  	[tilespmem:s29+$0xA790] =	vst v2;
	v2 =	vadd.f32 v59, v43;
	v61 =	vmul.f32 v58, v53  }
0x1b3: {  	v63 =	vmul.f32 v60, v38;
	v0 =	vmul.f32 v0, v42;
	[tilespmem:s29+$0xA780] =	vst v3;
	v3 =	vadd.f32 v5, v41  }
0x1b4: {  	p1 =	sne.s32 s28, $0x7000;
	[tilespmem:s29+$0xA7B0] =	vst v2;
	v1 =	vadd.f32 v61, v37  }
.Ltmp0:
0x1b5: {  	v2 =	vadd.f32 v63, v39;
	v0 =	vadd.f32 v0, v43;
	[tilespmem:s29+$0xA7A0] =	vst v3;
	v3 =	vmul.f32 v62, v44;
	(pc) =	sbr.rel @p1 .LBB2_3-.Ltmp0, $4  }
0x1b6: {  	[tilespmem:s29+$0xA7C0] =	vst v1  }
0x1b7: {  	[tilespmem:s29+$0xA7D0] =	vst v2;
	v1 =	vadd.f32 v3, v41  }
0x1b8: {  	[tilespmem:s29+$0xA7F0] =	vst v0  }
0x1b9: {  	s28 =	sadd.s32 $0x1000, s28;
	v0 =	vmov v34;
	[tilespmem:s29+$0xA7E0] =	vst v1  }
0x1ba: {  	p1 =	sne.s32 s24, $0x63  }
.Ltmp1:
0x1bb: {  	s28 =	sshll.u32 s24, $0xE;
	(pc) =	sbr.rel @p1 .LBB2_6-.Ltmp1, $4  }
0x1bc: {  	s28 =	sadd.s32 s9, s28  }
0x1bd: {  	s28 =	sshrl.u32 s28, $0x3  }
0x1be: {  	s28 =	sadd.s32 s4, s28  }
0x1bf: {  	[hbm4b:s28+s5] =	stream.linear.scatter [tilespmem:s18], [sflag:$0x3], $0x2000, $0x38;
	[tilespmem:$0xE480] =	vst v63  }
.Ltmp2:
0x1c0: {  	(pc) =	sbr.rel .LBB2_7-.Ltmp2, $4  }
0x1c1: {  	_ = 	snop  }
0x1c2: {  	_ =	swait.ge [sflag:s19], $0x2000  }
0x1c3: {  	[sflag:s19] =	ssyncset.done $0x0  }
0x1c4: {  	[sflag:s19] =	ssyncadd.s32 $0xFFFFE000  }
.LBB2_6:
0x1c5: {  	s26 =	sand.u32 $0x3FFFFF00, s26  }
.Ltmp3:
0x1c6: {  	s26 =	sadd.s32 $0x100, s26;
	(pc) =	sbr.rel @p0 .LBB2_8-.Ltmp3, $4  }
0x1c7: {  	[tilespmem:s15], [sflag:$0x1] =	stream.indirect.gather [hbm4b:s7+s14], $0x40, s26, s14, $0xb8;
	[tilespmem:$0xE480] =	vst v63  }
0x1c8: {  	_ =	swait.ge [sflag:s19], $0x2000  }
0x1c9: {  	[sflag:s19] =	ssyncset.done $0x0  }
0x1ca: {  	[sflag:s19] =	ssyncadd.s32 $0xFFFFE000  }
.LBB2_7:
0x1cb: {  	_ =	swait.ge [sflag:s20], $0x2000  }
0x1cc: {  	[sflag:s20] =	ssyncset.done $0x0  }
0x1cd: {  	[sflag:s20] =	ssyncadd.s32 $0xFFFFE000  }
.LBB2_8:
0x1ce: {  	v0 =	vld [tilespmem:$0xE400]  }
0x1cf: {  	v56 =	vld [tilespmem:$0xE440]  }
0x1d0: {  	v58 =	vld [tilespmem:$0xE410]  }
0x1d1: {  	v59 =	vld [tilespmem:$0xE450]  }
0x1d2: {  	v60 =	vld [tilespmem:$0xE420]  }
0x1d3: {  	v61 =	vld [tilespmem:$0xE460];
	[tilespmem:$0x1FCF0] =	vst v0  }
0x1d4: {  	v62 =	vld [tilespmem:$0xE430];
	[tilespmem:$0x1FD00] =	vst v56  }
0x1d5: {  	v63 =	vld [tilespmem:$0xE470];
	[tilespmem:$0x1FD10] =	vst v58  }
0x1d6: {  	[tilespmem:$0x1FD20] =	vst v59  }
0x1d7: {  	[tilespmem:$0x1FD30] =	vst v60  }
0x1d8: {  	[tilespmem:$0x1FD40] =	vst v61  }
0x1d9: {  	[tilespmem:$0x1FD50] =	vst v62  }
0x1da: {  	s26 =	simm.s32 $0x0;
	v44 =	vmov v34;
	[tilespmem:$0x1FD60] =	vst v63  }
.LBB2_9:
0x1db: {  	s28 =	sshra.s32 s26, $0x2  }
0x1dc: {  	v0 =	vld [tilespmem:s28+$0x8400]  }
0x1dd: {  	v18 =	vld [tilespmem:s28+$0x8410]  }
0x1de: {  	v14 =	vld [tilespmem:s28+$0x8420]  }
0x1df: {  	v4 =	vld [tilespmem:s28+$0x8430];
	_ =	sdelay $0x3  }
0x1e0: {  	v27 =	vld [tilespmem:s28+$0x8440];
	v3 =	vmul.f32 v0, v0;
	v12 =	vmul.f32 v18, v18  }
0x1e1: {  	v26 =	vld [tilespmem:s28+$0x8450];
	v13 =	vmul.f32 v14, v14;
	v15 =	vmul.f32 v4, v4  }
0x1e2: {  	v16 =	vld [tilespmem:s28+$0x8460];
	v1 =	vadd.f32 v18, v0;
	v2 =	vadd.f32 v4, v14  }
0x1e3: {  	v19 =	vadd.f32 v12, v3;
	v20 =	vadd.f32 v15, v13;
	v13 =	vld [tilespmem:s28+$0x8470]  }
0x1e4: {  	v1 =	vadd.f32 v2, v1  }
0x1e5: {  	v17 =	vmul.f32 v27, v27;
	v2 =	vadd.f32 v20, v19  }
0x1e6: {  	v21 =	vperm.xlane v1, v44;
	v19 =	vmul.f32 v26, v26  }
0x1e7: {  	v25 =	vld [tilespmem:s28+$0x8480];
	v33 =	vadd.f32 v26, v27;
	v20 =	vmul.f32 v16, v16;
	v22 =	vperm.xlane v2, v44  }
0x1e8: {  	v1 =	vadd.f32 v1, v21;
	v37 =	vadd.f32 v19, v17;
	v17 =	vld [tilespmem:s28+$0x84E0];
	v21 =	vmul.f32 v13, v13  }
0x1e9: {  	v19 =	vld [tilespmem:s28+$0x8490];
	v34 =	vadd.f32 v13, v16;
	v2 =	vadd.f32 v2, v22  }
0x1ea: {  	v23 =	vperm.xlane v1, v55;
	v38 =	vadd.f32 v21, v20  }
0x1eb: {  	v15 =	vld [tilespmem:s28+$0x84A0];
	v12 =	vadd.f32 v34, v33;
	v29 =	vperm.xlane v2, v55  }
0x1ec: {  	v1 =	vadd.f32 v23, v1;
	v23 =	vld [tilespmem:s28+$0x84B0];
	v39 =	vadd.f32 v38, v37  }
0x1ed: {  	v40 =	vperm.xlane v12, v44;
	v37 =	vmul.f32 v17, v17;
	v2 =	vadd.f32 v29, v2  }
0x1ee: {  	v22 =	vadd.f32 v19, v25;
	v30 =	vperm.xlane v1, v57;
	v42 =	vperm.xlane v39, v44  }
0x1ef: {  	v29 =	vmul.f32 v25, v25;
	v12 =	vadd.f32 v12, v40;
	v31 =	vperm.xlane v2, v57  }
0x1f0: {  	v1 =	vadd.f32 v30, v1;
	v30 =	vmul.f32 v19, v19;
	v3 =	vadd.f32 v39, v42  }
0x1f1: {  	v43 =	vperm.xlane v12, v55;
	v24 =	vadd.f32 v23, v15;
	v2 =	vadd.f32 v31, v2  }
0x1f2: {  	v32 =	vperm.xlane v1, v36;
	v31 =	vmul.f32 v15, v15;
	v52 =	vadd.f32 v30, v29  }
0x1f3: {  	v12 =	vadd.f32 v43, v12;
	v22 =	vadd.f32 v24, v22;
	v35 =	vperm.xlane v2, v36  }
0x1f4: {  	v45 =	vperm.xlane v3, v55;
	v1 =	vadd.f32 v32, v1;
	v32 =	vmul.f32 v23, v23  }
0x1f5: {  	v47 =	vperm.xlane v12, v57;
	v56 =	vperm.xlane v22, v44;
	v2 =	vadd.f32 v35, v2  }
0x1f6: {  	v3 =	vadd.f32 v45, v3;
	v1 =	vmul.f32 $1.562500000e-02, v1;
	v53 =	vadd.f32 v32, v31  }
0x1f7: {  	v24 =	vld [tilespmem:s28+$0x84C0];
	v12 =	vadd.f32 v47, v12;
	v59 =	vadd.f32 v22, v56;
	v2 =	vmul.f32 $1.562500000e-02, v2  }
0x1f8: {  	v41 =	vmul.f32 v1, v1;
	v54 =	vadd.f32 v53, v52;
	v0 =	vsub.f32 v0, v1  }
0x1f9: {  	v49 =	vperm.xlane v3, v57;
	v22 =	vld [tilespmem:s28+$0x84D0];
	v18 =	vsub.f32 v18, v1;
	v14 =	vsub.f32 v14, v1  }
0x1fa: {  	v1 =	vsub.f32 v4, v1;
	v50 =	vperm.xlane v12, v36;
	v2 =	vsub.f32 v2, v41  }
0x1fb: {  	v3 =	vadd.f32 v49, v3;
	v62 =	vperm.xlane v59, v55;
	v60 =	vperm.xlane v54, v44  }
0x1fc: {  	v35 =	vmul.f32 v24, v24;
	v12 =	vadd.f32 v50, v12;
	v2 =	vadd.f32 $9.999999740e-06, v2  }
0x1fd: {  	v51 =	vperm.xlane v3, v36;
	v29 =	vadd.f32 v62, v59;
	v61 =	vadd.f32 v54, v60  }
0x1fe: {  	v10 =	vmul.f32 v22, v22;
	v46 =	vshra.s32 v2, $0x1;
	v2 =	vmul.f32 $5.000000000e-01, v2  }
0x1ff: {  	v3 =	vadd.f32 v51, v3;
	v30 =	vmul.f32 $1.562500000e-02, v12;
	v12 =	vld [tilespmem:s28+$0x84F0];
	v20 =	vsub.s32 $0x5F3759DF, v46  }
0x200: {  	v5 =	vld [tilespmem:$0x1FFF0];
	v33 =	vadd.f32 v22, v24;
	v7 =	vperm.xlane v29, v57;
	v48 =	vmul.f32 v20, v2  }
0x201: {  	v39 =	vadd.f32 v10, v35;
	v3 =	vmul.f32 $1.562500000e-02, v3;
	v58 =	vmul.f32 v30, v30  }
0x202: {  	v29 =	vadd.f32 v7, v29;
	v59 =	vsub.f32 v27, v30;
	v21 =	vmul.f32 v20, v48  }
0x203: {  	v63 =	vperm.xlane v61, v55;
	v16 =	vsub.f32 v16, v30;
	v3 =	vsub.f32 v3, v58  }
0x204: {  	v34 =	vadd.f32 v12, v17;
	v38 =	vmul.f32 v12, v12;
	v21 =	vsub.f32 $1.500000000e+00, v21  }
0x205: {  	v13 =	vsub.f32 v13, v30;
	v11 =	vperm.xlane v29, v5;
	v3 =	vadd.f32 $9.999999740e-06, v3  }
0x206: {  	v33 =	vadd.f32 v34, v33;
	v40 =	vadd.f32 v38, v37;
	v20 =	vmul.f32 v20, v21  }
0x207: {  	v29 =	vadd.f32 v11, v29;
	v6 =	vshra.s32 v3, $0x1;
	v21 =	vadd.f32 v63, v61  }
0x208: {  	v41 =	vld [tilespmem:$0x1FFF0];
	v34 =	vadd.f32 v40, v39;
	v43 =	vperm.xlane v33, v44;
	v2 =	vmul.f32 v20, v2  }
0x209: {  	v3 =	vmul.f32 $5.000000000e-01, v3;
	v32 =	vsub.s32 $0x5F3759DF, v6;
	v9 =	vperm.xlane v21, v57  }
0x20a: {  	v4 =	vld [tilespmem:s28+$0x8530];
	v46 =	vadd.f32 v33, v43;
	v47 =	vperm.xlane v34, v44;
	v2 =	vmul.f32 v2, v20  }
0x20b: {  	v29 =	vmul.f32 $1.562500000e-02, v29;
	v8 =	vmul.f32 v32, v3;
	v21 =	vadd.f32 v9, v21  }
0x20c: {  	v31 =	vadd.f32 v34, v47;
	v33 =	vperm.xlane v46, v55;
	v2 =	vsub.f32 $1.500000000e+00, v2  }
0x20d: {  	v48 =	vmul.f32 v29, v29;
	v25 =	vsub.f32 v25, v29;
	v42 =	vperm.xlane v21, v41  }
0x20e: {  	v62 =	vld [tilespmem:$0x1FFF0];
	v50 =	vadd.f32 v33, v46;
	v51 =	vperm.xlane v31, v55;
	v2 =	vmul.f32 v2, v20  }
0x20f: {  	v10 =	vld [tilespmem:$0x1FFF0];
	v46 =	vmul.f32 v4, v4;
	v20 =	vmul.f32 v32, v8;
	v45 =	vadd.f32 v42, v21  }
0x210: {  	v31 =	vadd.f32 v51, v31;
	v53 =	vperm.xlane v50, v57;
	v21 =	vld [tilespmem:s28+$0x8510];
	v54 =	vmul.f32 v2, v0  }
0x211: {  	v20 =	vsub.f32 $1.500000000e+00, v20;
	v0 =	vmul.f32 $1.562500000e-02, v45;
	v49 =	vmul.f32 v2, v18;
	v18 =	vld [tilespmem:s28+$0x8500]  }
0x212: {  	v19 =	vsub.f32 v19, v29;
	v52 =	vmul.f32 v2, v14;
	v14 =	vld [tilespmem:s28+$0x8520];
	v58 =	vperm.xlane v31, v57  }
0x213: {  	v8 =	vsub.f32 v26, v30;
	v20 =	vmul.f32 v32, v20;
	v0 =	vsub.f32 v0, v48  }
0x214: {  	v1 =	vmul.f32 v2, v1;
	v32 =	vadd.f32 v53, v50;
	v61 =	vadd.f32 v58, v31  }
0x215: {  	v43 =	vmul.f32 v21, v21;
	v3 =	vmul.f32 v20, v3;
	v0 =	vadd.f32 $9.999999740e-06, v0  }
0x216: {  	v2 =	vperm.xlane v32, v62;
	v11 =	vperm.xlane v61, v10;
	v40 =	vadd.f32 v21, v18  }
0x217: {  	v41 =	vadd.f32 v4, v14;
	v42 =	vmul.f32 v18, v18;
	v45 =	vmul.f32 v14, v14  }
0x218: {  	v3 =	vmul.f32 v3, v20;
	v56 =	vshra.s32 v0, $0x1;
	v2 =	vadd.f32 v2, v32  }
0x219: {  	[tilespmem:$0x1FB30] =	vst v1;
	v0 =	vmul.f32 $5.000000000e-01, v0;
	v1 =	vadd.f32 v11, v61;
	v47 =	vadd.f32 v41, v40  }
0x21a: {  	[tilespmem:$0x1FB10] =	vst v49;
	v33 =	vsub.s32 $0x5F3759DF, v56;
	v48 =	vadd.f32 v43, v42;
	v49 =	vadd.f32 v46, v45  }
0x21b: {  	v30 =	vld [tilespmem:s28+$0x8550];
	v3 =	vsub.f32 $1.500000000e+00, v3;
	v60 =	vmul.f32 v33, v0;
	v2 =	vmul.f32 $1.562500000e-02, v2  }
0x21c: {  	[tilespmem:$0x1FB20] =	vst v52;
	v32 =	vld [tilespmem:s28+$0x8540];
	v1 =	vmul.f32 $1.562500000e-02, v1;
	v52 =	vadd.f32 v49, v48;
	v53 =	vperm.xlane v47, v44  }
0x21d: {  	v23 =	vsub.f32 v23, v29;
	v3 =	vmul.f32 v3, v20;
	v9 =	vmul.f32 v33, v60  }
0x21e: {  	v50 =	vmul.f32 v2, v2;
	v27 =	vadd.f32 v47, v53;
	v56 =	vperm.xlane v52, v44  }
0x21f: {  	v63 =	vmul.f32 v3, v59;
	v26 =	vsub.f32 $1.500000000e+00, v9;
	v51 =	vmul.f32 v3, v8  }
0x220: {  	v1 =	vsub.f32 v1, v50;
	v58 =	vmul.f32 v3, v16;
	v16 =	vld [tilespmem:s28+$0x8560];
	v3 =	vmul.f32 v3, v13  }
0x221: {  	v13 =	vld [tilespmem:s28+$0x8570];
	v8 =	vmul.f32 v32, v32;
	v9 =	vmul.f32 v30, v30;
	v59 =	vadd.f32 v52, v56  }
0x222: {  	v6 =	vadd.f32 v30, v32;
	v60 =	vperm.xlane v27, v55;
	v26 =	vmul.f32 v33, v26  }
0x223: {  	v1 =	vadd.f32 $9.999999740e-06, v1;
	v41 =	vadd.f32 v9, v8;
	v62 =	vperm.xlane v59, v55  }
0x224: {  	v20 =	vadd.f32 v60, v27;
	v60 =	vsub.f32 v15, v29;
	v0 =	vmul.f32 v26, v0  }
0x225: {  	v43 =	vld [tilespmem:$0x1FFF0];
	[tilespmem:$0x1FB70] =	vst v3;
	v61 =	vshra.s32 v1, $0x1;
	v1 =	vmul.f32 $5.000000000e-01, v1;
	v3 =	vadd.f32 v62, v59  }
0x226: {  	v37 =	vld [tilespmem:s28+$0x8590];
	v5 =	vperm.xlane v20, v57;
	v7 =	vadd.f32 v13, v16;
	v10 =	vmul.f32 v16, v16  }
0x227: {  	v48 =	vld [tilespmem:$0x1FFF0];
	v31 =	vsub.s32 $0x5F3759DF, v61;
	v11 =	vmul.f32 v13, v13;
	v0 =	vmul.f32 v0, v26  }
0x228: {  	v15 =	vld [tilespmem:s28+$0x85B0];
	v20 =	vadd.f32 v5, v20;
	v40 =	vperm.xlane v3, v57;
	v33 =	vadd.f32 v7, v6  }
0x229: {  	[tilespmem:$0x1FB40] =	vst v63;
	v63 =	vmul.f32 v31, v1;
	v42 =	vadd.f32 v11, v10;
	v0 =	vsub.f32 $1.500000000e+00, v0  }
0x22a: {  	v3 =	vadd.f32 v40, v3;
	v45 =	vperm.xlane v20, v43;
	v46 =	vperm.xlane v33, v44  }
0x22b: {  	v34 =	vadd.f32 v42, v41;
	v42 =	vmul.f32 v37, v37;
	v0 =	vmul.f32 v0, v26  }
0x22c: {  	v24 =	vsub.f32 v24, v2;
	v26 =	vmul.f32 v31, v63;
	v49 =	vperm.xlane v3, v48  }
0x22d: {  	[tilespmem:$0x1FB50] =	vst v51;
	v20 =	vadd.f32 v45, v20;
	v51 =	vperm.xlane v34, v44;
	v45 =	vmul.f32 v15, v15  }
0x22e: {  	[tilespmem:$0x1FB60] =	vst v58;
	v50 =	vadd.f32 v33, v46;
	v47 =	vmul.f32 v0, v25;
	v58 =	vmul.f32 v0, v19  }
0x22f: {  	v26 =	vsub.f32 $1.500000000e+00, v26;
	v62 =	vmul.f32 v0, v60;
	v0 =	vmul.f32 v0, v23  }
0x230: {  	v19 =	vld [tilespmem:s28+$0x85A0];
	v3 =	vadd.f32 v49, v3;
	v33 =	vmul.f32 $1.562500000e-02, v20;
	v53 =	vperm.xlane v50, v55  }
0x231: {  	v52 =	vadd.f32 v34, v51;
	v34 =	vld [tilespmem:s28+$0x8580];
	v26 =	vmul.f32 v31, v26;
	[tilespmem:$0x1FBA0] =	vst v62;
	v62 =	vsub.f32 v17, v2  }
0x232: {  	v3 =	vmul.f32 $1.562500000e-02, v3;
	v56 =	vmul.f32 v33, v33;
	v25 =	vadd.f32 v53, v50  }
0x233: {  	v59 =	vperm.xlane v52, v55;
	v53 =	vsub.f32 v22, v2;
	v2 =	vsub.f32 v12, v2  }
0x234: {  	v17 =	vld [tilespmem:s28+$0x85F0];
	v18 =	vsub.f32 v18, v33;
	v1 =	vmul.f32 v26, v1;
	v3 =	vsub.f32 v3, v56  }
0x235: {  	v9 =	vld [tilespmem:$0x1FFF0];
	v20 =	vadd.f32 v59, v52;
	v61 =	vperm.xlane v25, v57;
	v40 =	vadd.f32 v15, v19  }
0x236: {  	v43 =	vmul.f32 v19, v19;
	v1 =	vmul.f32 v1, v26;
	v11 =	vadd.f32 v37, v34  }
0x237: {  	v46 =	vld [tilespmem:$0x1FFF0];
	v41 =	vmul.f32 v34, v34;
	v3 =	vadd.f32 $9.999999740e-06, v3;
	v63 =	vadd.f32 v61, v25  }
0x238: {  	v7 =	vperm.xlane v20, v57;
	v49 =	vadd.f32 v45, v43;
	v1 =	vsub.f32 $1.500000000e+00, v1  }
0x239: {  	v29 =	vadd.f32 v42, v41;
	v41 =	vmul.f32 v17, v17;
	v8 =	vshra.s32 v3, $0x1  }
0x23a: {  	v3 =	vmul.f32 $5.000000000e-01, v3;
	v20 =	vadd.f32 v7, v20;
	v10 =	vperm.xlane v63, v9  }
0x23b: {  	v1 =	vmul.f32 v1, v26;
	v25 =	vsub.s32 $0x5F3759DF, v8;
	v26 =	vadd.f32 v40, v11  }
0x23c: {  	[tilespmem:$0x1FB80] =	vst v47;
	v22 =	vld [tilespmem:s28+$0x85C0];
	v51 =	vadd.f32 v49, v29;
	v47 =	vperm.xlane v20, v46;
	v48 =	vmul.f32 v25, v3  }
0x23d: {  	[tilespmem:$0x1FB90] =	vst v58;
	v21 =	vsub.f32 v21, v33;
	v52 =	vperm.xlane v26, v44;
	v58 =	vmul.f32 v1, v24  }
0x23e: {  	[tilespmem:$0x1FBB0] =	vst v0;
	v0 =	vadd.f32 v10, v63;
	v59 =	vperm.xlane v51, v44;
	v60 =	vmul.f32 v1, v53  }
0x23f: {  	v14 =	vsub.f32 v14, v33;
	v40 =	vld [tilespmem:s28+$0x85D0];
	v10 =	vmul.f32 v1, v62;
	v1 =	vmul.f32 v1, v2  }
0x240: {  	v23 =	vadd.f32 v47, v20;
	v20 =	vmul.f32 $1.562500000e-02, v0;
	v50 =	vmul.f32 v25, v48  }
0x241: {  	v29 =	vadd.f32 v26, v52;
	v63 =	vadd.f32 v51, v59;
	v51 =	vmul.f32 v22, v22  }
0x242: {  	v23 =	vmul.f32 $1.562500000e-02, v23;
	v56 =	vmul.f32 v20, v20;
	v0 =	vsub.f32 $1.500000000e+00, v50  }
0x243: {  	v4 =	vsub.f32 v4, v33;
	v8 =	vperm.xlane v29, v55;
	v43 =	vperm.xlane v63, v55  }
0x244: {  	v49 =	vadd.f32 v40, v22;
	v61 =	vsub.f32 v23, v56;
	v23 =	vld [tilespmem:s28+$0x85E0];
	v0 =	vmul.f32 v25, v0  }
0x245: {  	v52 =	vmul.f32 v40, v40;
	v11 =	vadd.f32 v8, v29;
	v47 =	vadd.f32 v43, v63  }
0x246: {  	v59 =	vld [tilespmem:$0x1FFF0];
	v16 =	vsub.f32 v16, v20;
	v9 =	vadd.f32 $9.999999740e-06, v61;
	v45 =	vmul.f32 v0, v3  }
0x247: {  	v56 =	vadd.f32 v52, v51;
	v63 =	vld [tilespmem:$0x1FFF0];
	v48 =	vperm.xlane v11, v57;
	v53 =	vperm.xlane v47, v57  }
0x248: {  	[tilespmem:$0x1FBF0] =	vst v1;
	v46 =	vshra.s32 v9, $0x1;
	v12 =	vmul.f32 $5.000000000e-01, v9;
	v1 =	vmul.f32 v45, v0  }
0x249: {  	v45 =	vld [tilespmem:s28+$0x8620];
	v50 =	vadd.f32 v17, v23;
	v2 =	vsub.s32 $0x5F3759DF, v46;
	v25 =	vadd.f32 v48, v11  }
0x24a: {  	v39 =	vmul.f32 v23, v23;
	v3 =	vadd.f32 v53, v47;
	v62 =	vmul.f32 v2, v12  }
0x24b: {  	[tilespmem:$0x1FBD0] =	vst v60;
	v1 =	vsub.f32 $1.500000000e+00, v1;
	v31 =	vadd.f32 v50, v49;
	v60 =	vperm.xlane v25, v59  }
0x24c: {  	[tilespmem:$0x1FBC0] =	vst v58;
	v58 =	vadd.f32 v41, v39;
	v7 =	vperm.xlane v3, v63;
	v8 =	vmul.f32 v2, v62  }
0x24d: {  	v13 =	vsub.f32 v13, v20;
	v0 =	vmul.f32 v1, v0;
	v61 =	vperm.xlane v31, v44  }
0x24e: {  	v35 =	vadd.f32 v58, v56;
	v25 =	vadd.f32 v60, v25;
	v60 =	vmul.f32 v45, v45  }
0x24f: {  	v6 =	vld [tilespmem:s28+$0x8630];
	v3 =	vadd.f32 v7, v3;
	v38 =	vmul.f32 v0, v18;
	v42 =	vmul.f32 v0, v21  }
0x250: {  	v11 =	vsub.f32 $1.500000000e+00, v8;
	v49 =	vmul.f32 v0, v14;
	v0 =	vmul.f32 v0, v4  }
0x251: {  	v31 =	vadd.f32 v31, v61;
	v9 =	vperm.xlane v35, v44;
	v39 =	vmul.f32 $1.562500000e-02, v25  }
0x252: {  	v53 =	vsub.f32 v32, v20;
	v3 =	vmul.f32 $1.562500000e-02, v3;
	v1 =	vmul.f32 v2, v11  }
0x253: {  	[tilespmem:$0x1FBE0] =	vst v10;
	v21 =	vld [tilespmem:s28+$0x8610];
	v10 =	vperm.xlane v31, v55;
	v24 =	vadd.f32 v35, v9;
	v26 =	vmul.f32 v39, v39  }
0x254: {  	v59 =	vsub.f32 v30, v20;
	v61 =	vmul.f32 v6, v6;
	v41 =	vmul.f32 v1, v12  }
0x255: {  	[tilespmem:$0x1FC00] =	vst v38;
	v12 =	vld [tilespmem:s28+$0x8600];
	v27 =	vadd.f32 v10, v31;
	v28 =	vperm.xlane v24, v55;
	v3 =	vsub.f32 v3, v26  }
0x256: {  	v47 =	vld [tilespmem:$0x1FFF0];
	[tilespmem:$0x1FC10] =	vst v42;
	v42 =	vadd.f32 v6, v45;
	v38 =	vadd.f32 v61, v60;
	v18 =	vmul.f32 v41, v1  }
0x257: {  	v31 =	vperm.xlane v27, v57;
	v2 =	vadd.f32 v28, v24;
	v3 =	vadd.f32 $9.999999740e-06, v3  }
0x258: {  	v33 =	vsub.f32 v34, v39;
	v58 =	vmul.f32 v21, v21;
	v18 =	vsub.f32 $1.500000000e+00, v18  }
0x259: {  	v51 =	vld [tilespmem:$0x1FFF0];
	v35 =	vadd.f32 v31, v27;
	v29 =	vperm.xlane v2, v57;
	v43 =	vshra.s32 v3, $0x1  }
0x25a: {  	v3 =	vmul.f32 $5.000000000e-01, v3;
	v56 =	vmul.f32 v12, v12;
	v62 =	vadd.f32 v21, v12  }
0x25b: {  	[tilespmem:$0x1FC20] =	vst v49;
	v49 =	vld [tilespmem:s28+$0x8660];
	v36 =	vsub.s32 $0x5F3759DF, v43;
	v1 =	vmul.f32 v18, v1;
	v48 =	vperm.xlane v35, v47  }
0x25c: {  	v2 =	vadd.f32 v29, v2;
	v50 =	vmul.f32 v36, v3;
	v18 =	vadd.f32 v58, v56  }
0x25d: {  	v8 =	vadd.f32 v42, v62;
	v47 =	vld [tilespmem:s28+$0x8640];
	v9 =	vmul.f32 v1, v53;
	v24 =	vmul.f32 v1, v59  }
0x25e: {  	v30 =	vmul.f32 v1, v16;
	v35 =	vadd.f32 v48, v35;
	v52 =	vperm.xlane v2, v51  }
0x25f: {  	v14 =	vmul.f32 v36, v50;
	v10 =	vadd.f32 v38, v18;
	v11 =	vperm.xlane v8, v44  }
0x260: {  	v53 =	vmul.f32 v49, v49;
	v48 =	vld [tilespmem:s28+$0x8650];
	v43 =	vmul.f32 $1.562500000e-02, v35;
	v2 =	vadd.f32 v52, v2  }
0x261: {  	v50 =	vld [tilespmem:s28+$0x8670];
	v63 =	vsub.f32 $1.500000000e+00, v14;
	v25 =	vperm.xlane v10, v44;
	v4 =	vadd.f32 v8, v11  }
0x262: {  	v35 =	vsub.f32 v37, v39;
	v51 =	vmul.f32 v47, v47;
	v2 =	vmul.f32 $1.562500000e-02, v2  }
0x263: {  	[tilespmem:$0x1FC30] =	vst v0;
	v46 =	vmul.f32 v43, v43;
	v0 =	vmul.f32 v36, v63;
	v14 =	vadd.f32 v10, v25  }
0x264: {  	v27 =	vperm.xlane v4, v55;
	v10 =	vsub.f32 v19, v39;
	v25 =	vsub.f32 v15, v39  }
0x265: {  	v36 =	vmul.f32 v1, v13;
	v23 =	vsub.f32 v23, v43;
	v17 =	vsub.f32 v17, v43  }
0x266: {  	v16 =	vld [tilespmem:s28+$0x86A0];
	v52 =	vmul.f32 v48, v48;
	v56 =	vmul.f32 v50, v50;
	v58 =	vadd.f32 v48, v47  }
0x267: {  	v59 =	vadd.f32 v50, v49;
	v2 =	vsub.f32 v2, v46;
	v3 =	vmul.f32 v0, v3  }
0x268: {  	v29 =	vperm.xlane v14, v55;
	v4 =	vadd.f32 v27, v4;
	v27 =	vsub.f32 v22, v43  }
0x269: {  	v60 =	vld [tilespmem:$0x1FFF0];
	v20 =	vadd.f32 v56, v53;
	v2 =	vadd.f32 $9.999999740e-06, v2;
	v3 =	vmul.f32 v3, v0  }
0x26a: {  	v15 =	vld [tilespmem:s28+$0x8690];
	v32 =	vadd.f32 v29, v14;
	v34 =	vperm.xlane v4, v57;
	v14 =	vadd.f32 v52, v51  }
0x26b: {  	v63 =	vld [tilespmem:$0x1FFF0];
	v52 =	vmul.f32 v16, v16;
	v26 =	vshra.s32 v2, $0x1;
	v2 =	vmul.f32 $5.000000000e-01, v2  }
0x26c: {  	v22 =	vld [tilespmem:s28+$0x86B0];
	v3 =	vsub.f32 $1.500000000e+00, v3;
	v4 =	vadd.f32 v34, v4;
	v18 =	vsub.s32 $0x5F3759DF, v26  }
0x26d: {  	v29 =	vsub.f32 v40, v43;
	v46 =	vperm.xlane v32, v57;
	v28 =	vmul.f32 v18, v2  }
0x26e: {  	v14 =	vadd.f32 v20, v14;
	v0 =	vmul.f32 v3, v0;
	v61 =	vperm.xlane v4, v60  }
0x26f: {  	v51 =	vmul.f32 v15, v15;
	v13 =	vadd.f32 v46, v32;
	v31 =	vmul.f32 v18, v28  }
0x270: {  	[tilespmem:$0x1FC40] =	vst v9;
	v9 =	vperm.xlane v14, v44;
	v3 =	vmul.f32 v0, v33;
	v4 =	vadd.f32 v61, v4  }
0x271: {  	v39 =	vmul.f32 v22, v22;
	v7 =	vperm.xlane v13, v63;
	v1 =	vsub.f32 $1.500000000e+00, v31  }
0x272: {  	[tilespmem:$0x1FC70] =	vst v3;
	v3 =	vadd.f32 v59, v58;
	v20 =	vmul.f32 $1.562500000e-02, v4;
	v4 =	vadd.f32 v14, v9;
	v14 =	vld [tilespmem:s28+$0x8680]  }
0x273: {  	v37 =	vadd.f32 v22, v16;
	v62 =	vmul.f32 v0, v35;
	v19 =	vmul.f32 v0, v10  }
0x274: {  	v13 =	vadd.f32 v7, v13;
	v1 =	vmul.f32 v18, v1;
	v8 =	vperm.xlane v3, v44  }
0x275: {  	v0 =	vmul.f32 v0, v25;
	[tilespmem:$0x1FC80] =	vst v62;
	v62 =	vadd.f32 v39, v52;
	v26 =	vperm.xlane v4, v55  }
0x276: {  	v13 =	vmul.f32 $1.562500000e-02, v13;
	v2 =	vmul.f32 v1, v2;
	v3 =	vadd.f32 v3, v8  }
0x277: {  	v11 =	vmul.f32 v20, v20;
	v4 =	vadd.f32 v26, v4;
	v35 =	vadd.f32 v15, v14  }
0x278: {  	v41 =	vld [tilespmem:$0x1FFF0];
	[tilespmem:$0x1FC50] =	vst v24;
	v12 =	vsub.f32 v12, v20;
	v2 =	vmul.f32 v2, v1;
	v24 =	vperm.xlane v3, v55  }
0x279: {  	v13 =	vsub.f32 v13, v11;
	v26 =	vld [tilespmem:$0x1FFD0];
	v32 =	vperm.xlane v4, v57;
	v58 =	vadd.f32 v37, v35  }
0x27a: {  	v38 =	vmul.f32 v14, v14;
	v2 =	vsub.f32 $1.500000000e+00, v2;
	v3 =	vadd.f32 v24, v3;
	v24 =	vld [tilespmem:s28+$0x86D0]  }
0x27b: {  	v28 =	vadd.f32 $9.999999740e-06, v13;
	v34 =	vadd.f32 v32, v4;
	v4 =	vld [tilespmem:s28+$0x86F0];
	v63 =	vperm.xlane v58, v44  }
0x27c: {  	[tilespmem:$0x1FC60] =	vst v30;
	v40 =	vld [tilespmem:$0x1FFF0];
	v61 =	vadd.f32 v51, v38;
	v1 =	vmul.f32 v2, v1;
	v30 =	vperm.xlane v3, v57  }
0x27d: {  	[tilespmem:$0x1FC90] =	vst v19;
	v31 =	vshra.s32 v28, $0x1;
	v19 =	vmul.f32 $5.000000000e-01, v28;
	v53 =	vperm.xlane v34, v41  }
0x27e: {  	v37 =	vld [tilespmem:$0x1FFE0];
	v43 =	vadd.f32 v58, v63;
	v2 =	vmul.f32 v1, v27;
	v3 =	vadd.f32 v30, v3  }
0x27f: {  	v27 =	vld [tilespmem:s28+$0x86C0];
	v60 =	vmul.f32 v1, v23;
	v18 =	vadd.f32 v53, v34;
	v9 =	vmul.f32 v24, v24  }
0x280: {  	v23 =	vadd.f32 v62, v61;
	v30 =	vld [tilespmem:$0x1FFD0];
	v11 =	vmul.f32 v4, v4;
	v28 =	vperm.xlane v43, v26  }
0x281: {  	v21 =	vsub.f32 v21, v20;
	[tilespmem:$0x1FCB0] =	vst v2;
	v2 =	vmul.f32 v1, v29;
	v56 =	vperm.xlane v3, v40;
	v29 =	vld [tilespmem:s28+$0x86E0]  }
0x282: {  	v6 =	vsub.f32 v6, v20;
	v18 =	vmul.f32 $1.562500000e-02, v18;
	v46 =	vperm.xlane v23, v44  }
0x283: {  	v52 =	vadd.f32 v28, v43;
	[tilespmem:$0x1FCC0] =	vst v2;
	v2 =	vsub.s32 $0x5F3759DF, v31;
	v3 =	vadd.f32 v56, v3  }
0x284: {  	v23 =	vadd.f32 v23, v46;
	v33 =	vmul.f32 v2, v19;
	v8 =	vmul.f32 v27, v27  }
0x285: {  	v41 =	vld [tilespmem:$0x1FFE0];
	v5 =	vadd.f32 v24, v27;
	v38 =	vperm.xlane v52, v37;
	v3 =	vmul.f32 $1.562500000e-02, v3  }
0x286: {  	v31 =	vperm.xlane v23, v30;
	v13 =	vmul.f32 v2, v33;
	v7 =	vadd.f32 v4, v29  }
0x287: {  	v10 =	vmul.f32 v29, v29;
	v55 =	vadd.f32 v9, v8;
	v33 =	vmul.f32 v1, v17;
	v8 =	vld [tilespmem:$0x1FFF0]  }
0x288: {  	v17 =	vld [tilespmem:s28+$0x8710];
	v25 =	vmul.f32 v3, v3;
	v34 =	vadd.f32 v31, v23;
	v13 =	vsub.f32 $1.500000000e+00, v13  }
0x289: {  	v63 =	vld [tilespmem:$0x1FFD0];
	v51 =	vadd.f32 v7, v5;
	v46 =	vadd.f32 v11, v10  }
0x28a: {  	v52 =	vadd.f32 v38, v52;
	v10 =	vld [tilespmem:$0x1FFF0];
	v18 =	vsub.f32 v18, v25;
	v42 =	vperm.xlane v34, v41  }
0x28b: {  	v32 =	vperm.xlane v51, v44;
	v35 =	vadd.f32 v46, v55;
	v2 =	vmul.f32 v2, v13  }
0x28c: {  	v13 =	vld [tilespmem:s28+$0x8700];
	v40 =	vadd.f32 $9.999999740e-06, v18;
	v1 =	vadd.f32 v42, v34;
	v9 =	vperm.xlane v52, v8  }
0x28d: {  	v25 =	vld [tilespmem:$0x1FFD0];
	v61 =	vmul.f32 v17, v17;
	v39 =	vadd.f32 v51, v32;
	v55 =	vperm.xlane v35, v44  }
0x28e: {  	v18 =	vld [tilespmem:s28+$0x8720];
	v43 =	vmul.f32 v2, v19;
	v7 =	vshra.s32 v40, $0x1;
	v51 =	vmul.f32 $5.000000000e-01, v40  }
0x28f: {  	v19 =	vld [tilespmem:s28+$0x8730];
	v11 =	vperm.xlane v1, v10;
	v52 =	vadd.f32 v9, v52;
	v5 =	vperm.xlane v39, v63  }
0x290: {  	v23 =	vadd.f32 v35, v55;
	v57 =	vsub.s32 $0x5F3759DF, v7;
	v56 =	vmul.f32 v43, v2  }
0x291: {  	v28 =	vld [tilespmem:$0x1FFE0];
	v26 =	vmul.f32 v57, v51;
	v1 =	vadd.f32 v11, v1;
	v30 =	vadd.f32 v17, v13  }
0x292: {  	v32 =	vmul.f32 v13, v13;
	v52 =	vmul.f32 $1.562500000e-02, v52;
	v46 =	vadd.f32 v5, v39  }
0x293: {  	[tilespmem:$0x1FCE0] =	vst v33;
	v33 =	vld [tilespmem:$0x1FFE0];
	v59 =	vperm.xlane v23, v25;
	v56 =	vsub.f32 $1.500000000e+00, v56;
	v62 =	vmul.f32 v18, v18  }
0x294: {  	v39 =	vsub.f32 v45, v20;
	v55 =	vmul.f32 v57, v26;
	v31 =	vadd.f32 v19, v18  }
0x295: {  	v63 =	vmul.f32 v19, v19;
	v35 =	vadd.f32 v61, v32;
	v1 =	vmul.f32 $1.562500000e-02, v1  }
0x296: {  	[tilespmem:$0x1FCD0] =	vst v60;
	v25 =	vld [tilespmem:s28+$0x8770];
	v53 =	vmul.f32 v52, v52;
	v60 =	vperm.xlane v46, v28;
	v23 =	vadd.f32 v59, v23  }
0x297: {  	v61 =	vld [tilespmem:s28+$0x8750];
	v2 =	vmul.f32 v56, v2;
	v59 =	vsub.f32 v49, v3;
	v58 =	vadd.f32 v31, v30  }
0x298: {  	v9 =	vld [tilespmem:$0x1FFD0];
	v55 =	vsub.f32 $1.500000000e+00, v55;
	v37 =	vadd.f32 v63, v62;
	v34 =	vperm.xlane v23, v33  }
0x299: {  	v63 =	vld [tilespmem:$0x1FFF0];
	v1 =	vsub.f32 v1, v53;
	v43 =	vmul.f32 v2, v12;
	v45 =	vmul.f32 v2, v21  }
0x29a: {  	v7 =	vld [tilespmem:$0x1FFF0];
	v46 =	vadd.f32 v60, v46;
	v55 =	vmul.f32 v57, v55;
	v38 =	vperm.xlane v58, v44  }
0x29b: {  	v56 =	vadd.f32 v37, v35;
	v1 =	vadd.f32 $9.999999740e-06, v1;
	v41 =	vmul.f32 v25, v25  }
0x29c: {  	v23 =	vadd.f32 v34, v23;
	v40 =	vmul.f32 v61, v61;
	v57 =	vadd.f32 v58, v38  }
0x29d: {  	v26 =	vld [tilespmem:$0x1FFD0];
	v60 =	vperm.xlane v56, v44;
	v58 =	vsub.f32 v48, v3;
	v34 =	vmul.f32 v55, v51  }
0x29e: {  	v62 =	vld [tilespmem:s28+$0x8760];
	v35 =	vshra.s32 v1, $0x1;
	v1 =	vmul.f32 $5.000000000e-01, v1;
	v5 =	vperm.xlane v46, v63  }
0x29f: {  	v8 =	vperm.xlane v23, v7;
	v49 =	vsub.s32 $0x5F3759DF, v35;
	v10 =	vperm.xlane v57, v9  }
0x2a0: {  	v30 =	vld [tilespmem:$0x1FFE0];
	v56 =	vadd.f32 v56, v60;
	v48 =	vmul.f32 v34, v55;
	v46 =	vadd.f32 v5, v46  }
0x2a1: {  	v42 =	vmul.f32 v49, v1;
	v23 =	vadd.f32 v8, v23;
	v11 =	vadd.f32 v10, v57  }
0x2a2: {  	v60 =	vld [tilespmem:s28+$0x8740];
	v57 =	vsub.f32 v47, v3;
	v28 =	vperm.xlane v56, v26;
	v47 =	vmul.f32 v2, v6  }
0x2a3: {  	v38 =	vadd.f32 v25, v62;
	v51 =	vmul.f32 v49, v42;
	v20 =	vmul.f32 $1.562500000e-02, v46  }
0x2a4: {  	v48 =	vsub.f32 $1.500000000e+00, v48;
	v46 =	vmul.f32 v2, v39;
	v23 =	vmul.f32 $1.562500000e-02, v23  }
0x2a5: {  	v6 =	vld [tilespmem:$0x1FFE0];
	v31 =	vperm.xlane v11, v30;
	v33 =	vadd.f32 v28, v56;
	v28 =	vmul.f32 v62, v62  }
0x2a6: {  	v9 =	vld [tilespmem:$0x1FFF0];
	v3 =	vsub.f32 v50, v3;
	v55 =	vmul.f32 v48, v55;
	v12 =	vmul.f32 v20, v20  }
0x2a7: {  	v37 =	vadd.f32 v61, v60;
	v39 =	vmul.f32 v60, v60;
	v21 =	vadd.f32 v31, v11  }
0x2a8: {  	v5 =	vadd.f32 v41, v28;
	v11 =	vsub.f32 $1.500000000e+00, v51;
	v42 =	vmul.f32 v55, v58  }
0x2a9: {  	v48 =	vld [tilespmem:s28+$0x8780];
	v58 =	vmul.f32 v55, v59;
	v41 =	vmul.f32 v55, v3;
	v32 =	vsub.f32 v23, v12  }
0x2aa: {  	v50 =	vadd.f32 v38, v37;
	v56 =	vadd.f32 v40, v39;
	v7 =	vperm.xlane v33, v6;
	v12 =	vld [tilespmem:$0x1FFF0]  }
0x2ab: {  	v10 =	vperm.xlane v21, v9;
	v63 =	vmul.f32 v49, v11;
	v2 =	vadd.f32 $9.999999740e-06, v32;
	v32 =	vld [tilespmem:$0x1FFD0]  }
0x2ac: {  	v49 =	vld [tilespmem:s28+$0x8790];
	v8 =	vperm.xlane v50, v44;
	v23 =	vadd.f32 v7, v33;
	v5 =	vadd.f32 v5, v56  }
0x2ad: {  	v56 =	vmul.f32 v55, v57;
	v21 =	vadd.f32 v10, v21;
	v1 =	vmul.f32 v63, v1  }
0x2ae: {  	v38 =	vld [tilespmem:$0x1FFD0];
	v50 =	vadd.f32 v50, v8;
	v31 =	vperm.xlane v5, v44;
	v57 =	vmul.f32 $5.000000000e-01, v2  }
0x2af: {  	v2 =	vshra.s32 v2, $0x1;
	v26 =	vperm.xlane v23, v12;
	v28 =	vmul.f32 $1.562500000e-02, v21;
	v12 =	vld [tilespmem:$0x1FFE0]  }
0x2b0: {  	v37 =	vsub.s32 $0x5F3759DF, v2;
	v1 =	vmul.f32 v1, v63;
	v33 =	vperm.xlane v50, v32  }
0x2b1: {  	v5 =	vadd.f32 v5, v31;
	v39 =	vmul.f32 v37, v57;
	v11 =	vadd.f32 v49, v48  }
0x2b2: {  	v31 =	vld [tilespmem:s28+$0x87B0];
	v9 =	vmul.f32 v49, v49;
	v23 =	vadd.f32 v26, v23;
	v34 =	vadd.f32 v33, v50  }
0x2b3: {  	v26 =	vmul.f32 v48, v48;
	v1 =	vsub.f32 $1.500000000e+00, v1;
	v7 =	vperm.xlane v5, v38;
	v50 =	vld [tilespmem:s28+$0x87A0]  }
0x2b4: {  	v30 =	vmul.f32 v37, v39;
	v38 =	vsub.f32 v15, v52;
	v8 =	vperm.xlane v34, v12  }
0x2b5: {  	v55 =	vld [tilespmem:$0x1FFF0];
	v35 =	vmul.f32 v28, v28;
	v7 =	vadd.f32 v7, v5;
	v5 =	vadd.f32 v9, v26  }
0x2b6: {  	v23 =	vmul.f32 $1.562500000e-02, v23;
	v9 =	vsub.f32 $1.500000000e+00, v30;
	v21 =	vadd.f32 v8, v34;
	v34 =	vld [tilespmem:$0x1FFE0]  }
0x2b7: {  	v1 =	vmul.f32 v1, v63;
	v63 =	vsub.f32 v22, v52;
	v33 =	vmul.f32 v31, v31  }
0x2b8: {  	v6 =	vmul.f32 v37, v9;
	v37 =	vsub.f32 v14, v52;
	v32 =	vmul.f32 v50, v50  }
0x2b9: {  	v23 =	vsub.f32 v23, v35;
	v35 =	vadd.f32 v31, v50  }
0x2ba: {  	v26 =	vld [tilespmem:$0x1FFF0];
	v39 =	vmul.f32 v1, v38;
	v40 =	vmul.f32 v1, v37;
	v51 =	vadd.f32 v33, v32  }
0x2bb: {  	[tilespmem:$0x1FCA0] =	vst v0;
	v59 =	vperm.xlane v21, v55;
	v0 =	vadd.f32 v35, v11;
	v10 =	vperm.xlane v7, v34  }
0x2bc: {  	v55 =	vld [tilespmem:$0x1FFD0];
	v33 =	vadd.f32 $9.999999740e-06, v23;
	v35 =	vmul.f32 v6, v57;
	v5 =	vadd.f32 v51, v5  }
0x2bd: {  	v12 =	vld [tilespmem:$0x1FFD0];
	v14 =	vadd.f32 v59, v21;
	v32 =	vperm.xlane v0, v44;
	v7 =	vadd.f32 v10, v7  }
0x2be: {  	v51 =	vmul.f32 $5.000000000e-01, v33;
	v21 =	vshra.s32 v33, $0x1;
	v34 =	vperm.xlane v5, v44  }
0x2bf: {  	v59 =	vsub.s32 $0x5F3759DF, v21;
	v0 =	vadd.f32 v0, v32;
	v30 =	vperm.xlane v7, v26  }
0x2c0: {  	v53 =	vld [tilespmem:$0x1FFF0];
	v11 =	vsub.f32 v16, v52;
	v22 =	vmul.f32 v59, v51;
	v5 =	vadd.f32 v5, v34  }
0x2c1: {  	v9 =	vmul.f32 v35, v6;
	v57 =	vperm.xlane v0, v55;
	v7 =	vadd.f32 v30, v7;
	v30 =	vld [tilespmem:$0x1FFE0]  }
0x2c2: {  	v52 =	vld [tilespmem:s28+$0x87C0];
	v21 =	vsub.f32 v27, v20;
	v26 =	vmul.f32 v59, v22;
	v16 =	vperm.xlane v5, v12  }
0x2c3: {  	v33 =	vld [tilespmem:$0x1FFE0];
	v8 =	vmul.f32 $1.562500000e-02, v14;
	v9 =	vsub.f32 $1.500000000e+00, v9;
	v0 =	vadd.f32 v57, v0  }
0x2c4: {  	v38 =	vmul.f32 v1, v11;
	v27 =	vld [tilespmem:s28+$0x87E0];
	v5 =	vadd.f32 v16, v5;
	v16 =	vsub.f32 $1.500000000e+00, v26  }
0x2c5: {  	v23 =	vmul.f32 v8, v8;
	v6 =	vmul.f32 v9, v6;
	v26 =	vld [tilespmem:s28+$0x87F0]  }
0x2c6: {  	v10 =	vmul.f32 v59, v16;
	v32 =	vperm.xlane v0, v30;
	v30 =	vld [tilespmem:s28+$0x87D0]  }
0x2c7: {  	v4 =	vsub.f32 v4, v20;
	v37 =	vmul.f32 v6, v21;
	v7 =	vmul.f32 $1.562500000e-02, v7  }
0x2c8: {  	v22 =	vsub.f32 v24, v20;
	v34 =	vperm.xlane v5, v33;
	v57 =	vmul.f32 v10, v51  }
0x2c9: {  	v21 =	vmul.f32 v27, v27;
	v7 =	vsub.f32 v7, v23;
	v35 =	vadd.f32 v32, v0  }
0x2ca: {  	v23 =	vsub.f32 v29, v20;
	v5 =	vadd.f32 v34, v5;
	v15 =	vmul.f32 v57, v10  }
0x2cb: {  	v59 =	vld [tilespmem:$0x1FFF0];
	v55 =	vperm.xlane v35, v53;
	v53 =	vadd.f32 v26, v27;
	v29 =	vadd.f32 v30, v52  }
0x2cc: {  	v7 =	vadd.f32 $9.999999740e-06, v7;
	v34 =	vmul.f32 v6, v22;
	v15 =	vsub.f32 $1.500000000e+00, v15  }
0x2cd: {  	v22 =	vmul.f32 v26, v26;
	v2 =	vadd.f32 v55, v35;
	v0 =	vadd.f32 v53, v29;
	v53 =	vld [tilespmem:$0x1FCF0]  }
0x2ce: {  	v16 =	vmul.f32 v52, v52;
	v11 =	vmul.f32 $5.000000000e-01, v7;
	v7 =	vshra.s32 v7, $0x1  }
0x2cf: {  	v14 =	vadd.f32 v22, v21;
	v22 =	vmul.f32 $1.562500000e-02, v2;
	v2 =	vmul.f32 v15, v10;
	v15 =	vld [tilespmem:$0x1FD00]  }
0x2d0: {  	v12 =	vperm.xlane v5, v59;
	v7 =	vsub.s32 $0x5F3759DF, v7;
	v20 =	vmul.f32 v30, v30  }
0x2d1: {  	v35 =	vmul.f32 v6, v23;
	v23 =	vmul.f32 v7, v11  }
0x2d2: {  	v33 =	vmul.f32 v6, v4;
	v24 =	vmul.f32 v54, v53  }
0x2d3: {  	v5 =	vadd.f32 v12, v5;
	v12 =	vadd.f32 v20, v16;
	v16 =	vmul.f32 v7, v23  }
0x2d4: {  	v10 =	vsub.f32 v17, v28;
	v23 =	vperm.xlane v0, v44;
	v17 =	vadd.f32 v24, v15;
	v24 =	vld [tilespmem:$0x1FB40]  }
0x2d5: {  	v57 =	vld [tilespmem:$0x1FB20];
	v5 =	vmul.f32 $1.562500000e-02, v5;
	v6 =	vadd.f32 v14, v12;
	v21 =	vmul.f32 v22, v22  }
0x2d6: {  	v3 =	vadd.f32 v0, v23;
	v23 =	vld [tilespmem:$0x1FD50]  }
0x2d7: {  	v32 =	vperm.xlane v6, v44;
	v14 =	vsub.f32 v5, v21;
	v5 =	vld [tilespmem:$0x1FB30]  }
0x2d8: {  	v20 =	vld [tilespmem:$0x1FD30]  }
0x2d9: {  	v6 =	vadd.f32 v6, v32;
	v32 =	vmul.f32 v24, v53;
	v24 =	vld [tilespmem:$0x1FD60]  }
0x2da: {  	v4 =	vld [tilespmem:$0x1FB60]  }
0x2db: {  	v21 =	vld [tilespmem:$0x1FD40]  }
0x2dc: {  	v51 =	vld [tilespmem:$0x1FB10];
	v29 =	vsub.f32 v13, v28;
	v13 =	vmul.f32 v5, v23  }
0x2dd: {  	v54 =	vld [tilespmem:$0x1FD10]  }
0x2de: {  	v12 =	vsub.f32 v18, v28;
	v59 =	vmul.f32 v57, v20;
	v18 =	vadd.f32 v13, v24;
	v13 =	vld [tilespmem:$0x1FB70]  }
0x2df: {  	v9 =	vsub.f32 $1.500000000e+00, v16;
	v16 =	vld [tilespmem:$0x1FD20]  }
0x2e0: {  	v28 =	vsub.f32 v19, v28;
	v19 =	vadd.f32 v59, v21;
	v59 =	vld [tilespmem:$0x1FB50]  }
0x2e1: {  	v5 =	vmul.f32 v4, v20  }
0x2e2: {  	v55 =	vmul.f32 v51, v54  }
0x2e3: {  	v57 =	vadd.f32 v5, v21;
	v5 =	vld [tilespmem:$0x1FB90];
	v51 =	vadd.f32 v32, v15;
	v32 =	vmul.f32 v13, v23  }
0x2e4: {  	v7 =	vmul.f32 v7, v9  }
0x2e5: {  	v9 =	vadd.f32 v55, v16;
	v55 =	vmul.f32 v59, v54;
	v59 =	vadd.f32 v32, v24;
	v32 =	vld [tilespmem:$0x1FBC0]  }
0x2e6: {  	v4 =	vld [tilespmem:$0x1FB80]  }
0x2e7: {  	[tilespmem:s28+$0xC410] =	vst v9;
	v9 =	vld [tilespmem:$0x1FBD0]  }
0x2e8: {  	v63 =	vmul.f32 v1, v63;
	v1 =	vmul.f32 v5, v54;
	v13 =	vld [tilespmem:$0x1FBA0];
	_ =	sdelay $0x1  }
0x2e9: {  	v5 =	vadd.f32 v1, v16;
	v1 =	vmul.f32 v32, v53;
	v32 =	vld [tilespmem:$0x1FBE0]  }
0x2ea: {  	v0 =	vmul.f32 v4, v53;
	v55 =	vadd.f32 v55, v16  }
0x2eb: {  	v9 =	vmul.f32 v9, v54  }
0x2ec: {  	v11 =	vmul.f32 v7, v11;
	v4 =	vadd.f32 v0, v15;
	[tilespmem:s28+$0xC450] =	vst v55;
	v55 =	vld [tilespmem:$0x1FFD0];
	v0 =	vmul.f32 v13, v20  }
0x2ed: {  	[tilespmem:s28+$0xC440] =	vst v51;
	v51 =	vadd.f32 v9, v16;
	v9 =	vmul.f32 v2, v10  }
0x2ee: {  	v10 =	vmul.f32 v11, v7;
	v13 =	vadd.f32 v0, v21;
	v0 =	vmul.f32 v32, v20;
	v32 =	vld [tilespmem:$0x1FBF0]  }
0x2ef: {  	[tilespmem:s28+$0xC400] =	vst v17;
	v17 =	vld [tilespmem:$0x1FBB0]  }
0x2f0: {  	[tilespmem:s28+$0xC460] =	vst v57;
	v57 =	vld [tilespmem:$0x1FFE0];
	v10 =	vsub.f32 $1.500000000e+00, v10  }
0x2f1: {  	[tilespmem:s28+$0xC420] =	vst v19;
	v11 =	vadd.f32 v0, v21;
	v0 =	vmul.f32 v2, v12;
	v12 =	vperm.xlane v3, v55  }
0x2f2: {  	[tilespmem:s28+$0xC470] =	vst v59;
	v59 =	vadd.f32 $9.999999740e-06, v14;
	v14 =	vsub.f32 v25, v8;
	v25 =	vld [tilespmem:$0x1FC10]  }
0x2f3: {  	[tilespmem:s28+$0xC430] =	vst v18;
	v3 =	vadd.f32 v12, v3;
	v19 =	vmul.f32 v32, v23;
	v32 =	vld [tilespmem:$0x1FC00]  }
0x2f4: {  	v17 =	vmul.f32 v17, v23;
	[tilespmem:s28+$0xC480] =	vst v4;
	v4 =	vmul.f32 v10, v7  }
0x2f5: {  	[tilespmem:s28+$0xC4D0] =	vst v51;
	v51 =	vld [tilespmem:$0x1FC30];
	v7 =	vsub.f32 v60, v8;
	v1 =	vadd.f32 v1, v15;
	v60 =	vperm.xlane v3, v57  }
0x2f6: {  	[tilespmem:s28+$0xC490] =	vst v5;
	v5 =	vsub.f32 v61, v8;
	v9 =	vmul.f32 v9, v54;
	v61 =	vshra.s32 v59, $0x1  }
0x2f7: {  	v10 =	vmul.f32 $5.000000000e-01, v59;
	[tilespmem:s28+$0xC4C0] =	vst v1;
	v1 =	vmul.f32 v25, v54;
	v3 =	vadd.f32 v60, v3;
	v60 =	vld [tilespmem:$0x1FC40]  }
0x2f8: {  	[tilespmem:s28+$0xC4A0] =	vst v13;
	v13 =	vsub.f32 v62, v8;
	v18 =	vmul.f32 v32, v53;
	v32 =	vmul.f32 v2, v29  }
0x2f9: {  	v1 =	vadd.f32 v1, v16;
	v29 =	vmul.f32 v2, v28;
	v28 =	vperm.xlane v6, v55  }
0x2fa: {  	v8 =	vmul.f32 v51, v23;
	v2 =	vadd.f32 v19, v24;
	v19 =	vsub.s32 $0x5F3759DF, v61;
	v61 =	vld [tilespmem:$0x1FC50]  }
0x2fb: {  	[tilespmem:s28+$0xC510] =	vst v1;
	v1 =	vmul.f32 v4, v5;
	v59 =	vmul.f32 v19, v10;
	v6 =	vadd.f32 v28, v6;
	v28 =	vld [tilespmem:$0x1FC20]  }
0x2fc: {  	v17 =	vadd.f32 v17, v24;
	v51 =	vld [tilespmem:$0x1FC60];
	[tilespmem:s28+$0xC4E0] =	vst v11;
	v0 =	vmul.f32 v0, v20;
	v11 =	vmul.f32 v60, v53  }
0x2fd: {  	v9 =	vadd.f32 v9, v16;
	v12 =	vmul.f32 v19, v59;
	v60 =	vmul.f32 v36, v23;
	v36 =	vld [tilespmem:$0x1FFF0]  }
0x2fe: {  	v1 =	vmul.f32 v1, v54;
	v59 =	vadd.f32 v8, v24;
	v62 =	vperm.xlane v6, v57  }
0x2ff: {  	[tilespmem:s28+$0xC4B0] =	vst v17;
	v0 =	vadd.f32 v0, v21;
	v25 =	vmul.f32 v61, v54;
	v61 =	vsub.f32 $1.500000000e+00, v12  }
0x300: {  	v18 =	vadd.f32 v18, v15;
	[tilespmem:s28+$0xC530] =	vst v59;
	v59 =	vld [tilespmem:$0x1FC70];
	v6 =	vadd.f32 v62, v6;
	v17 =	vmul.f32 v28, v20  }
0x301: {  	[tilespmem:s28+$0xC710] =	vst v9;
	v12 =	vmul.f32 v4, v14;
	v14 =	vadd.f32 v25, v16;
	v5 =	vmul.f32 v19, v61;
	v61 =	vld [tilespmem:$0x1FC80]  }
0x302: {  	[tilespmem:s28+$0xC500] =	vst v18;
	v18 =	vperm.xlane v6, v36;
	v62 =	vadd.f32 v17, v21;
	v17 =	vmul.f32 v51, v20  }
0x303: {  	v1 =	vadd.f32 v1, v16;
	v51 =	vmul.f32 v4, v13;
	v13 =	vperm.xlane v3, v36;
	[tilespmem:s28+$0xC550] =	vst v14;
	v14 =	vld [tilespmem:$0x1FC90]  }
0x304: {  	[tilespmem:s28+$0xC720] =	vst v0;
	v6 =	vadd.f32 v18, v6;
	v18 =	vld [tilespmem:$0x1FCA0]  }
0x305: {  	v7 =	vmul.f32 v4, v7;
	[tilespmem:s28+$0xC750] =	vst v1;
	v10 =	vmul.f32 v5, v10;
	v19 =	vadd.f32 v13, v3  }
0x306: {  	v4 =	vmul.f32 v59, v53;
	[tilespmem:s28+$0xC520] =	vst v62;
	v62 =	vadd.f32 v11, v15;
	v11 =	vmul.f32 v61, v54;
	v61 =	vld [tilespmem:$0x1FCC0]  }
0x307: {  	[tilespmem:s28+$0xC4F0] =	vst v2;
	v60 =	vadd.f32 v60, v24;
	v2 =	vmul.f32 $1.562500000e-02, v19;
	v19 =	vld [tilespmem:$0x1FCB0]  }
0x308: {  	v25 =	vadd.f32 v17, v21;
	v10 =	vmul.f32 v10, v5;
	[tilespmem:s28+$0xC540] =	vst v62;
	v62 =	vadd.f32 v4, v15  }
0x309: {  	[tilespmem:s28+$0xC570] =	vst v60;
	v4 =	vmul.f32 v14, v20;
	v17 =	vadd.f32 v11, v16;
	v11 =	vmul.f32 v18, v23  }
0x30a: {  	v28 =	vmul.f32 $1.562500000e-02, v6;
	[tilespmem:s28+$0xC580] =	vst v62;
	v59 =	vmul.f32 v2, v2;
	v62 =	vld [tilespmem:$0x1FCD0]  }
0x30b: {  	[tilespmem:s28+$0xC560] =	vst v25;
	v25 =	vadd.f32 v4, v21;
	v60 =	vadd.f32 v11, v24;
	v11 =	vmul.f32 v61, v54  }
0x30c: {  	v43 =	vmul.f32 v43, v53;
	v10 =	vsub.f32 $1.500000000e+00, v10;
	[tilespmem:s28+$0xC590] =	vst v17;
	v14 =	vmul.f32 v19, v53  }
0x30d: {  	v7 =	vmul.f32 v7, v53;
	v3 =	vsub.f32 v28, v59;
	[tilespmem:s28+$0xC5A0] =	vst v25;
	v28 =	vadd.f32 v11, v16  }
0x30e: {  	v61 =	vmul.f32 v46, v20;
	v25 =	vld [tilespmem:$0x1FCE0];
	[tilespmem:s28+$0xC5B0] =	vst v60;
	v60 =	vmul.f32 v45, v54;
	v19 =	vadd.f32 v14, v15  }
0x30f: {  	v3 =	vadd.f32 $9.999999740e-06, v3;
	v13 =	vmul.f32 v62, v20;
	v62 =	vadd.f32 v43, v15;
	[tilespmem:s28+$0xC5D0] =	vst v28  }
0x310: {  	v43 =	vadd.f32 v61, v21;
	v28 =	vmul.f32 v56, v53;
	v56 =	vmul.f32 v58, v20;
	[tilespmem:s28+$0xC5C0] =	vst v19  }
0x311: {  	v61 =	vshra.s32 v3, $0x1;
	v3 =	vmul.f32 $5.000000000e-01, v3;
	v11 =	vadd.f32 v13, v21;
	[tilespmem:s28+$0xC600] =	vst v62  }
0x312: {  	[tilespmem:s28+$0xC620] =	vst v43;
	v43 =	vsub.f32 v48, v22;
	v48 =	vmul.f32 v63, v23;
	v46 =	vadd.f32 v28, v15  }
0x313: {  	v6 =	vmul.f32 v25, v23;
	v25 =	vmul.f32 v47, v23;
	v62 =	vadd.f32 v56, v21;
	[tilespmem:s28+$0xC5E0] =	vst v11  }
0x314: {  	v47 =	vmul.f32 v42, v54;
	v42 =	vmul.f32 v38, v20;
	v38 =	vadd.f32 v7, v15;
	[tilespmem:s28+$0xC640] =	vst v46  }
0x315: {  	v11 =	vsub.s32 $0x5F3759DF, v61;
	v56 =	vadd.f32 v48, v24;
	v59 =	vadd.f32 v6, v24;
	[tilespmem:s28+$0xC660] =	vst v62  }
0x316: {  	v6 =	vadd.f32 v60, v16;
	v60 =	vmul.f32 v40, v53;
	v40 =	vmul.f32 v11, v3;
	[tilespmem:s28+$0xC740] =	vst v38  }
0x317: {  	v5 =	vmul.f32 v10, v5;
	v61 =	vmul.f32 v33, v23;
	v45 =	vadd.f32 v25, v24;
	[tilespmem:s28+$0xC6B0] =	vst v56  }
0x318: {  	v58 =	vadd.f32 v47, v16;
	v46 =	vsub.f32 v50, v22;
	[tilespmem:s28+$0xC5F0] =	vst v59;
	v10 =	vmul.f32 v11, v40  }
0x319: {  	v47 =	vsub.f32 v31, v22;
	v50 =	vmul.f32 v37, v53;
	v31 =	vmul.f32 v29, v23;
	[tilespmem:s28+$0xC610] =	vst v6  }
0x31a: {  	v59 =	vmul.f32 v41, v23;
	[tilespmem:s28+$0xC630] =	vst v45;
	v28 =	vadd.f32 v60, v15;
	v10 =	vsub.f32 $1.500000000e+00, v10  }
0x31b: {  	[tilespmem:s28+$0xC650] =	vst v58;
	v41 =	vmul.f32 v39, v54;
	v45 =	vsub.f32 v49, v22;
	v49 =	vadd.f32 v42, v21  }
0x31c: {  	v58 =	vmul.f32 v34, v54;
	v60 =	vadd.f32 v50, v15;
	[tilespmem:s28+$0xC680] =	vst v28;
	v10 =	vmul.f32 v11, v10  }
0x31d: {  	v22 =	vmul.f32 v32, v53;
	v32 =	vmul.f32 v5, v43;
	v34 =	vadd.f32 v31, v24;
	[tilespmem:s28+$0xC6A0] =	vst v49  }
0x31e: {  	v33 =	vmul.f32 v5, v46;
	v25 =	vadd.f32 v59, v24;
	[tilespmem:s28+$0xC6C0] =	vst v60;
	v3 =	vmul.f32 v10, v3  }
0x31f: {  	v40 =	vmul.f32 v12, v23;
	v43 =	vsub.f32 v30, v2;
	v6 =	vadd.f32 v41, v16;
	[tilespmem:s28+$0xC730] =	vst v34  }
0x320: {  	v46 =	vsub.f32 v26, v2;
	v62 =	vadd.f32 v58, v16;
	[tilespmem:s28+$0xC670] =	vst v25;
	v3 =	vmul.f32 v3, v10  }
0x321: {  	v59 =	vmul.f32 v35, v20;
	v28 =	vadd.f32 v22, v15;
	v4 =	vmul.f32 v5, v45;
	[tilespmem:s28+$0xC690] =	vst v6  }
0x322: {  	v5 =	vmul.f32 v5, v47;
	v47 =	vadd.f32 v40, v24;
	[tilespmem:s28+$0xC6D0] =	vst v62;
	v3 =	vsub.f32 $1.500000000e+00, v3  }
0x323: {  	v35 =	vmul.f32 v51, v20;
	v41 =	vsub.f32 v52, v2;
	v63 =	vadd.f32 v59, v21;
	[tilespmem:s28+$0xC700] =	vst v28  }
0x324: {  	v25 =	vadd.f32 v61, v24;
	v4 =	vmul.f32 v4, v54;
	[tilespmem:s28+$0xC770] =	vst v47;
	v37 =	vmul.f32 v3, v10  }
0x325: {  	v45 =	vsub.f32 v27, v2;
	v39 =	vadd.f32 v35, v21;
	v6 =	vmul.f32 v33, v20;
	[tilespmem:s28+$0xC6E0] =	vst v63  }
0x326: {  	v50 =	vmul.f32 v5, v23;
	[tilespmem:s28+$0xC6F0] =	vst v25;
	v49 =	vadd.f32 v4, v16;
	v48 =	vmul.f32 v37, v41  }
0x327: {  	v42 =	vmul.f32 v32, v53;
	[tilespmem:s28+$0xC760] =	vst v39;
	v52 =	vadd.f32 v6, v21;
	v51 =	vmul.f32 v37, v43  }
0x328: {  	v58 =	vadd.f32 v50, v24;
	[tilespmem:s28+$0xC790] =	vst v49;
	v56 =	vmul.f32 v37, v45;
	v53 =	vmul.f32 v48, v53  }
0x329: {  	[tilespmem:s28+$0xC7A0] =	vst v52;
	v3 =	vadd.f32 v42, v15;
	v0 =	vmul.f32 v37, v46;
	v59 =	vmul.f32 v51, v54  }
0x32a: {  	p0 =	sne.s32 s26, $0x7000;
	[tilespmem:s28+$0xC7B0] =	vst v58;
	v61 =	vmul.f32 v56, v20;
	v60 =	vadd.f32 v53, v15  }
.Ltmp4:
0x32b: {  	[tilespmem:s28+$0xC780] =	vst v3;
	v0 =	vmul.f32 v0, v23;
	v62 =	vadd.f32 v59, v16;
	(pc) =	sbr.rel @p0 .LBB2_9-.Ltmp4, $4  }
0x32c: {  	v63 =	vadd.f32 v61, v21;
	[tilespmem:s28+$0xC7C0] =	vst v60  }
0x32d: {  	v0 =	vadd.f32 v0, v24;
	[tilespmem:s28+$0xC7D0] =	vst v62  }
0x32e: {  	[tilespmem:s28+$0xC7E0] =	vst v63  }
0x32f: {  	s26 =	sadd.s32 $0x1000, s26;
	[tilespmem:s28+$0xC7F0] =	vst v0  }
0x330: {  	s24 =	sadd.s32 $0x1, s24  }
0x331: {  	p0 =	sne.s32 s24, $0x64  }
.Ltmp5:
0x332: {  	s25 =	sadd.s32 s3, s25;
	(pc) =	sbr.rel @p0 .LBB2_2-.Ltmp5, $4  }
0x333: {  	s25 =	sshll.u32 s25, $0x3  }
0x334: {  	s25 =	sand.u32 $0x1FFFFC00, s25  }
0x335: {  	s25 =	sadd.s32 s4, s25  }
0x336: {  	v0 =	vmov v44;
	[hbm4b:s25+s5] =	stream.linear.scatter [tilespmem:s21], [sflag:$0x4], $0x2000, $0x38;
	[tilespmem:$0xE480] =	vst v63  }
0x337: {  	s23 =	sadd.s32 $0x1, s23  }
0x338: {  	_ =	swait.ge [sflag:s22], $0x2000;
	p0 =	sne.s32 s23, s10  }
.Ltmp6:
0x339: {  	[sflag:s22] =	ssyncset.done $0x0;
	(pc) =	sbr.rel @p0 .LBB2_1-.Ltmp6, $4  }
0x33a: {  	[sflag:s22] =	ssyncadd.s32 $0xFFFFE000  }
0x33b: {  	_ =	swait.ge [sflag:s20], $0x2000  }
0x33c: {  	[sflag:s20] =	ssyncset.done $0x0  }
0x33d: {  	[sflag:s20] =	ssyncadd.s32 $0xFFFFE000  }
0x33e: {  	_ =	sfence.sel $0x180000  }
0x33f: {  	[bflag:$0x0] =	sbarrier.arrive $0xFFFF  }
0x340: {  	p0 =	sne.s32 s0, $0x0;
	_ =	strace $0x90000047  }
0x341: {  	s0 =	sadd.s32 @!p0 $0x100000, s6;
	[bflag:$0x2] =	sbarrier.arrive $0xFFFF  }
0x342: {  	[sflag:s0] =	ssyncadd.tile.s32 @!p0 $0x1;
	_ =	shalt  }
.Lfunc_end2:
_tile_overlayer_lowered:
.L_overlay_start_2:
0x343: {  	(tag) =	ssettag $0x2  }
0x344: {  	s0 =	rddreg [dreg:$0x0];
	s2 =	stileid.u32  }
0x345: {  	s1 =	rddreg [dreg:$0x1];
	p0 =	sne.s32 s2, $0x0  }
0x346: {  	s3 =	rddreg [dreg:$0x2];
	[bflag:$0x3] =	sbarrier.arrive $0xFFFF;
	s2 =	simm.s32 @!p0 $0x1C05  }
0x347: {  	[timem:s3], [sflag:s2] =	dma.local @!p0 [hbm:s0], s1  }
0x348: {  	s0 =	simm.s32 @!p0 $0x5  }
0x349: {  	_ =	swait.ge @!p0 [sflag:s0], s1  }
0x34a: {  	s1 =	ssub.s32 @!p0 $0x0, s1;
	[sflag:s0] =	ssyncset.done @!p0 $0x0  }
0x34b: {  	[sflag:s0] =	ssyncadd.s32 @!p0 s1  }
0x34c: {  	[bflag:$0x3] =	sbarrier.arrive $0xFFFF  }
0x34d: {  	_ =	shalt  }

// kernel: sparse-core-data-format-call.cloned.1.call-start
scs
called_computation_lowered:
.L_overlay_start_0:
0x0: {  	s2 =	sld [smem:$0x3FD9]  }
0x1: {  	s3 =	sld [smem:$0x3FFE];
	_ =	sdelay $0x1  }
0x2: {  	s1 =	srdreg.scid  }
0x3: {  	s0 =	sand.u32 $0x1, s1  }
0x4: {  	s18 =	sshll.u32 s0, $0xA;
	s2 =	sadd.s32 s3, s2  }
0x5: {  	s2 =	sadd.s32 s2, s18  }
0x6: {  	[smem:$0x3FC4] =	sst s2  }
0x7: {  	_ = 	snop  }
0x8: {  	s2 =	sld [smem:$0x3FD0];
	(tm) =	ssettm $0x1  }
0x9: {  	s19 =	sld [smem:$0x3FFB];
	_ =	sdelay $0x3  }
0xa: {  	_ =	strace s19  }
0xb: {  	s3 =	sld [smem:$0x3FFC];
	_ =	sdelay $0x3  }
0xc: {  	_ =	strace s3  }
0xd: {  	s3 =	sld [smem:$0x3FFD];
	_ =	sdelay $0x3  }
0xe: {  	_ =	strace s3  }
0xf: {  	_ =	strace $0x8FFFFFFF  }
0x10: {  	s20 =	sld [smem:$0x3FDB];
	_ =	sdelay $0x1  }
0x11: {  	s4 =	simm.s32 $_scs_section_size  }
0x12: {  	s5 =	simm.s32 $_size__tile_overlayer_lowered;
	s6 =	simm.s32 $_tile_overlayer_lowered  }
0x13: {  	s23 =	simm.s32 $0x1BFF;
	s22 =	sshll.u32 s6, $0x1;
	s3 =	sadd.s32 s4, s20  }
0x14: {  	s7 =	simm.s32 $0x0;
	s21 =	sshll.u32 s5, $0x1;
	s5 =	sadd.s32 s22, s3  }
0x15: {  	[timem:s7], [sflag:s23] =	dma.local [hbm:s5], s21  }
0x16: {  	_ =	swait.ge [sflag:s23], s21  }
0x17: {  	s4 =	ssub.s32 $0x0, s21;
	[sflag:s23] =	ssyncset.done $0x0  }
0x18: {  	[sflag:s23] =	ssyncadd.s32 s4;
	_ =	sdelay $0x1  }
0x19: {  	s24 =	simm.s32 $0x1B8B  }
0x1a: {  	_ =	swait.ge [sflag:s24], $0x1  }
0x1b: {  	[sflag:s24] =	ssyncset.done $0x0  }
0x1c: {  	s26 =	simm.s32 $0x1B8E;
	s25 =	sld [smem:$0x3FFE];
	[sflag:s24] =	ssyncadd.s32 $0xFFFFFFFF  }
0x1d: {  	s27 =	simm.s32 $execute0_lowered;
	[smem:$0x3FD2] =	sst s26  }
0x1e: {  	s5 =	sshll.u32 s27, $0x1;
	_ =	strace $0x80000049;
	[dreg:$0x1] =	wrdreg $0xFFFFFFFF  }
0x1f: {  	s28 =	simm.s32 $_size_execute0_lowered;
	s3 =	sadd.s32 s3, s5;
	[dreg:$0x0] =	wrdreg $0x0  }
0x20: {  	s5 =	sshll.u32 s28, $0x1;
	[dreg:$0x2] =	wrdreg s3  }
0x21: {  	[dreg:$0x3] =	wrdreg s5  }
0x22: {  	[dreg:$0x4] =	wrdreg $0xC0  }
0x23: {  	_ =	task [dreg:s7], $0x5FFFF  }
0x24: {  	[dreg:$0x1] =	wrdreg $0xFFFFFFFF  }
0x25: {  	[dreg:$0x0] =	wrdreg $0x60  }
0x26: {  	[dreg:$0x2] =	wrdreg s25  }
0x27: {  	[dreg:$0x3] =	wrdreg s2  }
0x28: {  	[dreg:$0x4] =	wrdreg $0x9  }
0x29: {  	_ =	task.clear_ibuf [dreg:s7], $0x5FFFF;
	_ =	strace $0x90000049  }
0x2a: {  	s29 =	simm.s32 $0x9;
	_ =	strace $0x8000004B  }
0x2b: {  	_ =	swait.ge [sflag:s29], $0x1  }
0x2c: {  	[sflag:s29] =	ssyncadd.s32 $0xFFFFFFFF  }
0x2d: {  	_ =	strace $0x9000004B  }
0x2e: {  	_ =	sfence  }
0x2f: {  	s30 =	sld [smem:$0x0];
	_ =	sdelay $0x2  }
0x30: {  	s31 =	sshll.u32 s1, $0xD;
	s1 =	sshrl.u32 s1, $0x2  }
0x31: {  	s3 =	sand.u32 $0x4000, s31;
	s1 =	sadd.s32 s1, s30  }
0x32: {  	s0 =	sor.u32 s3, s0;
	s1 =	sshll.u32 s1, $0x11  }
0x33: {  	s0 =	sor.u32 s1, s0  }
0x34: {  	s0 =	sadd.s32 $0x8F2B, s0  }
0x35: {  	[sflag:s0] =	ssyncadd.remote.s32 $0x1  }
0x36: {  	_ =	sfence.sel $0xFFFF  }
0x37: {  	[dreg:$0x0] =	wrdreg $0xFFFFFFFF;
	(pc) =	sbr.abs _section_cstart, $3  }
0x38: {  	[dreg:$0x1] =	wrdreg $0xFFFFFFFF  }
0x39: {  	_ =	task.clear_ibuf [dreg:s7], $0x2FFFF;
	_ =	strace $0x9FFFFFFF  }
0x3a: {  	(tm) =	ssettm $0x7FFFFFFF  }
0x3b: {  	_ =	shalt  }
tec
execute0_lowered:
.L_overlay_start_1:
0x0: {  	(tag) =	ssettag $0x1  }
0x1: {  	s0 =	srdreg.scid  }
0x2: {  	s1 =	sshll.u32 s0, $0x4  }
0x3: {  	s0 =	stileid.u32;
	s1 =	sand.u32 $0x10, s1  }
0x4: {  	s1 =	sor.u32 s0, s1  }
0x5: {  	s6 =	rddreg [dreg:$0x0];
	s4 =	simm.s32 $0x1;
	s2 =	sshll.u32 s1, $0x7  }
0x6: {  	s7 =	simm.s32 $0x2;
	s12 =	simm.s32 $0x0;
	s1 =	ssub.s32 $0x1000, s2  }
0x7: {  	s8 =	simm.s32 $0x8000;
	s13 =	simm.s32 $0x0;
	s3 =	sand.u32 $0xF80, s1  }
0x8: {  	s9 =	simm.s32 $0x0;
	s5 =	sshrl.u32 s1, $0xC;
	p0 =	sne.s32 s3, $0x0  }
.Ltmp0:
0x9: {  	s1 =	rddreg [dreg:$0x2];
	s4 =	simm.s32 @!p0 $0x0;
	(pc) =	sbr.rel .LBB1_1-.Ltmp0, $4  }
0xa: {  	s11 =	simm.s32 $0x0;
	s3 =	rddreg [dreg:$0x1];
	s5 =	sadd.s32 s4, s5  }
0xb: {  	_ =	strace $0x8000004A;
	s4 =	simm.s32 $0x1;
	s5 =	smul.u32 $0xC8, s5  }
0xc: {  	s6 =	sadd.s32 $0xA00, s6;
	s10 =	smov.u32 s2;
	[sflag:s4] =	ssyncpa.u1 $0x0  }
0xd: {  	p0 =	por $0x0, $0x0;
	[sflag:s7] =	ssyncpa.u1 $0x0;
	s7 =	sor.u32 $0x1, s5  }
.LBB1_4:
0xe: {  	s16 =	sshll.u32 s13, $0x3;
	s17 =	sand.u32 $0x78, s13  }
0xf: {  	s30 =	sand.u32 $0x7E00, s13;
	s12 =	sshll.u32 s12, $0xF;
	s16 =	sand.u32 $0xC00, s16  }
0x10: {  	[tilespmem:s15+$0x810 ss:$0x81] =	vst.msk $0xffff, v2;
	s31 =	sand.u32 $0x7, s13;
	s16 =	sor.u32 s17, s16;
	s17 =	sadd.s32 s3, s30  }
0x11: {  	[tilespmem:s15+$0x1020 ss:$0x81] =	vst.msk $0xffff, v0;
	s13 =	sshll.u32 s31, $0x12;
	s12 =	sadd.s32 s12, s17;
	s16 =	sshrl.u32 s16, $0x3  }
0x12: {  	[tilespmem:s15+$0x0 ss:$0x81] =	vst.msk $0xffff, v1;
	s13 =	sor.u32 $0x400, s13;
	s12 =	sadd.s32 s16, s12  }
0x13: {  	[hbm4b:s12+s13] =	stream.strided.scatter [tilespmem:s14], [sflag:$0x2], $0x2000, s8, s13, $0x20;
	[tilespmem:$0x8080] =	vst v63  }
.LBB1_5:
0x14: {  	s14 =	sadd.s32 $0x1, s9  }
0x15: {  	s12 =	sadd.s32 $0x1000, s10;
	s16 =	smov.u32 s10;
	p2 =	sgt.s32 s14, $0xC7  }
0x16: {  	s16 =	smov.u32 @p2 s12  }
0x17: {  	s14 =	simm.s32 @p2 $0x0;
	p2 =	sgt.s32 s16, $0xFFF  }
0x18: {  	s16 =	smov.u32 @p2 s2;
	p2 =	sne.s32 s11, s7  }
.Ltmp1:
0x19: {  	p1 =	slt.u32 s11, $0x2;
	(pc) =	sbr.rel @!p2 .LBB1_6-.Ltmp1, $4  }
0x1a: {  	s15 =	simm.s32 @!p1 $0x2  }
0x1b: {  	s13 =	smov.u32 s10;
	p0 =	por !p0, !p0;
	_ =	swait.ge @!p1 [sflag:s15], $0x2000  }
0x1c: {  	s12 =	smov.u32 s9;
	[sflag:s15] =	ssyncset.done @!p1 $0x0;
	s9 =	smov.u32 s14  }
0x1d: {  	s11 =	sadd.s32 $0x1, s11;
	[sflag:s15] =	ssyncadd.s32 @!p1 $0xFFFFE000;
	s10 =	smov.u32 s16  }
.LBB1_1:
0x1e: {  	p1 =	sge.u32 s11, s5  }
0x1f: {  	s14 =	sand.u32 @!p1 $0x1FFFFFF, s9  }
0x20: {  	s15 =	smulhi.u32 @!p1 $0x147AE15, s14;
	_ =	sdelay $0x1  }
0x21: {  	s15 =	smul.u32 @!p1 $0xC8, s15  }
0x22: {  	s16 =	sxor.u32 @!p1 $0xFFFFFFFF, s11;
	s17 =	smul.u32 @!p1 $0xC80, s10  }
0x23: {  	s31 =	sadd.s32 $0xFFFFFFFF, s11;
	s16 =	sshll.u32 @!p1 s16, $0xD;
	s14 =	ssub.s32 @!p1 s14, s15  }
0x24: {  	s15 =	sand.u32 @!p1 $0x2000, s16;
	s16 =	sadd.s32 @!p1 s6, s17;
	s14 =	sshll.u32 @!p1 s14, $0x4  }
0x25: {  	s17 =	simm.s32 @!p1 $0x6400;
	s14 =	sadd.s32 @!p1 s14, s16;
	s16 =	simm.s32 @!p1 $0x40  }
0x26: {  	[tilespmem:s15], [sflag:$0x1] =	stream.strided.gather @!p1 [hbm4b:s14+s16], $0x2000, s17, s16, $0x38;
	[tilespmem:$0x8080] =	vst v63  }
0x27: {  	p1 =	sge.u32 s31, s5  }
.Ltmp2:
0x28: {  	_ = 	snop;
	(pc) =	sbr.rel @p1 .LBB1_5-.Ltmp2, $1  }
0x29: {  	_ =	sdelay $0x3  }
0x2a: {  	s14 =	simm.s32 $0x1  }
0x2b: {  	_ =	swait.ge [sflag:s4], $0x2000;
	s14 =	simm.s32 @!p0 $0x0  }
0x2c: {  	[sflag:s4] =	ssyncset.done $0x0;
	s15 =	sshll.u32 s14, $0xD  }
0x2d: {  	[sflag:s4] =	ssyncadd.s32 $0xFFFFE000;
	s18 =	sor.u32 $0x20, s15  }
0x2e: {  	s14 =	smul.u32 $0x8100, s14;
	v3 =	vld [tilespmem:s18+$0x10]  }
0x2f: {  	s30 =	sand.u32 $0x1, s11;
	v2 =	vld [tilespmem:s18+$0xFFFFFFF0]  }
0x30: {  	s15 =	smul.u32 $0x8100, s30;
	s14 =	sshrl.u32 s14, $0x2;
	v0 =	vld [tilespmem:s18+$0x0]  }
0x31: {  	v1 =	vld [tilespmem:s18+$0xFFFFFFE0];
	s16 =	sor.u32 $0x4000, s14  }
0x32: {  	s31 =	sshrl.u32 s15, $0x2;
	s15 =	sadd.s32 $0x0, s16  }
0x33: {  	s17 =	simm.s32 $0x4;
	s18 =	sadd.s32 $0x40, s18;
	s14 =	sor.u32 $0x4000, s31;
	[tilespmem:s15+$0x1830 ss:$0x81] =	vst.msk $0xffff, v3  }
.LBB1_3:
0x34: {  	v3 =	vld [tilespmem:s18+$0x10];
	p1 =	sne.s32 s17, $0x1FC;
	[tilespmem:s15+$0x810 ss:$0x81] =	vst.msk $0xffff, v2;
	s19 =	smov.u32 s17;
	s17 =	sadd.s32 $0x4, s17  }
.Ltmp3:
0x35: {  	v2 =	vld [tilespmem:s18+$0xFFFFFFF0];
	[tilespmem:s15+$0x1020 ss:$0x81] =	vst.msk $0xffff, v0;
	(pc) =	sbr.rel @p1 .LBB1_3-.Ltmp3, $4  }
0x36: {  	v0 =	vld [tilespmem:s18+$0x0];
	[tilespmem:s15+$0x0 ss:$0x81] =	vst.msk $0xffff, v1  }
0x37: {  	s15 =	sshra.s32 s19, $0x2;
	v1 =	vld [tilespmem:s18+$0xFFFFFFE0]  }
0x38: {  	s15 =	sadd.s32 s15, s16  }
0x39: {  	s18 =	sadd.s32 $0x40, s18;
	[tilespmem:s15+$0x1830 ss:$0x81] =	vst.msk $0xffff, v3  }
.Ltmp4:
0x3a: {  	_ = 	snop;
	(pc) =	sbr.rel .LBB1_4-.Ltmp4, $1  }
0x3b: {  	_ =	sdelay $0x3  }
.LBB1_6:
0x3c: {  	_ =	sfence.sel $0x180000  }
0x3d: {  	s2 =	simm.s32 $0x1;
	[bflag:$0x0] =	sbarrier.arrive $0xFFFF  }
0x3e: {  	s31 =	simm.s32 $0x2;
	[sflag:s2] =	ssyncpa.u1 $0x1  }
0x3f: {  	[sflag:s31] =	ssyncpa.u1 $0x1  }
0x40: {  	p0 =	sne.s32 s0, $0x0;
	_ =	strace $0x9000004A  }
0x41: {  	s0 =	sadd.s32 @!p0 $0x100000, s1;
	[bflag:$0x2] =	sbarrier.arrive $0xFFFF  }
0x42: {  	[sflag:s0] =	ssyncadd.tile.s32 @!p0 $0x1;
	_ =	shalt  }
.Lfunc_end1:
_tile_overlayer_lowered:
.L_overlay_start_2:
0x43: {  	(tag) =	ssettag $0x2  }
0x44: {  	s0 =	rddreg [dreg:$0x0];
	s2 =	stileid.u32  }
0x45: {  	s1 =	rddreg [dreg:$0x1];
	p0 =	sne.s32 s2, $0x0  }
0x46: {  	s3 =	rddreg [dreg:$0x2];
	[bflag:$0x3] =	sbarrier.arrive $0xFFFF;
	s2 =	simm.s32 @!p0 $0x1C01  }
0x47: {  	[timem:s3], [sflag:s2] =	dma.local @!p0 [hbm:s0], s1  }
0x48: {  	s0 =	simm.s32 @!p0 $0x1  }
0x49: {  	_ =	swait.ge @!p0 [sflag:s0], s1  }
0x4a: {  	s1 =	ssub.s32 @!p0 $0x0, s1;
	[sflag:s0] =	ssyncset.done @!p0 $0x0  }
0x4b: {  	[sflag:s0] =	ssyncadd.s32 @!p0 s1  }
0x4c: {  	[bflag:$0x3] =	sbarrier.arrive $0xFFFF  }
0x4d: {  	_ =	shalt  }

</sc_bundles>
